<compile_context>
chip_gen: v7x
topology: tpu7x:2x2x1
jax: 0.10.2.dev20260603
libtpu: 0.0.44.dev20260713+nightly
codegen_flags: <defaults>
</compile_context>

<pallas_src>
import functools

import jax
import jax.numpy as jnp
from jax import lax
from jax.experimental import pallas as pl
from jax.experimental.pallas import tpu as pltpu
from jax.experimental.pallas import tpu_sc as plsc

_N = 65536
_L = 256
_LAT = 32
_TH = 0.15
_NC, _NS, _LANES = 2, 16, 16
_NW = _NC * _NS
_ROWS_PER_W = _N // _NW
_BLK = 128
_NBLK = _ROWS_PER_W // _BLK
_NG = _BLK // _LANES
_SCAN0 = 16


def _compute_block(x_v, o_t, iota16):

    def grp_body(g, carry):
        rowbase = g * _LANES
        fs = []
        for k in range(_LANES):
            head = x_v[rowbase + k, pl.ds(0, _SCAN0)]
            fs.append(plsc.all_reduce_ffs(head > _TH))
        p = jnp.full((_LANES,), _SCAN0, jnp.int32)
        for k in range(_LANES):
            p = jnp.where(iota16 == k, fs[k], p)
        fillv = p.astype(jnp.float32) * (1.0 / _L)
        for j in range(_LAT):
            o_t[_LAT + j, pl.ds(rowbase, _LANES)] = fillv

        for k in range(_LANES):
            rs = jnp.full((_LANES,), rowbase + k, jnp.int32)
            idx1 = fs[k] + iota16
            g1 = plsc.load_gather(x_v, [rs, idx1])
            g2 = plsc.load_gather(x_v, [rs, idx1 + _SCAN0])
            plsc.store_scatter(o_t, [iota16, rs], g1)
            plsc.store_scatter(o_t, [iota16 + _SCAN0, rs], g2)

        @pl.when(jnp.any(p >= _SCAN0))
        def _():
            pv = p
            for k in range(_LANES):
                r = rowbase + k

                def chunk(c, rc, r=r):
                    v = x_v[r, pl.ds(c * _SCAN0, _SCAN0)]
                    fc = plsc.all_reduce_ffs(v > _TH)
                    return jnp.minimum(
                        rc, jnp.where(fc < _SCAN0, c * _SCAN0 + fc, 1024))

                rc = lax.fori_loop(
                    1, _L // _SCAN0, chunk, jnp.full((_LANES,), 1024, jnp.int32))
                pv = jnp.where(
                    jnp.logical_and(iota16 == k, pv >= _SCAN0), rc, pv)
            pv = jnp.where(pv >= _L, 0, pv)
            for k in range(_LANES):
                r = rowbase + k
                ps = jnp.full((_LANES,), pv[k], jnp.int32)
                rs = jnp.full((_LANES,), r, jnp.int32)
                idx1 = jnp.bitwise_and(ps + iota16, _L - 1)
                idx2 = jnp.bitwise_and(idx1 + _SCAN0, _L - 1)
                g1 = plsc.load_gather(x_v, [rs, idx1])
                g2 = plsc.load_gather(x_v, [rs, idx2])
                plsc.store_scatter(o_t, [iota16, rs], g1)
                plsc.store_scatter(o_t, [iota16 + _SCAN0, rs], g2)
            fillp = pv.astype(jnp.float32) * (1.0 / _L)
            for j in range(_LAT):
                o_t[_LAT + j, pl.ds(rowbase, _LANES)] = fillp

        return 0

    lax.fori_loop(0, _NG, grp_body, 0)



def _sc_body(x_hbm, out_hbm, x0, x1, ot0, ot1, si0, si1, so0, so1):
    wid = lax.axis_index("s") * _NC + lax.axis_index("c")
    base = wid * _ROWS_PER_W
    iota = lax.iota(jnp.int32, _LANES)

    def in_copy(b, buf, sem):
        return pltpu.make_async_copy(
            x_hbm.at[pl.ds(base + b * _BLK, _BLK)], buf, sem)

    def out_copy(b, buf, sem):
        return pltpu.make_async_copy(
            buf, out_hbm.at[:, pl.ds(base + b * _BLK, _BLK)], sem)

    in_copy(0, x0, si0).start()

    def pair_body(t, carry):
        b0 = 2 * t
        in_copy(b0 + 1, x1, si1).start()
        in_copy(b0, x0, si0).wait()

        @pl.when(t > 0)
        def _():
            out_copy(2 * t - 2, ot0, so0).wait()

        _compute_block(x0, ot0, iota)
        out_copy(b0, ot0, so0).start()

        @pl.when(t < _NBLK // 2 - 1)
        def _():
            in_copy(b0 + 2, x0, si0).start()
        in_copy(b0 + 1, x1, si1).wait()

        @pl.when(t > 0)
        def _():
            out_copy(2 * t - 1, ot1, so1).wait()

        _compute_block(x1, ot1, iota)
        out_copy(b0 + 1, ot1, so1).start()
        return carry

    lax.fori_loop(0, _NBLK // 2, pair_body, 0)
    out_copy(_NBLK - 2, ot0, so0).wait()
    out_copy(_NBLK - 1, ot1, so1).wait()


@jax.jit
def kernel(x):
    n = x.shape[0]
    mesh = plsc.VectorSubcoreMesh(core_axis_name="c", subcore_axis_name="s")
    run = functools.partial(
        pl.kernel,
        out_type=jax.ShapeDtypeStruct((2 * _LAT, n), jnp.float32),
        mesh=mesh,
        scratch_types=[
            pltpu.VMEM((_BLK, _L), jnp.float32),
            pltpu.VMEM((_BLK, _L), jnp.float32),
            pltpu.VMEM((2 * _LAT, _BLK), jnp.float32),
            pltpu.VMEM((2 * _LAT, _BLK), jnp.float32),
            pltpu.SemaphoreType.DMA,
            pltpu.SemaphoreType.DMA,
            pltpu.SemaphoreType.DMA,
            pltpu.SemaphoreType.DMA,
        ],
        compiler_params=pltpu.CompilerParams(needs_layout_passes=False),
    )(_sc_body)
    out_t = run(x)
    return jnp.transpose(out_t, (1, 0)).reshape(n, 1, 2 * _LAT)

# --- scband reference (transcript-rebuilt; emitter-appended) ---
"""Pipeline reference for scband-encoder-wcrop1d-24601572671631 (READ-ONLY COPY).

The authoritative reference and input builder live on the scoring server;
editing this copy changes nothing except your own understanding.
"""

import jax, jax.numpy as jnp
import numpy as np


def setup_inputs(seed: int = 0) -> dict:
    key = jax.random.key(seed)
    x = jax.random.normal(key, (65536, 256), dtype=jnp.float32)
    return {"x": x}


def reference(x):
    latent_dim = 32
    x = x.reshape(-1, 1, x.shape[-1])
    threshold = 0.15
    # argmax over the float mask: index of first element > threshold (0 if none)
    skull_pos = jnp.argmax((x > threshold).astype(jnp.float32), axis=-1, keepdims=True)  # [B,1,1] int
    # x_cut initialized to skull_pos / 256 broadcast over [B,1,2*latent_dim]
    x_cut = jnp.ones((x.shape[0], 1, 2 * latent_dim), dtype=jnp.float32) * (skull_pos.astype(jnp.float32) / 256.0)
    # torch.cat((x, x[:, :, :]), dim=2) duplicates the signal along length
    x2 = jnp.concatenate((x, x), axis=2)  # [B,1,2L]
    # gather a window of latent_dim values starting at skull_pos for each row
    idx = skull_pos[:, :, 0] + jnp.arange(latent_dim)  # [B,1] + [32] -> [B,32]
    gathered = x2[jnp.arange(x.shape[0])[:, None], 0, idx]  # [B,32]
    x_cut = x_cut.at[:, 0, :latent_dim].set(gathered)
    return x_cut

if __name__ == "__main__":
    import jax
    _d = setup_inputs()
    print(jax.jit(kernel)(*tuple(_d.values())))

</pallas_src>

<mosaic_0001>
#map = affine_map<(d0, d1) -> (0, 0)>
module attributes {stable_mosaic.version = 14 : i64} {
  func.func @_sc_body(%arg0: i32, %arg1: i32, %arg2: memref<65536x256xf32, #tpu.memory_space<hbm>>, %arg3: memref<64x65536xf32, #tpu.memory_space<hbm>>, %arg4: memref<128x256xf32, #tpu.memory_space<vmem>>, %arg5: memref<128x256xf32, #tpu.memory_space<vmem>>, %arg6: memref<64x128xf32, #tpu.memory_space<vmem>>, %arg7: memref<64x128xf32, #tpu.memory_space<vmem>>, %arg8: memref<!tpu.dma_semaphore, #tpu.memory_space<semaphore_mem>>, %arg9: memref<!tpu.dma_semaphore, #tpu.memory_space<semaphore_mem>>, %arg10: memref<!tpu.dma_semaphore, #tpu.memory_space<semaphore_mem>>, %arg11: memref<!tpu.dma_semaphore, #tpu.memory_space<semaphore_mem>>) attributes {dimension_semantics = [#tpu.dimension_semantics<core_parallel>, #tpu.dimension_semantics<subcore_parallel>], iteration_bounds = array<i64: 2, 16>, scalar_prefetch = 0 : i64, scratch_operands = 8 : i64, tpu.core_type = #tpu.core_type<sc_vector_subcore>, window_params = [{transform_indices = #map}, {transform_indices = #map}]} {
    %mul3A = arith.constant 2 : i32
    %mul3A_0 = arith.muli %arg1, %mul3A : i32
    %add3A = arith.addi %mul3A_0, %arg0 : i32
    %mul3A_1 = arith.constant 2048 : i32
    %mul3A_2 = arith.muli %add3A, %mul3A_1 : i32
    %iota3A = tpu.iota {dimensions = array<i32: 0>} : vector<16xi32>
    %add3A_3 = arith.constant 0 : i32
    %add3A_4 = arith.addi %mul3A_2, %add3A_3 : i32
    %dma_start3A = arith.constant 0 : i32
    %dma_start3A_5 = tpu.memref_slice %arg2[%add3A_4, %dma_start3A] : memref<65536x256xf32, #tpu.memory_space<hbm>> -> memref<128x256xf32, #tpu.memory_space<hbm>>
    %dma_start3A_6 = arith.constant 0 : i32
    %dma_start3A_7 = tpu.memref_slice %arg2[%add3A_4, %dma_start3A_6] : memref<65536x256xf32, #tpu.memory_space<hbm>> -> memref<128x256xf32, #tpu.memory_space<hbm>>
    tpu.enqueue_dma source(%dma_start3A_7 : memref<128x256xf32, #tpu.memory_space<hbm>>) target(%arg4 : memref<128x256xf32, #tpu.memory_space<vmem>>) target_semaphore(%arg8 : memref<!tpu.dma_semaphore, #tpu.memory_space<semaphore_mem>>)
    %scan3A = arith.constant 0 : i32
    %scan3A_8 = arith.constant 0 : i32
    %scan3A_9 = arith.constant 8 : i32
    %scan3A_10 = arith.addi %scan3A_8, %scan3A_9 : i32
    %scan3A_11 = arith.constant 1 : i32
    scf.for %scan3A_24 = %scan3A_8 to %scan3A_10 step %scan3A_11  : i32 {
      %mul3A_25 = arith.constant 2 : i32
      %mul3A_26 = arith.muli %mul3A_25, %scan3A_24 : i32
      %add3A_27 = arith.constant 1 : i32
      %add3A_28 = arith.addi %mul3A_26, %add3A_27 : i32
      %mul3A_29 = arith.constant 128 : i32
      %mul3A_30 = arith.muli %add3A_28, %mul3A_29 : i32
      %add3A_31 = arith.addi %mul3A_2, %mul3A_30 : i32
      %dma_start3A_32 = arith.constant 0 : i32
      %dma_start3A_33 = tpu.memref_slice %arg2[%add3A_31, %dma_start3A_32] : memref<65536x256xf32, #tpu.memory_space<hbm>> -> memref<128x256xf32, #tpu.memory_space<hbm>>
      %dma_start3A_34 = arith.constant 0 : i32
      %dma_start3A_35 = tpu.memref_slice %arg2[%add3A_31, %dma_start3A_34] : memref<65536x256xf32, #tpu.memory_space<hbm>> -> memref<128x256xf32, #tpu.memory_space<hbm>>
      tpu.enqueue_dma source(%dma_start3A_35 : memref<128x256xf32, #tpu.memory_space<hbm>>) target(%arg5 : memref<128x256xf32, #tpu.memory_space<vmem>>) target_semaphore(%arg9 : memref<!tpu.dma_semaphore, #tpu.memory_space<semaphore_mem>>)
      %mul3A_36 = arith.constant 128 : i32
      %mul3A_37 = arith.muli %mul3A_26, %mul3A_36 : i32
      %add3A_38 = arith.addi %mul3A_2, %mul3A_37 : i32
      %dma_wait3A_39 = arith.constant 0 : i32
      %dma_wait3A_40 = tpu.memref_slice %arg2[%add3A_38, %dma_wait3A_39] : memref<65536x256xf32, #tpu.memory_space<hbm>> -> memref<128x256xf32, #tpu.memory_space<hbm>>
      %dma_wait3A_41 = arith.constant 0 : i32
      %dma_wait3A_42 = tpu.memref_slice %arg2[%add3A_38, %dma_wait3A_41] : memref<65536x256xf32, #tpu.memory_space<hbm>> -> memref<128x256xf32, #tpu.memory_space<hbm>>
      tpu.wait_dma2 semaphore(%arg8 : memref<!tpu.dma_semaphore, #tpu.memory_space<semaphore_mem>>) src(%dma_wait3A_42 : memref<128x256xf32, #tpu.memory_space<hbm>>) dst(%arg4 : memref<128x256xf32, #tpu.memory_space<vmem>>)
      %gt3A = arith.constant 0 : i32
      %gt3A_43 = arith.cmpi sgt, %scan3A_24, %gt3A : i32
      %convert_element_type3A = arith.extui %gt3A_43 : i1 to i32
      %cond3A = arith.constant 0 : i32
      %cond3A_44 = arith.cmpi ne, %convert_element_type3A, %cond3A : i32
      scf.if %cond3A_44 {
        %mul3A_93 = arith.constant 2 : i32
        %mul3A_94 = arith.muli %mul3A_93, %scan3A_24 : i32
        %sub3A = arith.constant 2 : i32
        %sub3A_95 = arith.subi %mul3A_94, %sub3A : i32
        %mul3A_96 = arith.constant 128 : i32
        %mul3A_97 = arith.muli %sub3A_95, %mul3A_96 : i32
        %add3A_98 = arith.addi %mul3A_2, %mul3A_97 : i32
        %dma_wait3A_99 = arith.constant 0 : i32
        %dma_wait3A_100 = tpu.memref_slice %arg3[%dma_wait3A_99, %add3A_98] : memref<64x65536xf32, #tpu.memory_space<hbm>> -> memref<64x128xf32, #tpu.memory_space<hbm>>
        %dma_wait3A_101 = arith.constant 0 : i32
        %dma_wait3A_102 = tpu.memref_slice %arg3[%dma_wait3A_101, %add3A_98] : memref<64x65536xf32, #tpu.memory_space<hbm>> -> memref<64x128xf32, #tpu.memory_space<hbm>>
        tpu.wait_dma2 semaphore(%arg10 : memref<!tpu.dma_semaphore, #tpu.memory_space<semaphore_mem>>) src(%arg6 : memref<64x128xf32, #tpu.memory_space<vmem>>) dst(%dma_wait3A_102 : memref<64x128xf32, #tpu.memory_space<hbm>>)
      } else {
      }
      %scan3A_45 = arith.constant 0 : i32
      %scan3A_46 = arith.constant 0 : i32
      %scan3A_47 = arith.constant 8 : i32
      %scan3A_48 = arith.addi %scan3A_46, %scan3A_47 : i32
      %scan3A_49 = arith.constant 1 : i32
      %scan3A_50 = scf.for %scan3A_93 = %scan3A_46 to %scan3A_48 step %scan3A_49 iter_args(%scan3A_94 = %scan3A_45) -> (i32)  : i32 {
        %mul3A_95 = arith.constant 16 : i32
        %mul3A_96 = arith.muli %scan3A_93, %mul3A_95 : i32
        %add3A_97 = arith.constant 0 : i32
        %add3A_98 = arith.addi %mul3A_96, %add3A_97 : i32
        %get3A = arith.index_cast %add3A_98 : i32 to index
        %get3A_99 = arith.constant 0 : index
        %get3A_100 = tpu.vector_load %arg4[%get3A, %get3A_99] {strides = array<i32>} : memref<128x256xf32, #tpu.memory_space<vmem>>, vector<16xf32>,
        %gt3A_101 = arith.constant 1.500000e-01 : f32
        %gt3A_102 = vector.broadcast %gt3A_101 : f32 to vector<16xf32>
        %gt3A_103 = arith.cmpf ogt, %get3A_100, %gt3A_102 : vector<16xf32>
        %all_reduce_ffs3A = tpu.all_reduce %gt3A_103 {dim = 0 : i64, kind = #tpu.reduction_kind<find_first_set>} : vector<16xi1> -> vector<16xi32>
        %add3A_104 = arith.constant 1 : i32
        %add3A_105 = arith.addi %mul3A_96, %add3A_104 : i32
        %get3A_106 = arith.index_cast %add3A_105 : i32 to index
        %get3A_107 = arith.constant 0 : index
        %get3A_108 = tpu.vector_load %arg4[%get3A_106, %get3A_107] {strides = array<i32>} : memref<128x256xf32, #tpu.memory_space<vmem>>, vector<16xf32>,
        %gt3A_109 = arith.constant 1.500000e-01 : f32
        %gt3A_110 = vector.broadcast %gt3A_109 : f32 to vector<16xf32>
        %gt3A_111 = arith.cmpf ogt, %get3A_108, %gt3A_110 : vector<16xf32>
        %all_reduce_ffs3A_112 = tpu.all_reduce %gt3A_111 {dim = 0 : i64, kind = #tpu.reduction_kind<find_first_set>} : vector<16xi1> -> vector<16xi32>
        %add3A_113 = arith.constant 2 : i32
        %add3A_114 = arith.addi %mul3A_96, %add3A_113 : i32
        %get3A_115 = arith.index_cast %add3A_114 : i32 to index
        %get3A_116 = arith.constant 0 : index
        %get3A_117 = tpu.vector_load %arg4[%get3A_115, %get3A_116] {strides = array<i32>} : memref<128x256xf32, #tpu.memory_space<vmem>>, vector<16xf32>,
        %gt3A_118 = arith.constant 1.500000e-01 : f32
        %gt3A_119 = vector.broadcast %gt3A_118 : f32 to vector<16xf32>
        %gt3A_120 = arith.cmpf ogt, %get3A_117, %gt3A_119 : vector<16xf32>
        %all_reduce_ffs3A_121 = tpu.all_reduce %gt3A_120 {dim = 0 : i64, kind = #tpu.reduction_kind<find_first_set>} : vector<16xi1> -> vector<16xi32>
        %add3A_122 = arith.constant 3 : i32
        %add3A_123 = arith.addi %mul3A_96, %add3A_122 : i32
        %get3A_124 = arith.index_cast %add3A_123 : i32 to index
        %get3A_125 = arith.constant 0 : index
        %get3A_126 = tpu.vector_load %arg4[%get3A_124, %get3A_125] {strides = array<i32>} : memref<128x256xf32, #tpu.memory_space<vmem>>, vector<16xf32>,
        %gt3A_127 = arith.constant 1.500000e-01 : f32
        %gt3A_128 = vector.broadcast %gt3A_127 : f32 to vector<16xf32>
        %gt3A_129 = arith.cmpf ogt, %get3A_126, %gt3A_128 : vector<16xf32>
        %all_reduce_ffs3A_130 = tpu.all_reduce %gt3A_129 {dim = 0 : i64, kind = #tpu.reduction_kind<find_first_set>} : vector<16xi1> -> vector<16xi32>
        %add3A_131 = arith.constant 4 : i32
        %add3A_132 = arith.addi %mul3A_96, %add3A_131 : i32
        %get3A_133 = arith.index_cast %add3A_132 : i32 to index
        %get3A_134 = arith.constant 0 : index
        %get3A_135 = tpu.vector_load %arg4[%get3A_133, %get3A_134] {strides = array<i32>} : memref<128x256xf32, #tpu.memory_space<vmem>>, vector<16xf32>,
        %gt3A_136 = arith.constant 1.500000e-01 : f32
        %gt3A_137 = vector.broadcast %gt3A_136 : f32 to vector<16xf32>
        %gt3A_138 = arith.cmpf ogt, %get3A_135, %gt3A_137 : vector<16xf32>
        %all_reduce_ffs3A_139 = tpu.all_reduce %gt3A_138 {dim = 0 : i64, kind = #tpu.reduction_kind<find_first_set>} : vector<16xi1> -> vector<16xi32>
        %add3A_140 = arith.constant 5 : i32
        %add3A_141 = arith.addi %mul3A_96, %add3A_140 : i32
        %get3A_142 = arith.index_cast %add3A_141 : i32 to index
        %get3A_143 = arith.constant 0 : index
        %get3A_144 = tpu.vector_load %arg4[%get3A_142, %get3A_143] {strides = array<i32>} : memref<128x256xf32, #tpu.memory_space<vmem>>, vector<16xf32>,
        %gt3A_145 = arith.constant 1.500000e-01 : f32
        %gt3A_146 = vector.broadcast %gt3A_145 : f32 to vector<16xf32>
        %gt3A_147 = arith.cmpf ogt, %get3A_144, %gt3A_146 : vector<16xf32>
        %all_reduce_ffs3A_148 = tpu.all_reduce %gt3A_147 {dim = 0 : i64, kind = #tpu.reduction_kind<find_first_set>} : vector<16xi1> -> vector<16xi32>
        %add3A_149 = arith.constant 6 : i32
        %add3A_150 = arith.addi %mul3A_96, %add3A_149 : i32
        %get3A_151 = arith.index_cast %add3A_150 : i32 to index
        %get3A_152 = arith.constant 0 : index
        %get3A_153 = tpu.vector_load %arg4[%get3A_151, %get3A_152] {strides = array<i32>} : memref<128x256xf32, #tpu.memory_space<vmem>>, vector<16xf32>,
        %gt3A_154 = arith.constant 1.500000e-01 : f32
        %gt3A_155 = vector.broadcast %gt3A_154 : f32 to vector<16xf32>
        %gt3A_156 = arith.cmpf ogt, %get3A_153, %gt3A_155 : vector<16xf32>
        %all_reduce_ffs3A_157 = tpu.all_reduce %gt3A_156 {dim = 0 : i64, kind = #tpu.reduction_kind<find_first_set>} : vector<16xi1> -> vector<16xi32>
        %add3A_158 = arith.constant 7 : i32
        %add3A_159 = arith.addi %mul3A_96, %add3A_158 : i32
        %get3A_160 = arith.index_cast %add3A_159 : i32 to index
        %get3A_161 = arith.constant 0 : index
        %get3A_162 = tpu.vector_load %arg4[%get3A_160, %get3A_161] {strides = array<i32>} : memref<128x256xf32, #tpu.memory_space<vmem>>, vector<16xf32>,
        %gt3A_163 = arith.constant 1.500000e-01 : f32
        %gt3A_164 = vector.broadcast %gt3A_163 : f32 to vector<16xf32>
        %gt3A_165 = arith.cmpf ogt, %get3A_162, %gt3A_164 : vector<16xf32>
        %all_reduce_ffs3A_166 = tpu.all_reduce %gt3A_165 {dim = 0 : i64, kind = #tpu.reduction_kind<find_first_set>} : vector<16xi1> -> vector<16xi32>
        %add3A_167 = arith.constant 8 : i32
        %add3A_168 = arith.addi %mul3A_96, %add3A_167 : i32
        %get3A_169 = arith.index_cast %add3A_168 : i32 to index
        %get3A_170 = arith.constant 0 : index
        %get3A_171 = tpu.vector_load %arg4[%get3A_169, %get3A_170] {strides = array<i32>} : memref<128x256xf32, #tpu.memory_space<vmem>>, vector<16xf32>,
        %gt3A_172 = arith.constant 1.500000e-01 : f32
        %gt3A_173 = vector.broadcast %gt3A_172 : f32 to vector<16xf32>
        %gt3A_174 = arith.cmpf ogt, %get3A_171, %gt3A_173 : vector<16xf32>
        %all_reduce_ffs3A_175 = tpu.all_reduce %gt3A_174 {dim = 0 : i64, kind = #tpu.reduction_kind<find_first_set>} : vector<16xi1> -> vector<16xi32>
        %add3A_176 = arith.constant 9 : i32
        %add3A_177 = arith.addi %mul3A_96, %add3A_176 : i32
        %get3A_178 = arith.index_cast %add3A_177 : i32 to index
        %get3A_179 = arith.constant 0 : index
        %get3A_180 = tpu.vector_load %arg4[%get3A_178, %get3A_179] {strides = array<i32>} : memref<128x256xf32, #tpu.memory_space<vmem>>, vector<16xf32>,
        %gt3A_181 = arith.constant 1.500000e-01 : f32
        %gt3A_182 = vector.broadcast %gt3A_181 : f32 to vector<16xf32>
        %gt3A_183 = arith.cmpf ogt, %get3A_180, %gt3A_182 : vector<16xf32>
        %all_reduce_ffs3A_184 = tpu.all_reduce %gt3A_183 {dim = 0 : i64, kind = #tpu.reduction_kind<find_first_set>} : vector<16xi1> -> vector<16xi32>
        %add3A_185 = arith.constant 10 : i32
        %add3A_186 = arith.addi %mul3A_96, %add3A_185 : i32
        %get3A_187 = arith.index_cast %add3A_186 : i32 to index
        %get3A_188 = arith.constant 0 : index
        %get3A_189 = tpu.vector_load %arg4[%get3A_187, %get3A_188] {strides = array<i32>} : memref<128x256xf32, #tpu.memory_space<vmem>>, vector<16xf32>,
        %gt3A_190 = arith.constant 1.500000e-01 : f32
        %gt3A_191 = vector.broadcast %gt3A_190 : f32 to vector<16xf32>
        %gt3A_192 = arith.cmpf ogt, %get3A_189, %gt3A_191 : vector<16xf32>
        %all_reduce_ffs3A_193 = tpu.all_reduce %gt3A_192 {dim = 0 : i64, kind = #tpu.reduction_kind<find_first_set>} : vector<16xi1> -> vector<16xi32>
        %add3A_194 = arith.constant 11 : i32
        %add3A_195 = arith.addi %mul3A_96, %add3A_194 : i32
        %get3A_196 = arith.index_cast %add3A_195 : i32 to index
        %get3A_197 = arith.constant 0 : index
        %get3A_198 = tpu.vector_load %arg4[%get3A_196, %get3A_197] {strides = array<i32>} : memref<128x256xf32, #tpu.memory_space<vmem>>, vector<16xf32>,
        %gt3A_199 = arith.constant 1.500000e-01 : f32
        %gt3A_200 = vector.broadcast %gt3A_199 : f32 to vector<16xf32>
        %gt3A_201 = arith.cmpf ogt, %get3A_198, %gt3A_200 : vector<16xf32>
        %all_reduce_ffs3A_202 = tpu.all_reduce %gt3A_201 {dim = 0 : i64, kind = #tpu.reduction_kind<find_first_set>} : vector<16xi1> -> vector<16xi32>
        %add3A_203 = arith.constant 12 : i32
        %add3A_204 = arith.addi %mul3A_96, %add3A_203 : i32
        %get3A_205 = arith.index_cast %add3A_204 : i32 to index
        %get3A_206 = arith.constant 0 : index
        %get3A_207 = tpu.vector_load %arg4[%get3A_205, %get3A_206] {strides = array<i32>} : memref<128x256xf32, #tpu.memory_space<vmem>>, vector<16xf32>,
        %gt3A_208 = arith.constant 1.500000e-01 : f32
        %gt3A_209 = vector.broadcast %gt3A_208 : f32 to vector<16xf32>
        %gt3A_210 = arith.cmpf ogt, %get3A_207, %gt3A_209 : vector<16xf32>
        %all_reduce_ffs3A_211 = tpu.all_reduce %gt3A_210 {dim = 0 : i64, kind = #tpu.reduction_kind<find_first_set>} : vector<16xi1> -> vector<16xi32>
        %add3A_212 = arith.constant 13 : i32
        %add3A_213 = arith.addi %mul3A_96, %add3A_212 : i32
        %get3A_214 = arith.index_cast %add3A_213 : i32 to index
        %get3A_215 = arith.constant 0 : index
        %get3A_216 = tpu.vector_load %arg4[%get3A_214, %get3A_215] {strides = array<i32>} : memref<128x256xf32, #tpu.memory_space<vmem>>, vector<16xf32>,
        %gt3A_217 = arith.constant 1.500000e-01 : f32
        %gt3A_218 = vector.broadcast %gt3A_217 : f32 to vector<16xf32>
        %gt3A_219 = arith.cmpf ogt, %get3A_216, %gt3A_218 : vector<16xf32>
        %all_reduce_ffs3A_220 = tpu.all_reduce %gt3A_219 {dim = 0 : i64, kind = #tpu.reduction_kind<find_first_set>} : vector<16xi1> -> vector<16xi32>
        %add3A_221 = arith.constant 14 : i32
        %add3A_222 = arith.addi %mul3A_96, %add3A_221 : i32
        %get3A_223 = arith.index_cast %add3A_222 : i32 to index
        %get3A_224 = arith.constant 0 : index
        %get3A_225 = tpu.vector_load %arg4[%get3A_223, %get3A_224] {strides = array<i32>} : memref<128x256xf32, #tpu.memory_space<vmem>>, vector<16xf32>,
        %gt3A_226 = arith.constant 1.500000e-01 : f32
        %gt3A_227 = vector.broadcast %gt3A_226 : f32 to vector<16xf32>
        %gt3A_228 = arith.cmpf ogt, %get3A_225, %gt3A_227 : vector<16xf32>
        %all_reduce_ffs3A_229 = tpu.all_reduce %gt3A_228 {dim = 0 : i64, kind = #tpu.reduction_kind<find_first_set>} : vector<16xi1> -> vector<16xi32>
        %add3A_230 = arith.constant 15 : i32
        %add3A_231 = arith.addi %mul3A_96, %add3A_230 : i32
        %get3A_232 = arith.index_cast %add3A_231 : i32 to index
        %get3A_233 = arith.constant 0 : index
        %get3A_234 = tpu.vector_load %arg4[%get3A_232, %get3A_233] {strides = array<i32>} : memref<128x256xf32, #tpu.memory_space<vmem>>, vector<16xf32>,
        %gt3A_235 = arith.constant 1.500000e-01 : f32
        %gt3A_236 = vector.broadcast %gt3A_235 : f32 to vector<16xf32>
        %gt3A_237 = arith.cmpf ogt, %get3A_234, %gt3A_236 : vector<16xf32>
        %all_reduce_ffs3A_238 = tpu.all_reduce %gt3A_237 {dim = 0 : i64, kind = #tpu.reduction_kind<find_first_set>} : vector<16xi1> -> vector<16xi32>
        %broadcast_in_dim3A = arith.constant 16 : i32
        %broadcast_in_dim3A_239 = vector.broadcast %broadcast_in_dim3A : i32 to vector<16xi32>
        %eq3A = arith.constant 0 : i32
        %eq3A_240 = vector.broadcast %eq3A : i32 to vector<16xi32>
        %eq3A_241 = arith.cmpi eq, %iota3A, %eq3A_240 : vector<16xi32>
        %select_n3A = arith.select %eq3A_241, %all_reduce_ffs3A, %broadcast_in_dim3A_239 : vector<16xi1>, vector<16xi32>
        %eq3A_242 = arith.constant 1 : i32
        %eq3A_243 = vector.broadcast %eq3A_242 : i32 to vector<16xi32>
        %eq3A_244 = arith.cmpi eq, %iota3A, %eq3A_243 : vector<16xi32>
        %select_n3A_245 = arith.select %eq3A_244, %all_reduce_ffs3A_112, %select_n3A : vector<16xi1>, vector<16xi32>
        %eq3A_246 = arith.constant 2 : i32
        %eq3A_247 = vector.broadcast %eq3A_246 : i32 to vector<16xi32>
        %eq3A_248 = arith.cmpi eq, %iota3A, %eq3A_247 : vector<16xi32>
        %select_n3A_249 = arith.select %eq3A_248, %all_reduce_ffs3A_121, %select_n3A_245 : vector<16xi1>, vector<16xi32>
        %eq3A_250 = arith.constant 3 : i32
        %eq3A_251 = vector.broadcast %eq3A_250 : i32 to vector<16xi32>
        %eq3A_252 = arith.cmpi eq, %iota3A, %eq3A_251 : vector<16xi32>
        %select_n3A_253 = arith.select %eq3A_252, %all_reduce_ffs3A_130, %select_n3A_249 : vector<16xi1>, vector<16xi32>
        %eq3A_254 = arith.constant 4 : i32
        %eq3A_255 = vector.broadcast %eq3A_254 : i32 to vector<16xi32>
        %eq3A_256 = arith.cmpi eq, %iota3A, %eq3A_255 : vector<16xi32>
        %select_n3A_257 = arith.select %eq3A_256, %all_reduce_ffs3A_139, %select_n3A_253 : vector<16xi1>, vector<16xi32>
        %eq3A_258 = arith.constant 5 : i32
        %eq3A_259 = vector.broadcast %eq3A_258 : i32 to vector<16xi32>
        %eq3A_260 = arith.cmpi eq, %iota3A, %eq3A_259 : vector<16xi32>
        %select_n3A_261 = arith.select %eq3A_260, %all_reduce_ffs3A_148, %select_n3A_257 : vector<16xi1>, vector<16xi32>
        %eq3A_262 = arith.constant 6 : i32
        %eq3A_263 = vector.broadcast %eq3A_262 : i32 to vector<16xi32>
        %eq3A_264 = arith.cmpi eq, %iota3A, %eq3A_263 : vector<16xi32>
        %select_n3A_265 = arith.select %eq3A_264, %all_reduce_ffs3A_157, %select_n3A_261 : vector<16xi1>, vector<16xi32>
        %eq3A_266 = arith.constant 7 : i32
        %eq3A_267 = vector.broadcast %eq3A_266 : i32 to vector<16xi32>
        %eq3A_268 = arith.cmpi eq, %iota3A, %eq3A_267 : vector<16xi32>
        %select_n3A_269 = arith.select %eq3A_268, %all_reduce_ffs3A_166, %select_n3A_265 : vector<16xi1>, vector<16xi32>
        %eq3A_270 = arith.constant 8 : i32
        %eq3A_271 = vector.broadcast %eq3A_270 : i32 to vector<16xi32>
        %eq3A_272 = arith.cmpi eq, %iota3A, %eq3A_271 : vector<16xi32>
        %select_n3A_273 = arith.select %eq3A_272, %all_reduce_ffs3A_175, %select_n3A_269 : vector<16xi1>, vector<16xi32>
        %eq3A_274 = arith.constant 9 : i32
        %eq3A_275 = vector.broadcast %eq3A_274 : i32 to vector<16xi32>
        %eq3A_276 = arith.cmpi eq, %iota3A, %eq3A_275 : vector<16xi32>
        %select_n3A_277 = arith.select %eq3A_276, %all_reduce_ffs3A_184, %select_n3A_273 : vector<16xi1>, vector<16xi32>
        %eq3A_278 = arith.constant 10 : i32
        %eq3A_279 = vector.broadcast %eq3A_278 : i32 to vector<16xi32>
        %eq3A_280 = arith.cmpi eq, %iota3A, %eq3A_279 : vector<16xi32>
        %select_n3A_281 = arith.select %eq3A_280, %all_reduce_ffs3A_193, %select_n3A_277 : vector<16xi1>, vector<16xi32>
        %eq3A_282 = arith.constant 11 : i32
        %eq3A_283 = vector.broadcast %eq3A_282 : i32 to vector<16xi32>
        %eq3A_284 = arith.cmpi eq, %iota3A, %eq3A_283 : vector<16xi32>
        %select_n3A_285 = arith.select %eq3A_284, %all_reduce_ffs3A_202, %select_n3A_281 : vector<16xi1>, vector<16xi32>
        %eq3A_286 = arith.constant 12 : i32
        %eq3A_287 = vector.broadcast %eq3A_286 : i32 to vector<16xi32>
        %eq3A_288 = arith.cmpi eq, %iota3A, %eq3A_287 : vector<16xi32>
        %select_n3A_289 = arith.select %eq3A_288, %all_reduce_ffs3A_211, %select_n3A_285 : vector<16xi1>, vector<16xi32>
        %eq3A_290 = arith.constant 13 : i32
        %eq3A_291 = vector.broadcast %eq3A_290 : i32 to vector<16xi32>
        %eq3A_292 = arith.cmpi eq, %iota3A, %eq3A_291 : vector<16xi32>
        %select_n3A_293 = arith.select %eq3A_292, %all_reduce_ffs3A_220, %select_n3A_289 : vector<16xi1>, vector<16xi32>
        %eq3A_294 = arith.constant 14 : i32
        %eq3A_295 = vector.broadcast %eq3A_294 : i32 to vector<16xi32>
        %eq3A_296 = arith.cmpi eq, %iota3A, %eq3A_295 : vector<16xi32>
        %select_n3A_297 = arith.select %eq3A_296, %all_reduce_ffs3A_229, %select_n3A_293 : vector<16xi1>, vector<16xi32>
        %eq3A_298 = arith.constant 15 : i32
        %eq3A_299 = vector.broadcast %eq3A_298 : i32 to vector<16xi32>
        %eq3A_300 = arith.cmpi eq, %iota3A, %eq3A_299 : vector<16xi32>
        %select_n3A_301 = arith.select %eq3A_300, %all_reduce_ffs3A_238, %select_n3A_297 : vector<16xi1>, vector<16xi32>
        %convert_element_type3A_302 = arith.sitofp %select_n3A_301 : vector<16xi32> to vector<16xf32>
        %mul3A_303 = arith.constant 3.906250e-03 : f32
        %mul3A_304 = vector.broadcast %mul3A_303 : f32 to vector<16xf32>
        %mul3A_305 = arith.mulf %convert_element_type3A_302, %mul3A_304 : vector<16xf32>
        %swap3A = arith.constant 32 : i32
        %swap3A_306 = arith.index_cast %swap3A : i32 to index
        %swap3A_307 = arith.index_cast %mul3A_96 : i32 to index
        %swap3A_308 = tpu.vector_load %arg6[%swap3A_306, %swap3A_307] {strides = array<i32>} : memref<64x128xf32, #tpu.memory_space<vmem>>, vector<16xf32>,
        tpu.vector_store %arg6[%swap3A_306, %swap3A_307], %mul3A_305 {strides = array<i32>} : memref<64x128xf32, #tpu.memory_space<vmem>>, vector<16xf32>,
        %swap3A_309 = arith.constant 33 : i32
        %swap3A_310 = arith.index_cast %swap3A_309 : i32 to index
        %swap3A_311 = arith.index_cast %mul3A_96 : i32 to index
        %swap3A_312 = tpu.vector_load %arg6[%swap3A_310, %swap3A_311] {strides = array<i32>} : memref<64x128xf32, #tpu.memory_space<vmem>>, vector<16xf32>,
        tpu.vector_store %arg6[%swap3A_310, %swap3A_311], %mul3A_305 {strides = array<i32>} : memref<64x128xf32, #tpu.memory_space<vmem>>, vector<16xf32>,
        %swap3A_313 = arith.constant 34 : i32
        %swap3A_314 = arith.index_cast %swap3A_313 : i32 to index
        %swap3A_315 = arith.index_cast %mul3A_96 : i32 to index
        %swap3A_316 = tpu.vector_load %arg6[%swap3A_314, %swap3A_315] {strides = array<i32>} : memref<64x128xf32, #tpu.memory_space<vmem>>, vector<16xf32>,
        tpu.vector_store %arg6[%swap3A_314, %swap3A_315], %mul3A_305 {strides = array<i32>} : memref<64x128xf32, #tpu.memory_space<vmem>>, vector<16xf32>,
        %swap3A_317 = arith.constant 35 : i32
        %swap3A_318 = arith.index_cast %swap3A_317 : i32 to index
        %swap3A_319 = arith.index_cast %mul3A_96 : i32 to index
        %swap3A_320 = tpu.vector_load %arg6[%swap3A_318, %swap3A_319] {strides = array<i32>} : memref<64x128xf32, #tpu.memory_space<vmem>>, vector<16xf32>,
        tpu.vector_store %arg6[%swap3A_318, %swap3A_319], %mul3A_305 {strides = array<i32>} : memref<64x128xf32, #tpu.memory_space<vmem>>, vector<16xf32>,
        %swap3A_321 = arith.constant 36 : i32
        %swap3A_322 = arith.index_cast %swap3A_321 : i32 to index
        %swap3A_323 = arith.index_cast %mul3A_96 : i32 to index
        %swap3A_324 = tpu.vector_load %arg6[%swap3A_322, %swap3A_323] {strides = array<i32>} : memref<64x128xf32, #tpu.memory_space<vmem>>, vector<16xf32>,
        tpu.vector_store %arg6[%swap3A_322, %swap3A_323], %mul3A_305 {strides = array<i32>} : memref<64x128xf32, #tpu.memory_space<vmem>>, vector<16xf32>,
        %swap3A_325 = arith.constant 37 : i32
        %swap3A_326 = arith.index_cast %swap3A_325 : i32 to index
        %swap3A_327 = arith.index_cast %mul3A_96 : i32 to index
        %swap3A_328 = tpu.vector_load %arg6[%swap3A_326, %swap3A_327] {strides = array<i32>} : memref<64x128xf32, #tpu.memory_space<vmem>>, vector<16xf32>,
        tpu.vector_store %arg6[%swap3A_326, %swap3A_327], %mul3A_305 {strides = array<i32>} : memref<64x128xf32, #tpu.memory_space<vmem>>, vector<16xf32>,
        %swap3A_329 = arith.constant 38 : i32
        %swap3A_330 = arith.index_cast %swap3A_329 : i32 to index
        %swap3A_331 = arith.index_cast %mul3A_96 : i32 to index
        %swap3A_332 = tpu.vector_load %arg6[%swap3A_330, %swap3A_331] {strides = array<i32>} : memref<64x128xf32, #tpu.memory_space<vmem>>, vector<16xf32>,
        tpu.vector_store %arg6[%swap3A_330, %swap3A_331], %mul3A_305 {strides = array<i32>} : memref<64x128xf32, #tpu.memory_space<vmem>>, vector<16xf32>,
        %swap3A_333 = arith.constant 39 : i32
        %swap3A_334 = arith.index_cast %swap3A_333 : i32 to index
        %swap3A_335 = arith.index_cast %mul3A_96 : i32 to index
        %swap3A_336 = tpu.vector_load %arg6[%swap3A_334, %swap3A_335] {strides = array<i32>} : memref<64x128xf32, #tpu.memory_space<vmem>>, vector<16xf32>,
        tpu.vector_store %arg6[%swap3A_334, %swap3A_335], %mul3A_305 {strides = array<i32>} : memref<64x128xf32, #tpu.memory_space<vmem>>, vector<16xf32>,
        %swap3A_337 = arith.constant 40 : i32
        %swap3A_338 = arith.index_cast %swap3A_337 : i32 to index
        %swap3A_339 = arith.index_cast %mul3A_96 : i32 to index
        %swap3A_340 = tpu.vector_load %arg6[%swap3A_338, %swap3A_339] {strides = array<i32>} : memref<64x128xf32, #tpu.memory_space<vmem>>, vector<16xf32>,
        tpu.vector_store %arg6[%swap3A_338, %swap3A_339], %mul3A_305 {strides = array<i32>} : memref<64x128xf32, #tpu.memory_space<vmem>>, vector<16xf32>,
        %swap3A_341 = arith.constant 41 : i32
        %swap3A_342 = arith.index_cast %swap3A_341 : i32 to index
        %swap3A_343 = arith.index_cast %mul3A_96 : i32 to index
        %swap3A_344 = tpu.vector_load %arg6[%swap3A_342, %swap3A_343] {strides = array<i32>} : memref<64x128xf32, #tpu.memory_space<vmem>>, vector<16xf32>,
        tpu.vector_store %arg6[%swap3A_342, %swap3A_343], %mul3A_305 {strides = array<i32>} : memref<64x128xf32, #tpu.memory_space<vmem>>, vector<16xf32>,
        %swap3A_345 = arith.constant 42 : i32
        %swap3A_346 = arith.index_cast %swap3A_345 : i32 to index
        %swap3A_347 = arith.index_cast %mul3A_96 : i32 to index
        %swap3A_348 = tpu.vector_load %arg6[%swap3A_346, %swap3A_347] {strides = array<i32>} : memref<64x128xf32, #tpu.memory_space<vmem>>, vector<16xf32>,
        tpu.vector_store %arg6[%swap3A_346, %swap3A_347], %mul3A_305 {strides = array<i32>} : memref<64x128xf32, #tpu.memory_space<vmem>>, vector<16xf32>,
        %swap3A_349 = arith.constant 43 : i32
        %swap3A_350 = arith.index_cast %swap3A_349 : i32 to index
        %swap3A_351 = arith.index_cast %mul3A_96 : i32 to index
        %swap3A_352 = tpu.vector_load %arg6[%swap3A_350, %swap3A_351] {strides = array<i32>} : memref<64x128xf32, #tpu.memory_space<vmem>>, vector<16xf32>,
        tpu.vector_store %arg6[%swap3A_350, %swap3A_351], %mul3A_305 {strides = array<i32>} : memref<64x128xf32, #tpu.memory_space<vmem>>, vector<16xf32>,
        %swap3A_353 = arith.constant 44 : i32
        %swap3A_354 = arith.index_cast %swap3A_353 : i32 to index
        %swap3A_355 = arith.index_cast %mul3A_96 : i32 to index
        %swap3A_356 = tpu.vector_load %arg6[%swap3A_354, %swap3A_355] {strides = array<i32>} : memref<64x128xf32, #tpu.memory_space<vmem>>, vector<16xf32>,
        tpu.vector_store %arg6[%swap3A_354, %swap3A_355], %mul3A_305 {strides = array<i32>} : memref<64x128xf32, #tpu.memory_space<vmem>>, vector<16xf32>,
        %swap3A_357 = arith.constant 45 : i32
        %swap3A_358 = arith.index_cast %swap3A_357 : i32 to index
        %swap3A_359 = arith.index_cast %mul3A_96 : i32 to index
        %swap3A_360 = tpu.vector_load %arg6[%swap3A_358, %swap3A_359] {strides = array<i32>} : memref<64x128xf32, #tpu.memory_space<vmem>>, vector<16xf32>,
        tpu.vector_store %arg6[%swap3A_358, %swap3A_359], %mul3A_305 {strides = array<i32>} : memref<64x128xf32, #tpu.memory_space<vmem>>, vector<16xf32>,
        %swap3A_361 = arith.constant 46 : i32
        %swap3A_362 = arith.index_cast %swap3A_361 : i32 to index
        %swap3A_363 = arith.index_cast %mul3A_96 : i32 to index
        %swap3A_364 = tpu.vector_load %arg6[%swap3A_362, %swap3A_363] {strides = array<i32>} : memref<64x128xf32, #tpu.memory_space<vmem>>, vector<16xf32>,
        tpu.vector_store %arg6[%swap3A_362, %swap3A_363], %mul3A_305 {strides = array<i32>} : memref<64x128xf32, #tpu.memory_space<vmem>>, vector<16xf32>,
        %swap3A_365 = arith.constant 47 : i32
        %swap3A_366 = arith.index_cast %swap3A_365 : i32 to index
        %swap3A_367 = arith.index_cast %mul3A_96 : i32 to index
        %swap3A_368 = tpu.vector_load %arg6[%swap3A_366, %swap3A_367] {strides = array<i32>} : memref<64x128xf32, #tpu.memory_space<vmem>>, vector<16xf32>,
        tpu.vector_store %arg6[%swap3A_366, %swap3A_367], %mul3A_305 {strides = array<i32>} : memref<64x128xf32, #tpu.memory_space<vmem>>, vector<16xf32>,
        %swap3A_369 = arith.constant 48 : i32
        %swap3A_370 = arith.index_cast %swap3A_369 : i32 to index
        %swap3A_371 = arith.index_cast %mul3A_96 : i32 to index
        %swap3A_372 = tpu.vector_load %arg6[%swap3A_370, %swap3A_371] {strides = array<i32>} : memref<64x128xf32, #tpu.memory_space<vmem>>, vector<16xf32>,
        tpu.vector_store %arg6[%swap3A_370, %swap3A_371], %mul3A_305 {strides = array<i32>} : memref<64x128xf32, #tpu.memory_space<vmem>>, vector<16xf32>,
        %swap3A_373 = arith.constant 49 : i32
        %swap3A_374 = arith.index_cast %swap3A_373 : i32 to index
        %swap3A_375 = arith.index_cast %mul3A_96 : i32 to index
        %swap3A_376 = tpu.vector_load %arg6[%swap3A_374, %swap3A_375] {strides = array<i32>} : memref<64x128xf32, #tpu.memory_space<vmem>>, vector<16xf32>,
        tpu.vector_store %arg6[%swap3A_374, %swap3A_375], %mul3A_305 {strides = array<i32>} : memref<64x128xf32, #tpu.memory_space<vmem>>, vector<16xf32>,
        %swap3A_377 = arith.constant 50 : i32
        %swap3A_378 = arith.index_cast %swap3A_377 : i32 to index
        %swap3A_379 = arith.index_cast %mul3A_96 : i32 to index
        %swap3A_380 = tpu.vector_load %arg6[%swap3A_378, %swap3A_379] {strides = array<i32>} : memref<64x128xf32, #tpu.memory_space<vmem>>, vector<16xf32>,
        tpu.vector_store %arg6[%swap3A_378, %swap3A_379], %mul3A_305 {strides = array<i32>} : memref<64x128xf32, #tpu.memory_space<vmem>>, vector<16xf32>,
        %swap3A_381 = arith.constant 51 : i32
        %swap3A_382 = arith.index_cast %swap3A_381 : i32 to index
        %swap3A_383 = arith.index_cast %mul3A_96 : i32 to index
        %swap3A_384 = tpu.vector_load %arg6[%swap3A_382, %swap3A_383] {strides = array<i32>} : memref<64x128xf32, #tpu.memory_space<vmem>>, vector<16xf32>,
        tpu.vector_store %arg6[%swap3A_382, %swap3A_383], %mul3A_305 {strides = array<i32>} : memref<64x128xf32, #tpu.memory_space<vmem>>, vector<16xf32>,
        %swap3A_385 = arith.constant 52 : i32
        %swap3A_386 = arith.index_cast %swap3A_385 : i32 to index
        %swap3A_387 = arith.index_cast %mul3A_96 : i32 to index
        %swap3A_388 = tpu.vector_load %arg6[%swap3A_386, %swap3A_387] {strides = array<i32>} : memref<64x128xf32, #tpu.memory_space<vmem>>, vector<16xf32>,
        tpu.vector_store %arg6[%swap3A_386, %swap3A_387], %mul3A_305 {strides = array<i32>} : memref<64x128xf32, #tpu.memory_space<vmem>>, vector<16xf32>,
        %swap3A_389 = arith.constant 53 : i32
        %swap3A_390 = arith.index_cast %swap3A_389 : i32 to index
        %swap3A_391 = arith.index_cast %mul3A_96 : i32 to index
        %swap3A_392 = tpu.vector_load %arg6[%swap3A_390, %swap3A_391] {strides = array<i32>} : memref<64x128xf32, #tpu.memory_space<vmem>>, vector<16xf32>,
        tpu.vector_store %arg6[%swap3A_390, %swap3A_391], %mul3A_305 {strides = array<i32>} : memref<64x128xf32, #tpu.memory_space<vmem>>, vector<16xf32>,
        %swap3A_393 = arith.constant 54 : i32
        %swap3A_394 = arith.index_cast %swap3A_393 : i32 to index
        %swap3A_395 = arith.index_cast %mul3A_96 : i32 to index
        %swap3A_396 = tpu.vector_load %arg6[%swap3A_394, %swap3A_395] {strides = array<i32>} : memref<64x128xf32, #tpu.memory_space<vmem>>, vector<16xf32>,
        tpu.vector_store %arg6[%swap3A_394, %swap3A_395], %mul3A_305 {strides = array<i32>} : memref<64x128xf32, #tpu.memory_space<vmem>>, vector<16xf32>,
        %swap3A_397 = arith.constant 55 : i32
        %swap3A_398 = arith.index_cast %swap3A_397 : i32 to index
        %swap3A_399 = arith.index_cast %mul3A_96 : i32 to index
        %swap3A_400 = tpu.vector_load %arg6[%swap3A_398, %swap3A_399] {strides = array<i32>} : memref<64x128xf32, #tpu.memory_space<vmem>>, vector<16xf32>,
        tpu.vector_store %arg6[%swap3A_398, %swap3A_399], %mul3A_305 {strides = array<i32>} : memref<64x128xf32, #tpu.memory_space<vmem>>, vector<16xf32>,
        %swap3A_401 = arith.constant 56 : i32
        %swap3A_402 = arith.index_cast %swap3A_401 : i32 to index
        %swap3A_403 = arith.index_cast %mul3A_96 : i32 to index
        %swap3A_404 = tpu.vector_load %arg6[%swap3A_402, %swap3A_403] {strides = array<i32>} : memref<64x128xf32, #tpu.memory_space<vmem>>, vector<16xf32>,
        tpu.vector_store %arg6[%swap3A_402, %swap3A_403], %mul3A_305 {strides = array<i32>} : memref<64x128xf32, #tpu.memory_space<vmem>>, vector<16xf32>,
        %swap3A_405 = arith.constant 57 : i32
        %swap3A_406 = arith.index_cast %swap3A_405 : i32 to index
        %swap3A_407 = arith.index_cast %mul3A_96 : i32 to index
        %swap3A_408 = tpu.vector_load %arg6[%swap3A_406, %swap3A_407] {strides = array<i32>} : memref<64x128xf32, #tpu.memory_space<vmem>>, vector<16xf32>,
        tpu.vector_store %arg6[%swap3A_406, %swap3A_407], %mul3A_305 {strides = array<i32>} : memref<64x128xf32, #tpu.memory_space<vmem>>, vector<16xf32>,
        %swap3A_409 = arith.constant 58 : i32
        %swap3A_410 = arith.index_cast %swap3A_409 : i32 to index
        %swap3A_411 = arith.index_cast %mul3A_96 : i32 to index
        %swap3A_412 = tpu.vector_load %arg6[%swap3A_410, %swap3A_411] {strides = array<i32>} : memref<64x128xf32, #tpu.memory_space<vmem>>, vector<16xf32>,
        tpu.vector_store %arg6[%swap3A_410, %swap3A_411], %mul3A_305 {strides = array<i32>} : memref<64x128xf32, #tpu.memory_space<vmem>>, vector<16xf32>,
        %swap3A_413 = arith.constant 59 : i32
        %swap3A_414 = arith.index_cast %swap3A_413 : i32 to index
        %swap3A_415 = arith.index_cast %mul3A_96 : i32 to index
        %swap3A_416 = tpu.vector_load %arg6[%swap3A_414, %swap3A_415] {strides = array<i32>} : memref<64x128xf32, #tpu.memory_space<vmem>>, vector<16xf32>,
        tpu.vector_store %arg6[%swap3A_414, %swap3A_415], %mul3A_305 {strides = array<i32>} : memref<64x128xf32, #tpu.memory_space<vmem>>, vector<16xf32>,
        %swap3A_417 = arith.constant 60 : i32
        %swap3A_418 = arith.index_cast %swap3A_417 : i32 to index
        %swap3A_419 = arith.index_cast %mul3A_96 : i32 to index
        %swap3A_420 = tpu.vector_load %arg6[%swap3A_418, %swap3A_419] {strides = array<i32>} : memref<64x128xf32, #tpu.memory_space<vmem>>, vector<16xf32>,
        tpu.vector_store %arg6[%swap3A_418, %swap3A_419], %mul3A_305 {strides = array<i32>} : memref<64x128xf32, #tpu.memory_space<vmem>>, vector<16xf32>,
        %swap3A_421 = arith.constant 61 : i32
        %swap3A_422 = arith.index_cast %swap3A_421 : i32 to index
        %swap3A_423 = arith.index_cast %mul3A_96 : i32 to index
        %swap3A_424 = tpu.vector_load %arg6[%swap3A_422, %swap3A_423] {strides = array<i32>} : memref<64x128xf32, #tpu.memory_space<vmem>>, vector<16xf32>,
        tpu.vector_store %arg6[%swap3A_422, %swap3A_423], %mul3A_305 {strides = array<i32>} : memref<64x128xf32, #tpu.memory_space<vmem>>, vector<16xf32>,
        %swap3A_425 = arith.constant 62 : i32
        %swap3A_426 = arith.index_cast %swap3A_425 : i32 to index
        %swap3A_427 = arith.index_cast %mul3A_96 : i32 to index
        %swap3A_428 = tpu.vector_load %arg6[%swap3A_426, %swap3A_427] {strides = array<i32>} : memref<64x128xf32, #tpu.memory_space<vmem>>, vector<16xf32>,
        tpu.vector_store %arg6[%swap3A_426, %swap3A_427], %mul3A_305 {strides = array<i32>} : memref<64x128xf32, #tpu.memory_space<vmem>>, vector<16xf32>,
        %swap3A_429 = arith.constant 63 : i32
        %swap3A_430 = arith.index_cast %swap3A_429 : i32 to index
        %swap3A_431 = arith.index_cast %mul3A_96 : i32 to index
        %swap3A_432 = tpu.vector_load %arg6[%swap3A_430, %swap3A_431] {strides = array<i32>} : memref<64x128xf32, #tpu.memory_space<vmem>>, vector<16xf32>,
        tpu.vector_store %arg6[%swap3A_430, %swap3A_431], %mul3A_305 {strides = array<i32>} : memref<64x128xf32, #tpu.memory_space<vmem>>, vector<16xf32>,
        %add3A_433 = arith.constant 0 : i32
        %add3A_434 = arith.addi %mul3A_96, %add3A_433 : i32
        %broadcast_in_dim3A_435 = vector.broadcast %add3A_434 : i32 to vector<16xi32>
        %add3A_436 = arith.addi %all_reduce_ffs3A, %iota3A : vector<16xi32>
        %gather3A = tpu.vector_load_idx %arg4[%broadcast_in_dim3A_435, %add3A_436] : memref<128x256xf32, #tpu.memory_space<vmem>>[vector<16xi32>, vector<16xi32>], vector<16xf32>,
        %add3A_437 = arith.constant 16 : i32
        %add3A_438 = vector.broadcast %add3A_437 : i32 to vector<16xi32>
        %add3A_439 = arith.addi %add3A_436, %add3A_438 : vector<16xi32>
        %gather3A_440 = tpu.vector_load_idx %arg4[%broadcast_in_dim3A_435, %add3A_439] : memref<128x256xf32, #tpu.memory_space<vmem>>[vector<16xi32>, vector<16xi32>], vector<16xf32>,
        tpu.vector_store_idx %arg6[%iota3A, %broadcast_in_dim3A_435], %gather3A : memref<64x128xf32, #tpu.memory_space<vmem>>[vector<16xi32>, vector<16xi32>], vector<16xf32>,
        %add3A_441 = arith.constant 16 : i32
        %add3A_442 = vector.broadcast %add3A_441 : i32 to vector<16xi32>
        %add3A_443 = arith.addi %iota3A, %add3A_442 : vector<16xi32>
        tpu.vector_store_idx %arg6[%add3A_443, %broadcast_in_dim3A_435], %gather3A_440 : memref<64x128xf32, #tpu.memory_space<vmem>>[vector<16xi32>, vector<16xi32>], vector<16xf32>,
        %add3A_444 = arith.constant 1 : i32
        %add3A_445 = arith.addi %mul3A_96, %add3A_444 : i32
        %broadcast_in_dim3A_446 = vector.broadcast %add3A_445 : i32 to vector<16xi32>
        %add3A_447 = arith.addi %all_reduce_ffs3A_112, %iota3A : vector<16xi32>
        %gather3A_448 = tpu.vector_load_idx %arg4[%broadcast_in_dim3A_446, %add3A_447] : memref<128x256xf32, #tpu.memory_space<vmem>>[vector<16xi32>, vector<16xi32>], vector<16xf32>,
        %add3A_449 = arith.constant 16 : i32
        %add3A_450 = vector.broadcast %add3A_449 : i32 to vector<16xi32>
        %add3A_451 = arith.addi %add3A_447, %add3A_450 : vector<16xi32>
        %gather3A_452 = tpu.vector_load_idx %arg4[%broadcast_in_dim3A_446, %add3A_451] : memref<128x256xf32, #tpu.memory_space<vmem>>[vector<16xi32>, vector<16xi32>], vector<16xf32>,
        tpu.vector_store_idx %arg6[%iota3A, %broadcast_in_dim3A_446], %gather3A_448 : memref<64x128xf32, #tpu.memory_space<vmem>>[vector<16xi32>, vector<16xi32>], vector<16xf32>,
        %add3A_453 = arith.constant 16 : i32
        %add3A_454 = vector.broadcast %add3A_453 : i32 to vector<16xi32>
        %add3A_455 = arith.addi %iota3A, %add3A_454 : vector<16xi32>
        tpu.vector_store_idx %arg6[%add3A_455, %broadcast_in_dim3A_446], %gather3A_452 : memref<64x128xf32, #tpu.memory_space<vmem>>[vector<16xi32>, vector<16xi32>], vector<16xf32>,
        %add3A_456 = arith.constant 2 : i32
        %add3A_457 = arith.addi %mul3A_96, %add3A_456 : i32
        %broadcast_in_dim3A_458 = vector.broadcast %add3A_457 : i32 to vector<16xi32>
        %add3A_459 = arith.addi %all_reduce_ffs3A_121, %iota3A : vector<16xi32>
        %gather3A_460 = tpu.vector_load_idx %arg4[%broadcast_in_dim3A_458, %add3A_459] : memref<128x256xf32, #tpu.memory_space<vmem>>[vector<16xi32>, vector<16xi32>], vector<16xf32>,
        %add3A_461 = arith.constant 16 : i32
        %add3A_462 = vector.broadcast %add3A_461 : i32 to vector<16xi32>
        %add3A_463 = arith.addi %add3A_459, %add3A_462 : vector<16xi32>
        %gather3A_464 = tpu.vector_load_idx %arg4[%broadcast_in_dim3A_458, %add3A_463] : memref<128x256xf32, #tpu.memory_space<vmem>>[vector<16xi32>, vector<16xi32>], vector<16xf32>,
        tpu.vector_store_idx %arg6[%iota3A, %broadcast_in_dim3A_458], %gather3A_460 : memref<64x128xf32, #tpu.memory_space<vmem>>[vector<16xi32>, vector<16xi32>], vector<16xf32>,
        %add3A_465 = arith.constant 16 : i32
        %add3A_466 = vector.broadcast %add3A_465 : i32 to vector<16xi32>
        %add3A_467 = arith.addi %iota3A, %add3A_466 : vector<16xi32>
        tpu.vector_store_idx %arg6[%add3A_467, %broadcast_in_dim3A_458], %gather3A_464 : memref<64x128xf32, #tpu.memory_space<vmem>>[vector<16xi32>, vector<16xi32>], vector<16xf32>,
        %add3A_468 = arith.constant 3 : i32
        %add3A_469 = arith.addi %mul3A_96, %add3A_468 : i32
        %broadcast_in_dim3A_470 = vector.broadcast %add3A_469 : i32 to vector<16xi32>
        %add3A_471 = arith.addi %all_reduce_ffs3A_130, %iota3A : vector<16xi32>
        %gather3A_472 = tpu.vector_load_idx %arg4[%broadcast_in_dim3A_470, %add3A_471] : memref<128x256xf32, #tpu.memory_space<vmem>>[vector<16xi32>, vector<16xi32>], vector<16xf32>,
        %add3A_473 = arith.constant 16 : i32
        %add3A_474 = vector.broadcast %add3A_473 : i32 to vector<16xi32>
        %add3A_475 = arith.addi %add3A_471, %add3A_474 : vector<16xi32>
        %gather3A_476 = tpu.vector_load_idx %arg4[%broadcast_in_dim3A_470, %add3A_475] : memref<128x256xf32, #tpu.memory_space<vmem>>[vector<16xi32>, vector<16xi32>], vector<16xf32>,
        tpu.vector_store_idx %arg6[%iota3A, %broadcast_in_dim3A_470], %gather3A_472 : memref<64x128xf32, #tpu.memory_space<vmem>>[vector<16xi32>, vector<16xi32>], vector<16xf32>,
        %add3A_477 = arith.constant 16 : i32
        %add3A_478 = vector.broadcast %add3A_477 : i32 to vector<16xi32>
        %add3A_479 = arith.addi %iota3A, %add3A_478 : vector<16xi32>
        tpu.vector_store_idx %arg6[%add3A_479, %broadcast_in_dim3A_470], %gather3A_476 : memref<64x128xf32, #tpu.memory_space<vmem>>[vector<16xi32>, vector<16xi32>], vector<16xf32>,
        %add3A_480 = arith.constant 4 : i32
        %add3A_481 = arith.addi %mul3A_96, %add3A_480 : i32
        %broadcast_in_dim3A_482 = vector.broadcast %add3A_481 : i32 to vector<16xi32>
        %add3A_483 = arith.addi %all_reduce_ffs3A_139, %iota3A : vector<16xi32>
        %gather3A_484 = tpu.vector_load_idx %arg4[%broadcast_in_dim3A_482, %add3A_483] : memref<128x256xf32, #tpu.memory_space<vmem>>[vector<16xi32>, vector<16xi32>], vector<16xf32>,
        %add3A_485 = arith.constant 16 : i32
        %add3A_486 = vector.broadcast %add3A_485 : i32 to vector<16xi32>
        %add3A_487 = arith.addi %add3A_483, %add3A_486 : vector<16xi32>
        %gather3A_488 = tpu.vector_load_idx %arg4[%broadcast_in_dim3A_482, %add3A_487] : memref<128x256xf32, #tpu.memory_space<vmem>>[vector<16xi32>, vector<16xi32>], vector<16xf32>,
        tpu.vector_store_idx %arg6[%iota3A, %broadcast_in_dim3A_482], %gather3A_484 : memref<64x128xf32, #tpu.memory_space<vmem>>[vector<16xi32>, vector<16xi32>], vector<16xf32>,
        %add3A_489 = arith.constant 16 : i32
        %add3A_490 = vector.broadcast %add3A_489 : i32 to vector<16xi32>
        %add3A_491 = arith.addi %iota3A, %add3A_490 : vector<16xi32>
        tpu.vector_store_idx %arg6[%add3A_491, %broadcast_in_dim3A_482], %gather3A_488 : memref<64x128xf32, #tpu.memory_space<vmem>>[vector<16xi32>, vector<16xi32>], vector<16xf32>,
        %add3A_492 = arith.constant 5 : i32
        %add3A_493 = arith.addi %mul3A_96, %add3A_492 : i32
        %broadcast_in_dim3A_494 = vector.broadcast %add3A_493 : i32 to vector<16xi32>
        %add3A_495 = arith.addi %all_reduce_ffs3A_148, %iota3A : vector<16xi32>
        %gather3A_496 = tpu.vector_load_idx %arg4[%broadcast_in_dim3A_494, %add3A_495] : memref<128x256xf32, #tpu.memory_space<vmem>>[vector<16xi32>, vector<16xi32>], vector<16xf32>,
        %add3A_497 = arith.constant 16 : i32
        %add3A_498 = vector.broadcast %add3A_497 : i32 to vector<16xi32>
        %add3A_499 = arith.addi %add3A_495, %add3A_498 : vector<16xi32>
        %gather3A_500 = tpu.vector_load_idx %arg4[%broadcast_in_dim3A_494, %add3A_499] : memref<128x256xf32, #tpu.memory_space<vmem>>[vector<16xi32>, vector<16xi32>], vector<16xf32>,
        tpu.vector_store_idx %arg6[%iota3A, %broadcast_in_dim3A_494], %gather3A_496 : memref<64x128xf32, #tpu.memory_space<vmem>>[vector<16xi32>, vector<16xi32>], vector<16xf32>,
        %add3A_501 = arith.constant 16 : i32
        %add3A_502 = vector.broadcast %add3A_501 : i32 to vector<16xi32>
        %add3A_503 = arith.addi %iota3A, %add3A_502 : vector<16xi32>
        tpu.vector_store_idx %arg6[%add3A_503, %broadcast_in_dim3A_494], %gather3A_500 : memref<64x128xf32, #tpu.memory_space<vmem>>[vector<16xi32>, vector<16xi32>], vector<16xf32>,
        %add3A_504 = arith.constant 6 : i32
        %add3A_505 = arith.addi %mul3A_96, %add3A_504 : i32
        %broadcast_in_dim3A_506 = vector.broadcast %add3A_505 : i32 to vector<16xi32>
        %add3A_507 = arith.addi %all_reduce_ffs3A_157, %iota3A : vector<16xi32>
        %gather3A_508 = tpu.vector_load_idx %arg4[%broadcast_in_dim3A_506, %add3A_507] : memref<128x256xf32, #tpu.memory_space<vmem>>[vector<16xi32>, vector<16xi32>], vector<16xf32>,
        %add3A_509 = arith.constant 16 : i32
        %add3A_510 = vector.broadcast %add3A_509 : i32 to vector<16xi32>
        %add3A_511 = arith.addi %add3A_507, %add3A_510 : vector<16xi32>
        %gather3A_512 = tpu.vector_load_idx %arg4[%broadcast_in_dim3A_506, %add3A_511] : memref<128x256xf32, #tpu.memory_space<vmem>>[vector<16xi32>, vector<16xi32>], vector<16xf32>,
        tpu.vector_store_idx %arg6[%iota3A, %broadcast_in_dim3A_506], %gather3A_508 : memref<64x128xf32, #tpu.memory_space<vmem>>[vector<16xi32>, vector<16xi32>], vector<16xf32>,
        %add3A_513 = arith.constant 16 : i32
        %add3A_514 = vector.broadcast %add3A_513 : i32 to vector<16xi32>
        %add3A_515 = arith.addi %iota3A, %add3A_514 : vector<16xi32>
        tpu.vector_store_idx %arg6[%add3A_515, %broadcast_in_dim3A_506], %gather3A_512 : memref<64x128xf32, #tpu.memory_space<vmem>>[vector<16xi32>, vector<16xi32>], vector<16xf32>,
        %add3A_516 = arith.constant 7 : i32
        %add3A_517 = arith.addi %mul3A_96, %add3A_516 : i32
        %broadcast_in_dim3A_518 = vector.broadcast %add3A_517 : i32 to vector<16xi32>
        %add3A_519 = arith.addi %all_reduce_ffs3A_166, %iota3A : vector<16xi32>
        %gather3A_520 = tpu.vector_load_idx %arg4[%broadcast_in_dim3A_518, %add3A_519] : memref<128x256xf32, #tpu.memory_space<vmem>>[vector<16xi32>, vector<16xi32>], vector<16xf32>,
        %add3A_521 = arith.constant 16 : i32
        %add3A_522 = vector.broadcast %add3A_521 : i32 to vector<16xi32>
        %add3A_523 = arith.addi %add3A_519, %add3A_522 : vector<16xi32>
        %gather3A_524 = tpu.vector_load_idx %arg4[%broadcast_in_dim3A_518, %add3A_523] : memref<128x256xf32, #tpu.memory_space<vmem>>[vector<16xi32>, vector<16xi32>], vector<16xf32>,
        tpu.vector_store_idx %arg6[%iota3A, %broadcast_in_dim3A_518], %gather3A_520 : memref<64x128xf32, #tpu.memory_space<vmem>>[vector<16xi32>, vector<16xi32>], vector<16xf32>,
        %add3A_525 = arith.constant 16 : i32
        %add3A_526 = vector.broadcast %add3A_525 : i32 to vector<16xi32>
        %add3A_527 = arith.addi %iota3A, %add3A_526 : vector<16xi32>
        tpu.vector_store_idx %arg6[%add3A_527, %broadcast_in_dim3A_518], %gather3A_524 : memref<64x128xf32, #tpu.memory_space<vmem>>[vector<16xi32>, vector<16xi32>], vector<16xf32>,
        %add3A_528 = arith.constant 8 : i32
        %add3A_529 = arith.addi %mul3A_96, %add3A_528 : i32
        %broadcast_in_dim3A_530 = vector.broadcast %add3A_529 : i32 to vector<16xi32>
        %add3A_531 = arith.addi %all_reduce_ffs3A_175, %iota3A : vector<16xi32>
        %gather3A_532 = tpu.vector_load_idx %arg4[%broadcast_in_dim3A_530, %add3A_531] : memref<128x256xf32, #tpu.memory_space<vmem>>[vector<16xi32>, vector<16xi32>], vector<16xf32>,
        %add3A_533 = arith.constant 16 : i32
        %add3A_534 = vector.broadcast %add3A_533 : i32 to vector<16xi32>
        %add3A_535 = arith.addi %add3A_531, %add3A_534 : vector<16xi32>
        %gather3A_536 = tpu.vector_load_idx %arg4[%broadcast_in_dim3A_530, %add3A_535] : memref<128x256xf32, #tpu.memory_space<vmem>>[vector<16xi32>, vector<16xi32>], vector<16xf32>,
        tpu.vector_store_idx %arg6[%iota3A, %broadcast_in_dim3A_530], %gather3A_532 : memref<64x128xf32, #tpu.memory_space<vmem>>[vector<16xi32>, vector<16xi32>], vector<16xf32>,
        %add3A_537 = arith.constant 16 : i32
        %add3A_538 = vector.broadcast %add3A_537 : i32 to vector<16xi32>
        %add3A_539 = arith.addi %iota3A, %add3A_538 : vector<16xi32>
        tpu.vector_store_idx %arg6[%add3A_539, %broadcast_in_dim3A_530], %gather3A_536 : memref<64x128xf32, #tpu.memory_space<vmem>>[vector<16xi32>, vector<16xi32>], vector<16xf32>,
        %add3A_540 = arith.constant 9 : i32
        %add3A_541 = arith.addi %mul3A_96, %add3A_540 : i32
        %broadcast_in_dim3A_542 = vector.broadcast %add3A_541 : i32 to vector<16xi32>
        %add3A_543 = arith.addi %all_reduce_ffs3A_184, %iota3A : vector<16xi32>
        %gather3A_544 = tpu.vector_load_idx %arg4[%broadcast_in_dim3A_542, %add3A_543] : memref<128x256xf32, #tpu.memory_space<vmem>>[vector<16xi32>, vector<16xi32>], vector<16xf32>,
        %add3A_545 = arith.constant 16 : i32
        %add3A_546 = vector.broadcast %add3A_545 : i32 to vector<16xi32>
        %add3A_547 = arith.addi %add3A_543, %add3A_546 : vector<16xi32>
        %gather3A_548 = tpu.vector_load_idx %arg4[%broadcast_in_dim3A_542, %add3A_547] : memref<128x256xf32, #tpu.memory_space<vmem>>[vector<16xi32>, vector<16xi32>], vector<16xf32>,
        tpu.vector_store_idx %arg6[%iota3A, %broadcast_in_dim3A_542], %gather3A_544 : memref<64x128xf32, #tpu.memory_space<vmem>>[vector<16xi32>, vector<16xi32>], vector<16xf32>,
        %add3A_549 = arith.constant 16 : i32
        %add3A_550 = vector.broadcast %add3A_549 : i32 to vector<16xi32>
        %add3A_551 = arith.addi %iota3A, %add3A_550 : vector<16xi32>
        tpu.vector_store_idx %arg6[%add3A_551, %broadcast_in_dim3A_542], %gather3A_548 : memref<64x128xf32, #tpu.memory_space<vmem>>[vector<16xi32>, vector<16xi32>], vector<16xf32>,
        %add3A_552 = arith.constant 10 : i32
        %add3A_553 = arith.addi %mul3A_96, %add3A_552 : i32
        %broadcast_in_dim3A_554 = vector.broadcast %add3A_553 : i32 to vector<16xi32>
        %add3A_555 = arith.addi %all_reduce_ffs3A_193, %iota3A : vector<16xi32>
        %gather3A_556 = tpu.vector_load_idx %arg4[%broadcast_in_dim3A_554, %add3A_555] : memref<128x256xf32, #tpu.memory_space<vmem>>[vector<16xi32>, vector<16xi32>], vector<16xf32>,
        %add3A_557 = arith.constant 16 : i32
        %add3A_558 = vector.broadcast %add3A_557 : i32 to vector<16xi32>
        %add3A_559 = arith.addi %add3A_555, %add3A_558 : vector<16xi32>
        %gather3A_560 = tpu.vector_load_idx %arg4[%broadcast_in_dim3A_554, %add3A_559] : memref<128x256xf32, #tpu.memory_space<vmem>>[vector<16xi32>, vector<16xi32>], vector<16xf32>,
        tpu.vector_store_idx %arg6[%iota3A, %broadcast_in_dim3A_554], %gather3A_556 : memref<64x128xf32, #tpu.memory_space<vmem>>[vector<16xi32>, vector<16xi32>], vector<16xf32>,
        %add3A_561 = arith.constant 16 : i32
        %add3A_562 = vector.broadcast %add3A_561 : i32 to vector<16xi32>
        %add3A_563 = arith.addi %iota3A, %add3A_562 : vector<16xi32>
        tpu.vector_store_idx %arg6[%add3A_563, %broadcast_in_dim3A_554], %gather3A_560 : memref<64x128xf32, #tpu.memory_space<vmem>>[vector<16xi32>, vector<16xi32>], vector<16xf32>,
        %add3A_564 = arith.constant 11 : i32
        %add3A_565 = arith.addi %mul3A_96, %add3A_564 : i32
        %broadcast_in_dim3A_566 = vector.broadcast %add3A_565 : i32 to vector<16xi32>
        %add3A_567 = arith.addi %all_reduce_ffs3A_202, %iota3A : vector<16xi32>
        %gather3A_568 = tpu.vector_load_idx %arg4[%broadcast_in_dim3A_566, %add3A_567] : memref<128x256xf32, #tpu.memory_space<vmem>>[vector<16xi32>, vector<16xi32>], vector<16xf32>,
        %add3A_569 = arith.constant 16 : i32
        %add3A_570 = vector.broadcast %add3A_569 : i32 to vector<16xi32>
        %add3A_571 = arith.addi %add3A_567, %add3A_570 : vector<16xi32>
        %gather3A_572 = tpu.vector_load_idx %arg4[%broadcast_in_dim3A_566, %add3A_571] : memref<128x256xf32, #tpu.memory_space<vmem>>[vector<16xi32>, vector<16xi32>], vector<16xf32>,
        tpu.vector_store_idx %arg6[%iota3A, %broadcast_in_dim3A_566], %gather3A_568 : memref<64x128xf32, #tpu.memory_space<vmem>>[vector<16xi32>, vector<16xi32>], vector<16xf32>,
        %add3A_573 = arith.constant 16 : i32
        %add3A_574 = vector.broadcast %add3A_573 : i32 to vector<16xi32>
        %add3A_575 = arith.addi %iota3A, %add3A_574 : vector<16xi32>
        tpu.vector_store_idx %arg6[%add3A_575, %broadcast_in_dim3A_566], %gather3A_572 : memref<64x128xf32, #tpu.memory_space<vmem>>[vector<16xi32>, vector<16xi32>], vector<16xf32>,
        %add3A_576 = arith.constant 12 : i32
        %add3A_577 = arith.addi %mul3A_96, %add3A_576 : i32
        %broadcast_in_dim3A_578 = vector.broadcast %add3A_577 : i32 to vector<16xi32>
        %add3A_579 = arith.addi %all_reduce_ffs3A_211, %iota3A : vector<16xi32>
        %gather3A_580 = tpu.vector_load_idx %arg4[%broadcast_in_dim3A_578, %add3A_579] : memref<128x256xf32, #tpu.memory_space<vmem>>[vector<16xi32>, vector<16xi32>], vector<16xf32>,
        %add3A_581 = arith.constant 16 : i32
        %add3A_582 = vector.broadcast %add3A_581 : i32 to vector<16xi32>
        %add3A_583 = arith.addi %add3A_579, %add3A_582 : vector<16xi32>
        %gather3A_584 = tpu.vector_load_idx %arg4[%broadcast_in_dim3A_578, %add3A_583] : memref<128x256xf32, #tpu.memory_space<vmem>>[vector<16xi32>, vector<16xi32>], vector<16xf32>,
        tpu.vector_store_idx %arg6[%iota3A, %broadcast_in_dim3A_578], %gather3A_580 : memref<64x128xf32, #tpu.memory_space<vmem>>[vector<16xi32>, vector<16xi32>], vector<16xf32>,
        %add3A_585 = arith.constant 16 : i32
        %add3A_586 = vector.broadcast %add3A_585 : i32 to vector<16xi32>
        %add3A_587 = arith.addi %iota3A, %add3A_586 : vector<16xi32>
        tpu.vector_store_idx %arg6[%add3A_587, %broadcast_in_dim3A_578], %gather3A_584 : memref<64x128xf32, #tpu.memory_space<vmem>>[vector<16xi32>, vector<16xi32>], vector<16xf32>,
        %add3A_588 = arith.constant 13 : i32
        %add3A_589 = arith.addi %mul3A_96, %add3A_588 : i32
        %broadcast_in_dim3A_590 = vector.broadcast %add3A_589 : i32 to vector<16xi32>
        %add3A_591 = arith.addi %all_reduce_ffs3A_220, %iota3A : vector<16xi32>
        %gather3A_592 = tpu.vector_load_idx %arg4[%broadcast_in_dim3A_590, %add3A_591] : memref<128x256xf32, #tpu.memory_space<vmem>>[vector<16xi32>, vector<16xi32>], vector<16xf32>,
        %add3A_593 = arith.constant 16 : i32
        %add3A_594 = vector.broadcast %add3A_593 : i32 to vector<16xi32>
        %add3A_595 = arith.addi %add3A_591, %add3A_594 : vector<16xi32>
        %gather3A_596 = tpu.vector_load_idx %arg4[%broadcast_in_dim3A_590, %add3A_595] : memref<128x256xf32, #tpu.memory_space<vmem>>[vector<16xi32>, vector<16xi32>], vector<16xf32>,
        tpu.vector_store_idx %arg6[%iota3A, %broadcast_in_dim3A_590], %gather3A_592 : memref<64x128xf32, #tpu.memory_space<vmem>>[vector<16xi32>, vector<16xi32>], vector<16xf32>,
        %add3A_597 = arith.constant 16 : i32
        %add3A_598 = vector.broadcast %add3A_597 : i32 to vector<16xi32>
        %add3A_599 = arith.addi %iota3A, %add3A_598 : vector<16xi32>
        tpu.vector_store_idx %arg6[%add3A_599, %broadcast_in_dim3A_590], %gather3A_596 : memref<64x128xf32, #tpu.memory_space<vmem>>[vector<16xi32>, vector<16xi32>], vector<16xf32>,
        %add3A_600 = arith.constant 14 : i32
        %add3A_601 = arith.addi %mul3A_96, %add3A_600 : i32
        %broadcast_in_dim3A_602 = vector.broadcast %add3A_601 : i32 to vector<16xi32>
        %add3A_603 = arith.addi %all_reduce_ffs3A_229, %iota3A : vector<16xi32>
        %gather3A_604 = tpu.vector_load_idx %arg4[%broadcast_in_dim3A_602, %add3A_603] : memref<128x256xf32, #tpu.memory_space<vmem>>[vector<16xi32>, vector<16xi32>], vector<16xf32>,
        %add3A_605 = arith.constant 16 : i32
        %add3A_606 = vector.broadcast %add3A_605 : i32 to vector<16xi32>
        %add3A_607 = arith.addi %add3A_603, %add3A_606 : vector<16xi32>
        %gather3A_608 = tpu.vector_load_idx %arg4[%broadcast_in_dim3A_602, %add3A_607] : memref<128x256xf32, #tpu.memory_space<vmem>>[vector<16xi32>, vector<16xi32>], vector<16xf32>,
        tpu.vector_store_idx %arg6[%iota3A, %broadcast_in_dim3A_602], %gather3A_604 : memref<64x128xf32, #tpu.memory_space<vmem>>[vector<16xi32>, vector<16xi32>], vector<16xf32>,
        %add3A_609 = arith.constant 16 : i32
        %add3A_610 = vector.broadcast %add3A_609 : i32 to vector<16xi32>
        %add3A_611 = arith.addi %iota3A, %add3A_610 : vector<16xi32>
        tpu.vector_store_idx %arg6[%add3A_611, %broadcast_in_dim3A_602], %gather3A_608 : memref<64x128xf32, #tpu.memory_space<vmem>>[vector<16xi32>, vector<16xi32>], vector<16xf32>,
        %add3A_612 = arith.constant 15 : i32
        %add3A_613 = arith.addi %mul3A_96, %add3A_612 : i32
        %broadcast_in_dim3A_614 = vector.broadcast %add3A_613 : i32 to vector<16xi32>
        %add3A_615 = arith.addi %all_reduce_ffs3A_238, %iota3A : vector<16xi32>
        %gather3A_616 = tpu.vector_load_idx %arg4[%broadcast_in_dim3A_614, %add3A_615] : memref<128x256xf32, #tpu.memory_space<vmem>>[vector<16xi32>, vector<16xi32>], vector<16xf32>,
        %add3A_617 = arith.constant 16 : i32
        %add3A_618 = vector.broadcast %add3A_617 : i32 to vector<16xi32>
        %add3A_619 = arith.addi %add3A_615, %add3A_618 : vector<16xi32>
        %gather3A_620 = tpu.vector_load_idx %arg4[%broadcast_in_dim3A_614, %add3A_619] : memref<128x256xf32, #tpu.memory_space<vmem>>[vector<16xi32>, vector<16xi32>], vector<16xf32>,
        tpu.vector_store_idx %arg6[%iota3A, %broadcast_in_dim3A_614], %gather3A_616 : memref<64x128xf32, #tpu.memory_space<vmem>>[vector<16xi32>, vector<16xi32>], vector<16xf32>,
        %add3A_621 = arith.constant 16 : i32
        %add3A_622 = vector.broadcast %add3A_621 : i32 to vector<16xi32>
        %add3A_623 = arith.addi %iota3A, %add3A_622 : vector<16xi32>
        tpu.vector_store_idx %arg6[%add3A_623, %broadcast_in_dim3A_614], %gather3A_620 : memref<64x128xf32, #tpu.memory_space<vmem>>[vector<16xi32>, vector<16xi32>], vector<16xf32>,
        %ge3A = arith.constant 16 : i32
        %ge3A_624 = vector.broadcast %ge3A : i32 to vector<16xi32>
        %ge3A_625 = arith.cmpi sge, %select_n3A_301, %ge3A_624 : vector<16xi32>
        %reduce_or3A = arith.constant 1.000000e+00 : f32
        %reduce_or3A_626 = arith.constant 0.000000e+00 : f32
        %reduce_or3A_627 = vector.broadcast %reduce_or3A : f32 to vector<16xf32>
        %reduce_or3A_628 = vector.broadcast %reduce_or3A_626 : f32 to vector<16xf32>
        %reduce_or3A_629 = arith.select %ge3A_625, %reduce_or3A_627, %reduce_or3A_628 : vector<16xi1>, vector<16xf32>
        %reduce_or3A_630 = arith.constant true
        %reduce_or3A_631 = vector.broadcast %reduce_or3A_630 : i1 to vector<16xi1>
        %reduce_or3A_632 = tpu.scan <max>, %reduce_or3A_629 masked %reduce_or3A_631 : vector<16xf32>, vector<16xi1> -> vector<16xf32>
        %reduce_or3A_633 = vector.extract %reduce_or3A_632[15] : f32 from vector<16xf32>
        %reduce_or3A_634 = arith.constant 0.000000e+00 : f32
        %reduce_or3A_635 = arith.cmpf ogt, %reduce_or3A_633, %reduce_or3A_634 : f32
        %convert_element_type3A_636 = arith.extui %reduce_or3A_635 : i1 to i32
        %cond3A_637 = arith.constant 0 : i32
        %cond3A_638 = arith.cmpi ne, %convert_element_type3A_636, %cond3A_637 : i32
        scf.if %cond3A_638 {
          %add3A_640 = arith.constant 0 : i32
          %add3A_641 = arith.addi %mul3A_96, %add3A_640 : i32
          %broadcast_in_dim3A_642 = arith.constant 1024 : i32
          %broadcast_in_dim3A_643 = vector.broadcast %broadcast_in_dim3A_642 : i32 to vector<16xi32>
          %scan3A_644 = arith.constant 1 : i32
          %scan3A_645 = arith.constant 15 : i32
          %scan3A_646 = arith.addi %scan3A_644, %scan3A_645 : i32
          %scan3A_647 = arith.constant 1 : i32
          %scan3A_648 = scf.for %scan3A_1398 = %scan3A_644 to %scan3A_646 step %scan3A_647 iter_args(%scan3A_1399 = %broadcast_in_dim3A_643) -> (vector<16xi32>)  : i32 {
            %mul3A_1400 = arith.constant 16 : i32
            %mul3A_1401 = arith.muli %scan3A_1398, %mul3A_1400 : i32
            %get3A_1402 = arith.index_cast %add3A_641 : i32 to index
            %get3A_1403 = arith.index_cast %mul3A_1401 : i32 to index
            %get3A_1404 = tpu.vector_load %arg4[%get3A_1402, %get3A_1403] {strides = array<i32>} : memref<128x256xf32, #tpu.memory_space<vmem>>, vector<16xf32>,
            %gt3A_1405 = arith.constant 1.500000e-01 : f32
            %gt3A_1406 = vector.broadcast %gt3A_1405 : f32 to vector<16xf32>
            %gt3A_1407 = arith.cmpf ogt, %get3A_1404, %gt3A_1406 : vector<16xf32>
            %all_reduce_ffs3A_1408 = tpu.all_reduce %gt3A_1407 {dim = 0 : i64, kind = #tpu.reduction_kind<find_first_set>} : vector<16xi1> -> vector<16xi32>
            %lt3A_1409 = arith.constant 16 : i32
            %lt3A_1410 = vector.broadcast %lt3A_1409 : i32 to vector<16xi32>
            %lt3A_1411 = arith.cmpi slt, %all_reduce_ffs3A_1408, %lt3A_1410 : vector<16xi32>
            %mul3A_1412 = arith.constant 16 : i32
            %mul3A_1413 = arith.muli %scan3A_1398, %mul3A_1412 : i32
            %add3A_1414 = vector.broadcast %mul3A_1413 : i32 to vector<16xi32>
            %add3A_1415 = arith.addi %add3A_1414, %all_reduce_ffs3A_1408 : vector<16xi32>
            %jit3A_1416 = arith.constant 1024 : i32
            %broadcast_in_dim3A_1417 = vector.broadcast %jit3A_1416 : i32 to vector<16xi32>
            %select_n3A_1418 = arith.select %lt3A_1411, %add3A_1415, %broadcast_in_dim3A_1417 : vector<16xi1>, vector<16xi32>
            %min3A = arith.minsi %scan3A_1399, %select_n3A_1418 : vector<16xi32>
            scf.yield %min3A : vector<16xi32>
          }
          %scan3A_649 = arith.constant 15 : i32
          %eq3A_650 = arith.constant 0 : i32
          %eq3A_651 = vector.broadcast %eq3A_650 : i32 to vector<16xi32>
          %eq3A_652 = arith.cmpi eq, %iota3A, %eq3A_651 : vector<16xi32>
          %ge3A_653 = arith.constant 16 : i32
          %ge3A_654 = vector.broadcast %ge3A_653 : i32 to vector<16xi32>
          %ge3A_655 = arith.cmpi sge, %select_n3A_301, %ge3A_654 : vector<16xi32>
          %and3A = arith.andi %eq3A_652, %ge3A_655 : vector<16xi1>
          %select_n3A_656 = arith.select %and3A, %scan3A_648, %select_n3A_301 : vector<16xi1>, vector<16xi32>
          %add3A_657 = arith.constant 1 : i32
          %add3A_658 = arith.addi %mul3A_96, %add3A_657 : i32
          %broadcast_in_dim3A_659 = arith.constant 1024 : i32
          %broadcast_in_dim3A_660 = vector.broadcast %broadcast_in_dim3A_659 : i32 to vector<16xi32>
          %scan3A_661 = arith.constant 1 : i32
          %scan3A_662 = arith.constant 15 : i32
          %scan3A_663 = arith.addi %scan3A_661, %scan3A_662 : i32
          %scan3A_664 = arith.constant 1 : i32
          %scan3A_665 = scf.for %scan3A_1398 = %scan3A_661 to %scan3A_663 step %scan3A_664 iter_args(%scan3A_1399 = %broadcast_in_dim3A_660) -> (vector<16xi32>)  : i32 {
            %mul3A_1400 = arith.constant 16 : i32
            %mul3A_1401 = arith.muli %scan3A_1398, %mul3A_1400 : i32
            %get3A_1402 = arith.index_cast %add3A_658 : i32 to index
            %get3A_1403 = arith.index_cast %mul3A_1401 : i32 to index
            %get3A_1404 = tpu.vector_load %arg4[%get3A_1402, %get3A_1403] {strides = array<i32>} : memref<128x256xf32, #tpu.memory_space<vmem>>, vector<16xf32>,
            %gt3A_1405 = arith.constant 1.500000e-01 : f32
            %gt3A_1406 = vector.broadcast %gt3A_1405 : f32 to vector<16xf32>
            %gt3A_1407 = arith.cmpf ogt, %get3A_1404, %gt3A_1406 : vector<16xf32>
            %all_reduce_ffs3A_1408 = tpu.all_reduce %gt3A_1407 {dim = 0 : i64, kind = #tpu.reduction_kind<find_first_set>} : vector<16xi1> -> vector<16xi32>
            %lt3A_1409 = arith.constant 16 : i32
            %lt3A_1410 = vector.broadcast %lt3A_1409 : i32 to vector<16xi32>
            %lt3A_1411 = arith.cmpi slt, %all_reduce_ffs3A_1408, %lt3A_1410 : vector<16xi32>
            %mul3A_1412 = arith.constant 16 : i32
            %mul3A_1413 = arith.muli %scan3A_1398, %mul3A_1412 : i32
            %add3A_1414 = vector.broadcast %mul3A_1413 : i32 to vector<16xi32>
            %add3A_1415 = arith.addi %add3A_1414, %all_reduce_ffs3A_1408 : vector<16xi32>
            %jit3A_1416 = arith.constant 1024 : i32
            %broadcast_in_dim3A_1417 = vector.broadcast %jit3A_1416 : i32 to vector<16xi32>
            %select_n3A_1418 = arith.select %lt3A_1411, %add3A_1415, %broadcast_in_dim3A_1417 : vector<16xi1>, vector<16xi32>
            %min3A = arith.minsi %scan3A_1399, %select_n3A_1418 : vector<16xi32>
            scf.yield %min3A : vector<16xi32>
          }
          %scan3A_666 = arith.constant 15 : i32
          %eq3A_667 = arith.constant 1 : i32
          %eq3A_668 = vector.broadcast %eq3A_667 : i32 to vector<16xi32>
          %eq3A_669 = arith.cmpi eq, %iota3A, %eq3A_668 : vector<16xi32>
          %ge3A_670 = arith.constant 16 : i32
          %ge3A_671 = vector.broadcast %ge3A_670 : i32 to vector<16xi32>
          %ge3A_672 = arith.cmpi sge, %select_n3A_656, %ge3A_671 : vector<16xi32>
          %and3A_673 = arith.andi %eq3A_669, %ge3A_672 : vector<16xi1>
          %select_n3A_674 = arith.select %and3A_673, %scan3A_665, %select_n3A_656 : vector<16xi1>, vector<16xi32>
          %add3A_675 = arith.constant 2 : i32
          %add3A_676 = arith.addi %mul3A_96, %add3A_675 : i32
          %broadcast_in_dim3A_677 = arith.constant 1024 : i32
          %broadcast_in_dim3A_678 = vector.broadcast %broadcast_in_dim3A_677 : i32 to vector<16xi32>
          %scan3A_679 = arith.constant 1 : i32
          %scan3A_680 = arith.constant 15 : i32
          %scan3A_681 = arith.addi %scan3A_679, %scan3A_680 : i32
          %scan3A_682 = arith.constant 1 : i32
          %scan3A_683 = scf.for %scan3A_1398 = %scan3A_679 to %scan3A_681 step %scan3A_682 iter_args(%scan3A_1399 = %broadcast_in_dim3A_678) -> (vector<16xi32>)  : i32 {
            %mul3A_1400 = arith.constant 16 : i32
            %mul3A_1401 = arith.muli %scan3A_1398, %mul3A_1400 : i32
            %get3A_1402 = arith.index_cast %add3A_676 : i32 to index
            %get3A_1403 = arith.index_cast %mul3A_1401 : i32 to index
            %get3A_1404 = tpu.vector_load %arg4[%get3A_1402, %get3A_1403] {strides = array<i32>} : memref<128x256xf32, #tpu.memory_space<vmem>>, vector<16xf32>,
            %gt3A_1405 = arith.constant 1.500000e-01 : f32
            %gt3A_1406 = vector.broadcast %gt3A_1405 : f32 to vector<16xf32>
            %gt3A_1407 = arith.cmpf ogt, %get3A_1404, %gt3A_1406 : vector<16xf32>
            %all_reduce_ffs3A_1408 = tpu.all_reduce %gt3A_1407 {dim = 0 : i64, kind = #tpu.reduction_kind<find_first_set>} : vector<16xi1> -> vector<16xi32>
            %lt3A_1409 = arith.constant 16 : i32
            %lt3A_1410 = vector.broadcast %lt3A_1409 : i32 to vector<16xi32>
            %lt3A_1411 = arith.cmpi slt, %all_reduce_ffs3A_1408, %lt3A_1410 : vector<16xi32>
            %mul3A_1412 = arith.constant 16 : i32
            %mul3A_1413 = arith.muli %scan3A_1398, %mul3A_1412 : i32
            %add3A_1414 = vector.broadcast %mul3A_1413 : i32 to vector<16xi32>
            %add3A_1415 = arith.addi %add3A_1414, %all_reduce_ffs3A_1408 : vector<16xi32>
            %jit3A_1416 = arith.constant 1024 : i32
            %broadcast_in_dim3A_1417 = vector.broadcast %jit3A_1416 : i32 to vector<16xi32>
            %select_n3A_1418 = arith.select %lt3A_1411, %add3A_1415, %broadcast_in_dim3A_1417 : vector<16xi1>, vector<16xi32>
            %min3A = arith.minsi %scan3A_1399, %select_n3A_1418 : vector<16xi32>
            scf.yield %min3A : vector<16xi32>
          }
          %scan3A_684 = arith.constant 15 : i32
          %eq3A_685 = arith.constant 2 : i32
          %eq3A_686 = vector.broadcast %eq3A_685 : i32 to vector<16xi32>
          %eq3A_687 = arith.cmpi eq, %iota3A, %eq3A_686 : vector<16xi32>
          %ge3A_688 = arith.constant 16 : i32
          %ge3A_689 = vector.broadcast %ge3A_688 : i32 to vector<16xi32>
          %ge3A_690 = arith.cmpi sge, %select_n3A_674, %ge3A_689 : vector<16xi32>
          %and3A_691 = arith.andi %eq3A_687, %ge3A_690 : vector<16xi1>
          %select_n3A_692 = arith.select %and3A_691, %scan3A_683, %select_n3A_674 : vector<16xi1>, vector<16xi32>
          %add3A_693 = arith.constant 3 : i32
          %add3A_694 = arith.addi %mul3A_96, %add3A_693 : i32
          %broadcast_in_dim3A_695 = arith.constant 1024 : i32
          %broadcast_in_dim3A_696 = vector.broadcast %broadcast_in_dim3A_695 : i32 to vector<16xi32>
          %scan3A_697 = arith.constant 1 : i32
          %scan3A_698 = arith.constant 15 : i32
          %scan3A_699 = arith.addi %scan3A_697, %scan3A_698 : i32
          %scan3A_700 = arith.constant 1 : i32
          %scan3A_701 = scf.for %scan3A_1398 = %scan3A_697 to %scan3A_699 step %scan3A_700 iter_args(%scan3A_1399 = %broadcast_in_dim3A_696) -> (vector<16xi32>)  : i32 {
            %mul3A_1400 = arith.constant 16 : i32
            %mul3A_1401 = arith.muli %scan3A_1398, %mul3A_1400 : i32
            %get3A_1402 = arith.index_cast %add3A_694 : i32 to index
            %get3A_1403 = arith.index_cast %mul3A_1401 : i32 to index
            %get3A_1404 = tpu.vector_load %arg4[%get3A_1402, %get3A_1403] {strides = array<i32>} : memref<128x256xf32, #tpu.memory_space<vmem>>, vector<16xf32>,
            %gt3A_1405 = arith.constant 1.500000e-01 : f32
            %gt3A_1406 = vector.broadcast %gt3A_1405 : f32 to vector<16xf32>
            %gt3A_1407 = arith.cmpf ogt, %get3A_1404, %gt3A_1406 : vector<16xf32>
            %all_reduce_ffs3A_1408 = tpu.all_reduce %gt3A_1407 {dim = 0 : i64, kind = #tpu.reduction_kind<find_first_set>} : vector<16xi1> -> vector<16xi32>
            %lt3A_1409 = arith.constant 16 : i32
            %lt3A_1410 = vector.broadcast %lt3A_1409 : i32 to vector<16xi32>
            %lt3A_1411 = arith.cmpi slt, %all_reduce_ffs3A_1408, %lt3A_1410 : vector<16xi32>
            %mul3A_1412 = arith.constant 16 : i32
            %mul3A_1413 = arith.muli %scan3A_1398, %mul3A_1412 : i32
            %add3A_1414 = vector.broadcast %mul3A_1413 : i32 to vector<16xi32>
            %add3A_1415 = arith.addi %add3A_1414, %all_reduce_ffs3A_1408 : vector<16xi32>
            %jit3A_1416 = arith.constant 1024 : i32
            %broadcast_in_dim3A_1417 = vector.broadcast %jit3A_1416 : i32 to vector<16xi32>
            %select_n3A_1418 = arith.select %lt3A_1411, %add3A_1415, %broadcast_in_dim3A_1417 : vector<16xi1>, vector<16xi32>
            %min3A = arith.minsi %scan3A_1399, %select_n3A_1418 : vector<16xi32>
            scf.yield %min3A : vector<16xi32>
          }
          %scan3A_702 = arith.constant 15 : i32
          %eq3A_703 = arith.constant 3 : i32
          %eq3A_704 = vector.broadcast %eq3A_703 : i32 to vector<16xi32>
          %eq3A_705 = arith.cmpi eq, %iota3A, %eq3A_704 : vector<16xi32>
          %ge3A_706 = arith.constant 16 : i32
          %ge3A_707 = vector.broadcast %ge3A_706 : i32 to vector<16xi32>
          %ge3A_708 = arith.cmpi sge, %select_n3A_692, %ge3A_707 : vector<16xi32>
          %and3A_709 = arith.andi %eq3A_705, %ge3A_708 : vector<16xi1>
          %select_n3A_710 = arith.select %and3A_709, %scan3A_701, %select_n3A_692 : vector<16xi1>, vector<16xi32>
          %add3A_711 = arith.constant 4 : i32
          %add3A_712 = arith.addi %mul3A_96, %add3A_711 : i32
          %broadcast_in_dim3A_713 = arith.constant 1024 : i32
          %broadcast_in_dim3A_714 = vector.broadcast %broadcast_in_dim3A_713 : i32 to vector<16xi32>
          %scan3A_715 = arith.constant 1 : i32
          %scan3A_716 = arith.constant 15 : i32
          %scan3A_717 = arith.addi %scan3A_715, %scan3A_716 : i32
          %scan3A_718 = arith.constant 1 : i32
          %scan3A_719 = scf.for %scan3A_1398 = %scan3A_715 to %scan3A_717 step %scan3A_718 iter_args(%scan3A_1399 = %broadcast_in_dim3A_714) -> (vector<16xi32>)  : i32 {
            %mul3A_1400 = arith.constant 16 : i32
            %mul3A_1401 = arith.muli %scan3A_1398, %mul3A_1400 : i32
            %get3A_1402 = arith.index_cast %add3A_712 : i32 to index
            %get3A_1403 = arith.index_cast %mul3A_1401 : i32 to index
            %get3A_1404 = tpu.vector_load %arg4[%get3A_1402, %get3A_1403] {strides = array<i32>} : memref<128x256xf32, #tpu.memory_space<vmem>>, vector<16xf32>,
            %gt3A_1405 = arith.constant 1.500000e-01 : f32
            %gt3A_1406 = vector.broadcast %gt3A_1405 : f32 to vector<16xf32>
            %gt3A_1407 = arith.cmpf ogt, %get3A_1404, %gt3A_1406 : vector<16xf32>
            %all_reduce_ffs3A_1408 = tpu.all_reduce %gt3A_1407 {dim = 0 : i64, kind = #tpu.reduction_kind<find_first_set>} : vector<16xi1> -> vector<16xi32>
            %lt3A_1409 = arith.constant 16 : i32
            %lt3A_1410 = vector.broadcast %lt3A_1409 : i32 to vector<16xi32>
            %lt3A_1411 = arith.cmpi slt, %all_reduce_ffs3A_1408, %lt3A_1410 : vector<16xi32>
            %mul3A_1412 = arith.constant 16 : i32
            %mul3A_1413 = arith.muli %scan3A_1398, %mul3A_1412 : i32
            %add3A_1414 = vector.broadcast %mul3A_1413 : i32 to vector<16xi32>
            %add3A_1415 = arith.addi %add3A_1414, %all_reduce_ffs3A_1408 : vector<16xi32>
            %jit3A_1416 = arith.constant 1024 : i32
            %broadcast_in_dim3A_1417 = vector.broadcast %jit3A_1416 : i32 to vector<16xi32>
            %select_n3A_1418 = arith.select %lt3A_1411, %add3A_1415, %broadcast_in_dim3A_1417 : vector<16xi1>, vector<16xi32>
            %min3A = arith.minsi %scan3A_1399, %select_n3A_1418 : vector<16xi32>
            scf.yield %min3A : vector<16xi32>
          }
          %scan3A_720 = arith.constant 15 : i32
          %eq3A_721 = arith.constant 4 : i32
          %eq3A_722 = vector.broadcast %eq3A_721 : i32 to vector<16xi32>
          %eq3A_723 = arith.cmpi eq, %iota3A, %eq3A_722 : vector<16xi32>
          %ge3A_724 = arith.constant 16 : i32
          %ge3A_725 = vector.broadcast %ge3A_724 : i32 to vector<16xi32>
          %ge3A_726 = arith.cmpi sge, %select_n3A_710, %ge3A_725 : vector<16xi32>
          %and3A_727 = arith.andi %eq3A_723, %ge3A_726 : vector<16xi1>
          %select_n3A_728 = arith.select %and3A_727, %scan3A_719, %select_n3A_710 : vector<16xi1>, vector<16xi32>
          %add3A_729 = arith.constant 5 : i32
          %add3A_730 = arith.addi %mul3A_96, %add3A_729 : i32
          %broadcast_in_dim3A_731 = arith.constant 1024 : i32
          %broadcast_in_dim3A_732 = vector.broadcast %broadcast_in_dim3A_731 : i32 to vector<16xi32>
          %scan3A_733 = arith.constant 1 : i32
          %scan3A_734 = arith.constant 15 : i32
          %scan3A_735 = arith.addi %scan3A_733, %scan3A_734 : i32
          %scan3A_736 = arith.constant 1 : i32
          %scan3A_737 = scf.for %scan3A_1398 = %scan3A_733 to %scan3A_735 step %scan3A_736 iter_args(%scan3A_1399 = %broadcast_in_dim3A_732) -> (vector<16xi32>)  : i32 {
            %mul3A_1400 = arith.constant 16 : i32
            %mul3A_1401 = arith.muli %scan3A_1398, %mul3A_1400 : i32
            %get3A_1402 = arith.index_cast %add3A_730 : i32 to index
            %get3A_1403 = arith.index_cast %mul3A_1401 : i32 to index
            %get3A_1404 = tpu.vector_load %arg4[%get3A_1402, %get3A_1403] {strides = array<i32>} : memref<128x256xf32, #tpu.memory_space<vmem>>, vector<16xf32>,
            %gt3A_1405 = arith.constant 1.500000e-01 : f32
            %gt3A_1406 = vector.broadcast %gt3A_1405 : f32 to vector<16xf32>
            %gt3A_1407 = arith.cmpf ogt, %get3A_1404, %gt3A_1406 : vector<16xf32>
            %all_reduce_ffs3A_1408 = tpu.all_reduce %gt3A_1407 {dim = 0 : i64, kind = #tpu.reduction_kind<find_first_set>} : vector<16xi1> -> vector<16xi32>
            %lt3A_1409 = arith.constant 16 : i32
            %lt3A_1410 = vector.broadcast %lt3A_1409 : i32 to vector<16xi32>
            %lt3A_1411 = arith.cmpi slt, %all_reduce_ffs3A_1408, %lt3A_1410 : vector<16xi32>
            %mul3A_1412 = arith.constant 16 : i32
            %mul3A_1413 = arith.muli %scan3A_1398, %mul3A_1412 : i32
            %add3A_1414 = vector.broadcast %mul3A_1413 : i32 to vector<16xi32>
            %add3A_1415 = arith.addi %add3A_1414, %all_reduce_ffs3A_1408 : vector<16xi32>
            %jit3A_1416 = arith.constant 1024 : i32
            %broadcast_in_dim3A_1417 = vector.broadcast %jit3A_1416 : i32 to vector<16xi32>
            %select_n3A_1418 = arith.select %lt3A_1411, %add3A_1415, %broadcast_in_dim3A_1417 : vector<16xi1>, vector<16xi32>
            %min3A = arith.minsi %scan3A_1399, %select_n3A_1418 : vector<16xi32>
            scf.yield %min3A : vector<16xi32>
          }
          %scan3A_738 = arith.constant 15 : i32
          %eq3A_739 = arith.constant 5 : i32
          %eq3A_740 = vector.broadcast %eq3A_739 : i32 to vector<16xi32>
          %eq3A_741 = arith.cmpi eq, %iota3A, %eq3A_740 : vector<16xi32>
          %ge3A_742 = arith.constant 16 : i32
          %ge3A_743 = vector.broadcast %ge3A_742 : i32 to vector<16xi32>
          %ge3A_744 = arith.cmpi sge, %select_n3A_728, %ge3A_743 : vector<16xi32>
          %and3A_745 = arith.andi %eq3A_741, %ge3A_744 : vector<16xi1>
          %select_n3A_746 = arith.select %and3A_745, %scan3A_737, %select_n3A_728 : vector<16xi1>, vector<16xi32>
          %add3A_747 = arith.constant 6 : i32
          %add3A_748 = arith.addi %mul3A_96, %add3A_747 : i32
          %broadcast_in_dim3A_749 = arith.constant 1024 : i32
          %broadcast_in_dim3A_750 = vector.broadcast %broadcast_in_dim3A_749 : i32 to vector<16xi32>
          %scan3A_751 = arith.constant 1 : i32
          %scan3A_752 = arith.constant 15 : i32
          %scan3A_753 = arith.addi %scan3A_751, %scan3A_752 : i32
          %scan3A_754 = arith.constant 1 : i32
          %scan3A_755 = scf.for %scan3A_1398 = %scan3A_751 to %scan3A_753 step %scan3A_754 iter_args(%scan3A_1399 = %broadcast_in_dim3A_750) -> (vector<16xi32>)  : i32 {
            %mul3A_1400 = arith.constant 16 : i32
            %mul3A_1401 = arith.muli %scan3A_1398, %mul3A_1400 : i32
            %get3A_1402 = arith.index_cast %add3A_748 : i32 to index
            %get3A_1403 = arith.index_cast %mul3A_1401 : i32 to index
            %get3A_1404 = tpu.vector_load %arg4[%get3A_1402, %get3A_1403] {strides = array<i32>} : memref<128x256xf32, #tpu.memory_space<vmem>>, vector<16xf32>,
            %gt3A_1405 = arith.constant 1.500000e-01 : f32
            %gt3A_1406 = vector.broadcast %gt3A_1405 : f32 to vector<16xf32>
            %gt3A_1407 = arith.cmpf ogt, %get3A_1404, %gt3A_1406 : vector<16xf32>
            %all_reduce_ffs3A_1408 = tpu.all_reduce %gt3A_1407 {dim = 0 : i64, kind = #tpu.reduction_kind<find_first_set>} : vector<16xi1> -> vector<16xi32>
            %lt3A_1409 = arith.constant 16 : i32
            %lt3A_1410 = vector.broadcast %lt3A_1409 : i32 to vector<16xi32>
            %lt3A_1411 = arith.cmpi slt, %all_reduce_ffs3A_1408, %lt3A_1410 : vector<16xi32>
            %mul3A_1412 = arith.constant 16 : i32
            %mul3A_1413 = arith.muli %scan3A_1398, %mul3A_1412 : i32
            %add3A_1414 = vector.broadcast %mul3A_1413 : i32 to vector<16xi32>
            %add3A_1415 = arith.addi %add3A_1414, %all_reduce_ffs3A_1408 : vector<16xi32>
            %jit3A_1416 = arith.constant 1024 : i32
            %broadcast_in_dim3A_1417 = vector.broadcast %jit3A_1416 : i32 to vector<16xi32>
            %select_n3A_1418 = arith.select %lt3A_1411, %add3A_1415, %broadcast_in_dim3A_1417 : vector<16xi1>, vector<16xi32>
            %min3A = arith.minsi %scan3A_1399, %select_n3A_1418 : vector<16xi32>
            scf.yield %min3A : vector<16xi32>
          }
          %scan3A_756 = arith.constant 15 : i32
          %eq3A_757 = arith.constant 6 : i32
          %eq3A_758 = vector.broadcast %eq3A_757 : i32 to vector<16xi32>
          %eq3A_759 = arith.cmpi eq, %iota3A, %eq3A_758 : vector<16xi32>
          %ge3A_760 = arith.constant 16 : i32
          %ge3A_761 = vector.broadcast %ge3A_760 : i32 to vector<16xi32>
          %ge3A_762 = arith.cmpi sge, %select_n3A_746, %ge3A_761 : vector<16xi32>
          %and3A_763 = arith.andi %eq3A_759, %ge3A_762 : vector<16xi1>
          %select_n3A_764 = arith.select %and3A_763, %scan3A_755, %select_n3A_746 : vector<16xi1>, vector<16xi32>
          %add3A_765 = arith.constant 7 : i32
          %add3A_766 = arith.addi %mul3A_96, %add3A_765 : i32
          %broadcast_in_dim3A_767 = arith.constant 1024 : i32
          %broadcast_in_dim3A_768 = vector.broadcast %broadcast_in_dim3A_767 : i32 to vector<16xi32>
          %scan3A_769 = arith.constant 1 : i32
          %scan3A_770 = arith.constant 15 : i32
          %scan3A_771 = arith.addi %scan3A_769, %scan3A_770 : i32
          %scan3A_772 = arith.constant 1 : i32
          %scan3A_773 = scf.for %scan3A_1398 = %scan3A_769 to %scan3A_771 step %scan3A_772 iter_args(%scan3A_1399 = %broadcast_in_dim3A_768) -> (vector<16xi32>)  : i32 {
            %mul3A_1400 = arith.constant 16 : i32
            %mul3A_1401 = arith.muli %scan3A_1398, %mul3A_1400 : i32
            %get3A_1402 = arith.index_cast %add3A_766 : i32 to index
            %get3A_1403 = arith.index_cast %mul3A_1401 : i32 to index
            %get3A_1404 = tpu.vector_load %arg4[%get3A_1402, %get3A_1403] {strides = array<i32>} : memref<128x256xf32, #tpu.memory_space<vmem>>, vector<16xf32>,
            %gt3A_1405 = arith.constant 1.500000e-01 : f32
            %gt3A_1406 = vector.broadcast %gt3A_1405 : f32 to vector<16xf32>
            %gt3A_1407 = arith.cmpf ogt, %get3A_1404, %gt3A_1406 : vector<16xf32>
            %all_reduce_ffs3A_1408 = tpu.all_reduce %gt3A_1407 {dim = 0 : i64, kind = #tpu.reduction_kind<find_first_set>} : vector<16xi1> -> vector<16xi32>
            %lt3A_1409 = arith.constant 16 : i32
            %lt3A_1410 = vector.broadcast %lt3A_1409 : i32 to vector<16xi32>
            %lt3A_1411 = arith.cmpi slt, %all_reduce_ffs3A_1408, %lt3A_1410 : vector<16xi32>
            %mul3A_1412 = arith.constant 16 : i32
            %mul3A_1413 = arith.muli %scan3A_1398, %mul3A_1412 : i32
            %add3A_1414 = vector.broadcast %mul3A_1413 : i32 to vector<16xi32>
            %add3A_1415 = arith.addi %add3A_1414, %all_reduce_ffs3A_1408 : vector<16xi32>
            %jit3A_1416 = arith.constant 1024 : i32
            %broadcast_in_dim3A_1417 = vector.broadcast %jit3A_1416 : i32 to vector<16xi32>
            %select_n3A_1418 = arith.select %lt3A_1411, %add3A_1415, %broadcast_in_dim3A_1417 : vector<16xi1>, vector<16xi32>
            %min3A = arith.minsi %scan3A_1399, %select_n3A_1418 : vector<16xi32>
            scf.yield %min3A : vector<16xi32>
          }
          %scan3A_774 = arith.constant 15 : i32
          %eq3A_775 = arith.constant 7 : i32
          %eq3A_776 = vector.broadcast %eq3A_775 : i32 to vector<16xi32>
          %eq3A_777 = arith.cmpi eq, %iota3A, %eq3A_776 : vector<16xi32>
          %ge3A_778 = arith.constant 16 : i32
          %ge3A_779 = vector.broadcast %ge3A_778 : i32 to vector<16xi32>
          %ge3A_780 = arith.cmpi sge, %select_n3A_764, %ge3A_779 : vector<16xi32>
          %and3A_781 = arith.andi %eq3A_777, %ge3A_780 : vector<16xi1>
          %select_n3A_782 = arith.select %and3A_781, %scan3A_773, %select_n3A_764 : vector<16xi1>, vector<16xi32>
          %add3A_783 = arith.constant 8 : i32
          %add3A_784 = arith.addi %mul3A_96, %add3A_783 : i32
          %broadcast_in_dim3A_785 = arith.constant 1024 : i32
          %broadcast_in_dim3A_786 = vector.broadcast %broadcast_in_dim3A_785 : i32 to vector<16xi32>
          %scan3A_787 = arith.constant 1 : i32
          %scan3A_788 = arith.constant 15 : i32
          %scan3A_789 = arith.addi %scan3A_787, %scan3A_788 : i32
          %scan3A_790 = arith.constant 1 : i32
          %scan3A_791 = scf.for %scan3A_1398 = %scan3A_787 to %scan3A_789 step %scan3A_790 iter_args(%scan3A_1399 = %broadcast_in_dim3A_786) -> (vector<16xi32>)  : i32 {
            %mul3A_1400 = arith.constant 16 : i32
            %mul3A_1401 = arith.muli %scan3A_1398, %mul3A_1400 : i32
            %get3A_1402 = arith.index_cast %add3A_784 : i32 to index
            %get3A_1403 = arith.index_cast %mul3A_1401 : i32 to index
            %get3A_1404 = tpu.vector_load %arg4[%get3A_1402, %get3A_1403] {strides = array<i32>} : memref<128x256xf32, #tpu.memory_space<vmem>>, vector<16xf32>,
            %gt3A_1405 = arith.constant 1.500000e-01 : f32
            %gt3A_1406 = vector.broadcast %gt3A_1405 : f32 to vector<16xf32>
            %gt3A_1407 = arith.cmpf ogt, %get3A_1404, %gt3A_1406 : vector<16xf32>
            %all_reduce_ffs3A_1408 = tpu.all_reduce %gt3A_1407 {dim = 0 : i64, kind = #tpu.reduction_kind<find_first_set>} : vector<16xi1> -> vector<16xi32>
            %lt3A_1409 = arith.constant 16 : i32
            %lt3A_1410 = vector.broadcast %lt3A_1409 : i32 to vector<16xi32>
            %lt3A_1411 = arith.cmpi slt, %all_reduce_ffs3A_1408, %lt3A_1410 : vector<16xi32>
            %mul3A_1412 = arith.constant 16 : i32
            %mul3A_1413 = arith.muli %scan3A_1398, %mul3A_1412 : i32
            %add3A_1414 = vector.broadcast %mul3A_1413 : i32 to vector<16xi32>
            %add3A_1415 = arith.addi %add3A_1414, %all_reduce_ffs3A_1408 : vector<16xi32>
            %jit3A_1416 = arith.constant 1024 : i32
            %broadcast_in_dim3A_1417 = vector.broadcast %jit3A_1416 : i32 to vector<16xi32>
            %select_n3A_1418 = arith.select %lt3A_1411, %add3A_1415, %broadcast_in_dim3A_1417 : vector<16xi1>, vector<16xi32>
            %min3A = arith.minsi %scan3A_1399, %select_n3A_1418 : vector<16xi32>
            scf.yield %min3A : vector<16xi32>
          }
          %scan3A_792 = arith.constant 15 : i32
          %eq3A_793 = arith.constant 8 : i32
          %eq3A_794 = vector.broadcast %eq3A_793 : i32 to vector<16xi32>
          %eq3A_795 = arith.cmpi eq, %iota3A, %eq3A_794 : vector<16xi32>
          %ge3A_796 = arith.constant 16 : i32
          %ge3A_797 = vector.broadcast %ge3A_796 : i32 to vector<16xi32>
          %ge3A_798 = arith.cmpi sge, %select_n3A_782, %ge3A_797 : vector<16xi32>
          %and3A_799 = arith.andi %eq3A_795, %ge3A_798 : vector<16xi1>
          %select_n3A_800 = arith.select %and3A_799, %scan3A_791, %select_n3A_782 : vector<16xi1>, vector<16xi32>
          %add3A_801 = arith.constant 9 : i32
          %add3A_802 = arith.addi %mul3A_96, %add3A_801 : i32
          %broadcast_in_dim3A_803 = arith.constant 1024 : i32
          %broadcast_in_dim3A_804 = vector.broadcast %broadcast_in_dim3A_803 : i32 to vector<16xi32>
          %scan3A_805 = arith.constant 1 : i32
          %scan3A_806 = arith.constant 15 : i32
          %scan3A_807 = arith.addi %scan3A_805, %scan3A_806 : i32
          %scan3A_808 = arith.constant 1 : i32
          %scan3A_809 = scf.for %scan3A_1398 = %scan3A_805 to %scan3A_807 step %scan3A_808 iter_args(%scan3A_1399 = %broadcast_in_dim3A_804) -> (vector<16xi32>)  : i32 {
            %mul3A_1400 = arith.constant 16 : i32
            %mul3A_1401 = arith.muli %scan3A_1398, %mul3A_1400 : i32
            %get3A_1402 = arith.index_cast %add3A_802 : i32 to index
            %get3A_1403 = arith.index_cast %mul3A_1401 : i32 to index
            %get3A_1404 = tpu.vector_load %arg4[%get3A_1402, %get3A_1403] {strides = array<i32>} : memref<128x256xf32, #tpu.memory_space<vmem>>, vector<16xf32>,
            %gt3A_1405 = arith.constant 1.500000e-01 : f32
            %gt3A_1406 = vector.broadcast %gt3A_1405 : f32 to vector<16xf32>
            %gt3A_1407 = arith.cmpf ogt, %get3A_1404, %gt3A_1406 : vector<16xf32>
            %all_reduce_ffs3A_1408 = tpu.all_reduce %gt3A_1407 {dim = 0 : i64, kind = #tpu.reduction_kind<find_first_set>} : vector<16xi1> -> vector<16xi32>
            %lt3A_1409 = arith.constant 16 : i32
            %lt3A_1410 = vector.broadcast %lt3A_1409 : i32 to vector<16xi32>
            %lt3A_1411 = arith.cmpi slt, %all_reduce_ffs3A_1408, %lt3A_1410 : vector<16xi32>
            %mul3A_1412 = arith.constant 16 : i32
            %mul3A_1413 = arith.muli %scan3A_1398, %mul3A_1412 : i32
            %add3A_1414 = vector.broadcast %mul3A_1413 : i32 to vector<16xi32>
            %add3A_1415 = arith.addi %add3A_1414, %all_reduce_ffs3A_1408 : vector<16xi32>
            %jit3A_1416 = arith.constant 1024 : i32
            %broadcast_in_dim3A_1417 = vector.broadcast %jit3A_1416 : i32 to vector<16xi32>
            %select_n3A_1418 = arith.select %lt3A_1411, %add3A_1415, %broadcast_in_dim3A_1417 : vector<16xi1>, vector<16xi32>
            %min3A = arith.minsi %scan3A_1399, %select_n3A_1418 : vector<16xi32>
            scf.yield %min3A : vector<16xi32>
          }
          %scan3A_810 = arith.constant 15 : i32
          %eq3A_811 = arith.constant 9 : i32
          %eq3A_812 = vector.broadcast %eq3A_811 : i32 to vector<16xi32>
          %eq3A_813 = arith.cmpi eq, %iota3A, %eq3A_812 : vector<16xi32>
          %ge3A_814 = arith.constant 16 : i32
          %ge3A_815 = vector.broadcast %ge3A_814 : i32 to vector<16xi32>
          %ge3A_816 = arith.cmpi sge, %select_n3A_800, %ge3A_815 : vector<16xi32>
          %and3A_817 = arith.andi %eq3A_813, %ge3A_816 : vector<16xi1>
          %select_n3A_818 = arith.select %and3A_817, %scan3A_809, %select_n3A_800 : vector<16xi1>, vector<16xi32>
          %add3A_819 = arith.constant 10 : i32
          %add3A_820 = arith.addi %mul3A_96, %add3A_819 : i32
          %broadcast_in_dim3A_821 = arith.constant 1024 : i32
          %broadcast_in_dim3A_822 = vector.broadcast %broadcast_in_dim3A_821 : i32 to vector<16xi32>
          %scan3A_823 = arith.constant 1 : i32
          %scan3A_824 = arith.constant 15 : i32
          %scan3A_825 = arith.addi %scan3A_823, %scan3A_824 : i32
          %scan3A_826 = arith.constant 1 : i32
          %scan3A_827 = scf.for %scan3A_1398 = %scan3A_823 to %scan3A_825 step %scan3A_826 iter_args(%scan3A_1399 = %broadcast_in_dim3A_822) -> (vector<16xi32>)  : i32 {
            %mul3A_1400 = arith.constant 16 : i32
            %mul3A_1401 = arith.muli %scan3A_1398, %mul3A_1400 : i32
            %get3A_1402 = arith.index_cast %add3A_820 : i32 to index
            %get3A_1403 = arith.index_cast %mul3A_1401 : i32 to index
            %get3A_1404 = tpu.vector_load %arg4[%get3A_1402, %get3A_1403] {strides = array<i32>} : memref<128x256xf32, #tpu.memory_space<vmem>>, vector<16xf32>,
            %gt3A_1405 = arith.constant 1.500000e-01 : f32
            %gt3A_1406 = vector.broadcast %gt3A_1405 : f32 to vector<16xf32>
            %gt3A_1407 = arith.cmpf ogt, %get3A_1404, %gt3A_1406 : vector<16xf32>
            %all_reduce_ffs3A_1408 = tpu.all_reduce %gt3A_1407 {dim = 0 : i64, kind = #tpu.reduction_kind<find_first_set>} : vector<16xi1> -> vector<16xi32>
            %lt3A_1409 = arith.constant 16 : i32
            %lt3A_1410 = vector.broadcast %lt3A_1409 : i32 to vector<16xi32>
            %lt3A_1411 = arith.cmpi slt, %all_reduce_ffs3A_1408, %lt3A_1410 : vector<16xi32>
            %mul3A_1412 = arith.constant 16 : i32
            %mul3A_1413 = arith.muli %scan3A_1398, %mul3A_1412 : i32
            %add3A_1414 = vector.broadcast %mul3A_1413 : i32 to vector<16xi32>
            %add3A_1415 = arith.addi %add3A_1414, %all_reduce_ffs3A_1408 : vector<16xi32>
            %jit3A_1416 = arith.constant 1024 : i32
            %broadcast_in_dim3A_1417 = vector.broadcast %jit3A_1416 : i32 to vector<16xi32>
            %select_n3A_1418 = arith.select %lt3A_1411, %add3A_1415, %broadcast_in_dim3A_1417 : vector<16xi1>, vector<16xi32>
            %min3A = arith.minsi %scan3A_1399, %select_n3A_1418 : vector<16xi32>
            scf.yield %min3A : vector<16xi32>
          }
          %scan3A_828 = arith.constant 15 : i32
          %eq3A_829 = arith.constant 10 : i32
          %eq3A_830 = vector.broadcast %eq3A_829 : i32 to vector<16xi32>
          %eq3A_831 = arith.cmpi eq, %iota3A, %eq3A_830 : vector<16xi32>
          %ge3A_832 = arith.constant 16 : i32
          %ge3A_833 = vector.broadcast %ge3A_832 : i32 to vector<16xi32>
          %ge3A_834 = arith.cmpi sge, %select_n3A_818, %ge3A_833 : vector<16xi32>
          %and3A_835 = arith.andi %eq3A_831, %ge3A_834 : vector<16xi1>
          %select_n3A_836 = arith.select %and3A_835, %scan3A_827, %select_n3A_818 : vector<16xi1>, vector<16xi32>
          %add3A_837 = arith.constant 11 : i32
          %add3A_838 = arith.addi %mul3A_96, %add3A_837 : i32
          %broadcast_in_dim3A_839 = arith.constant 1024 : i32
          %broadcast_in_dim3A_840 = vector.broadcast %broadcast_in_dim3A_839 : i32 to vector<16xi32>
          %scan3A_841 = arith.constant 1 : i32
          %scan3A_842 = arith.constant 15 : i32
          %scan3A_843 = arith.addi %scan3A_841, %scan3A_842 : i32
          %scan3A_844 = arith.constant 1 : i32
          %scan3A_845 = scf.for %scan3A_1398 = %scan3A_841 to %scan3A_843 step %scan3A_844 iter_args(%scan3A_1399 = %broadcast_in_dim3A_840) -> (vector<16xi32>)  : i32 {
            %mul3A_1400 = arith.constant 16 : i32
            %mul3A_1401 = arith.muli %scan3A_1398, %mul3A_1400 : i32
            %get3A_1402 = arith.index_cast %add3A_838 : i32 to index
            %get3A_1403 = arith.index_cast %mul3A_1401 : i32 to index
            %get3A_1404 = tpu.vector_load %arg4[%get3A_1402, %get3A_1403] {strides = array<i32>} : memref<128x256xf32, #tpu.memory_space<vmem>>, vector<16xf32>,
            %gt3A_1405 = arith.constant 1.500000e-01 : f32
            %gt3A_1406 = vector.broadcast %gt3A_1405 : f32 to vector<16xf32>
            %gt3A_1407 = arith.cmpf ogt, %get3A_1404, %gt3A_1406 : vector<16xf32>
            %all_reduce_ffs3A_1408 = tpu.all_reduce %gt3A_1407 {dim = 0 : i64, kind = #tpu.reduction_kind<find_first_set>} : vector<16xi1> -> vector<16xi32>
            %lt3A_1409 = arith.constant 16 : i32
            %lt3A_1410 = vector.broadcast %lt3A_1409 : i32 to vector<16xi32>
            %lt3A_1411 = arith.cmpi slt, %all_reduce_ffs3A_1408, %lt3A_1410 : vector<16xi32>
            %mul3A_1412 = arith.constant 16 : i32
            %mul3A_1413 = arith.muli %scan3A_1398, %mul3A_1412 : i32
            %add3A_1414 = vector.broadcast %mul3A_1413 : i32 to vector<16xi32>
            %add3A_1415 = arith.addi %add3A_1414, %all_reduce_ffs3A_1408 : vector<16xi32>
            %jit3A_1416 = arith.constant 1024 : i32
            %broadcast_in_dim3A_1417 = vector.broadcast %jit3A_1416 : i32 to vector<16xi32>
            %select_n3A_1418 = arith.select %lt3A_1411, %add3A_1415, %broadcast_in_dim3A_1417 : vector<16xi1>, vector<16xi32>
            %min3A = arith.minsi %scan3A_1399, %select_n3A_1418 : vector<16xi32>
            scf.yield %min3A : vector<16xi32>
          }
          %scan3A_846 = arith.constant 15 : i32
          %eq3A_847 = arith.constant 11 : i32
          %eq3A_848 = vector.broadcast %eq3A_847 : i32 to vector<16xi32>
          %eq3A_849 = arith.cmpi eq, %iota3A, %eq3A_848 : vector<16xi32>
          %ge3A_850 = arith.constant 16 : i32
          %ge3A_851 = vector.broadcast %ge3A_850 : i32 to vector<16xi32>
          %ge3A_852 = arith.cmpi sge, %select_n3A_836, %ge3A_851 : vector<16xi32>
          %and3A_853 = arith.andi %eq3A_849, %ge3A_852 : vector<16xi1>
          %select_n3A_854 = arith.select %and3A_853, %scan3A_845, %select_n3A_836 : vector<16xi1>, vector<16xi32>
          %add3A_855 = arith.constant 12 : i32
          %add3A_856 = arith.addi %mul3A_96, %add3A_855 : i32
          %broadcast_in_dim3A_857 = arith.constant 1024 : i32
          %broadcast_in_dim3A_858 = vector.broadcast %broadcast_in_dim3A_857 : i32 to vector<16xi32>
          %scan3A_859 = arith.constant 1 : i32
          %scan3A_860 = arith.constant 15 : i32
          %scan3A_861 = arith.addi %scan3A_859, %scan3A_860 : i32
          %scan3A_862 = arith.constant 1 : i32
          %scan3A_863 = scf.for %scan3A_1398 = %scan3A_859 to %scan3A_861 step %scan3A_862 iter_args(%scan3A_1399 = %broadcast_in_dim3A_858) -> (vector<16xi32>)  : i32 {
            %mul3A_1400 = arith.constant 16 : i32
            %mul3A_1401 = arith.muli %scan3A_1398, %mul3A_1400 : i32
            %get3A_1402 = arith.index_cast %add3A_856 : i32 to index
            %get3A_1403 = arith.index_cast %mul3A_1401 : i32 to index
            %get3A_1404 = tpu.vector_load %arg4[%get3A_1402, %get3A_1403] {strides = array<i32>} : memref<128x256xf32, #tpu.memory_space<vmem>>, vector<16xf32>,
            %gt3A_1405 = arith.constant 1.500000e-01 : f32
            %gt3A_1406 = vector.broadcast %gt3A_1405 : f32 to vector<16xf32>
            %gt3A_1407 = arith.cmpf ogt, %get3A_1404, %gt3A_1406 : vector<16xf32>
            %all_reduce_ffs3A_1408 = tpu.all_reduce %gt3A_1407 {dim = 0 : i64, kind = #tpu.reduction_kind<find_first_set>} : vector<16xi1> -> vector<16xi32>
            %lt3A_1409 = arith.constant 16 : i32
            %lt3A_1410 = vector.broadcast %lt3A_1409 : i32 to vector<16xi32>
            %lt3A_1411 = arith.cmpi slt, %all_reduce_ffs3A_1408, %lt3A_1410 : vector<16xi32>
            %mul3A_1412 = arith.constant 16 : i32
            %mul3A_1413 = arith.muli %scan3A_1398, %mul3A_1412 : i32
            %add3A_1414 = vector.broadcast %mul3A_1413 : i32 to vector<16xi32>
            %add3A_1415 = arith.addi %add3A_1414, %all_reduce_ffs3A_1408 : vector<16xi32>
            %jit3A_1416 = arith.constant 1024 : i32
            %broadcast_in_dim3A_1417 = vector.broadcast %jit3A_1416 : i32 to vector<16xi32>
            %select_n3A_1418 = arith.select %lt3A_1411, %add3A_1415, %broadcast_in_dim3A_1417 : vector<16xi1>, vector<16xi32>
            %min3A = arith.minsi %scan3A_1399, %select_n3A_1418 : vector<16xi32>
            scf.yield %min3A : vector<16xi32>
          }
          %scan3A_864 = arith.constant 15 : i32
          %eq3A_865 = arith.constant 12 : i32
          %eq3A_866 = vector.broadcast %eq3A_865 : i32 to vector<16xi32>
          %eq3A_867 = arith.cmpi eq, %iota3A, %eq3A_866 : vector<16xi32>
          %ge3A_868 = arith.constant 16 : i32
          %ge3A_869 = vector.broadcast %ge3A_868 : i32 to vector<16xi32>
          %ge3A_870 = arith.cmpi sge, %select_n3A_854, %ge3A_869 : vector<16xi32>
          %and3A_871 = arith.andi %eq3A_867, %ge3A_870 : vector<16xi1>
          %select_n3A_872 = arith.select %and3A_871, %scan3A_863, %select_n3A_854 : vector<16xi1>, vector<16xi32>
          %add3A_873 = arith.constant 13 : i32
          %add3A_874 = arith.addi %mul3A_96, %add3A_873 : i32
          %broadcast_in_dim3A_875 = arith.constant 1024 : i32
          %broadcast_in_dim3A_876 = vector.broadcast %broadcast_in_dim3A_875 : i32 to vector<16xi32>
          %scan3A_877 = arith.constant 1 : i32
          %scan3A_878 = arith.constant 15 : i32
          %scan3A_879 = arith.addi %scan3A_877, %scan3A_878 : i32
          %scan3A_880 = arith.constant 1 : i32
          %scan3A_881 = scf.for %scan3A_1398 = %scan3A_877 to %scan3A_879 step %scan3A_880 iter_args(%scan3A_1399 = %broadcast_in_dim3A_876) -> (vector<16xi32>)  : i32 {
            %mul3A_1400 = arith.constant 16 : i32
            %mul3A_1401 = arith.muli %scan3A_1398, %mul3A_1400 : i32
            %get3A_1402 = arith.index_cast %add3A_874 : i32 to index
            %get3A_1403 = arith.index_cast %mul3A_1401 : i32 to index
            %get3A_1404 = tpu.vector_load %arg4[%get3A_1402, %get3A_1403] {strides = array<i32>} : memref<128x256xf32, #tpu.memory_space<vmem>>, vector<16xf32>,
            %gt3A_1405 = arith.constant 1.500000e-01 : f32
            %gt3A_1406 = vector.broadcast %gt3A_1405 : f32 to vector<16xf32>
            %gt3A_1407 = arith.cmpf ogt, %get3A_1404, %gt3A_1406 : vector<16xf32>
            %all_reduce_ffs3A_1408 = tpu.all_reduce %gt3A_1407 {dim = 0 : i64, kind = #tpu.reduction_kind<find_first_set>} : vector<16xi1> -> vector<16xi32>
            %lt3A_1409 = arith.constant 16 : i32
            %lt3A_1410 = vector.broadcast %lt3A_1409 : i32 to vector<16xi32>
            %lt3A_1411 = arith.cmpi slt, %all_reduce_ffs3A_1408, %lt3A_1410 : vector<16xi32>
            %mul3A_1412 = arith.constant 16 : i32
            %mul3A_1413 = arith.muli %scan3A_1398, %mul3A_1412 : i32
            %add3A_1414 = vector.broadcast %mul3A_1413 : i32 to vector<16xi32>
            %add3A_1415 = arith.addi %add3A_1414, %all_reduce_ffs3A_1408 : vector<16xi32>
            %jit3A_1416 = arith.constant 1024 : i32
            %broadcast_in_dim3A_1417 = vector.broadcast %jit3A_1416 : i32 to vector<16xi32>
            %select_n3A_1418 = arith.select %lt3A_1411, %add3A_1415, %broadcast_in_dim3A_1417 : vector<16xi1>, vector<16xi32>
            %min3A = arith.minsi %scan3A_1399, %select_n3A_1418 : vector<16xi32>
            scf.yield %min3A : vector<16xi32>
          }
          %scan3A_882 = arith.constant 15 : i32
          %eq3A_883 = arith.constant 13 : i32
          %eq3A_884 = vector.broadcast %eq3A_883 : i32 to vector<16xi32>
          %eq3A_885 = arith.cmpi eq, %iota3A, %eq3A_884 : vector<16xi32>
          %ge3A_886 = arith.constant 16 : i32
          %ge3A_887 = vector.broadcast %ge3A_886 : i32 to vector<16xi32>
          %ge3A_888 = arith.cmpi sge, %select_n3A_872, %ge3A_887 : vector<16xi32>
          %and3A_889 = arith.andi %eq3A_885, %ge3A_888 : vector<16xi1>
          %select_n3A_890 = arith.select %and3A_889, %scan3A_881, %select_n3A_872 : vector<16xi1>, vector<16xi32>
          %add3A_891 = arith.constant 14 : i32
          %add3A_892 = arith.addi %mul3A_96, %add3A_891 : i32
          %broadcast_in_dim3A_893 = arith.constant 1024 : i32
          %broadcast_in_dim3A_894 = vector.broadcast %broadcast_in_dim3A_893 : i32 to vector<16xi32>
          %scan3A_895 = arith.constant 1 : i32
          %scan3A_896 = arith.constant 15 : i32
          %scan3A_897 = arith.addi %scan3A_895, %scan3A_896 : i32
          %scan3A_898 = arith.constant 1 : i32
          %scan3A_899 = scf.for %scan3A_1398 = %scan3A_895 to %scan3A_897 step %scan3A_898 iter_args(%scan3A_1399 = %broadcast_in_dim3A_894) -> (vector<16xi32>)  : i32 {
            %mul3A_1400 = arith.constant 16 : i32
            %mul3A_1401 = arith.muli %scan3A_1398, %mul3A_1400 : i32
            %get3A_1402 = arith.index_cast %add3A_892 : i32 to index
            %get3A_1403 = arith.index_cast %mul3A_1401 : i32 to index
            %get3A_1404 = tpu.vector_load %arg4[%get3A_1402, %get3A_1403] {strides = array<i32>} : memref<128x256xf32, #tpu.memory_space<vmem>>, vector<16xf32>,
            %gt3A_1405 = arith.constant 1.500000e-01 : f32
            %gt3A_1406 = vector.broadcast %gt3A_1405 : f32 to vector<16xf32>
            %gt3A_1407 = arith.cmpf ogt, %get3A_1404, %gt3A_1406 : vector<16xf32>
            %all_reduce_ffs3A_1408 = tpu.all_reduce %gt3A_1407 {dim = 0 : i64, kind = #tpu.reduction_kind<find_first_set>} : vector<16xi1> -> vector<16xi32>
            %lt3A_1409 = arith.constant 16 : i32
            %lt3A_1410 = vector.broadcast %lt3A_1409 : i32 to vector<16xi32>
            %lt3A_1411 = arith.cmpi slt, %all_reduce_ffs3A_1408, %lt3A_1410 : vector<16xi32>
            %mul3A_1412 = arith.constant 16 : i32
            %mul3A_1413 = arith.muli %scan3A_1398, %mul3A_1412 : i32
            %add3A_1414 = vector.broadcast %mul3A_1413 : i32 to vector<16xi32>
            %add3A_1415 = arith.addi %add3A_1414, %all_reduce_ffs3A_1408 : vector<16xi32>
            %jit3A_1416 = arith.constant 1024 : i32
            %broadcast_in_dim3A_1417 = vector.broadcast %jit3A_1416 : i32 to vector<16xi32>
            %select_n3A_1418 = arith.select %lt3A_1411, %add3A_1415, %broadcast_in_dim3A_1417 : vector<16xi1>, vector<16xi32>
            %min3A = arith.minsi %scan3A_1399, %select_n3A_1418 : vector<16xi32>
            scf.yield %min3A : vector<16xi32>
          }
          %scan3A_900 = arith.constant 15 : i32
          %eq3A_901 = arith.constant 14 : i32
          %eq3A_902 = vector.broadcast %eq3A_901 : i32 to vector<16xi32>
          %eq3A_903 = arith.cmpi eq, %iota3A, %eq3A_902 : vector<16xi32>
          %ge3A_904 = arith.constant 16 : i32
          %ge3A_905 = vector.broadcast %ge3A_904 : i32 to vector<16xi32>
          %ge3A_906 = arith.cmpi sge, %select_n3A_890, %ge3A_905 : vector<16xi32>
          %and3A_907 = arith.andi %eq3A_903, %ge3A_906 : vector<16xi1>
          %select_n3A_908 = arith.select %and3A_907, %scan3A_899, %select_n3A_890 : vector<16xi1>, vector<16xi32>
          %add3A_909 = arith.constant 15 : i32
          %add3A_910 = arith.addi %mul3A_96, %add3A_909 : i32
          %broadcast_in_dim3A_911 = arith.constant 1024 : i32
          %broadcast_in_dim3A_912 = vector.broadcast %broadcast_in_dim3A_911 : i32 to vector<16xi32>
          %scan3A_913 = arith.constant 1 : i32
          %scan3A_914 = arith.constant 15 : i32
          %scan3A_915 = arith.addi %scan3A_913, %scan3A_914 : i32
          %scan3A_916 = arith.constant 1 : i32
          %scan3A_917 = scf.for %scan3A_1398 = %scan3A_913 to %scan3A_915 step %scan3A_916 iter_args(%scan3A_1399 = %broadcast_in_dim3A_912) -> (vector<16xi32>)  : i32 {
            %mul3A_1400 = arith.constant 16 : i32
            %mul3A_1401 = arith.muli %scan3A_1398, %mul3A_1400 : i32
            %get3A_1402 = arith.index_cast %add3A_910 : i32 to index
            %get3A_1403 = arith.index_cast %mul3A_1401 : i32 to index
            %get3A_1404 = tpu.vector_load %arg4[%get3A_1402, %get3A_1403] {strides = array<i32>} : memref<128x256xf32, #tpu.memory_space<vmem>>, vector<16xf32>,
            %gt3A_1405 = arith.constant 1.500000e-01 : f32
            %gt3A_1406 = vector.broadcast %gt3A_1405 : f32 to vector<16xf32>
            %gt3A_1407 = arith.cmpf ogt, %get3A_1404, %gt3A_1406 : vector<16xf32>
            %all_reduce_ffs3A_1408 = tpu.all_reduce %gt3A_1407 {dim = 0 : i64, kind = #tpu.reduction_kind<find_first_set>} : vector<16xi1> -> vector<16xi32>
            %lt3A_1409 = arith.constant 16 : i32
            %lt3A_1410 = vector.broadcast %lt3A_1409 : i32 to vector<16xi32>
            %lt3A_1411 = arith.cmpi slt, %all_reduce_ffs3A_1408, %lt3A_1410 : vector<16xi32>
            %mul3A_1412 = arith.constant 16 : i32
            %mul3A_1413 = arith.muli %scan3A_1398, %mul3A_1412 : i32
            %add3A_1414 = vector.broadcast %mul3A_1413 : i32 to vector<16xi32>
            %add3A_1415 = arith.addi %add3A_1414, %all_reduce_ffs3A_1408 : vector<16xi32>
            %jit3A_1416 = arith.constant 1024 : i32
            %broadcast_in_dim3A_1417 = vector.broadcast %jit3A_1416 : i32 to vector<16xi32>
            %select_n3A_1418 = arith.select %lt3A_1411, %add3A_1415, %broadcast_in_dim3A_1417 : vector<16xi1>, vector<16xi32>
            %min3A = arith.minsi %scan3A_1399, %select_n3A_1418 : vector<16xi32>
            scf.yield %min3A : vector<16xi32>
          }
          %scan3A_918 = arith.constant 15 : i32
          %eq3A_919 = arith.constant 15 : i32
          %eq3A_920 = vector.broadcast %eq3A_919 : i32 to vector<16xi32>
          %eq3A_921 = arith.cmpi eq, %iota3A, %eq3A_920 : vector<16xi32>
          %ge3A_922 = arith.constant 16 : i32
          %ge3A_923 = vector.broadcast %ge3A_922 : i32 to vector<16xi32>
          %ge3A_924 = arith.cmpi sge, %select_n3A_908, %ge3A_923 : vector<16xi32>
          %and3A_925 = arith.andi %eq3A_921, %ge3A_924 : vector<16xi1>
          %select_n3A_926 = arith.select %and3A_925, %scan3A_917, %select_n3A_908 : vector<16xi1>, vector<16xi32>
          %ge3A_927 = arith.constant 256 : i32
          %ge3A_928 = vector.broadcast %ge3A_927 : i32 to vector<16xi32>
          %ge3A_929 = arith.cmpi sge, %select_n3A_926, %ge3A_928 : vector<16xi32>
          %jit3A = arith.constant 0 : i32
          %broadcast_in_dim3A_930 = vector.broadcast %jit3A : i32 to vector<16xi32>
          %select_n3A_931 = arith.select %ge3A_929, %broadcast_in_dim3A_930, %select_n3A_926 : vector<16xi1>, vector<16xi32>
          %add3A_932 = arith.constant 0 : i32
          %add3A_933 = arith.addi %mul3A_96, %add3A_932 : i32
          %slice3A = vector.extract_strided_slice %select_n3A_931 {offsets = [0], sizes = [1], strides = [1]} : vector<16xi32> to vector<1xi32>
          %squeeze3A = vector.extract %slice3A[0] : i32 from vector<1xi32>
          %broadcast_in_dim3A_934 = vector.broadcast %squeeze3A : i32 to vector<16xi32>
          %broadcast_in_dim3A_935 = vector.broadcast %add3A_933 : i32 to vector<16xi32>
          %add3A_936 = arith.addi %broadcast_in_dim3A_934, %iota3A : vector<16xi32>
          %and3A_937 = arith.constant 255 : i32
          %and3A_938 = vector.broadcast %and3A_937 : i32 to vector<16xi32>
          %and3A_939 = arith.andi %add3A_936, %and3A_938 : vector<16xi32>
          %add3A_940 = arith.constant 16 : i32
          %add3A_941 = vector.broadcast %add3A_940 : i32 to vector<16xi32>
          %add3A_942 = arith.addi %and3A_939, %add3A_941 : vector<16xi32>
          %and3A_943 = arith.constant 255 : i32
          %and3A_944 = vector.broadcast %and3A_943 : i32 to vector<16xi32>
          %and3A_945 = arith.andi %add3A_942, %and3A_944 : vector<16xi32>
          %gather3A_946 = tpu.vector_load_idx %arg4[%broadcast_in_dim3A_935, %and3A_939] : memref<128x256xf32, #tpu.memory_space<vmem>>[vector<16xi32>, vector<16xi32>], vector<16xf32>,
          %gather3A_947 = tpu.vector_load_idx %arg4[%broadcast_in_dim3A_935, %and3A_945] : memref<128x256xf32, #tpu.memory_space<vmem>>[vector<16xi32>, vector<16xi32>], vector<16xf32>,
          tpu.vector_store_idx %arg6[%iota3A, %broadcast_in_dim3A_935], %gather3A_946 : memref<64x128xf32, #tpu.memory_space<vmem>>[vector<16xi32>, vector<16xi32>], vector<16xf32>,
          %add3A_948 = arith.constant 16 : i32
          %add3A_949 = vector.broadcast %add3A_948 : i32 to vector<16xi32>
          %add3A_950 = arith.addi %iota3A, %add3A_949 : vector<16xi32>
          tpu.vector_store_idx %arg6[%add3A_950, %broadcast_in_dim3A_935], %gather3A_947 : memref<64x128xf32, #tpu.memory_space<vmem>>[vector<16xi32>, vector<16xi32>], vector<16xf32>,
          %add3A_951 = arith.constant 1 : i32
          %add3A_952 = arith.addi %mul3A_96, %add3A_951 : i32
          %slice3A_953 = vector.extract_strided_slice %select_n3A_931 {offsets = [1], sizes = [1], strides = [1]} : vector<16xi32> to vector<1xi32>
          %squeeze3A_954 = vector.extract %slice3A_953[0] : i32 from vector<1xi32>
          %broadcast_in_dim3A_955 = vector.broadcast %squeeze3A_954 : i32 to vector<16xi32>
          %broadcast_in_dim3A_956 = vector.broadcast %add3A_952 : i32 to vector<16xi32>
          %add3A_957 = arith.addi %broadcast_in_dim3A_955, %iota3A : vector<16xi32>
          %and3A_958 = arith.constant 255 : i32
          %and3A_959 = vector.broadcast %and3A_958 : i32 to vector<16xi32>
          %and3A_960 = arith.andi %add3A_957, %and3A_959 : vector<16xi32>
          %add3A_961 = arith.constant 16 : i32
          %add3A_962 = vector.broadcast %add3A_961 : i32 to vector<16xi32>
          %add3A_963 = arith.addi %and3A_960, %add3A_962 : vector<16xi32>
          %and3A_964 = arith.constant 255 : i32
          %and3A_965 = vector.broadcast %and3A_964 : i32 to vector<16xi32>
          %and3A_966 = arith.andi %add3A_963, %and3A_965 : vector<16xi32>
          %gather3A_967 = tpu.vector_load_idx %arg4[%broadcast_in_dim3A_956, %and3A_960] : memref<128x256xf32, #tpu.memory_space<vmem>>[vector<16xi32>, vector<16xi32>], vector<16xf32>,
          %gather3A_968 = tpu.vector_load_idx %arg4[%broadcast_in_dim3A_956, %and3A_966] : memref<128x256xf32, #tpu.memory_space<vmem>>[vector<16xi32>, vector<16xi32>], vector<16xf32>,
          tpu.vector_store_idx %arg6[%iota3A, %broadcast_in_dim3A_956], %gather3A_967 : memref<64x128xf32, #tpu.memory_space<vmem>>[vector<16xi32>, vector<16xi32>], vector<16xf32>,
          %add3A_969 = arith.constant 16 : i32
          %add3A_970 = vector.broadcast %add3A_969 : i32 to vector<16xi32>
          %add3A_971 = arith.addi %iota3A, %add3A_970 : vector<16xi32>
          tpu.vector_store_idx %arg6[%add3A_971, %broadcast_in_dim3A_956], %gather3A_968 : memref<64x128xf32, #tpu.memory_space<vmem>>[vector<16xi32>, vector<16xi32>], vector<16xf32>,
          %add3A_972 = arith.constant 2 : i32
          %add3A_973 = arith.addi %mul3A_96, %add3A_972 : i32
          %slice3A_974 = vector.extract_strided_slice %select_n3A_931 {offsets = [2], sizes = [1], strides = [1]} : vector<16xi32> to vector<1xi32>
          %squeeze3A_975 = vector.extract %slice3A_974[0] : i32 from vector<1xi32>
          %broadcast_in_dim3A_976 = vector.broadcast %squeeze3A_975 : i32 to vector<16xi32>
          %broadcast_in_dim3A_977 = vector.broadcast %add3A_973 : i32 to vector<16xi32>
          %add3A_978 = arith.addi %broadcast_in_dim3A_976, %iota3A : vector<16xi32>
          %and3A_979 = arith.constant 255 : i32
          %and3A_980 = vector.broadcast %and3A_979 : i32 to vector<16xi32>
          %and3A_981 = arith.andi %add3A_978, %and3A_980 : vector<16xi32>
          %add3A_982 = arith.constant 16 : i32
          %add3A_983 = vector.broadcast %add3A_982 : i32 to vector<16xi32>
          %add3A_984 = arith.addi %and3A_981, %add3A_983 : vector<16xi32>
          %and3A_985 = arith.constant 255 : i32
          %and3A_986 = vector.broadcast %and3A_985 : i32 to vector<16xi32>
          %and3A_987 = arith.andi %add3A_984, %and3A_986 : vector<16xi32>
          %gather3A_988 = tpu.vector_load_idx %arg4[%broadcast_in_dim3A_977, %and3A_981] : memref<128x256xf32, #tpu.memory_space<vmem>>[vector<16xi32>, vector<16xi32>], vector<16xf32>,
          %gather3A_989 = tpu.vector_load_idx %arg4[%broadcast_in_dim3A_977, %and3A_987] : memref<128x256xf32, #tpu.memory_space<vmem>>[vector<16xi32>, vector<16xi32>], vector<16xf32>,
          tpu.vector_store_idx %arg6[%iota3A, %broadcast_in_dim3A_977], %gather3A_988 : memref<64x128xf32, #tpu.memory_space<vmem>>[vector<16xi32>, vector<16xi32>], vector<16xf32>,
          %add3A_990 = arith.constant 16 : i32
          %add3A_991 = vector.broadcast %add3A_990 : i32 to vector<16xi32>
          %add3A_992 = arith.addi %iota3A, %add3A_991 : vector<16xi32>
          tpu.vector_store_idx %arg6[%add3A_992, %broadcast_in_dim3A_977], %gather3A_989 : memref<64x128xf32, #tpu.memory_space<vmem>>[vector<16xi32>, vector<16xi32>], vector<16xf32>,
          %add3A_993 = arith.constant 3 : i32
          %add3A_994 = arith.addi %mul3A_96, %add3A_993 : i32
          %slice3A_995 = vector.extract_strided_slice %select_n3A_931 {offsets = [3], sizes = [1], strides = [1]} : vector<16xi32> to vector<1xi32>
          %squeeze3A_996 = vector.extract %slice3A_995[0] : i32 from vector<1xi32>
          %broadcast_in_dim3A_997 = vector.broadcast %squeeze3A_996 : i32 to vector<16xi32>
          %broadcast_in_dim3A_998 = vector.broadcast %add3A_994 : i32 to vector<16xi32>
          %add3A_999 = arith.addi %broadcast_in_dim3A_997, %iota3A : vector<16xi32>
          %and3A_1000 = arith.constant 255 : i32
          %and3A_1001 = vector.broadcast %and3A_1000 : i32 to vector<16xi32>
          %and3A_1002 = arith.andi %add3A_999, %and3A_1001 : vector<16xi32>
          %add3A_1003 = arith.constant 16 : i32
          %add3A_1004 = vector.broadcast %add3A_1003 : i32 to vector<16xi32>
          %add3A_1005 = arith.addi %and3A_1002, %add3A_1004 : vector<16xi32>
          %and3A_1006 = arith.constant 255 : i32
          %and3A_1007 = vector.broadcast %and3A_1006 : i32 to vector<16xi32>
          %and3A_1008 = arith.andi %add3A_1005, %and3A_1007 : vector<16xi32>
          %gather3A_1009 = tpu.vector_load_idx %arg4[%broadcast_in_dim3A_998, %and3A_1002] : memref<128x256xf32, #tpu.memory_space<vmem>>[vector<16xi32>, vector<16xi32>], vector<16xf32>,
          %gather3A_1010 = tpu.vector_load_idx %arg4[%broadcast_in_dim3A_998, %and3A_1008] : memref<128x256xf32, #tpu.memory_space<vmem>>[vector<16xi32>, vector<16xi32>], vector<16xf32>,
          tpu.vector_store_idx %arg6[%iota3A, %broadcast_in_dim3A_998], %gather3A_1009 : memref<64x128xf32, #tpu.memory_space<vmem>>[vector<16xi32>, vector<16xi32>], vector<16xf32>,
          %add3A_1011 = arith.constant 16 : i32
          %add3A_1012 = vector.broadcast %add3A_1011 : i32 to vector<16xi32>
          %add3A_1013 = arith.addi %iota3A, %add3A_1012 : vector<16xi32>
          tpu.vector_store_idx %arg6[%add3A_1013, %broadcast_in_dim3A_998], %gather3A_1010 : memref<64x128xf32, #tpu.memory_space<vmem>>[vector<16xi32>, vector<16xi32>], vector<16xf32>,
          %add3A_1014 = arith.constant 4 : i32
          %add3A_1015 = arith.addi %mul3A_96, %add3A_1014 : i32
          %slice3A_1016 = vector.extract_strided_slice %select_n3A_931 {offsets = [4], sizes = [1], strides = [1]} : vector<16xi32> to vector<1xi32>
          %squeeze3A_1017 = vector.extract %slice3A_1016[0] : i32 from vector<1xi32>
          %broadcast_in_dim3A_1018 = vector.broadcast %squeeze3A_1017 : i32 to vector<16xi32>
          %broadcast_in_dim3A_1019 = vector.broadcast %add3A_1015 : i32 to vector<16xi32>
          %add3A_1020 = arith.addi %broadcast_in_dim3A_1018, %iota3A : vector<16xi32>
          %and3A_1021 = arith.constant 255 : i32
          %and3A_1022 = vector.broadcast %and3A_1021 : i32 to vector<16xi32>
          %and3A_1023 = arith.andi %add3A_1020, %and3A_1022 : vector<16xi32>
          %add3A_1024 = arith.constant 16 : i32
          %add3A_1025 = vector.broadcast %add3A_1024 : i32 to vector<16xi32>
          %add3A_1026 = arith.addi %and3A_1023, %add3A_1025 : vector<16xi32>
          %and3A_1027 = arith.constant 255 : i32
          %and3A_1028 = vector.broadcast %and3A_1027 : i32 to vector<16xi32>
          %and3A_1029 = arith.andi %add3A_1026, %and3A_1028 : vector<16xi32>
          %gather3A_1030 = tpu.vector_load_idx %arg4[%broadcast_in_dim3A_1019, %and3A_1023] : memref<128x256xf32, #tpu.memory_space<vmem>>[vector<16xi32>, vector<16xi32>], vector<16xf32>,
          %gather3A_1031 = tpu.vector_load_idx %arg4[%broadcast_in_dim3A_1019, %and3A_1029] : memref<128x256xf32, #tpu.memory_space<vmem>>[vector<16xi32>, vector<16xi32>], vector<16xf32>,
          tpu.vector_store_idx %arg6[%iota3A, %broadcast_in_dim3A_1019], %gather3A_1030 : memref<64x128xf32, #tpu.memory_space<vmem>>[vector<16xi32>, vector<16xi32>], vector<16xf32>,
          %add3A_1032 = arith.constant 16 : i32
          %add3A_1033 = vector.broadcast %add3A_1032 : i32 to vector<16xi32>
          %add3A_1034 = arith.addi %iota3A, %add3A_1033 : vector<16xi32>
          tpu.vector_store_idx %arg6[%add3A_1034, %broadcast_in_dim3A_1019], %gather3A_1031 : memref<64x128xf32, #tpu.memory_space<vmem>>[vector<16xi32>, vector<16xi32>], vector<16xf32>,
          %add3A_1035 = arith.constant 5 : i32
          %add3A_1036 = arith.addi %mul3A_96, %add3A_1035 : i32
          %slice3A_1037 = vector.extract_strided_slice %select_n3A_931 {offsets = [5], sizes = [1], strides = [1]} : vector<16xi32> to vector<1xi32>
          %squeeze3A_1038 = vector.extract %slice3A_1037[0] : i32 from vector<1xi32>
          %broadcast_in_dim3A_1039 = vector.broadcast %squeeze3A_1038 : i32 to vector<16xi32>
          %broadcast_in_dim3A_1040 = vector.broadcast %add3A_1036 : i32 to vector<16xi32>
          %add3A_1041 = arith.addi %broadcast_in_dim3A_1039, %iota3A : vector<16xi32>
          %and3A_1042 = arith.constant 255 : i32
          %and3A_1043 = vector.broadcast %and3A_1042 : i32 to vector<16xi32>
          %and3A_1044 = arith.andi %add3A_1041, %and3A_1043 : vector<16xi32>
          %add3A_1045 = arith.constant 16 : i32
          %add3A_1046 = vector.broadcast %add3A_1045 : i32 to vector<16xi32>
          %add3A_1047 = arith.addi %and3A_1044, %add3A_1046 : vector<16xi32>
          %and3A_1048 = arith.constant 255 : i32
          %and3A_1049 = vector.broadcast %and3A_1048 : i32 to vector<16xi32>
          %and3A_1050 = arith.andi %add3A_1047, %and3A_1049 : vector<16xi32>
          %gather3A_1051 = tpu.vector_load_idx %arg4[%broadcast_in_dim3A_1040, %and3A_1044] : memref<128x256xf32, #tpu.memory_space<vmem>>[vector<16xi32>, vector<16xi32>], vector<16xf32>,
          %gather3A_1052 = tpu.vector_load_idx %arg4[%broadcast_in_dim3A_1040, %and3A_1050] : memref<128x256xf32, #tpu.memory_space<vmem>>[vector<16xi32>, vector<16xi32>], vector<16xf32>,
          tpu.vector_store_idx %arg6[%iota3A, %broadcast_in_dim3A_1040], %gather3A_1051 : memref<64x128xf32, #tpu.memory_space<vmem>>[vector<16xi32>, vector<16xi32>], vector<16xf32>,
          %add3A_1053 = arith.constant 16 : i32
          %add3A_1054 = vector.broadcast %add3A_1053 : i32 to vector<16xi32>
          %add3A_1055 = arith.addi %iota3A, %add3A_1054 : vector<16xi32>
          tpu.vector_store_idx %arg6[%add3A_1055, %broadcast_in_dim3A_1040], %gather3A_1052 : memref<64x128xf32, #tpu.memory_space<vmem>>[vector<16xi32>, vector<16xi32>], vector<16xf32>,
          %add3A_1056 = arith.constant 6 : i32
          %add3A_1057 = arith.addi %mul3A_96, %add3A_1056 : i32
          %slice3A_1058 = vector.extract_strided_slice %select_n3A_931 {offsets = [6], sizes = [1], strides = [1]} : vector<16xi32> to vector<1xi32>
          %squeeze3A_1059 = vector.extract %slice3A_1058[0] : i32 from vector<1xi32>
          %broadcast_in_dim3A_1060 = vector.broadcast %squeeze3A_1059 : i32 to vector<16xi32>
          %broadcast_in_dim3A_1061 = vector.broadcast %add3A_1057 : i32 to vector<16xi32>
          %add3A_1062 = arith.addi %broadcast_in_dim3A_1060, %iota3A : vector<16xi32>
          %and3A_1063 = arith.constant 255 : i32
          %and3A_1064 = vector.broadcast %and3A_1063 : i32 to vector<16xi32>
          %and3A_1065 = arith.andi %add3A_1062, %and3A_1064 : vector<16xi32>
          %add3A_1066 = arith.constant 16 : i32
          %add3A_1067 = vector.broadcast %add3A_1066 : i32 to vector<16xi32>
          %add3A_1068 = arith.addi %and3A_1065, %add3A_1067 : vector<16xi32>
          %and3A_1069 = arith.constant 255 : i32
          %and3A_1070 = vector.broadcast %and3A_1069 : i32 to vector<16xi32>
          %and3A_1071 = arith.andi %add3A_1068, %and3A_1070 : vector<16xi32>
          %gather3A_1072 = tpu.vector_load_idx %arg4[%broadcast_in_dim3A_1061, %and3A_1065] : memref<128x256xf32, #tpu.memory_space<vmem>>[vector<16xi32>, vector<16xi32>], vector<16xf32>,
          %gather3A_1073 = tpu.vector_load_idx %arg4[%broadcast_in_dim3A_1061, %and3A_1071] : memref<128x256xf32, #tpu.memory_space<vmem>>[vector<16xi32>, vector<16xi32>], vector<16xf32>,
          tpu.vector_store_idx %arg6[%iota3A, %broadcast_in_dim3A_1061], %gather3A_1072 : memref<64x128xf32, #tpu.memory_space<vmem>>[vector<16xi32>, vector<16xi32>], vector<16xf32>,
          %add3A_1074 = arith.constant 16 : i32
          %add3A_1075 = vector.broadcast %add3A_1074 : i32 to vector<16xi32>
          %add3A_1076 = arith.addi %iota3A, %add3A_1075 : vector<16xi32>
          tpu.vector_store_idx %arg6[%add3A_1076, %broadcast_in_dim3A_1061], %gather3A_1073 : memref<64x128xf32, #tpu.memory_space<vmem>>[vector<16xi32>, vector<16xi32>], vector<16xf32>,
          %add3A_1077 = arith.constant 7 : i32
          %add3A_1078 = arith.addi %mul3A_96, %add3A_1077 : i32
          %slice3A_1079 = vector.extract_strided_slice %select_n3A_931 {offsets = [7], sizes = [1], strides = [1]} : vector<16xi32> to vector<1xi32>
          %squeeze3A_1080 = vector.extract %slice3A_1079[0] : i32 from vector<1xi32>
          %broadcast_in_dim3A_1081 = vector.broadcast %squeeze3A_1080 : i32 to vector<16xi32>
          %broadcast_in_dim3A_1082 = vector.broadcast %add3A_1078 : i32 to vector<16xi32>
          %add3A_1083 = arith.addi %broadcast_in_dim3A_1081, %iota3A : vector<16xi32>
          %and3A_1084 = arith.constant 255 : i32
          %and3A_1085 = vector.broadcast %and3A_1084 : i32 to vector<16xi32>
          %and3A_1086 = arith.andi %add3A_1083, %and3A_1085 : vector<16xi32>
          %add3A_1087 = arith.constant 16 : i32
          %add3A_1088 = vector.broadcast %add3A_1087 : i32 to vector<16xi32>
          %add3A_1089 = arith.addi %and3A_1086, %add3A_1088 : vector<16xi32>
          %and3A_1090 = arith.constant 255 : i32
          %and3A_1091 = vector.broadcast %and3A_1090 : i32 to vector<16xi32>
          %and3A_1092 = arith.andi %add3A_1089, %and3A_1091 : vector<16xi32>
          %gather3A_1093 = tpu.vector_load_idx %arg4[%broadcast_in_dim3A_1082, %and3A_1086] : memref<128x256xf32, #tpu.memory_space<vmem>>[vector<16xi32>, vector<16xi32>], vector<16xf32>,
          %gather3A_1094 = tpu.vector_load_idx %arg4[%broadcast_in_dim3A_1082, %and3A_1092] : memref<128x256xf32, #tpu.memory_space<vmem>>[vector<16xi32>, vector<16xi32>], vector<16xf32>,
          tpu.vector_store_idx %arg6[%iota3A, %broadcast_in_dim3A_1082], %gather3A_1093 : memref<64x128xf32, #tpu.memory_space<vmem>>[vector<16xi32>, vector<16xi32>], vector<16xf32>,
          %add3A_1095 = arith.constant 16 : i32
          %add3A_1096 = vector.broadcast %add3A_1095 : i32 to vector<16xi32>
          %add3A_1097 = arith.addi %iota3A, %add3A_1096 : vector<16xi32>
          tpu.vector_store_idx %arg6[%add3A_1097, %broadcast_in_dim3A_1082], %gather3A_1094 : memref<64x128xf32, #tpu.memory_space<vmem>>[vector<16xi32>, vector<16xi32>], vector<16xf32>,
          %add3A_1098 = arith.constant 8 : i32
          %add3A_1099 = arith.addi %mul3A_96, %add3A_1098 : i32
          %slice3A_1100 = vector.extract_strided_slice %select_n3A_931 {offsets = [8], sizes = [1], strides = [1]} : vector<16xi32> to vector<1xi32>
          %squeeze3A_1101 = vector.extract %slice3A_1100[0] : i32 from vector<1xi32>
          %broadcast_in_dim3A_1102 = vector.broadcast %squeeze3A_1101 : i32 to vector<16xi32>
          %broadcast_in_dim3A_1103 = vector.broadcast %add3A_1099 : i32 to vector<16xi32>
          %add3A_1104 = arith.addi %broadcast_in_dim3A_1102, %iota3A : vector<16xi32>
          %and3A_1105 = arith.constant 255 : i32
          %and3A_1106 = vector.broadcast %and3A_1105 : i32 to vector<16xi32>
          %and3A_1107 = arith.andi %add3A_1104, %and3A_1106 : vector<16xi32>
          %add3A_1108 = arith.constant 16 : i32
          %add3A_1109 = vector.broadcast %add3A_1108 : i32 to vector<16xi32>
          %add3A_1110 = arith.addi %and3A_1107, %add3A_1109 : vector<16xi32>
          %and3A_1111 = arith.constant 255 : i32
          %and3A_1112 = vector.broadcast %and3A_1111 : i32 to vector<16xi32>
          %and3A_1113 = arith.andi %add3A_1110, %and3A_1112 : vector<16xi32>
          %gather3A_1114 = tpu.vector_load_idx %arg4[%broadcast_in_dim3A_1103, %and3A_1107] : memref<128x256xf32, #tpu.memory_space<vmem>>[vector<16xi32>, vector<16xi32>], vector<16xf32>,
          %gather3A_1115 = tpu.vector_load_idx %arg4[%broadcast_in_dim3A_1103, %and3A_1113] : memref<128x256xf32, #tpu.memory_space<vmem>>[vector<16xi32>, vector<16xi32>], vector<16xf32>,
          tpu.vector_store_idx %arg6[%iota3A, %broadcast_in_dim3A_1103], %gather3A_1114 : memref<64x128xf32, #tpu.memory_space<vmem>>[vector<16xi32>, vector<16xi32>], vector<16xf32>,
          %add3A_1116 = arith.constant 16 : i32
          %add3A_1117 = vector.broadcast %add3A_1116 : i32 to vector<16xi32>
          %add3A_1118 = arith.addi %iota3A, %add3A_1117 : vector<16xi32>
          tpu.vector_store_idx %arg6[%add3A_1118, %broadcast_in_dim3A_1103], %gather3A_1115 : memref<64x128xf32, #tpu.memory_space<vmem>>[vector<16xi32>, vector<16xi32>], vector<16xf32>,
          %add3A_1119 = arith.constant 9 : i32
          %add3A_1120 = arith.addi %mul3A_96, %add3A_1119 : i32
          %slice3A_1121 = vector.extract_strided_slice %select_n3A_931 {offsets = [9], sizes = [1], strides = [1]} : vector<16xi32> to vector<1xi32>
          %squeeze3A_1122 = vector.extract %slice3A_1121[0] : i32 from vector<1xi32>
          %broadcast_in_dim3A_1123 = vector.broadcast %squeeze3A_1122 : i32 to vector<16xi32>
          %broadcast_in_dim3A_1124 = vector.broadcast %add3A_1120 : i32 to vector<16xi32>
          %add3A_1125 = arith.addi %broadcast_in_dim3A_1123, %iota3A : vector<16xi32>
          %and3A_1126 = arith.constant 255 : i32
          %and3A_1127 = vector.broadcast %and3A_1126 : i32 to vector<16xi32>
          %and3A_1128 = arith.andi %add3A_1125, %and3A_1127 : vector<16xi32>
          %add3A_1129 = arith.constant 16 : i32
          %add3A_1130 = vector.broadcast %add3A_1129 : i32 to vector<16xi32>
          %add3A_1131 = arith.addi %and3A_1128, %add3A_1130 : vector<16xi32>
          %and3A_1132 = arith.constant 255 : i32
          %and3A_1133 = vector.broadcast %and3A_1132 : i32 to vector<16xi32>
          %and3A_1134 = arith.andi %add3A_1131, %and3A_1133 : vector<16xi32>
          %gather3A_1135 = tpu.vector_load_idx %arg4[%broadcast_in_dim3A_1124, %and3A_1128] : memref<128x256xf32, #tpu.memory_space<vmem>>[vector<16xi32>, vector<16xi32>], vector<16xf32>,
          %gather3A_1136 = tpu.vector_load_idx %arg4[%broadcast_in_dim3A_1124, %and3A_1134] : memref<128x256xf32, #tpu.memory_space<vmem>>[vector<16xi32>, vector<16xi32>], vector<16xf32>,
          tpu.vector_store_idx %arg6[%iota3A, %broadcast_in_dim3A_1124], %gather3A_1135 : memref<64x128xf32, #tpu.memory_space<vmem>>[vector<16xi32>, vector<16xi32>], vector<16xf32>,
          %add3A_1137 = arith.constant 16 : i32
          %add3A_1138 = vector.broadcast %add3A_1137 : i32 to vector<16xi32>
          %add3A_1139 = arith.addi %iota3A, %add3A_1138 : vector<16xi32>
          tpu.vector_store_idx %arg6[%add3A_1139, %broadcast_in_dim3A_1124], %gather3A_1136 : memref<64x128xf32, #tpu.memory_space<vmem>>[vector<16xi32>, vector<16xi32>], vector<16xf32>,
          %add3A_1140 = arith.constant 10 : i32
          %add3A_1141 = arith.addi %mul3A_96, %add3A_1140 : i32
          %slice3A_1142 = vector.extract_strided_slice %select_n3A_931 {offsets = [10], sizes = [1], strides = [1]} : vector<16xi32> to vector<1xi32>
          %squeeze3A_1143 = vector.extract %slice3A_1142[0] : i32 from vector<1xi32>
          %broadcast_in_dim3A_1144 = vector.broadcast %squeeze3A_1143 : i32 to vector<16xi32>
          %broadcast_in_dim3A_1145 = vector.broadcast %add3A_1141 : i32 to vector<16xi32>
          %add3A_1146 = arith.addi %broadcast_in_dim3A_1144, %iota3A : vector<16xi32>
          %and3A_1147 = arith.constant 255 : i32
          %and3A_1148 = vector.broadcast %and3A_1147 : i32 to vector<16xi32>
          %and3A_1149 = arith.andi %add3A_1146, %and3A_1148 : vector<16xi32>
          %add3A_1150 = arith.constant 16 : i32
          %add3A_1151 = vector.broadcast %add3A_1150 : i32 to vector<16xi32>
          %add3A_1152 = arith.addi %and3A_1149, %add3A_1151 : vector<16xi32>
          %and3A_1153 = arith.constant 255 : i32
          %and3A_1154 = vector.broadcast %and3A_1153 : i32 to vector<16xi32>
          %and3A_1155 = arith.andi %add3A_1152, %and3A_1154 : vector<16xi32>
          %gather3A_1156 = tpu.vector_load_idx %arg4[%broadcast_in_dim3A_1145, %and3A_1149] : memref<128x256xf32, #tpu.memory_space<vmem>>[vector<16xi32>, vector<16xi32>], vector<16xf32>,
          %gather3A_1157 = tpu.vector_load_idx %arg4[%broadcast_in_dim3A_1145, %and3A_1155] : memref<128x256xf32, #tpu.memory_space<vmem>>[vector<16xi32>, vector<16xi32>], vector<16xf32>,
          tpu.vector_store_idx %arg6[%iota3A, %broadcast_in_dim3A_1145], %gather3A_1156 : memref<64x128xf32, #tpu.memory_space<vmem>>[vector<16xi32>, vector<16xi32>], vector<16xf32>,
          %add3A_1158 = arith.constant 16 : i32
          %add3A_1159 = vector.broadcast %add3A_1158 : i32 to vector<16xi32>
          %add3A_1160 = arith.addi %iota3A, %add3A_1159 : vector<16xi32>
          tpu.vector_store_idx %arg6[%add3A_1160, %broadcast_in_dim3A_1145], %gather3A_1157 : memref<64x128xf32, #tpu.memory_space<vmem>>[vector<16xi32>, vector<16xi32>], vector<16xf32>,
          %add3A_1161 = arith.constant 11 : i32
          %add3A_1162 = arith.addi %mul3A_96, %add3A_1161 : i32
          %slice3A_1163 = vector.extract_strided_slice %select_n3A_931 {offsets = [11], sizes = [1], strides = [1]} : vector<16xi32> to vector<1xi32>
          %squeeze3A_1164 = vector.extract %slice3A_1163[0] : i32 from vector<1xi32>
          %broadcast_in_dim3A_1165 = vector.broadcast %squeeze3A_1164 : i32 to vector<16xi32>
          %broadcast_in_dim3A_1166 = vector.broadcast %add3A_1162 : i32 to vector<16xi32>
          %add3A_1167 = arith.addi %broadcast_in_dim3A_1165, %iota3A : vector<16xi32>
          %and3A_1168 = arith.constant 255 : i32
          %and3A_1169 = vector.broadcast %and3A_1168 : i32 to vector<16xi32>
          %and3A_1170 = arith.andi %add3A_1167, %and3A_1169 : vector<16xi32>
          %add3A_1171 = arith.constant 16 : i32
          %add3A_1172 = vector.broadcast %add3A_1171 : i32 to vector<16xi32>
          %add3A_1173 = arith.addi %and3A_1170, %add3A_1172 : vector<16xi32>
          %and3A_1174 = arith.constant 255 : i32
          %and3A_1175 = vector.broadcast %and3A_1174 : i32 to vector<16xi32>
          %and3A_1176 = arith.andi %add3A_1173, %and3A_1175 : vector<16xi32>
          %gather3A_1177 = tpu.vector_load_idx %arg4[%broadcast_in_dim3A_1166, %and3A_1170] : memref<128x256xf32, #tpu.memory_space<vmem>>[vector<16xi32>, vector<16xi32>], vector<16xf32>,
          %gather3A_1178 = tpu.vector_load_idx %arg4[%broadcast_in_dim3A_1166, %and3A_1176] : memref<128x256xf32, #tpu.memory_space<vmem>>[vector<16xi32>, vector<16xi32>], vector<16xf32>,
          tpu.vector_store_idx %arg6[%iota3A, %broadcast_in_dim3A_1166], %gather3A_1177 : memref<64x128xf32, #tpu.memory_space<vmem>>[vector<16xi32>, vector<16xi32>], vector<16xf32>,
          %add3A_1179 = arith.constant 16 : i32
          %add3A_1180 = vector.broadcast %add3A_1179 : i32 to vector<16xi32>
          %add3A_1181 = arith.addi %iota3A, %add3A_1180 : vector<16xi32>
          tpu.vector_store_idx %arg6[%add3A_1181, %broadcast_in_dim3A_1166], %gather3A_1178 : memref<64x128xf32, #tpu.memory_space<vmem>>[vector<16xi32>, vector<16xi32>], vector<16xf32>,
          %add3A_1182 = arith.constant 12 : i32
          %add3A_1183 = arith.addi %mul3A_96, %add3A_1182 : i32
          %slice3A_1184 = vector.extract_strided_slice %select_n3A_931 {offsets = [12], sizes = [1], strides = [1]} : vector<16xi32> to vector<1xi32>
          %squeeze3A_1185 = vector.extract %slice3A_1184[0] : i32 from vector<1xi32>
          %broadcast_in_dim3A_1186 = vector.broadcast %squeeze3A_1185 : i32 to vector<16xi32>
          %broadcast_in_dim3A_1187 = vector.broadcast %add3A_1183 : i32 to vector<16xi32>
          %add3A_1188 = arith.addi %broadcast_in_dim3A_1186, %iota3A : vector<16xi32>
          %and3A_1189 = arith.constant 255 : i32
          %and3A_1190 = vector.broadcast %and3A_1189 : i32 to vector<16xi32>
          %and3A_1191 = arith.andi %add3A_1188, %and3A_1190 : vector<16xi32>
          %add3A_1192 = arith.constant 16 : i32
          %add3A_1193 = vector.broadcast %add3A_1192 : i32 to vector<16xi32>
          %add3A_1194 = arith.addi %and3A_1191, %add3A_1193 : vector<16xi32>
          %and3A_1195 = arith.constant 255 : i32
          %and3A_1196 = vector.broadcast %and3A_1195 : i32 to vector<16xi32>
          %and3A_1197 = arith.andi %add3A_1194, %and3A_1196 : vector<16xi32>
          %gather3A_1198 = tpu.vector_load_idx %arg4[%broadcast_in_dim3A_1187, %and3A_1191] : memref<128x256xf32, #tpu.memory_space<vmem>>[vector<16xi32>, vector<16xi32>], vector<16xf32>,
          %gather3A_1199 = tpu.vector_load_idx %arg4[%broadcast_in_dim3A_1187, %and3A_1197] : memref<128x256xf32, #tpu.memory_space<vmem>>[vector<16xi32>, vector<16xi32>], vector<16xf32>,
          tpu.vector_store_idx %arg6[%iota3A, %broadcast_in_dim3A_1187], %gather3A_1198 : memref<64x128xf32, #tpu.memory_space<vmem>>[vector<16xi32>, vector<16xi32>], vector<16xf32>,
          %add3A_1200 = arith.constant 16 : i32
          %add3A_1201 = vector.broadcast %add3A_1200 : i32 to vector<16xi32>
          %add3A_1202 = arith.addi %iota3A, %add3A_1201 : vector<16xi32>
          tpu.vector_store_idx %arg6[%add3A_1202, %broadcast_in_dim3A_1187], %gather3A_1199 : memref<64x128xf32, #tpu.memory_space<vmem>>[vector<16xi32>, vector<16xi32>], vector<16xf32>,
          %add3A_1203 = arith.constant 13 : i32
          %add3A_1204 = arith.addi %mul3A_96, %add3A_1203 : i32
          %slice3A_1205 = vector.extract_strided_slice %select_n3A_931 {offsets = [13], sizes = [1], strides = [1]} : vector<16xi32> to vector<1xi32>
          %squeeze3A_1206 = vector.extract %slice3A_1205[0] : i32 from vector<1xi32>
          %broadcast_in_dim3A_1207 = vector.broadcast %squeeze3A_1206 : i32 to vector<16xi32>
          %broadcast_in_dim3A_1208 = vector.broadcast %add3A_1204 : i32 to vector<16xi32>
          %add3A_1209 = arith.addi %broadcast_in_dim3A_1207, %iota3A : vector<16xi32>
          %and3A_1210 = arith.constant 255 : i32
          %and3A_1211 = vector.broadcast %and3A_1210 : i32 to vector<16xi32>
          %and3A_1212 = arith.andi %add3A_1209, %and3A_1211 : vector<16xi32>
          %add3A_1213 = arith.constant 16 : i32
          %add3A_1214 = vector.broadcast %add3A_1213 : i32 to vector<16xi32>
          %add3A_1215 = arith.addi %and3A_1212, %add3A_1214 : vector<16xi32>
          %and3A_1216 = arith.constant 255 : i32
          %and3A_1217 = vector.broadcast %and3A_1216 : i32 to vector<16xi32>
          %and3A_1218 = arith.andi %add3A_1215, %and3A_1217 : vector<16xi32>
          %gather3A_1219 = tpu.vector_load_idx %arg4[%broadcast_in_dim3A_1208, %and3A_1212] : memref<128x256xf32, #tpu.memory_space<vmem>>[vector<16xi32>, vector<16xi32>], vector<16xf32>,
          %gather3A_1220 = tpu.vector_load_idx %arg4[%broadcast_in_dim3A_1208, %and3A_1218] : memref<128x256xf32, #tpu.memory_space<vmem>>[vector<16xi32>, vector<16xi32>], vector<16xf32>,
          tpu.vector_store_idx %arg6[%iota3A, %broadcast_in_dim3A_1208], %gather3A_1219 : memref<64x128xf32, #tpu.memory_space<vmem>>[vector<16xi32>, vector<16xi32>], vector<16xf32>,
          %add3A_1221 = arith.constant 16 : i32
          %add3A_1222 = vector.broadcast %add3A_1221 : i32 to vector<16xi32>
          %add3A_1223 = arith.addi %iota3A, %add3A_1222 : vector<16xi32>
          tpu.vector_store_idx %arg6[%add3A_1223, %broadcast_in_dim3A_1208], %gather3A_1220 : memref<64x128xf32, #tpu.memory_space<vmem>>[vector<16xi32>, vector<16xi32>], vector<16xf32>,
          %add3A_1224 = arith.constant 14 : i32
          %add3A_1225 = arith.addi %mul3A_96, %add3A_1224 : i32
          %slice3A_1226 = vector.extract_strided_slice %select_n3A_931 {offsets = [14], sizes = [1], strides = [1]} : vector<16xi32> to vector<1xi32>
          %squeeze3A_1227 = vector.extract %slice3A_1226[0] : i32 from vector<1xi32>
          %broadcast_in_dim3A_1228 = vector.broadcast %squeeze3A_1227 : i32 to vector<16xi32>
          %broadcast_in_dim3A_1229 = vector.broadcast %add3A_1225 : i32 to vector<16xi32>
          %add3A_1230 = arith.addi %broadcast_in_dim3A_1228, %iota3A : vector<16xi32>
          %and3A_1231 = arith.constant 255 : i32
          %and3A_1232 = vector.broadcast %and3A_1231 : i32 to vector<16xi32>
          %and3A_1233 = arith.andi %add3A_1230, %and3A_1232 : vector<16xi32>
          %add3A_1234 = arith.constant 16 : i32
          %add3A_1235 = vector.broadcast %add3A_1234 : i32 to vector<16xi32>
          %add3A_1236 = arith.addi %and3A_1233, %add3A_1235 : vector<16xi32>
          %and3A_1237 = arith.constant 255 : i32
          %and3A_1238 = vector.broadcast %and3A_1237 : i32 to vector<16xi32>
          %and3A_1239 = arith.andi %add3A_1236, %and3A_1238 : vector<16xi32>
          %gather3A_1240 = tpu.vector_load_idx %arg4[%broadcast_in_dim3A_1229, %and3A_1233] : memref<128x256xf32, #tpu.memory_space<vmem>>[vector<16xi32>, vector<16xi32>], vector<16xf32>,
          %gather3A_1241 = tpu.vector_load_idx %arg4[%broadcast_in_dim3A_1229, %and3A_1239] : memref<128x256xf32, #tpu.memory_space<vmem>>[vector<16xi32>, vector<16xi32>], vector<16xf32>,
          tpu.vector_store_idx %arg6[%iota3A, %broadcast_in_dim3A_1229], %gather3A_1240 : memref<64x128xf32, #tpu.memory_space<vmem>>[vector<16xi32>, vector<16xi32>], vector<16xf32>,
          %add3A_1242 = arith.constant 16 : i32
          %add3A_1243 = vector.broadcast %add3A_1242 : i32 to vector<16xi32>
          %add3A_1244 = arith.addi %iota3A, %add3A_1243 : vector<16xi32>
          tpu.vector_store_idx %arg6[%add3A_1244, %broadcast_in_dim3A_1229], %gather3A_1241 : memref<64x128xf32, #tpu.memory_space<vmem>>[vector<16xi32>, vector<16xi32>], vector<16xf32>,
          %add3A_1245 = arith.constant 15 : i32
          %add3A_1246 = arith.addi %mul3A_96, %add3A_1245 : i32
          %slice3A_1247 = vector.extract_strided_slice %select_n3A_931 {offsets = [15], sizes = [1], strides = [1]} : vector<16xi32> to vector<1xi32>
          %squeeze3A_1248 = vector.extract %slice3A_1247[0] : i32 from vector<1xi32>
          %broadcast_in_dim3A_1249 = vector.broadcast %squeeze3A_1248 : i32 to vector<16xi32>
          %broadcast_in_dim3A_1250 = vector.broadcast %add3A_1246 : i32 to vector<16xi32>
          %add3A_1251 = arith.addi %broadcast_in_dim3A_1249, %iota3A : vector<16xi32>
          %and3A_1252 = arith.constant 255 : i32
          %and3A_1253 = vector.broadcast %and3A_1252 : i32 to vector<16xi32>
          %and3A_1254 = arith.andi %add3A_1251, %and3A_1253 : vector<16xi32>
          %add3A_1255 = arith.constant 16 : i32
          %add3A_1256 = vector.broadcast %add3A_1255 : i32 to vector<16xi32>
          %add3A_1257 = arith.addi %and3A_1254, %add3A_1256 : vector<16xi32>
          %and3A_1258 = arith.constant 255 : i32
          %and3A_1259 = vector.broadcast %and3A_1258 : i32 to vector<16xi32>
          %and3A_1260 = arith.andi %add3A_1257, %and3A_1259 : vector<16xi32>
          %gather3A_1261 = tpu.vector_load_idx %arg4[%broadcast_in_dim3A_1250, %and3A_1254] : memref<128x256xf32, #tpu.memory_space<vmem>>[vector<16xi32>, vector<16xi32>], vector<16xf32>,
          %gather3A_1262 = tpu.vector_load_idx %arg4[%broadcast_in_dim3A_1250, %and3A_1260] : memref<128x256xf32, #tpu.memory_space<vmem>>[vector<16xi32>, vector<16xi32>], vector<16xf32>,
          tpu.vector_store_idx %arg6[%iota3A, %broadcast_in_dim3A_1250], %gather3A_1261 : memref<64x128xf32, #tpu.memory_space<vmem>>[vector<16xi32>, vector<16xi32>], vector<16xf32>,
          %add3A_1263 = arith.constant 16 : i32
          %add3A_1264 = vector.broadcast %add3A_1263 : i32 to vector<16xi32>
          %add3A_1265 = arith.addi %iota3A, %add3A_1264 : vector<16xi32>
          tpu.vector_store_idx %arg6[%add3A_1265, %broadcast_in_dim3A_1250], %gather3A_1262 : memref<64x128xf32, #tpu.memory_space<vmem>>[vector<16xi32>, vector<16xi32>], vector<16xf32>,
          %convert_element_type3A_1266 = arith.sitofp %select_n3A_931 : vector<16xi32> to vector<16xf32>
          %mul3A_1267 = arith.constant 3.906250e-03 : f32
          %mul3A_1268 = vector.broadcast %mul3A_1267 : f32 to vector<16xf32>
          %mul3A_1269 = arith.mulf %convert_element_type3A_1266, %mul3A_1268 : vector<16xf32>
          %swap3A_1270 = arith.constant 32 : i32
          %swap3A_1271 = arith.index_cast %swap3A_1270 : i32 to index
          %swap3A_1272 = arith.index_cast %mul3A_96 : i32 to index
          %swap3A_1273 = tpu.vector_load %arg6[%swap3A_1271, %swap3A_1272] {strides = array<i32>} : memref<64x128xf32, #tpu.memory_space<vmem>>, vector<16xf32>,
          tpu.vector_store %arg6[%swap3A_1271, %swap3A_1272], %mul3A_1269 {strides = array<i32>} : memref<64x128xf32, #tpu.memory_space<vmem>>, vector<16xf32>,
          %swap3A_1274 = arith.constant 33 : i32
          %swap3A_1275 = arith.index_cast %swap3A_1274 : i32 to index
          %swap3A_1276 = arith.index_cast %mul3A_96 : i32 to index
          %swap3A_1277 = tpu.vector_load %arg6[%swap3A_1275, %swap3A_1276] {strides = array<i32>} : memref<64x128xf32, #tpu.memory_space<vmem>>, vector<16xf32>,
          tpu.vector_store %arg6[%swap3A_1275, %swap3A_1276], %mul3A_1269 {strides = array<i32>} : memref<64x128xf32, #tpu.memory_space<vmem>>, vector<16xf32>,
          %swap3A_1278 = arith.constant 34 : i32
          %swap3A_1279 = arith.index_cast %swap3A_1278 : i32 to index
          %swap3A_1280 = arith.index_cast %mul3A_96 : i32 to index
          %swap3A_1281 = tpu.vector_load %arg6[%swap3A_1279, %swap3A_1280] {strides = array<i32>} : memref<64x128xf32, #tpu.memory_space<vmem>>, vector<16xf32>,
          tpu.vector_store %arg6[%swap3A_1279, %swap3A_1280], %mul3A_1269 {strides = array<i32>} : memref<64x128xf32, #tpu.memory_space<vmem>>, vector<16xf32>,
          %swap3A_1282 = arith.constant 35 : i32
          %swap3A_1283 = arith.index_cast %swap3A_1282 : i32 to index
          %swap3A_1284 = arith.index_cast %mul3A_96 : i32 to index
          %swap3A_1285 = tpu.vector_load %arg6[%swap3A_1283, %swap3A_1284] {strides = array<i32>} : memref<64x128xf32, #tpu.memory_space<vmem>>, vector<16xf32>,
          tpu.vector_store %arg6[%swap3A_1283, %swap3A_1284], %mul3A_1269 {strides = array<i32>} : memref<64x128xf32, #tpu.memory_space<vmem>>, vector<16xf32>,
          %swap3A_1286 = arith.constant 36 : i32
          %swap3A_1287 = arith.index_cast %swap3A_1286 : i32 to index
          %swap3A_1288 = arith.index_cast %mul3A_96 : i32 to index
          %swap3A_1289 = tpu.vector_load %arg6[%swap3A_1287, %swap3A_1288] {strides = array<i32>} : memref<64x128xf32, #tpu.memory_space<vmem>>, vector<16xf32>,
          tpu.vector_store %arg6[%swap3A_1287, %swap3A_1288], %mul3A_1269 {strides = array<i32>} : memref<64x128xf32, #tpu.memory_space<vmem>>, vector<16xf32>,
          %swap3A_1290 = arith.constant 37 : i32
          %swap3A_1291 = arith.index_cast %swap3A_1290 : i32 to index
          %swap3A_1292 = arith.index_cast %mul3A_96 : i32 to index
          %swap3A_1293 = tpu.vector_load %arg6[%swap3A_1291, %swap3A_1292] {strides = array<i32>} : memref<64x128xf32, #tpu.memory_space<vmem>>, vector<16xf32>,
          tpu.vector_store %arg6[%swap3A_1291, %swap3A_1292], %mul3A_1269 {strides = array<i32>} : memref<64x128xf32, #tpu.memory_space<vmem>>, vector<16xf32>,
          %swap3A_1294 = arith.constant 38 : i32
          %swap3A_1295 = arith.index_cast %swap3A_1294 : i32 to index
          %swap3A_1296 = arith.index_cast %mul3A_96 : i32 to index
          %swap3A_1297 = tpu.vector_load %arg6[%swap3A_1295, %swap3A_1296] {strides = array<i32>} : memref<64x128xf32, #tpu.memory_space<vmem>>, vector<16xf32>,
          tpu.vector_store %arg6[%swap3A_1295, %swap3A_1296], %mul3A_1269 {strides = array<i32>} : memref<64x128xf32, #tpu.memory_space<vmem>>, vector<16xf32>,
          %swap3A_1298 = arith.constant 39 : i32
          %swap3A_1299 = arith.index_cast %swap3A_1298 : i32 to index
          %swap3A_1300 = arith.index_cast %mul3A_96 : i32 to index
          %swap3A_1301 = tpu.vector_load %arg6[%swap3A_1299, %swap3A_1300] {strides = array<i32>} : memref<64x128xf32, #tpu.memory_space<vmem>>, vector<16xf32>,
          tpu.vector_store %arg6[%swap3A_1299, %swap3A_1300], %mul3A_1269 {strides = array<i32>} : memref<64x128xf32, #tpu.memory_space<vmem>>, vector<16xf32>,
          %swap3A_1302 = arith.constant 40 : i32
          %swap3A_1303 = arith.index_cast %swap3A_1302 : i32 to index
          %swap3A_1304 = arith.index_cast %mul3A_96 : i32 to index
          %swap3A_1305 = tpu.vector_load %arg6[%swap3A_1303, %swap3A_1304] {strides = array<i32>} : memref<64x128xf32, #tpu.memory_space<vmem>>, vector<16xf32>,
          tpu.vector_store %arg6[%swap3A_1303, %swap3A_1304], %mul3A_1269 {strides = array<i32>} : memref<64x128xf32, #tpu.memory_space<vmem>>, vector<16xf32>,
          %swap3A_1306 = arith.constant 41 : i32
          %swap3A_1307 = arith.index_cast %swap3A_1306 : i32 to index
          %swap3A_1308 = arith.index_cast %mul3A_96 : i32 to index
          %swap3A_1309 = tpu.vector_load %arg6[%swap3A_1307, %swap3A_1308] {strides = array<i32>} : memref<64x128xf32, #tpu.memory_space<vmem>>, vector<16xf32>,
          tpu.vector_store %arg6[%swap3A_1307, %swap3A_1308], %mul3A_1269 {strides = array<i32>} : memref<64x128xf32, #tpu.memory_space<vmem>>, vector<16xf32>,
          %swap3A_1310 = arith.constant 42 : i32
          %swap3A_1311 = arith.index_cast %swap3A_1310 : i32 to index
          %swap3A_1312 = arith.index_cast %mul3A_96 : i32 to index
          %swap3A_1313 = tpu.vector_load %arg6[%swap3A_1311, %swap3A_1312] {strides = array<i32>} : memref<64x128xf32, #tpu.memory_space<vmem>>, vector<16xf32>,
          tpu.vector_store %arg6[%swap3A_1311, %swap3A_1312], %mul3A_1269 {strides = array<i32>} : memref<64x128xf32, #tpu.memory_space<vmem>>, vector<16xf32>,
          %swap3A_1314 = arith.constant 43 : i32
          %swap3A_1315 = arith.index_cast %swap3A_1314 : i32 to index
          %swap3A_1316 = arith.index_cast %mul3A_96 : i32 to index
          %swap3A_1317 = tpu.vector_load %arg6[%swap3A_1315, %swap3A_1316] {strides = array<i32>} : memref<64x128xf32, #tpu.memory_space<vmem>>, vector<16xf32>,
          tpu.vector_store %arg6[%swap3A_1315, %swap3A_1316], %mul3A_1269 {strides = array<i32>} : memref<64x128xf32, #tpu.memory_space<vmem>>, vector<16xf32>,
          %swap3A_1318 = arith.constant 44 : i32
          %swap3A_1319 = arith.index_cast %swap3A_1318 : i32 to index
          %swap3A_1320 = arith.index_cast %mul3A_96 : i32 to index
          %swap3A_1321 = tpu.vector_load %arg6[%swap3A_1319, %swap3A_1320] {strides = array<i32>} : memref<64x128xf32, #tpu.memory_space<vmem>>, vector<16xf32>,
          tpu.vector_store %arg6[%swap3A_1319, %swap3A_1320], %mul3A_1269 {strides = array<i32>} : memref<64x128xf32, #tpu.memory_space<vmem>>, vector<16xf32>,
          %swap3A_1322 = arith.constant 45 : i32
          %swap3A_1323 = arith.index_cast %swap3A_1322 : i32 to index
          %swap3A_1324 = arith.index_cast %mul3A_96 : i32 to index
          %swap3A_1325 = tpu.vector_load %arg6[%swap3A_1323, %swap3A_1324] {strides = array<i32>} : memref<64x128xf32, #tpu.memory_space<vmem>>, vector<16xf32>,
          tpu.vector_store %arg6[%swap3A_1323, %swap3A_1324], %mul3A_1269 {strides = array<i32>} : memref<64x128xf32, #tpu.memory_space<vmem>>, vector<16xf32>,
          %swap3A_1326 = arith.constant 46 : i32
          %swap3A_1327 = arith.index_cast %swap3A_1326 : i32 to index
          %swap3A_1328 = arith.index_cast %mul3A_96 : i32 to index
          %swap3A_1329 = tpu.vector_load %arg6[%swap3A_1327, %swap3A_1328] {strides = array<i32>} : memref<64x128xf32, #tpu.memory_space<vmem>>, vector<16xf32>,
          tpu.vector_store %arg6[%swap3A_1327, %swap3A_1328], %mul3A_1269 {strides = array<i32>} : memref<64x128xf32, #tpu.memory_space<vmem>>, vector<16xf32>,
          %swap3A_1330 = arith.constant 47 : i32
          %swap3A_1331 = arith.index_cast %swap3A_1330 : i32 to index
          %swap3A_1332 = arith.index_cast %mul3A_96 : i32 to index
          %swap3A_1333 = tpu.vector_load %arg6[%swap3A_1331, %swap3A_1332] {strides = array<i32>} : memref<64x128xf32, #tpu.memory_space<vmem>>, vector<16xf32>,
          tpu.vector_store %arg6[%swap3A_1331, %swap3A_1332], %mul3A_1269 {strides = array<i32>} : memref<64x128xf32, #tpu.memory_space<vmem>>, vector<16xf32>,
          %swap3A_1334 = arith.constant 48 : i32
          %swap3A_1335 = arith.index_cast %swap3A_1334 : i32 to index
          %swap3A_1336 = arith.index_cast %mul3A_96 : i32 to index
          %swap3A_1337 = tpu.vector_load %arg6[%swap3A_1335, %swap3A_1336] {strides = array<i32>} : memref<64x128xf32, #tpu.memory_space<vmem>>, vector<16xf32>,
          tpu.vector_store %arg6[%swap3A_1335, %swap3A_1336], %mul3A_1269 {strides = array<i32>} : memref<64x128xf32, #tpu.memory_space<vmem>>, vector<16xf32>,
          %swap3A_1338 = arith.constant 49 : i32
          %swap3A_1339 = arith.index_cast %swap3A_1338 : i32 to index
          %swap3A_1340 = arith.index_cast %mul3A_96 : i32 to index
          %swap3A_1341 = tpu.vector_load %arg6[%swap3A_1339, %swap3A_1340] {strides = array<i32>} : memref<64x128xf32, #tpu.memory_space<vmem>>, vector<16xf32>,
          tpu.vector_store %arg6[%swap3A_1339, %swap3A_1340], %mul3A_1269 {strides = array<i32>} : memref<64x128xf32, #tpu.memory_space<vmem>>, vector<16xf32>,
          %swap3A_1342 = arith.constant 50 : i32
          %swap3A_1343 = arith.index_cast %swap3A_1342 : i32 to index
          %swap3A_1344 = arith.index_cast %mul3A_96 : i32 to index
          %swap3A_1345 = tpu.vector_load %arg6[%swap3A_1343, %swap3A_1344] {strides = array<i32>} : memref<64x128xf32, #tpu.memory_space<vmem>>, vector<16xf32>,
          tpu.vector_store %arg6[%swap3A_1343, %swap3A_1344], %mul3A_1269 {strides = array<i32>} : memref<64x128xf32, #tpu.memory_space<vmem>>, vector<16xf32>,
          %swap3A_1346 = arith.constant 51 : i32
          %swap3A_1347 = arith.index_cast %swap3A_1346 : i32 to index
          %swap3A_1348 = arith.index_cast %mul3A_96 : i32 to index
          %swap3A_1349 = tpu.vector_load %arg6[%swap3A_1347, %swap3A_1348] {strides = array<i32>} : memref<64x128xf32, #tpu.memory_space<vmem>>, vector<16xf32>,
          tpu.vector_store %arg6[%swap3A_1347, %swap3A_1348], %mul3A_1269 {strides = array<i32>} : memref<64x128xf32, #tpu.memory_space<vmem>>, vector<16xf32>,
          %swap3A_1350 = arith.constant 52 : i32
          %swap3A_1351 = arith.index_cast %swap3A_1350 : i32 to index
          %swap3A_1352 = arith.index_cast %mul3A_96 : i32 to index
          %swap3A_1353 = tpu.vector_load %arg6[%swap3A_1351, %swap3A_1352] {strides = array<i32>} : memref<64x128xf32, #tpu.memory_space<vmem>>, vector<16xf32>,
          tpu.vector_store %arg6[%swap3A_1351, %swap3A_1352], %mul3A_1269 {strides = array<i32>} : memref<64x128xf32, #tpu.memory_space<vmem>>, vector<16xf32>,
          %swap3A_1354 = arith.constant 53 : i32
          %swap3A_1355 = arith.index_cast %swap3A_1354 : i32 to index
          %swap3A_1356 = arith.index_cast %mul3A_96 : i32 to index
          %swap3A_1357 = tpu.vector_load %arg6[%swap3A_1355, %swap3A_1356] {strides = array<i32>} : memref<64x128xf32, #tpu.memory_space<vmem>>, vector<16xf32>,
          tpu.vector_store %arg6[%swap3A_1355, %swap3A_1356], %mul3A_1269 {strides = array<i32>} : memref<64x128xf32, #tpu.memory_space<vmem>>, vector<16xf32>,
          %swap3A_1358 = arith.constant 54 : i32
          %swap3A_1359 = arith.index_cast %swap3A_1358 : i32 to index
          %swap3A_1360 = arith.index_cast %mul3A_96 : i32 to index
          %swap3A_1361 = tpu.vector_load %arg6[%swap3A_1359, %swap3A_1360] {strides = array<i32>} : memref<64x128xf32, #tpu.memory_space<vmem>>, vector<16xf32>,
          tpu.vector_store %arg6[%swap3A_1359, %swap3A_1360], %mul3A_1269 {strides = array<i32>} : memref<64x128xf32, #tpu.memory_space<vmem>>, vector<16xf32>,
          %swap3A_1362 = arith.constant 55 : i32
          %swap3A_1363 = arith.index_cast %swap3A_1362 : i32 to index
          %swap3A_1364 = arith.index_cast %mul3A_96 : i32 to index
          %swap3A_1365 = tpu.vector_load %arg6[%swap3A_1363, %swap3A_1364] {strides = array<i32>} : memref<64x128xf32, #tpu.memory_space<vmem>>, vector<16xf32>,
          tpu.vector_store %arg6[%swap3A_1363, %swap3A_1364], %mul3A_1269 {strides = array<i32>} : memref<64x128xf32, #tpu.memory_space<vmem>>, vector<16xf32>,
          %swap3A_1366 = arith.constant 56 : i32
          %swap3A_1367 = arith.index_cast %swap3A_1366 : i32 to index
          %swap3A_1368 = arith.index_cast %mul3A_96 : i32 to index
          %swap3A_1369 = tpu.vector_load %arg6[%swap3A_1367, %swap3A_1368] {strides = array<i32>} : memref<64x128xf32, #tpu.memory_space<vmem>>, vector<16xf32>,
          tpu.vector_store %arg6[%swap3A_1367, %swap3A_1368], %mul3A_1269 {strides = array<i32>} : memref<64x128xf32, #tpu.memory_space<vmem>>, vector<16xf32>,
          %swap3A_1370 = arith.constant 57 : i32
          %swap3A_1371 = arith.index_cast %swap3A_1370 : i32 to index
          %swap3A_1372 = arith.index_cast %mul3A_96 : i32 to index
          %swap3A_1373 = tpu.vector_load %arg6[%swap3A_1371, %swap3A_1372] {strides = array<i32>} : memref<64x128xf32, #tpu.memory_space<vmem>>, vector<16xf32>,
          tpu.vector_store %arg6[%swap3A_1371, %swap3A_1372], %mul3A_1269 {strides = array<i32>} : memref<64x128xf32, #tpu.memory_space<vmem>>, vector<16xf32>,
          %swap3A_1374 = arith.constant 58 : i32
          %swap3A_1375 = arith.index_cast %swap3A_1374 : i32 to index
          %swap3A_1376 = arith.index_cast %mul3A_96 : i32 to index
          %swap3A_1377 = tpu.vector_load %arg6[%swap3A_1375, %swap3A_1376] {strides = array<i32>} : memref<64x128xf32, #tpu.memory_space<vmem>>, vector<16xf32>,
          tpu.vector_store %arg6[%swap3A_1375, %swap3A_1376], %mul3A_1269 {strides = array<i32>} : memref<64x128xf32, #tpu.memory_space<vmem>>, vector<16xf32>,
          %swap3A_1378 = arith.constant 59 : i32
          %swap3A_1379 = arith.index_cast %swap3A_1378 : i32 to index
          %swap3A_1380 = arith.index_cast %mul3A_96 : i32 to index
          %swap3A_1381 = tpu.vector_load %arg6[%swap3A_1379, %swap3A_1380] {strides = array<i32>} : memref<64x128xf32, #tpu.memory_space<vmem>>, vector<16xf32>,
          tpu.vector_store %arg6[%swap3A_1379, %swap3A_1380], %mul3A_1269 {strides = array<i32>} : memref<64x128xf32, #tpu.memory_space<vmem>>, vector<16xf32>,
          %swap3A_1382 = arith.constant 60 : i32
          %swap3A_1383 = arith.index_cast %swap3A_1382 : i32 to index
          %swap3A_1384 = arith.index_cast %mul3A_96 : i32 to index
          %swap3A_1385 = tpu.vector_load %arg6[%swap3A_1383, %swap3A_1384] {strides = array<i32>} : memref<64x128xf32, #tpu.memory_space<vmem>>, vector<16xf32>,
          tpu.vector_store %arg6[%swap3A_1383, %swap3A_1384], %mul3A_1269 {strides = array<i32>} : memref<64x128xf32, #tpu.memory_space<vmem>>, vector<16xf32>,
          %swap3A_1386 = arith.constant 61 : i32
          %swap3A_1387 = arith.index_cast %swap3A_1386 : i32 to index
          %swap3A_1388 = arith.index_cast %mul3A_96 : i32 to index
          %swap3A_1389 = tpu.vector_load %arg6[%swap3A_1387, %swap3A_1388] {strides = array<i32>} : memref<64x128xf32, #tpu.memory_space<vmem>>, vector<16xf32>,
          tpu.vector_store %arg6[%swap3A_1387, %swap3A_1388], %mul3A_1269 {strides = array<i32>} : memref<64x128xf32, #tpu.memory_space<vmem>>, vector<16xf32>,
          %swap3A_1390 = arith.constant 62 : i32
          %swap3A_1391 = arith.index_cast %swap3A_1390 : i32 to index
          %swap3A_1392 = arith.index_cast %mul3A_96 : i32 to index
          %swap3A_1393 = tpu.vector_load %arg6[%swap3A_1391, %swap3A_1392] {strides = array<i32>} : memref<64x128xf32, #tpu.memory_space<vmem>>, vector<16xf32>,
          tpu.vector_store %arg6[%swap3A_1391, %swap3A_1392], %mul3A_1269 {strides = array<i32>} : memref<64x128xf32, #tpu.memory_space<vmem>>, vector<16xf32>,
          %swap3A_1394 = arith.constant 63 : i32
          %swap3A_1395 = arith.index_cast %swap3A_1394 : i32 to index
          %swap3A_1396 = arith.index_cast %mul3A_96 : i32 to index
          %swap3A_1397 = tpu.vector_load %arg6[%swap3A_1395, %swap3A_1396] {strides = array<i32>} : memref<64x128xf32, #tpu.memory_space<vmem>>, vector<16xf32>,
          tpu.vector_store %arg6[%swap3A_1395, %swap3A_1396], %mul3A_1269 {strides = array<i32>} : memref<64x128xf32, #tpu.memory_space<vmem>>, vector<16xf32>,
        } else {
        }
        %scan3A_639 = arith.constant 0 : i32
        scf.yield %scan3A_639 : i32
      }
      %scan3A_51 = arith.constant 8 : i32
      %mul3A_52 = arith.constant 128 : i32
      %mul3A_53 = arith.muli %mul3A_26, %mul3A_52 : i32
      %add3A_54 = arith.addi %mul3A_2, %mul3A_53 : i32
      %dma_start3A_55 = arith.constant 0 : i32
      %dma_start3A_56 = tpu.memref_slice %arg3[%dma_start3A_55, %add3A_54] : memref<64x65536xf32, #tpu.memory_space<hbm>> -> memref<64x128xf32, #tpu.memory_space<hbm>>
      %dma_start3A_57 = arith.constant 0 : i32
      %dma_start3A_58 = tpu.memref_slice %arg3[%dma_start3A_57, %add3A_54] : memref<64x65536xf32, #tpu.memory_space<hbm>> -> memref<64x128xf32, #tpu.memory_space<hbm>>
      tpu.enqueue_dma source(%arg6 : memref<64x128xf32, #tpu.memory_space<vmem>>) target(%dma_start3A_58 : memref<64x128xf32, #tpu.memory_space<hbm>>) target_semaphore(%arg10 : memref<!tpu.dma_semaphore, #tpu.memory_space<semaphore_mem>>)
      %lt3A = arith.constant 7 : i32
      %lt3A_59 = arith.cmpi slt, %scan3A_24, %lt3A : i32
      %convert_element_type3A_60 = arith.extui %lt3A_59 : i1 to i32
      %cond3A_61 = arith.constant 0 : i32
      %cond3A_62 = arith.cmpi ne, %convert_element_type3A_60, %cond3A_61 : i32
      scf.if %cond3A_62 {
        %add3A_93 = arith.constant 2 : i32
        %add3A_94 = arith.addi %mul3A_26, %add3A_93 : i32
        %mul3A_95 = arith.constant 128 : i32
        %mul3A_96 = arith.muli %add3A_94, %mul3A_95 : i32
        %add3A_97 = arith.addi %mul3A_2, %mul3A_96 : i32
        %dma_start3A_98 = arith.constant 0 : i32
        %dma_start3A_99 = tpu.memref_slice %arg2[%add3A_97, %dma_start3A_98] : memref<65536x256xf32, #tpu.memory_space<hbm>> -> memref<128x256xf32, #tpu.memory_space<hbm>>
        %dma_start3A_100 = arith.constant 0 : i32
        %dma_start3A_101 = tpu.memref_slice %arg2[%add3A_97, %dma_start3A_100] : memref<65536x256xf32, #tpu.memory_space<hbm>> -> memref<128x256xf32, #tpu.memory_space<hbm>>
        tpu.enqueue_dma source(%dma_start3A_101 : memref<128x256xf32, #tpu.memory_space<hbm>>) target(%arg4 : memref<128x256xf32, #tpu.memory_space<vmem>>) target_semaphore(%arg8 : memref<!tpu.dma_semaphore, #tpu.memory_space<semaphore_mem>>)
      } else {
      }
      %add3A_63 = arith.constant 1 : i32
      %add3A_64 = arith.addi %mul3A_26, %add3A_63 : i32
      %mul3A_65 = arith.constant 128 : i32
      %mul3A_66 = arith.muli %add3A_64, %mul3A_65 : i32
      %add3A_67 = arith.addi %mul3A_2, %mul3A_66 : i32
      %dma_wait3A_68 = arith.constant 0 : i32
      %dma_wait3A_69 = tpu.memref_slice %arg2[%add3A_67, %dma_wait3A_68] : memref<65536x256xf32, #tpu.memory_space<hbm>> -> memref<128x256xf32, #tpu.memory_space<hbm>>
      %dma_wait3A_70 = arith.constant 0 : i32
      %dma_wait3A_71 = tpu.memref_slice %arg2[%add3A_67, %dma_wait3A_70] : memref<65536x256xf32, #tpu.memory_space<hbm>> -> memref<128x256xf32, #tpu.memory_space<hbm>>
      tpu.wait_dma2 semaphore(%arg9 : memref<!tpu.dma_semaphore, #tpu.memory_space<semaphore_mem>>) src(%dma_wait3A_71 : memref<128x256xf32, #tpu.memory_space<hbm>>) dst(%arg5 : memref<128x256xf32, #tpu.memory_space<vmem>>)
      %gt3A_72 = arith.constant 0 : i32
      %gt3A_73 = arith.cmpi sgt, %scan3A_24, %gt3A_72 : i32
      %convert_element_type3A_74 = arith.extui %gt3A_73 : i1 to i32
      %cond3A_75 = arith.constant 0 : i32
      %cond3A_76 = arith.cmpi ne, %convert_element_type3A_74, %cond3A_75 : i32
      scf.if %cond3A_76 {
        %mul3A_93 = arith.constant 2 : i32
        %mul3A_94 = arith.muli %mul3A_93, %scan3A_24 : i32
        %sub3A = arith.constant 1 : i32
        %sub3A_95 = arith.subi %mul3A_94, %sub3A : i32
        %mul3A_96 = arith.constant 128 : i32
        %mul3A_97 = arith.muli %sub3A_95, %mul3A_96 : i32
        %add3A_98 = arith.addi %mul3A_2, %mul3A_97 : i32
        %dma_wait3A_99 = arith.constant 0 : i32
        %dma_wait3A_100 = tpu.memref_slice %arg3[%dma_wait3A_99, %add3A_98] : memref<64x65536xf32, #tpu.memory_space<hbm>> -> memref<64x128xf32, #tpu.memory_space<hbm>>
        %dma_wait3A_101 = arith.constant 0 : i32
        %dma_wait3A_102 = tpu.memref_slice %arg3[%dma_wait3A_101, %add3A_98] : memref<64x65536xf32, #tpu.memory_space<hbm>> -> memref<64x128xf32, #tpu.memory_space<hbm>>
        tpu.wait_dma2 semaphore(%arg11 : memref<!tpu.dma_semaphore, #tpu.memory_space<semaphore_mem>>) src(%arg7 : memref<64x128xf32, #tpu.memory_space<vmem>>) dst(%dma_wait3A_102 : memref<64x128xf32, #tpu.memory_space<hbm>>)
      } else {
      }
      %scan3A_77 = arith.constant 0 : i32
      %scan3A_78 = arith.constant 0 : i32
      %scan3A_79 = arith.constant 8 : i32
      %scan3A_80 = arith.addi %scan3A_78, %scan3A_79 : i32
      %scan3A_81 = arith.constant 1 : i32
      %scan3A_82 = scf.for %scan3A_93 = %scan3A_78 to %scan3A_80 step %scan3A_81 iter_args(%scan3A_94 = %scan3A_77) -> (i32)  : i32 {
        %mul3A_95 = arith.constant 16 : i32
        %mul3A_96 = arith.muli %scan3A_93, %mul3A_95 : i32
        %add3A_97 = arith.constant 0 : i32
        %add3A_98 = arith.addi %mul3A_96, %add3A_97 : i32
        %get3A = arith.index_cast %add3A_98 : i32 to index
        %get3A_99 = arith.constant 0 : index
        %get3A_100 = tpu.vector_load %arg5[%get3A, %get3A_99] {strides = array<i32>} : memref<128x256xf32, #tpu.memory_space<vmem>>, vector<16xf32>,
        %gt3A_101 = arith.constant 1.500000e-01 : f32
        %gt3A_102 = vector.broadcast %gt3A_101 : f32 to vector<16xf32>
        %gt3A_103 = arith.cmpf ogt, %get3A_100, %gt3A_102 : vector<16xf32>
        %all_reduce_ffs3A = tpu.all_reduce %gt3A_103 {dim = 0 : i64, kind = #tpu.reduction_kind<find_first_set>} : vector<16xi1> -> vector<16xi32>
        %add3A_104 = arith.constant 1 : i32
        %add3A_105 = arith.addi %mul3A_96, %add3A_104 : i32
        %get3A_106 = arith.index_cast %add3A_105 : i32 to index
        %get3A_107 = arith.constant 0 : index
        %get3A_108 = tpu.vector_load %arg5[%get3A_106, %get3A_107] {strides = array<i32>} : memref<128x256xf32, #tpu.memory_space<vmem>>, vector<16xf32>,
        %gt3A_109 = arith.constant 1.500000e-01 : f32
        %gt3A_110 = vector.broadcast %gt3A_109 : f32 to vector<16xf32>
        %gt3A_111 = arith.cmpf ogt, %get3A_108, %gt3A_110 : vector<16xf32>
        %all_reduce_ffs3A_112 = tpu.all_reduce %gt3A_111 {dim = 0 : i64, kind = #tpu.reduction_kind<find_first_set>} : vector<16xi1> -> vector<16xi32>
        %add3A_113 = arith.constant 2 : i32
        %add3A_114 = arith.addi %mul3A_96, %add3A_113 : i32
        %get3A_115 = arith.index_cast %add3A_114 : i32 to index
        %get3A_116 = arith.constant 0 : index
        %get3A_117 = tpu.vector_load %arg5[%get3A_115, %get3A_116] {strides = array<i32>} : memref<128x256xf32, #tpu.memory_space<vmem>>, vector<16xf32>,
        %gt3A_118 = arith.constant 1.500000e-01 : f32
        %gt3A_119 = vector.broadcast %gt3A_118 : f32 to vector<16xf32>
        %gt3A_120 = arith.cmpf ogt, %get3A_117, %gt3A_119 : vector<16xf32>
        %all_reduce_ffs3A_121 = tpu.all_reduce %gt3A_120 {dim = 0 : i64, kind = #tpu.reduction_kind<find_first_set>} : vector<16xi1> -> vector<16xi32>
        %add3A_122 = arith.constant 3 : i32
        %add3A_123 = arith.addi %mul3A_96, %add3A_122 : i32
        %get3A_124 = arith.index_cast %add3A_123 : i32 to index
        %get3A_125 = arith.constant 0 : index
        %get3A_126 = tpu.vector_load %arg5[%get3A_124, %get3A_125] {strides = array<i32>} : memref<128x256xf32, #tpu.memory_space<vmem>>, vector<16xf32>,
        %gt3A_127 = arith.constant 1.500000e-01 : f32
        %gt3A_128 = vector.broadcast %gt3A_127 : f32 to vector<16xf32>
        %gt3A_129 = arith.cmpf ogt, %get3A_126, %gt3A_128 : vector<16xf32>
        %all_reduce_ffs3A_130 = tpu.all_reduce %gt3A_129 {dim = 0 : i64, kind = #tpu.reduction_kind<find_first_set>} : vector<16xi1> -> vector<16xi32>
        %add3A_131 = arith.constant 4 : i32
        %add3A_132 = arith.addi %mul3A_96, %add3A_131 : i32
        %get3A_133 = arith.index_cast %add3A_132 : i32 to index
        %get3A_134 = arith.constant 0 : index
        %get3A_135 = tpu.vector_load %arg5[%get3A_133, %get3A_134] {strides = array<i32>} : memref<128x256xf32, #tpu.memory_space<vmem>>, vector<16xf32>,
        %gt3A_136 = arith.constant 1.500000e-01 : f32
        %gt3A_137 = vector.broadcast %gt3A_136 : f32 to vector<16xf32>
        %gt3A_138 = arith.cmpf ogt, %get3A_135, %gt3A_137 : vector<16xf32>
        %all_reduce_ffs3A_139 = tpu.all_reduce %gt3A_138 {dim = 0 : i64, kind = #tpu.reduction_kind<find_first_set>} : vector<16xi1> -> vector<16xi32>
        %add3A_140 = arith.constant 5 : i32
        %add3A_141 = arith.addi %mul3A_96, %add3A_140 : i32
        %get3A_142 = arith.index_cast %add3A_141 : i32 to index
        %get3A_143 = arith.constant 0 : index
        %get3A_144 = tpu.vector_load %arg5[%get3A_142, %get3A_143] {strides = array<i32>} : memref<128x256xf32, #tpu.memory_space<vmem>>, vector<16xf32>,
        %gt3A_145 = arith.constant 1.500000e-01 : f32
        %gt3A_146 = vector.broadcast %gt3A_145 : f32 to vector<16xf32>
        %gt3A_147 = arith.cmpf ogt, %get3A_144, %gt3A_146 : vector<16xf32>
        %all_reduce_ffs3A_148 = tpu.all_reduce %gt3A_147 {dim = 0 : i64, kind = #tpu.reduction_kind<find_first_set>} : vector<16xi1> -> vector<16xi32>
        %add3A_149 = arith.constant 6 : i32
        %add3A_150 = arith.addi %mul3A_96, %add3A_149 : i32
        %get3A_151 = arith.index_cast %add3A_150 : i32 to index
        %get3A_152 = arith.constant 0 : index
        %get3A_153 = tpu.vector_load %arg5[%get3A_151, %get3A_152] {strides = array<i32>} : memref<128x256xf32, #tpu.memory_space<vmem>>, vector<16xf32>,
        %gt3A_154 = arith.constant 1.500000e-01 : f32
        %gt3A_155 = vector.broadcast %gt3A_154 : f32 to vector<16xf32>
        %gt3A_156 = arith.cmpf ogt, %get3A_153, %gt3A_155 : vector<16xf32>
        %all_reduce_ffs3A_157 = tpu.all_reduce %gt3A_156 {dim = 0 : i64, kind = #tpu.reduction_kind<find_first_set>} : vector<16xi1> -> vector<16xi32>
        %add3A_158 = arith.constant 7 : i32
        %add3A_159 = arith.addi %mul3A_96, %add3A_158 : i32
        %get3A_160 = arith.index_cast %add3A_159 : i32 to index
        %get3A_161 = arith.constant 0 : index
        %get3A_162 = tpu.vector_load %arg5[%get3A_160, %get3A_161] {strides = array<i32>} : memref<128x256xf32, #tpu.memory_space<vmem>>, vector<16xf32>,
        %gt3A_163 = arith.constant 1.500000e-01 : f32
        %gt3A_164 = vector.broadcast %gt3A_163 : f32 to vector<16xf32>
        %gt3A_165 = arith.cmpf ogt, %get3A_162, %gt3A_164 : vector<16xf32>
        %all_reduce_ffs3A_166 = tpu.all_reduce %gt3A_165 {dim = 0 : i64, kind = #tpu.reduction_kind<find_first_set>} : vector<16xi1> -> vector<16xi32>
        %add3A_167 = arith.constant 8 : i32
        %add3A_168 = arith.addi %mul3A_96, %add3A_167 : i32
        %get3A_169 = arith.index_cast %add3A_168 : i32 to index
        %get3A_170 = arith.constant 0 : index
        %get3A_171 = tpu.vector_load %arg5[%get3A_169, %get3A_170] {strides = array<i32>} : memref<128x256xf32, #tpu.memory_space<vmem>>, vector<16xf32>,
        %gt3A_172 = arith.constant 1.500000e-01 : f32
        %gt3A_173 = vector.broadcast %gt3A_172 : f32 to vector<16xf32>
        %gt3A_174 = arith.cmpf ogt, %get3A_171, %gt3A_173 : vector<16xf32>
        %all_reduce_ffs3A_175 = tpu.all_reduce %gt3A_174 {dim = 0 : i64, kind = #tpu.reduction_kind<find_first_set>} : vector<16xi1> -> vector<16xi32>
        %add3A_176 = arith.constant 9 : i32
        %add3A_177 = arith.addi %mul3A_96, %add3A_176 : i32
        %get3A_178 = arith.index_cast %add3A_177 : i32 to index
        %get3A_179 = arith.constant 0 : index
        %get3A_180 = tpu.vector_load %arg5[%get3A_178, %get3A_179] {strides = array<i32>} : memref<128x256xf32, #tpu.memory_space<vmem>>, vector<16xf32>,
        %gt3A_181 = arith.constant 1.500000e-01 : f32
        %gt3A_182 = vector.broadcast %gt3A_181 : f32 to vector<16xf32>
        %gt3A_183 = arith.cmpf ogt, %get3A_180, %gt3A_182 : vector<16xf32>
        %all_reduce_ffs3A_184 = tpu.all_reduce %gt3A_183 {dim = 0 : i64, kind = #tpu.reduction_kind<find_first_set>} : vector<16xi1> -> vector<16xi32>
        %add3A_185 = arith.constant 10 : i32
        %add3A_186 = arith.addi %mul3A_96, %add3A_185 : i32
        %get3A_187 = arith.index_cast %add3A_186 : i32 to index
        %get3A_188 = arith.constant 0 : index
        %get3A_189 = tpu.vector_load %arg5[%get3A_187, %get3A_188] {strides = array<i32>} : memref<128x256xf32, #tpu.memory_space<vmem>>, vector<16xf32>,
        %gt3A_190 = arith.constant 1.500000e-01 : f32
        %gt3A_191 = vector.broadcast %gt3A_190 : f32 to vector<16xf32>
        %gt3A_192 = arith.cmpf ogt, %get3A_189, %gt3A_191 : vector<16xf32>
        %all_reduce_ffs3A_193 = tpu.all_reduce %gt3A_192 {dim = 0 : i64, kind = #tpu.reduction_kind<find_first_set>} : vector<16xi1> -> vector<16xi32>
        %add3A_194 = arith.constant 11 : i32
        %add3A_195 = arith.addi %mul3A_96, %add3A_194 : i32
        %get3A_196 = arith.index_cast %add3A_195 : i32 to index
        %get3A_197 = arith.constant 0 : index
        %get3A_198 = tpu.vector_load %arg5[%get3A_196, %get3A_197] {strides = array<i32>} : memref<128x256xf32, #tpu.memory_space<vmem>>, vector<16xf32>,
        %gt3A_199 = arith.constant 1.500000e-01 : f32
        %gt3A_200 = vector.broadcast %gt3A_199 : f32 to vector<16xf32>
        %gt3A_201 = arith.cmpf ogt, %get3A_198, %gt3A_200 : vector<16xf32>
        %all_reduce_ffs3A_202 = tpu.all_reduce %gt3A_201 {dim = 0 : i64, kind = #tpu.reduction_kind<find_first_set>} : vector<16xi1> -> vector<16xi32>
        %add3A_203 = arith.constant 12 : i32
        %add3A_204 = arith.addi %mul3A_96, %add3A_203 : i32
        %get3A_205 = arith.index_cast %add3A_204 : i32 to index
        %get3A_206 = arith.constant 0 : index
        %get3A_207 = tpu.vector_load %arg5[%get3A_205, %get3A_206] {strides = array<i32>} : memref<128x256xf32, #tpu.memory_space<vmem>>, vector<16xf32>,
        %gt3A_208 = arith.constant 1.500000e-01 : f32
        %gt3A_209 = vector.broadcast %gt3A_208 : f32 to vector<16xf32>
        %gt3A_210 = arith.cmpf ogt, %get3A_207, %gt3A_209 : vector<16xf32>
        %all_reduce_ffs3A_211 = tpu.all_reduce %gt3A_210 {dim = 0 : i64, kind = #tpu.reduction_kind<find_first_set>} : vector<16xi1> -> vector<16xi32>
        %add3A_212 = arith.constant 13 : i32
        %add3A_213 = arith.addi %mul3A_96, %add3A_212 : i32
        %get3A_214 = arith.index_cast %add3A_213 : i32 to index
        %get3A_215 = arith.constant 0 : index
        %get3A_216 = tpu.vector_load %arg5[%get3A_214, %get3A_215] {strides = array<i32>} : memref<128x256xf32, #tpu.memory_space<vmem>>, vector<16xf32>,
        %gt3A_217 = arith.constant 1.500000e-01 : f32
        %gt3A_218 = vector.broadcast %gt3A_217 : f32 to vector<16xf32>
        %gt3A_219 = arith.cmpf ogt, %get3A_216, %gt3A_218 : vector<16xf32>
        %all_reduce_ffs3A_220 = tpu.all_reduce %gt3A_219 {dim = 0 : i64, kind = #tpu.reduction_kind<find_first_set>} : vector<16xi1> -> vector<16xi32>
        %add3A_221 = arith.constant 14 : i32
        %add3A_222 = arith.addi %mul3A_96, %add3A_221 : i32
        %get3A_223 = arith.index_cast %add3A_222 : i32 to index
        %get3A_224 = arith.constant 0 : index
        %get3A_225 = tpu.vector_load %arg5[%get3A_223, %get3A_224] {strides = array<i32>} : memref<128x256xf32, #tpu.memory_space<vmem>>, vector<16xf32>,
        %gt3A_226 = arith.constant 1.500000e-01 : f32
        %gt3A_227 = vector.broadcast %gt3A_226 : f32 to vector<16xf32>
        %gt3A_228 = arith.cmpf ogt, %get3A_225, %gt3A_227 : vector<16xf32>
        %all_reduce_ffs3A_229 = tpu.all_reduce %gt3A_228 {dim = 0 : i64, kind = #tpu.reduction_kind<find_first_set>} : vector<16xi1> -> vector<16xi32>
        %add3A_230 = arith.constant 15 : i32
        %add3A_231 = arith.addi %mul3A_96, %add3A_230 : i32
        %get3A_232 = arith.index_cast %add3A_231 : i32 to index
        %get3A_233 = arith.constant 0 : index
        %get3A_234 = tpu.vector_load %arg5[%get3A_232, %get3A_233] {strides = array<i32>} : memref<128x256xf32, #tpu.memory_space<vmem>>, vector<16xf32>,
        %gt3A_235 = arith.constant 1.500000e-01 : f32
        %gt3A_236 = vector.broadcast %gt3A_235 : f32 to vector<16xf32>
        %gt3A_237 = arith.cmpf ogt, %get3A_234, %gt3A_236 : vector<16xf32>
        %all_reduce_ffs3A_238 = tpu.all_reduce %gt3A_237 {dim = 0 : i64, kind = #tpu.reduction_kind<find_first_set>} : vector<16xi1> -> vector<16xi32>
        %broadcast_in_dim3A = arith.constant 16 : i32
        %broadcast_in_dim3A_239 = vector.broadcast %broadcast_in_dim3A : i32 to vector<16xi32>
        %eq3A = arith.constant 0 : i32
        %eq3A_240 = vector.broadcast %eq3A : i32 to vector<16xi32>
        %eq3A_241 = arith.cmpi eq, %iota3A, %eq3A_240 : vector<16xi32>
        %select_n3A = arith.select %eq3A_241, %all_reduce_ffs3A, %broadcast_in_dim3A_239 : vector<16xi1>, vector<16xi32>
        %eq3A_242 = arith.constant 1 : i32
        %eq3A_243 = vector.broadcast %eq3A_242 : i32 to vector<16xi32>
        %eq3A_244 = arith.cmpi eq, %iota3A, %eq3A_243 : vector<16xi32>
        %select_n3A_245 = arith.select %eq3A_244, %all_reduce_ffs3A_112, %select_n3A : vector<16xi1>, vector<16xi32>
        %eq3A_246 = arith.constant 2 : i32
        %eq3A_247 = vector.broadcast %eq3A_246 : i32 to vector<16xi32>
        %eq3A_248 = arith.cmpi eq, %iota3A, %eq3A_247 : vector<16xi32>
        %select_n3A_249 = arith.select %eq3A_248, %all_reduce_ffs3A_121, %select_n3A_245 : vector<16xi1>, vector<16xi32>
        %eq3A_250 = arith.constant 3 : i32
        %eq3A_251 = vector.broadcast %eq3A_250 : i32 to vector<16xi32>
        %eq3A_252 = arith.cmpi eq, %iota3A, %eq3A_251 : vector<16xi32>
        %select_n3A_253 = arith.select %eq3A_252, %all_reduce_ffs3A_130, %select_n3A_249 : vector<16xi1>, vector<16xi32>
        %eq3A_254 = arith.constant 4 : i32
        %eq3A_255 = vector.broadcast %eq3A_254 : i32 to vector<16xi32>
        %eq3A_256 = arith.cmpi eq, %iota3A, %eq3A_255 : vector<16xi32>
        %select_n3A_257 = arith.select %eq3A_256, %all_reduce_ffs3A_139, %select_n3A_253 : vector<16xi1>, vector<16xi32>
        %eq3A_258 = arith.constant 5 : i32
        %eq3A_259 = vector.broadcast %eq3A_258 : i32 to vector<16xi32>
        %eq3A_260 = arith.cmpi eq, %iota3A, %eq3A_259 : vector<16xi32>
        %select_n3A_261 = arith.select %eq3A_260, %all_reduce_ffs3A_148, %select_n3A_257 : vector<16xi1>, vector<16xi32>
        %eq3A_262 = arith.constant 6 : i32
        %eq3A_263 = vector.broadcast %eq3A_262 : i32 to vector<16xi32>
        %eq3A_264 = arith.cmpi eq, %iota3A, %eq3A_263 : vector<16xi32>
        %select_n3A_265 = arith.select %eq3A_264, %all_reduce_ffs3A_157, %select_n3A_261 : vector<16xi1>, vector<16xi32>
        %eq3A_266 = arith.constant 7 : i32
        %eq3A_267 = vector.broadcast %eq3A_266 : i32 to vector<16xi32>
        %eq3A_268 = arith.cmpi eq, %iota3A, %eq3A_267 : vector<16xi32>
        %select_n3A_269 = arith.select %eq3A_268, %all_reduce_ffs3A_166, %select_n3A_265 : vector<16xi1>, vector<16xi32>
        %eq3A_270 = arith.constant 8 : i32
        %eq3A_271 = vector.broadcast %eq3A_270 : i32 to vector<16xi32>
        %eq3A_272 = arith.cmpi eq, %iota3A, %eq3A_271 : vector<16xi32>
        %select_n3A_273 = arith.select %eq3A_272, %all_reduce_ffs3A_175, %select_n3A_269 : vector<16xi1>, vector<16xi32>
        %eq3A_274 = arith.constant 9 : i32
        %eq3A_275 = vector.broadcast %eq3A_274 : i32 to vector<16xi32>
        %eq3A_276 = arith.cmpi eq, %iota3A, %eq3A_275 : vector<16xi32>
        %select_n3A_277 = arith.select %eq3A_276, %all_reduce_ffs3A_184, %select_n3A_273 : vector<16xi1>, vector<16xi32>
        %eq3A_278 = arith.constant 10 : i32
        %eq3A_279 = vector.broadcast %eq3A_278 : i32 to vector<16xi32>
        %eq3A_280 = arith.cmpi eq, %iota3A, %eq3A_279 : vector<16xi32>
        %select_n3A_281 = arith.select %eq3A_280, %all_reduce_ffs3A_193, %select_n3A_277 : vector<16xi1>, vector<16xi32>
        %eq3A_282 = arith.constant 11 : i32
        %eq3A_283 = vector.broadcast %eq3A_282 : i32 to vector<16xi32>
        %eq3A_284 = arith.cmpi eq, %iota3A, %eq3A_283 : vector<16xi32>
        %select_n3A_285 = arith.select %eq3A_284, %all_reduce_ffs3A_202, %select_n3A_281 : vector<16xi1>, vector<16xi32>
        %eq3A_286 = arith.constant 12 : i32
        %eq3A_287 = vector.broadcast %eq3A_286 : i32 to vector<16xi32>
        %eq3A_288 = arith.cmpi eq, %iota3A, %eq3A_287 : vector<16xi32>
        %select_n3A_289 = arith.select %eq3A_288, %all_reduce_ffs3A_211, %select_n3A_285 : vector<16xi1>, vector<16xi32>
        %eq3A_290 = arith.constant 13 : i32
        %eq3A_291 = vector.broadcast %eq3A_290 : i32 to vector<16xi32>
        %eq3A_292 = arith.cmpi eq, %iota3A, %eq3A_291 : vector<16xi32>
        %select_n3A_293 = arith.select %eq3A_292, %all_reduce_ffs3A_220, %select_n3A_289 : vector<16xi1>, vector<16xi32>
        %eq3A_294 = arith.constant 14 : i32
        %eq3A_295 = vector.broadcast %eq3A_294 : i32 to vector<16xi32>
        %eq3A_296 = arith.cmpi eq, %iota3A, %eq3A_295 : vector<16xi32>
        %select_n3A_297 = arith.select %eq3A_296, %all_reduce_ffs3A_229, %select_n3A_293 : vector<16xi1>, vector<16xi32>
        %eq3A_298 = arith.constant 15 : i32
        %eq3A_299 = vector.broadcast %eq3A_298 : i32 to vector<16xi32>
        %eq3A_300 = arith.cmpi eq, %iota3A, %eq3A_299 : vector<16xi32>
        %select_n3A_301 = arith.select %eq3A_300, %all_reduce_ffs3A_238, %select_n3A_297 : vector<16xi1>, vector<16xi32>
        %convert_element_type3A_302 = arith.sitofp %select_n3A_301 : vector<16xi32> to vector<16xf32>
        %mul3A_303 = arith.constant 3.906250e-03 : f32
        %mul3A_304 = vector.broadcast %mul3A_303 : f32 to vector<16xf32>
        %mul3A_305 = arith.mulf %convert_element_type3A_302, %mul3A_304 : vector<16xf32>
        %swap3A = arith.constant 32 : i32
        %swap3A_306 = arith.index_cast %swap3A : i32 to index
        %swap3A_307 = arith.index_cast %mul3A_96 : i32 to index
        %swap3A_308 = tpu.vector_load %arg7[%swap3A_306, %swap3A_307] {strides = array<i32>} : memref<64x128xf32, #tpu.memory_space<vmem>>, vector<16xf32>,
        tpu.vector_store %arg7[%swap3A_306, %swap3A_307], %mul3A_305 {strides = array<i32>} : memref<64x128xf32, #tpu.memory_space<vmem>>, vector<16xf32>,
        %swap3A_309 = arith.constant 33 : i32
        %swap3A_310 = arith.index_cast %swap3A_309 : i32 to index
        %swap3A_311 = arith.index_cast %mul3A_96 : i32 to index
        %swap3A_312 = tpu.vector_load %arg7[%swap3A_310, %swap3A_311] {strides = array<i32>} : memref<64x128xf32, #tpu.memory_space<vmem>>, vector<16xf32>,
        tpu.vector_store %arg7[%swap3A_310, %swap3A_311], %mul3A_305 {strides = array<i32>} : memref<64x128xf32, #tpu.memory_space<vmem>>, vector<16xf32>,
        %swap3A_313 = arith.constant 34 : i32
        %swap3A_314 = arith.index_cast %swap3A_313 : i32 to index
        %swap3A_315 = arith.index_cast %mul3A_96 : i32 to index
        %swap3A_316 = tpu.vector_load %arg7[%swap3A_314, %swap3A_315] {strides = array<i32>} : memref<64x128xf32, #tpu.memory_space<vmem>>, vector<16xf32>,
        tpu.vector_store %arg7[%swap3A_314, %swap3A_315], %mul3A_305 {strides = array<i32>} : memref<64x128xf32, #tpu.memory_space<vmem>>, vector<16xf32>,
        %swap3A_317 = arith.constant 35 : i32
        %swap3A_318 = arith.index_cast %swap3A_317 : i32 to index
        %swap3A_319 = arith.index_cast %mul3A_96 : i32 to index
        %swap3A_320 = tpu.vector_load %arg7[%swap3A_318, %swap3A_319] {strides = array<i32>} : memref<64x128xf32, #tpu.memory_space<vmem>>, vector<16xf32>,
        tpu.vector_store %arg7[%swap3A_318, %swap3A_319], %mul3A_305 {strides = array<i32>} : memref<64x128xf32, #tpu.memory_space<vmem>>, vector<16xf32>,
        %swap3A_321 = arith.constant 36 : i32
        %swap3A_322 = arith.index_cast %swap3A_321 : i32 to index
        %swap3A_323 = arith.index_cast %mul3A_96 : i32 to index
        %swap3A_324 = tpu.vector_load %arg7[%swap3A_322, %swap3A_323] {strides = array<i32>} : memref<64x128xf32, #tpu.memory_space<vmem>>, vector<16xf32>,
        tpu.vector_store %arg7[%swap3A_322, %swap3A_323], %mul3A_305 {strides = array<i32>} : memref<64x128xf32, #tpu.memory_space<vmem>>, vector<16xf32>,
        %swap3A_325 = arith.constant 37 : i32
        %swap3A_326 = arith.index_cast %swap3A_325 : i32 to index
        %swap3A_327 = arith.index_cast %mul3A_96 : i32 to index
        %swap3A_328 = tpu.vector_load %arg7[%swap3A_326, %swap3A_327] {strides = array<i32>} : memref<64x128xf32, #tpu.memory_space<vmem>>, vector<16xf32>,
        tpu.vector_store %arg7[%swap3A_326, %swap3A_327], %mul3A_305 {strides = array<i32>} : memref<64x128xf32, #tpu.memory_space<vmem>>, vector<16xf32>,
        %swap3A_329 = arith.constant 38 : i32
        %swap3A_330 = arith.index_cast %swap3A_329 : i32 to index
        %swap3A_331 = arith.index_cast %mul3A_96 : i32 to index
        %swap3A_332 = tpu.vector_load %arg7[%swap3A_330, %swap3A_331] {strides = array<i32>} : memref<64x128xf32, #tpu.memory_space<vmem>>, vector<16xf32>,
        tpu.vector_store %arg7[%swap3A_330, %swap3A_331], %mul3A_305 {strides = array<i32>} : memref<64x128xf32, #tpu.memory_space<vmem>>, vector<16xf32>,
        %swap3A_333 = arith.constant 39 : i32
        %swap3A_334 = arith.index_cast %swap3A_333 : i32 to index
        %swap3A_335 = arith.index_cast %mul3A_96 : i32 to index
        %swap3A_336 = tpu.vector_load %arg7[%swap3A_334, %swap3A_335] {strides = array<i32>} : memref<64x128xf32, #tpu.memory_space<vmem>>, vector<16xf32>,
        tpu.vector_store %arg7[%swap3A_334, %swap3A_335], %mul3A_305 {strides = array<i32>} : memref<64x128xf32, #tpu.memory_space<vmem>>, vector<16xf32>,
        %swap3A_337 = arith.constant 40 : i32
        %swap3A_338 = arith.index_cast %swap3A_337 : i32 to index
        %swap3A_339 = arith.index_cast %mul3A_96 : i32 to index
        %swap3A_340 = tpu.vector_load %arg7[%swap3A_338, %swap3A_339] {strides = array<i32>} : memref<64x128xf32, #tpu.memory_space<vmem>>, vector<16xf32>,
        tpu.vector_store %arg7[%swap3A_338, %swap3A_339], %mul3A_305 {strides = array<i32>} : memref<64x128xf32, #tpu.memory_space<vmem>>, vector<16xf32>,
        %swap3A_341 = arith.constant 41 : i32
        %swap3A_342 = arith.index_cast %swap3A_341 : i32 to index
        %swap3A_343 = arith.index_cast %mul3A_96 : i32 to index
        %swap3A_344 = tpu.vector_load %arg7[%swap3A_342, %swap3A_343] {strides = array<i32>} : memref<64x128xf32, #tpu.memory_space<vmem>>, vector<16xf32>,
        tpu.vector_store %arg7[%swap3A_342, %swap3A_343], %mul3A_305 {strides = array<i32>} : memref<64x128xf32, #tpu.memory_space<vmem>>, vector<16xf32>,
        %swap3A_345 = arith.constant 42 : i32
        %swap3A_346 = arith.index_cast %swap3A_345 : i32 to index
        %swap3A_347 = arith.index_cast %mul3A_96 : i32 to index
        %swap3A_348 = tpu.vector_load %arg7[%swap3A_346, %swap3A_347] {strides = array<i32>} : memref<64x128xf32, #tpu.memory_space<vmem>>, vector<16xf32>,
        tpu.vector_store %arg7[%swap3A_346, %swap3A_347], %mul3A_305 {strides = array<i32>} : memref<64x128xf32, #tpu.memory_space<vmem>>, vector<16xf32>,
        %swap3A_349 = arith.constant 43 : i32
        %swap3A_350 = arith.index_cast %swap3A_349 : i32 to index
        %swap3A_351 = arith.index_cast %mul3A_96 : i32 to index
        %swap3A_352 = tpu.vector_load %arg7[%swap3A_350, %swap3A_351] {strides = array<i32>} : memref<64x128xf32, #tpu.memory_space<vmem>>, vector<16xf32>,
        tpu.vector_store %arg7[%swap3A_350, %swap3A_351], %mul3A_305 {strides = array<i32>} : memref<64x128xf32, #tpu.memory_space<vmem>>, vector<16xf32>,
        %swap3A_353 = arith.constant 44 : i32
        %swap3A_354 = arith.index_cast %swap3A_353 : i32 to index
        %swap3A_355 = arith.index_cast %mul3A_96 : i32 to index
        %swap3A_356 = tpu.vector_load %arg7[%swap3A_354, %swap3A_355] {strides = array<i32>} : memref<64x128xf32, #tpu.memory_space<vmem>>, vector<16xf32>,
        tpu.vector_store %arg7[%swap3A_354, %swap3A_355], %mul3A_305 {strides = array<i32>} : memref<64x128xf32, #tpu.memory_space<vmem>>, vector<16xf32>,
        %swap3A_357 = arith.constant 45 : i32
        %swap3A_358 = arith.index_cast %swap3A_357 : i32 to index
        %swap3A_359 = arith.index_cast %mul3A_96 : i32 to index
        %swap3A_360 = tpu.vector_load %arg7[%swap3A_358, %swap3A_359] {strides = array<i32>} : memref<64x128xf32, #tpu.memory_space<vmem>>, vector<16xf32>,
        tpu.vector_store %arg7[%swap3A_358, %swap3A_359], %mul3A_305 {strides = array<i32>} : memref<64x128xf32, #tpu.memory_space<vmem>>, vector<16xf32>,
        %swap3A_361 = arith.constant 46 : i32
        %swap3A_362 = arith.index_cast %swap3A_361 : i32 to index
        %swap3A_363 = arith.index_cast %mul3A_96 : i32 to index
        %swap3A_364 = tpu.vector_load %arg7[%swap3A_362, %swap3A_363] {strides = array<i32>} : memref<64x128xf32, #tpu.memory_space<vmem>>, vector<16xf32>,
        tpu.vector_store %arg7[%swap3A_362, %swap3A_363], %mul3A_305 {strides = array<i32>} : memref<64x128xf32, #tpu.memory_space<vmem>>, vector<16xf32>,
        %swap3A_365 = arith.constant 47 : i32
        %swap3A_366 = arith.index_cast %swap3A_365 : i32 to index
        %swap3A_367 = arith.index_cast %mul3A_96 : i32 to index
        %swap3A_368 = tpu.vector_load %arg7[%swap3A_366, %swap3A_367] {strides = array<i32>} : memref<64x128xf32, #tpu.memory_space<vmem>>, vector<16xf32>,
        tpu.vector_store %arg7[%swap3A_366, %swap3A_367], %mul3A_305 {strides = array<i32>} : memref<64x128xf32, #tpu.memory_space<vmem>>, vector<16xf32>,
        %swap3A_369 = arith.constant 48 : i32
        %swap3A_370 = arith.index_cast %swap3A_369 : i32 to index
        %swap3A_371 = arith.index_cast %mul3A_96 : i32 to index
        %swap3A_372 = tpu.vector_load %arg7[%swap3A_370, %swap3A_371] {strides = array<i32>} : memref<64x128xf32, #tpu.memory_space<vmem>>, vector<16xf32>,
        tpu.vector_store %arg7[%swap3A_370, %swap3A_371], %mul3A_305 {strides = array<i32>} : memref<64x128xf32, #tpu.memory_space<vmem>>, vector<16xf32>,
        %swap3A_373 = arith.constant 49 : i32
        %swap3A_374 = arith.index_cast %swap3A_373 : i32 to index
        %swap3A_375 = arith.index_cast %mul3A_96 : i32 to index
        %swap3A_376 = tpu.vector_load %arg7[%swap3A_374, %swap3A_375] {strides = array<i32>} : memref<64x128xf32, #tpu.memory_space<vmem>>, vector<16xf32>,
        tpu.vector_store %arg7[%swap3A_374, %swap3A_375], %mul3A_305 {strides = array<i32>} : memref<64x128xf32, #tpu.memory_space<vmem>>, vector<16xf32>,
        %swap3A_377 = arith.constant 50 : i32
        %swap3A_378 = arith.index_cast %swap3A_377 : i32 to index
        %swap3A_379 = arith.index_cast %mul3A_96 : i32 to index
        %swap3A_380 = tpu.vector_load %arg7[%swap3A_378, %swap3A_379] {strides = array<i32>} : memref<64x128xf32, #tpu.memory_space<vmem>>, vector<16xf32>,
        tpu.vector_store %arg7[%swap3A_378, %swap3A_379], %mul3A_305 {strides = array<i32>} : memref<64x128xf32, #tpu.memory_space<vmem>>, vector<16xf32>,
        %swap3A_381 = arith.constant 51 : i32
        %swap3A_382 = arith.index_cast %swap3A_381 : i32 to index
        %swap3A_383 = arith.index_cast %mul3A_96 : i32 to index
        %swap3A_384 = tpu.vector_load %arg7[%swap3A_382, %swap3A_383] {strides = array<i32>} : memref<64x128xf32, #tpu.memory_space<vmem>>, vector<16xf32>,
        tpu.vector_store %arg7[%swap3A_382, %swap3A_383], %mul3A_305 {strides = array<i32>} : memref<64x128xf32, #tpu.memory_space<vmem>>, vector<16xf32>,
        %swap3A_385 = arith.constant 52 : i32
        %swap3A_386 = arith.index_cast %swap3A_385 : i32 to index
        %swap3A_387 = arith.index_cast %mul3A_96 : i32 to index
        %swap3A_388 = tpu.vector_load %arg7[%swap3A_386, %swap3A_387] {strides = array<i32>} : memref<64x128xf32, #tpu.memory_space<vmem>>, vector<16xf32>,
        tpu.vector_store %arg7[%swap3A_386, %swap3A_387], %mul3A_305 {strides = array<i32>} : memref<64x128xf32, #tpu.memory_space<vmem>>, vector<16xf32>,
        %swap3A_389 = arith.constant 53 : i32
        %swap3A_390 = arith.index_cast %swap3A_389 : i32 to index
        %swap3A_391 = arith.index_cast %mul3A_96 : i32 to index
        %swap3A_392 = tpu.vector_load %arg7[%swap3A_390, %swap3A_391] {strides = array<i32>} : memref<64x128xf32, #tpu.memory_space<vmem>>, vector<16xf32>,
        tpu.vector_store %arg7[%swap3A_390, %swap3A_391], %mul3A_305 {strides = array<i32>} : memref<64x128xf32, #tpu.memory_space<vmem>>, vector<16xf32>,
        %swap3A_393 = arith.constant 54 : i32
        %swap3A_394 = arith.index_cast %swap3A_393 : i32 to index
        %swap3A_395 = arith.index_cast %mul3A_96 : i32 to index
        %swap3A_396 = tpu.vector_load %arg7[%swap3A_394, %swap3A_395] {strides = array<i32>} : memref<64x128xf32, #tpu.memory_space<vmem>>, vector<16xf32>,
        tpu.vector_store %arg7[%swap3A_394, %swap3A_395], %mul3A_305 {strides = array<i32>} : memref<64x128xf32, #tpu.memory_space<vmem>>, vector<16xf32>,
        %swap3A_397 = arith.constant 55 : i32
        %swap3A_398 = arith.index_cast %swap3A_397 : i32 to index
        %swap3A_399 = arith.index_cast %mul3A_96 : i32 to index
        %swap3A_400 = tpu.vector_load %arg7[%swap3A_398, %swap3A_399] {strides = array<i32>} : memref<64x128xf32, #tpu.memory_space<vmem>>, vector<16xf32>,
        tpu.vector_store %arg7[%swap3A_398, %swap3A_399], %mul3A_305 {strides = array<i32>} : memref<64x128xf32, #tpu.memory_space<vmem>>, vector<16xf32>,
        %swap3A_401 = arith.constant 56 : i32
        %swap3A_402 = arith.index_cast %swap3A_401 : i32 to index
        %swap3A_403 = arith.index_cast %mul3A_96 : i32 to index
        %swap3A_404 = tpu.vector_load %arg7[%swap3A_402, %swap3A_403] {strides = array<i32>} : memref<64x128xf32, #tpu.memory_space<vmem>>, vector<16xf32>,
        tpu.vector_store %arg7[%swap3A_402, %swap3A_403], %mul3A_305 {strides = array<i32>} : memref<64x128xf32, #tpu.memory_space<vmem>>, vector<16xf32>,
        %swap3A_405 = arith.constant 57 : i32
        %swap3A_406 = arith.index_cast %swap3A_405 : i32 to index
        %swap3A_407 = arith.index_cast %mul3A_96 : i32 to index
        %swap3A_408 = tpu.vector_load %arg7[%swap3A_406, %swap3A_407] {strides = array<i32>} : memref<64x128xf32, #tpu.memory_space<vmem>>, vector<16xf32>,
        tpu.vector_store %arg7[%swap3A_406, %swap3A_407], %mul3A_305 {strides = array<i32>} : memref<64x128xf32, #tpu.memory_space<vmem>>, vector<16xf32>,
        %swap3A_409 = arith.constant 58 : i32
        %swap3A_410 = arith.index_cast %swap3A_409 : i32 to index
        %swap3A_411 = arith.index_cast %mul3A_96 : i32 to index
        %swap3A_412 = tpu.vector_load %arg7[%swap3A_410, %swap3A_411] {strides = array<i32>} : memref<64x128xf32, #tpu.memory_space<vmem>>, vector<16xf32>,
        tpu.vector_store %arg7[%swap3A_410, %swap3A_411], %mul3A_305 {strides = array<i32>} : memref<64x128xf32, #tpu.memory_space<vmem>>, vector<16xf32>,
        %swap3A_413 = arith.constant 59 : i32
        %swap3A_414 = arith.index_cast %swap3A_413 : i32 to index
        %swap3A_415 = arith.index_cast %mul3A_96 : i32 to index
        %swap3A_416 = tpu.vector_load %arg7[%swap3A_414, %swap3A_415] {strides = array<i32>} : memref<64x128xf32, #tpu.memory_space<vmem>>, vector<16xf32>,
        tpu.vector_store %arg7[%swap3A_414, %swap3A_415], %mul3A_305 {strides = array<i32>} : memref<64x128xf32, #tpu.memory_space<vmem>>, vector<16xf32>,
        %swap3A_417 = arith.constant 60 : i32
        %swap3A_418 = arith.index_cast %swap3A_417 : i32 to index
        %swap3A_419 = arith.index_cast %mul3A_96 : i32 to index
        %swap3A_420 = tpu.vector_load %arg7[%swap3A_418, %swap3A_419] {strides = array<i32>} : memref<64x128xf32, #tpu.memory_space<vmem>>, vector<16xf32>,
        tpu.vector_store %arg7[%swap3A_418, %swap3A_419], %mul3A_305 {strides = array<i32>} : memref<64x128xf32, #tpu.memory_space<vmem>>, vector<16xf32>,
        %swap3A_421 = arith.constant 61 : i32
        %swap3A_422 = arith.index_cast %swap3A_421 : i32 to index
        %swap3A_423 = arith.index_cast %mul3A_96 : i32 to index
        %swap3A_424 = tpu.vector_load %arg7[%swap3A_422, %swap3A_423] {strides = array<i32>} : memref<64x128xf32, #tpu.memory_space<vmem>>, vector<16xf32>,
        tpu.vector_store %arg7[%swap3A_422, %swap3A_423], %mul3A_305 {strides = array<i32>} : memref<64x128xf32, #tpu.memory_space<vmem>>, vector<16xf32>,
        %swap3A_425 = arith.constant 62 : i32
        %swap3A_426 = arith.index_cast %swap3A_425 : i32 to index
        %swap3A_427 = arith.index_cast %mul3A_96 : i32 to index
        %swap3A_428 = tpu.vector_load %arg7[%swap3A_426, %swap3A_427] {strides = array<i32>} : memref<64x128xf32, #tpu.memory_space<vmem>>, vector<16xf32>,
        tpu.vector_store %arg7[%swap3A_426, %swap3A_427], %mul3A_305 {strides = array<i32>} : memref<64x128xf32, #tpu.memory_space<vmem>>, vector<16xf32>,
        %swap3A_429 = arith.constant 63 : i32
        %swap3A_430 = arith.index_cast %swap3A_429 : i32 to index
        %swap3A_431 = arith.index_cast %mul3A_96 : i32 to index
        %swap3A_432 = tpu.vector_load %arg7[%swap3A_430, %swap3A_431] {strides = array<i32>} : memref<64x128xf32, #tpu.memory_space<vmem>>, vector<16xf32>,
        tpu.vector_store %arg7[%swap3A_430, %swap3A_431], %mul3A_305 {strides = array<i32>} : memref<64x128xf32, #tpu.memory_space<vmem>>, vector<16xf32>,
        %add3A_433 = arith.constant 0 : i32
        %add3A_434 = arith.addi %mul3A_96, %add3A_433 : i32
        %broadcast_in_dim3A_435 = vector.broadcast %add3A_434 : i32 to vector<16xi32>
        %add3A_436 = arith.addi %all_reduce_ffs3A, %iota3A : vector<16xi32>
        %gather3A = tpu.vector_load_idx %arg5[%broadcast_in_dim3A_435, %add3A_436] : memref<128x256xf32, #tpu.memory_space<vmem>>[vector<16xi32>, vector<16xi32>], vector<16xf32>,
        %add3A_437 = arith.constant 16 : i32
        %add3A_438 = vector.broadcast %add3A_437 : i32 to vector<16xi32>
        %add3A_439 = arith.addi %add3A_436, %add3A_438 : vector<16xi32>
        %gather3A_440 = tpu.vector_load_idx %arg5[%broadcast_in_dim3A_435, %add3A_439] : memref<128x256xf32, #tpu.memory_space<vmem>>[vector<16xi32>, vector<16xi32>], vector<16xf32>,
        tpu.vector_store_idx %arg7[%iota3A, %broadcast_in_dim3A_435], %gather3A : memref<64x128xf32, #tpu.memory_space<vmem>>[vector<16xi32>, vector<16xi32>], vector<16xf32>,
        %add3A_441 = arith.constant 16 : i32
        %add3A_442 = vector.broadcast %add3A_441 : i32 to vector<16xi32>
        %add3A_443 = arith.addi %iota3A, %add3A_442 : vector<16xi32>
        tpu.vector_store_idx %arg7[%add3A_443, %broadcast_in_dim3A_435], %gather3A_440 : memref<64x128xf32, #tpu.memory_space<vmem>>[vector<16xi32>, vector<16xi32>], vector<16xf32>,
        %add3A_444 = arith.constant 1 : i32
        %add3A_445 = arith.addi %mul3A_96, %add3A_444 : i32
        %broadcast_in_dim3A_446 = vector.broadcast %add3A_445 : i32 to vector<16xi32>
        %add3A_447 = arith.addi %all_reduce_ffs3A_112, %iota3A : vector<16xi32>
        %gather3A_448 = tpu.vector_load_idx %arg5[%broadcast_in_dim3A_446, %add3A_447] : memref<128x256xf32, #tpu.memory_space<vmem>>[vector<16xi32>, vector<16xi32>], vector<16xf32>,
        %add3A_449 = arith.constant 16 : i32
        %add3A_450 = vector.broadcast %add3A_449 : i32 to vector<16xi32>
        %add3A_451 = arith.addi %add3A_447, %add3A_450 : vector<16xi32>
        %gather3A_452 = tpu.vector_load_idx %arg5[%broadcast_in_dim3A_446, %add3A_451] : memref<128x256xf32, #tpu.memory_space<vmem>>[vector<16xi32>, vector<16xi32>], vector<16xf32>,
        tpu.vector_store_idx %arg7[%iota3A, %broadcast_in_dim3A_446], %gather3A_448 : memref<64x128xf32, #tpu.memory_space<vmem>>[vector<16xi32>, vector<16xi32>], vector<16xf32>,
        %add3A_453 = arith.constant 16 : i32
        %add3A_454 = vector.broadcast %add3A_453 : i32 to vector<16xi32>
        %add3A_455 = arith.addi %iota3A, %add3A_454 : vector<16xi32>
        tpu.vector_store_idx %arg7[%add3A_455, %broadcast_in_dim3A_446], %gather3A_452 : memref<64x128xf32, #tpu.memory_space<vmem>>[vector<16xi32>, vector<16xi32>], vector<16xf32>,
        %add3A_456 = arith.constant 2 : i32
        %add3A_457 = arith.addi %mul3A_96, %add3A_456 : i32
        %broadcast_in_dim3A_458 = vector.broadcast %add3A_457 : i32 to vector<16xi32>
        %add3A_459 = arith.addi %all_reduce_ffs3A_121, %iota3A : vector<16xi32>
        %gather3A_460 = tpu.vector_load_idx %arg5[%broadcast_in_dim3A_458, %add3A_459] : memref<128x256xf32, #tpu.memory_space<vmem>>[vector<16xi32>, vector<16xi32>], vector<16xf32>,
        %add3A_461 = arith.constant 16 : i32
        %add3A_462 = vector.broadcast %add3A_461 : i32 to vector<16xi32>
        %add3A_463 = arith.addi %add3A_459, %add3A_462 : vector<16xi32>
        %gather3A_464 = tpu.vector_load_idx %arg5[%broadcast_in_dim3A_458, %add3A_463] : memref<128x256xf32, #tpu.memory_space<vmem>>[vector<16xi32>, vector<16xi32>], vector<16xf32>,
        tpu.vector_store_idx %arg7[%iota3A, %broadcast_in_dim3A_458], %gather3A_460 : memref<64x128xf32, #tpu.memory_space<vmem>>[vector<16xi32>, vector<16xi32>], vector<16xf32>,
        %add3A_465 = arith.constant 16 : i32
        %add3A_466 = vector.broadcast %add3A_465 : i32 to vector<16xi32>
        %add3A_467 = arith.addi %iota3A, %add3A_466 : vector<16xi32>
        tpu.vector_store_idx %arg7[%add3A_467, %broadcast_in_dim3A_458], %gather3A_464 : memref<64x128xf32, #tpu.memory_space<vmem>>[vector<16xi32>, vector<16xi32>], vector<16xf32>,
        %add3A_468 = arith.constant 3 : i32
        %add3A_469 = arith.addi %mul3A_96, %add3A_468 : i32
        %broadcast_in_dim3A_470 = vector.broadcast %add3A_469 : i32 to vector<16xi32>
        %add3A_471 = arith.addi %all_reduce_ffs3A_130, %iota3A : vector<16xi32>
        %gather3A_472 = tpu.vector_load_idx %arg5[%broadcast_in_dim3A_470, %add3A_471] : memref<128x256xf32, #tpu.memory_space<vmem>>[vector<16xi32>, vector<16xi32>], vector<16xf32>,
        %add3A_473 = arith.constant 16 : i32
        %add3A_474 = vector.broadcast %add3A_473 : i32 to vector<16xi32>
        %add3A_475 = arith.addi %add3A_471, %add3A_474 : vector<16xi32>
        %gather3A_476 = tpu.vector_load_idx %arg5[%broadcast_in_dim3A_470, %add3A_475] : memref<128x256xf32, #tpu.memory_space<vmem>>[vector<16xi32>, vector<16xi32>], vector<16xf32>,
        tpu.vector_store_idx %arg7[%iota3A, %broadcast_in_dim3A_470], %gather3A_472 : memref<64x128xf32, #tpu.memory_space<vmem>>[vector<16xi32>, vector<16xi32>], vector<16xf32>,
        %add3A_477 = arith.constant 16 : i32
        %add3A_478 = vector.broadcast %add3A_477 : i32 to vector<16xi32>
        %add3A_479 = arith.addi %iota3A, %add3A_478 : vector<16xi32>
        tpu.vector_store_idx %arg7[%add3A_479, %broadcast_in_dim3A_470], %gather3A_476 : memref<64x128xf32, #tpu.memory_space<vmem>>[vector<16xi32>, vector<16xi32>], vector<16xf32>,
        %add3A_480 = arith.constant 4 : i32
        %add3A_481 = arith.addi %mul3A_96, %add3A_480 : i32
        %broadcast_in_dim3A_482 = vector.broadcast %add3A_481 : i32 to vector<16xi32>
        %add3A_483 = arith.addi %all_reduce_ffs3A_139, %iota3A : vector<16xi32>
        %gather3A_484 = tpu.vector_load_idx %arg5[%broadcast_in_dim3A_482, %add3A_483] : memref<128x256xf32, #tpu.memory_space<vmem>>[vector<16xi32>, vector<16xi32>], vector<16xf32>,
        %add3A_485 = arith.constant 16 : i32
        %add3A_486 = vector.broadcast %add3A_485 : i32 to vector<16xi32>
        %add3A_487 = arith.addi %add3A_483, %add3A_486 : vector<16xi32>
        %gather3A_488 = tpu.vector_load_idx %arg5[%broadcast_in_dim3A_482, %add3A_487] : memref<128x256xf32, #tpu.memory_space<vmem>>[vector<16xi32>, vector<16xi32>], vector<16xf32>,
        tpu.vector_store_idx %arg7[%iota3A, %broadcast_in_dim3A_482], %gather3A_484 : memref<64x128xf32, #tpu.memory_space<vmem>>[vector<16xi32>, vector<16xi32>], vector<16xf32>,
        %add3A_489 = arith.constant 16 : i32
        %add3A_490 = vector.broadcast %add3A_489 : i32 to vector<16xi32>
        %add3A_491 = arith.addi %iota3A, %add3A_490 : vector<16xi32>
        tpu.vector_store_idx %arg7[%add3A_491, %broadcast_in_dim3A_482], %gather3A_488 : memref<64x128xf32, #tpu.memory_space<vmem>>[vector<16xi32>, vector<16xi32>], vector<16xf32>,
        %add3A_492 = arith.constant 5 : i32
        %add3A_493 = arith.addi %mul3A_96, %add3A_492 : i32
        %broadcast_in_dim3A_494 = vector.broadcast %add3A_493 : i32 to vector<16xi32>
        %add3A_495 = arith.addi %all_reduce_ffs3A_148, %iota3A : vector<16xi32>
        %gather3A_496 = tpu.vector_load_idx %arg5[%broadcast_in_dim3A_494, %add3A_495] : memref<128x256xf32, #tpu.memory_space<vmem>>[vector<16xi32>, vector<16xi32>], vector<16xf32>,
        %add3A_497 = arith.constant 16 : i32
        %add3A_498 = vector.broadcast %add3A_497 : i32 to vector<16xi32>
        %add3A_499 = arith.addi %add3A_495, %add3A_498 : vector<16xi32>
        %gather3A_500 = tpu.vector_load_idx %arg5[%broadcast_in_dim3A_494, %add3A_499] : memref<128x256xf32, #tpu.memory_space<vmem>>[vector<16xi32>, vector<16xi32>], vector<16xf32>,
        tpu.vector_store_idx %arg7[%iota3A, %broadcast_in_dim3A_494], %gather3A_496 : memref<64x128xf32, #tpu.memory_space<vmem>>[vector<16xi32>, vector<16xi32>], vector<16xf32>,
        %add3A_501 = arith.constant 16 : i32
        %add3A_502 = vector.broadcast %add3A_501 : i32 to vector<16xi32>
        %add3A_503 = arith.addi %iota3A, %add3A_502 : vector<16xi32>
        tpu.vector_store_idx %arg7[%add3A_503, %broadcast_in_dim3A_494], %gather3A_500 : memref<64x128xf32, #tpu.memory_space<vmem>>[vector<16xi32>, vector<16xi32>], vector<16xf32>,
        %add3A_504 = arith.constant 6 : i32
        %add3A_505 = arith.addi %mul3A_96, %add3A_504 : i32
        %broadcast_in_dim3A_506 = vector.broadcast %add3A_505 : i32 to vector<16xi32>
        %add3A_507 = arith.addi %all_reduce_ffs3A_157, %iota3A : vector<16xi32>
        %gather3A_508 = tpu.vector_load_idx %arg5[%broadcast_in_dim3A_506, %add3A_507] : memref<128x256xf32, #tpu.memory_space<vmem>>[vector<16xi32>, vector<16xi32>], vector<16xf32>,
        %add3A_509 = arith.constant 16 : i32
        %add3A_510 = vector.broadcast %add3A_509 : i32 to vector<16xi32>
        %add3A_511 = arith.addi %add3A_507, %add3A_510 : vector<16xi32>
        %gather3A_512 = tpu.vector_load_idx %arg5[%broadcast_in_dim3A_506, %add3A_511] : memref<128x256xf32, #tpu.memory_space<vmem>>[vector<16xi32>, vector<16xi32>], vector<16xf32>,
        tpu.vector_store_idx %arg7[%iota3A, %broadcast_in_dim3A_506], %gather3A_508 : memref<64x128xf32, #tpu.memory_space<vmem>>[vector<16xi32>, vector<16xi32>], vector<16xf32>,
        %add3A_513 = arith.constant 16 : i32
        %add3A_514 = vector.broadcast %add3A_513 : i32 to vector<16xi32>
        %add3A_515 = arith.addi %iota3A, %add3A_514 : vector<16xi32>
        tpu.vector_store_idx %arg7[%add3A_515, %broadcast_in_dim3A_506], %gather3A_512 : memref<64x128xf32, #tpu.memory_space<vmem>>[vector<16xi32>, vector<16xi32>], vector<16xf32>,
        %add3A_516 = arith.constant 7 : i32
        %add3A_517 = arith.addi %mul3A_96, %add3A_516 : i32
        %broadcast_in_dim3A_518 = vector.broadcast %add3A_517 : i32 to vector<16xi32>
        %add3A_519 = arith.addi %all_reduce_ffs3A_166, %iota3A : vector<16xi32>
        %gather3A_520 = tpu.vector_load_idx %arg5[%broadcast_in_dim3A_518, %add3A_519] : memref<128x256xf32, #tpu.memory_space<vmem>>[vector<16xi32>, vector<16xi32>], vector<16xf32>,
        %add3A_521 = arith.constant 16 : i32
        %add3A_522 = vector.broadcast %add3A_521 : i32 to vector<16xi32>
        %add3A_523 = arith.addi %add3A_519, %add3A_522 : vector<16xi32>
        %gather3A_524 = tpu.vector_load_idx %arg5[%broadcast_in_dim3A_518, %add3A_523] : memref<128x256xf32, #tpu.memory_space<vmem>>[vector<16xi32>, vector<16xi32>], vector<16xf32>,
        tpu.vector_store_idx %arg7[%iota3A, %broadcast_in_dim3A_518], %gather3A_520 : memref<64x128xf32, #tpu.memory_space<vmem>>[vector<16xi32>, vector<16xi32>], vector<16xf32>,
        %add3A_525 = arith.constant 16 : i32
        %add3A_526 = vector.broadcast %add3A_525 : i32 to vector<16xi32>
        %add3A_527 = arith.addi %iota3A, %add3A_526 : vector<16xi32>
        tpu.vector_store_idx %arg7[%add3A_527, %broadcast_in_dim3A_518], %gather3A_524 : memref<64x128xf32, #tpu.memory_space<vmem>>[vector<16xi32>, vector<16xi32>], vector<16xf32>,
        %add3A_528 = arith.constant 8 : i32
        %add3A_529 = arith.addi %mul3A_96, %add3A_528 : i32
        %broadcast_in_dim3A_530 = vector.broadcast %add3A_529 : i32 to vector<16xi32>
        %add3A_531 = arith.addi %all_reduce_ffs3A_175, %iota3A : vector<16xi32>
        %gather3A_532 = tpu.vector_load_idx %arg5[%broadcast_in_dim3A_530, %add3A_531] : memref<128x256xf32, #tpu.memory_space<vmem>>[vector<16xi32>, vector<16xi32>], vector<16xf32>,
        %add3A_533 = arith.constant 16 : i32
        %add3A_534 = vector.broadcast %add3A_533 : i32 to vector<16xi32>
        %add3A_535 = arith.addi %add3A_531, %add3A_534 : vector<16xi32>
        %gather3A_536 = tpu.vector_load_idx %arg5[%broadcast_in_dim3A_530, %add3A_535] : memref<128x256xf32, #tpu.memory_space<vmem>>[vector<16xi32>, vector<16xi32>], vector<16xf32>,
        tpu.vector_store_idx %arg7[%iota3A, %broadcast_in_dim3A_530], %gather3A_532 : memref<64x128xf32, #tpu.memory_space<vmem>>[vector<16xi32>, vector<16xi32>], vector<16xf32>,
        %add3A_537 = arith.constant 16 : i32
        %add3A_538 = vector.broadcast %add3A_537 : i32 to vector<16xi32>
        %add3A_539 = arith.addi %iota3A, %add3A_538 : vector<16xi32>
        tpu.vector_store_idx %arg7[%add3A_539, %broadcast_in_dim3A_530], %gather3A_536 : memref<64x128xf32, #tpu.memory_space<vmem>>[vector<16xi32>, vector<16xi32>], vector<16xf32>,
        %add3A_540 = arith.constant 9 : i32
        %add3A_541 = arith.addi %mul3A_96, %add3A_540 : i32
        %broadcast_in_dim3A_542 = vector.broadcast %add3A_541 : i32 to vector<16xi32>
        %add3A_543 = arith.addi %all_reduce_ffs3A_184, %iota3A : vector<16xi32>
        %gather3A_544 = tpu.vector_load_idx %arg5[%broadcast_in_dim3A_542, %add3A_543] : memref<128x256xf32, #tpu.memory_space<vmem>>[vector<16xi32>, vector<16xi32>], vector<16xf32>,
        %add3A_545 = arith.constant 16 : i32
        %add3A_546 = vector.broadcast %add3A_545 : i32 to vector<16xi32>
        %add3A_547 = arith.addi %add3A_543, %add3A_546 : vector<16xi32>
        %gather3A_548 = tpu.vector_load_idx %arg5[%broadcast_in_dim3A_542, %add3A_547] : memref<128x256xf32, #tpu.memory_space<vmem>>[vector<16xi32>, vector<16xi32>], vector<16xf32>,
        tpu.vector_store_idx %arg7[%iota3A, %broadcast_in_dim3A_542], %gather3A_544 : memref<64x128xf32, #tpu.memory_space<vmem>>[vector<16xi32>, vector<16xi32>], vector<16xf32>,
        %add3A_549 = arith.constant 16 : i32
        %add3A_550 = vector.broadcast %add3A_549 : i32 to vector<16xi32>
        %add3A_551 = arith.addi %iota3A, %add3A_550 : vector<16xi32>
        tpu.vector_store_idx %arg7[%add3A_551, %broadcast_in_dim3A_542], %gather3A_548 : memref<64x128xf32, #tpu.memory_space<vmem>>[vector<16xi32>, vector<16xi32>], vector<16xf32>,
        %add3A_552 = arith.constant 10 : i32
        %add3A_553 = arith.addi %mul3A_96, %add3A_552 : i32
        %broadcast_in_dim3A_554 = vector.broadcast %add3A_553 : i32 to vector<16xi32>
        %add3A_555 = arith.addi %all_reduce_ffs3A_193, %iota3A : vector<16xi32>
        %gather3A_556 = tpu.vector_load_idx %arg5[%broadcast_in_dim3A_554, %add3A_555] : memref<128x256xf32, #tpu.memory_space<vmem>>[vector<16xi32>, vector<16xi32>], vector<16xf32>,
        %add3A_557 = arith.constant 16 : i32
        %add3A_558 = vector.broadcast %add3A_557 : i32 to vector<16xi32>
        %add3A_559 = arith.addi %add3A_555, %add3A_558 : vector<16xi32>
        %gather3A_560 = tpu.vector_load_idx %arg5[%broadcast_in_dim3A_554, %add3A_559] : memref<128x256xf32, #tpu.memory_space<vmem>>[vector<16xi32>, vector<16xi32>], vector<16xf32>,
        tpu.vector_store_idx %arg7[%iota3A, %broadcast_in_dim3A_554], %gather3A_556 : memref<64x128xf32, #tpu.memory_space<vmem>>[vector<16xi32>, vector<16xi32>], vector<16xf32>,
        %add3A_561 = arith.constant 16 : i32
        %add3A_562 = vector.broadcast %add3A_561 : i32 to vector<16xi32>
        %add3A_563 = arith.addi %iota3A, %add3A_562 : vector<16xi32>
        tpu.vector_store_idx %arg7[%add3A_563, %broadcast_in_dim3A_554], %gather3A_560 : memref<64x128xf32, #tpu.memory_space<vmem>>[vector<16xi32>, vector<16xi32>], vector<16xf32>,
        %add3A_564 = arith.constant 11 : i32
        %add3A_565 = arith.addi %mul3A_96, %add3A_564 : i32
        %broadcast_in_dim3A_566 = vector.broadcast %add3A_565 : i32 to vector<16xi32>
        %add3A_567 = arith.addi %all_reduce_ffs3A_202, %iota3A : vector<16xi32>
        %gather3A_568 = tpu.vector_load_idx %arg5[%broadcast_in_dim3A_566, %add3A_567] : memref<128x256xf32, #tpu.memory_space<vmem>>[vector<16xi32>, vector<16xi32>], vector<16xf32>,
        %add3A_569 = arith.constant 16 : i32
        %add3A_570 = vector.broadcast %add3A_569 : i32 to vector<16xi32>
        %add3A_571 = arith.addi %add3A_567, %add3A_570 : vector<16xi32>
        %gather3A_572 = tpu.vector_load_idx %arg5[%broadcast_in_dim3A_566, %add3A_571] : memref<128x256xf32, #tpu.memory_space<vmem>>[vector<16xi32>, vector<16xi32>], vector<16xf32>,
        tpu.vector_store_idx %arg7[%iota3A, %broadcast_in_dim3A_566], %gather3A_568 : memref<64x128xf32, #tpu.memory_space<vmem>>[vector<16xi32>, vector<16xi32>], vector<16xf32>,
        %add3A_573 = arith.constant 16 : i32
        %add3A_574 = vector.broadcast %add3A_573 : i32 to vector<16xi32>
        %add3A_575 = arith.addi %iota3A, %add3A_574 : vector<16xi32>
        tpu.vector_store_idx %arg7[%add3A_575, %broadcast_in_dim3A_566], %gather3A_572 : memref<64x128xf32, #tpu.memory_space<vmem>>[vector<16xi32>, vector<16xi32>], vector<16xf32>,
        %add3A_576 = arith.constant 12 : i32
        %add3A_577 = arith.addi %mul3A_96, %add3A_576 : i32
        %broadcast_in_dim3A_578 = vector.broadcast %add3A_577 : i32 to vector<16xi32>
        %add3A_579 = arith.addi %all_reduce_ffs3A_211, %iota3A : vector<16xi32>
        %gather3A_580 = tpu.vector_load_idx %arg5[%broadcast_in_dim3A_578, %add3A_579] : memref<128x256xf32, #tpu.memory_space<vmem>>[vector<16xi32>, vector<16xi32>], vector<16xf32>,
        %add3A_581 = arith.constant 16 : i32
        %add3A_582 = vector.broadcast %add3A_581 : i32 to vector<16xi32>
        %add3A_583 = arith.addi %add3A_579, %add3A_582 : vector<16xi32>
        %gather3A_584 = tpu.vector_load_idx %arg5[%broadcast_in_dim3A_578, %add3A_583] : memref<128x256xf32, #tpu.memory_space<vmem>>[vector<16xi32>, vector<16xi32>], vector<16xf32>,
        tpu.vector_store_idx %arg7[%iota3A, %broadcast_in_dim3A_578], %gather3A_580 : memref<64x128xf32, #tpu.memory_space<vmem>>[vector<16xi32>, vector<16xi32>], vector<16xf32>,
        %add3A_585 = arith.constant 16 : i32
        %add3A_586 = vector.broadcast %add3A_585 : i32 to vector<16xi32>
        %add3A_587 = arith.addi %iota3A, %add3A_586 : vector<16xi32>
        tpu.vector_store_idx %arg7[%add3A_587, %broadcast_in_dim3A_578], %gather3A_584 : memref<64x128xf32, #tpu.memory_space<vmem>>[vector<16xi32>, vector<16xi32>], vector<16xf32>,
        %add3A_588 = arith.constant 13 : i32
        %add3A_589 = arith.addi %mul3A_96, %add3A_588 : i32
        %broadcast_in_dim3A_590 = vector.broadcast %add3A_589 : i32 to vector<16xi32>
        %add3A_591 = arith.addi %all_reduce_ffs3A_220, %iota3A : vector<16xi32>
        %gather3A_592 = tpu.vector_load_idx %arg5[%broadcast_in_dim3A_590, %add3A_591] : memref<128x256xf32, #tpu.memory_space<vmem>>[vector<16xi32>, vector<16xi32>], vector<16xf32>,
        %add3A_593 = arith.constant 16 : i32
        %add3A_594 = vector.broadcast %add3A_593 : i32 to vector<16xi32>
        %add3A_595 = arith.addi %add3A_591, %add3A_594 : vector<16xi32>
        %gather3A_596 = tpu.vector_load_idx %arg5[%broadcast_in_dim3A_590, %add3A_595] : memref<128x256xf32, #tpu.memory_space<vmem>>[vector<16xi32>, vector<16xi32>], vector<16xf32>,
        tpu.vector_store_idx %arg7[%iota3A, %broadcast_in_dim3A_590], %gather3A_592 : memref<64x128xf32, #tpu.memory_space<vmem>>[vector<16xi32>, vector<16xi32>], vector<16xf32>,
        %add3A_597 = arith.constant 16 : i32
        %add3A_598 = vector.broadcast %add3A_597 : i32 to vector<16xi32>
        %add3A_599 = arith.addi %iota3A, %add3A_598 : vector<16xi32>
        tpu.vector_store_idx %arg7[%add3A_599, %broadcast_in_dim3A_590], %gather3A_596 : memref<64x128xf32, #tpu.memory_space<vmem>>[vector<16xi32>, vector<16xi32>], vector<16xf32>,
        %add3A_600 = arith.constant 14 : i32
        %add3A_601 = arith.addi %mul3A_96, %add3A_600 : i32
        %broadcast_in_dim3A_602 = vector.broadcast %add3A_601 : i32 to vector<16xi32>
        %add3A_603 = arith.addi %all_reduce_ffs3A_229, %iota3A : vector<16xi32>
        %gather3A_604 = tpu.vector_load_idx %arg5[%broadcast_in_dim3A_602, %add3A_603] : memref<128x256xf32, #tpu.memory_space<vmem>>[vector<16xi32>, vector<16xi32>], vector<16xf32>,
        %add3A_605 = arith.constant 16 : i32
        %add3A_606 = vector.broadcast %add3A_605 : i32 to vector<16xi32>
        %add3A_607 = arith.addi %add3A_603, %add3A_606 : vector<16xi32>
        %gather3A_608 = tpu.vector_load_idx %arg5[%broadcast_in_dim3A_602, %add3A_607] : memref<128x256xf32, #tpu.memory_space<vmem>>[vector<16xi32>, vector<16xi32>], vector<16xf32>,
        tpu.vector_store_idx %arg7[%iota3A, %broadcast_in_dim3A_602], %gather3A_604 : memref<64x128xf32, #tpu.memory_space<vmem>>[vector<16xi32>, vector<16xi32>], vector<16xf32>,
        %add3A_609 = arith.constant 16 : i32
        %add3A_610 = vector.broadcast %add3A_609 : i32 to vector<16xi32>
        %add3A_611 = arith.addi %iota3A, %add3A_610 : vector<16xi32>
        tpu.vector_store_idx %arg7[%add3A_611, %broadcast_in_dim3A_602], %gather3A_608 : memref<64x128xf32, #tpu.memory_space<vmem>>[vector<16xi32>, vector<16xi32>], vector<16xf32>,
        %add3A_612 = arith.constant 15 : i32
        %add3A_613 = arith.addi %mul3A_96, %add3A_612 : i32
        %broadcast_in_dim3A_614 = vector.broadcast %add3A_613 : i32 to vector<16xi32>
        %add3A_615 = arith.addi %all_reduce_ffs3A_238, %iota3A : vector<16xi32>
        %gather3A_616 = tpu.vector_load_idx %arg5[%broadcast_in_dim3A_614, %add3A_615] : memref<128x256xf32, #tpu.memory_space<vmem>>[vector<16xi32>, vector<16xi32>], vector<16xf32>,
        %add3A_617 = arith.constant 16 : i32
        %add3A_618 = vector.broadcast %add3A_617 : i32 to vector<16xi32>
        %add3A_619 = arith.addi %add3A_615, %add3A_618 : vector<16xi32>
        %gather3A_620 = tpu.vector_load_idx %arg5[%broadcast_in_dim3A_614, %add3A_619] : memref<128x256xf32, #tpu.memory_space<vmem>>[vector<16xi32>, vector<16xi32>], vector<16xf32>,
        tpu.vector_store_idx %arg7[%iota3A, %broadcast_in_dim3A_614], %gather3A_616 : memref<64x128xf32, #tpu.memory_space<vmem>>[vector<16xi32>, vector<16xi32>], vector<16xf32>,
        %add3A_621 = arith.constant 16 : i32
        %add3A_622 = vector.broadcast %add3A_621 : i32 to vector<16xi32>
        %add3A_623 = arith.addi %iota3A, %add3A_622 : vector<16xi32>
        tpu.vector_store_idx %arg7[%add3A_623, %broadcast_in_dim3A_614], %gather3A_620 : memref<64x128xf32, #tpu.memory_space<vmem>>[vector<16xi32>, vector<16xi32>], vector<16xf32>,
        %ge3A = arith.constant 16 : i32
        %ge3A_624 = vector.broadcast %ge3A : i32 to vector<16xi32>
        %ge3A_625 = arith.cmpi sge, %select_n3A_301, %ge3A_624 : vector<16xi32>
        %reduce_or3A = arith.constant 1.000000e+00 : f32
        %reduce_or3A_626 = arith.constant 0.000000e+00 : f32
        %reduce_or3A_627 = vector.broadcast %reduce_or3A : f32 to vector<16xf32>
        %reduce_or3A_628 = vector.broadcast %reduce_or3A_626 : f32 to vector<16xf32>
        %reduce_or3A_629 = arith.select %ge3A_625, %reduce_or3A_627, %reduce_or3A_628 : vector<16xi1>, vector<16xf32>
        %reduce_or3A_630 = arith.constant true
        %reduce_or3A_631 = vector.broadcast %reduce_or3A_630 : i1 to vector<16xi1>
        %reduce_or3A_632 = tpu.scan <max>, %reduce_or3A_629 masked %reduce_or3A_631 : vector<16xf32>, vector<16xi1> -> vector<16xf32>
        %reduce_or3A_633 = vector.extract %reduce_or3A_632[15] : f32 from vector<16xf32>
        %reduce_or3A_634 = arith.constant 0.000000e+00 : f32
        %reduce_or3A_635 = arith.cmpf ogt, %reduce_or3A_633, %reduce_or3A_634 : f32
        %convert_element_type3A_636 = arith.extui %reduce_or3A_635 : i1 to i32
        %cond3A_637 = arith.constant 0 : i32
        %cond3A_638 = arith.cmpi ne, %convert_element_type3A_636, %cond3A_637 : i32
        scf.if %cond3A_638 {
          %add3A_640 = arith.constant 0 : i32
          %add3A_641 = arith.addi %mul3A_96, %add3A_640 : i32
          %broadcast_in_dim3A_642 = arith.constant 1024 : i32
          %broadcast_in_dim3A_643 = vector.broadcast %broadcast_in_dim3A_642 : i32 to vector<16xi32>
          %scan3A_644 = arith.constant 1 : i32
          %scan3A_645 = arith.constant 15 : i32
          %scan3A_646 = arith.addi %scan3A_644, %scan3A_645 : i32
          %scan3A_647 = arith.constant 1 : i32
          %scan3A_648 = scf.for %scan3A_1398 = %scan3A_644 to %scan3A_646 step %scan3A_647 iter_args(%scan3A_1399 = %broadcast_in_dim3A_643) -> (vector<16xi32>)  : i32 {
            %mul3A_1400 = arith.constant 16 : i32
            %mul3A_1401 = arith.muli %scan3A_1398, %mul3A_1400 : i32
            %get3A_1402 = arith.index_cast %add3A_641 : i32 to index
            %get3A_1403 = arith.index_cast %mul3A_1401 : i32 to index
            %get3A_1404 = tpu.vector_load %arg5[%get3A_1402, %get3A_1403] {strides = array<i32>} : memref<128x256xf32, #tpu.memory_space<vmem>>, vector<16xf32>,
            %gt3A_1405 = arith.constant 1.500000e-01 : f32
            %gt3A_1406 = vector.broadcast %gt3A_1405 : f32 to vector<16xf32>
            %gt3A_1407 = arith.cmpf ogt, %get3A_1404, %gt3A_1406 : vector<16xf32>
            %all_reduce_ffs3A_1408 = tpu.all_reduce %gt3A_1407 {dim = 0 : i64, kind = #tpu.reduction_kind<find_first_set>} : vector<16xi1> -> vector<16xi32>
            %lt3A_1409 = arith.constant 16 : i32
            %lt3A_1410 = vector.broadcast %lt3A_1409 : i32 to vector<16xi32>
            %lt3A_1411 = arith.cmpi slt, %all_reduce_ffs3A_1408, %lt3A_1410 : vector<16xi32>
            %mul3A_1412 = arith.constant 16 : i32
            %mul3A_1413 = arith.muli %scan3A_1398, %mul3A_1412 : i32
            %add3A_1414 = vector.broadcast %mul3A_1413 : i32 to vector<16xi32>
            %add3A_1415 = arith.addi %add3A_1414, %all_reduce_ffs3A_1408 : vector<16xi32>
            %jit3A_1416 = arith.constant 1024 : i32
            %broadcast_in_dim3A_1417 = vector.broadcast %jit3A_1416 : i32 to vector<16xi32>
            %select_n3A_1418 = arith.select %lt3A_1411, %add3A_1415, %broadcast_in_dim3A_1417 : vector<16xi1>, vector<16xi32>
            %min3A = arith.minsi %scan3A_1399, %select_n3A_1418 : vector<16xi32>
            scf.yield %min3A : vector<16xi32>
          }
          %scan3A_649 = arith.constant 15 : i32
          %eq3A_650 = arith.constant 0 : i32
          %eq3A_651 = vector.broadcast %eq3A_650 : i32 to vector<16xi32>
          %eq3A_652 = arith.cmpi eq, %iota3A, %eq3A_651 : vector<16xi32>
          %ge3A_653 = arith.constant 16 : i32
          %ge3A_654 = vector.broadcast %ge3A_653 : i32 to vector<16xi32>
          %ge3A_655 = arith.cmpi sge, %select_n3A_301, %ge3A_654 : vector<16xi32>
          %and3A = arith.andi %eq3A_652, %ge3A_655 : vector<16xi1>
          %select_n3A_656 = arith.select %and3A, %scan3A_648, %select_n3A_301 : vector<16xi1>, vector<16xi32>
          %add3A_657 = arith.constant 1 : i32
          %add3A_658 = arith.addi %mul3A_96, %add3A_657 : i32
          %broadcast_in_dim3A_659 = arith.constant 1024 : i32
          %broadcast_in_dim3A_660 = vector.broadcast %broadcast_in_dim3A_659 : i32 to vector<16xi32>
          %scan3A_661 = arith.constant 1 : i32
          %scan3A_662 = arith.constant 15 : i32
          %scan3A_663 = arith.addi %scan3A_661, %scan3A_662 : i32
          %scan3A_664 = arith.constant 1 : i32
          %scan3A_665 = scf.for %scan3A_1398 = %scan3A_661 to %scan3A_663 step %scan3A_664 iter_args(%scan3A_1399 = %broadcast_in_dim3A_660) -> (vector<16xi32>)  : i32 {
            %mul3A_1400 = arith.constant 16 : i32
            %mul3A_1401 = arith.muli %scan3A_1398, %mul3A_1400 : i32
            %get3A_1402 = arith.index_cast %add3A_658 : i32 to index
            %get3A_1403 = arith.index_cast %mul3A_1401 : i32 to index
            %get3A_1404 = tpu.vector_load %arg5[%get3A_1402, %get3A_1403] {strides = array<i32>} : memref<128x256xf32, #tpu.memory_space<vmem>>, vector<16xf32>,
            %gt3A_1405 = arith.constant 1.500000e-01 : f32
            %gt3A_1406 = vector.broadcast %gt3A_1405 : f32 to vector<16xf32>
            %gt3A_1407 = arith.cmpf ogt, %get3A_1404, %gt3A_1406 : vector<16xf32>
            %all_reduce_ffs3A_1408 = tpu.all_reduce %gt3A_1407 {dim = 0 : i64, kind = #tpu.reduction_kind<find_first_set>} : vector<16xi1> -> vector<16xi32>
            %lt3A_1409 = arith.constant 16 : i32
            %lt3A_1410 = vector.broadcast %lt3A_1409 : i32 to vector<16xi32>
            %lt3A_1411 = arith.cmpi slt, %all_reduce_ffs3A_1408, %lt3A_1410 : vector<16xi32>
            %mul3A_1412 = arith.constant 16 : i32
            %mul3A_1413 = arith.muli %scan3A_1398, %mul3A_1412 : i32
            %add3A_1414 = vector.broadcast %mul3A_1413 : i32 to vector<16xi32>
            %add3A_1415 = arith.addi %add3A_1414, %all_reduce_ffs3A_1408 : vector<16xi32>
            %jit3A_1416 = arith.constant 1024 : i32
            %broadcast_in_dim3A_1417 = vector.broadcast %jit3A_1416 : i32 to vector<16xi32>
            %select_n3A_1418 = arith.select %lt3A_1411, %add3A_1415, %broadcast_in_dim3A_1417 : vector<16xi1>, vector<16xi32>
            %min3A = arith.minsi %scan3A_1399, %select_n3A_1418 : vector<16xi32>
            scf.yield %min3A : vector<16xi32>
          }
          %scan3A_666 = arith.constant 15 : i32
          %eq3A_667 = arith.constant 1 : i32
          %eq3A_668 = vector.broadcast %eq3A_667 : i32 to vector<16xi32>
          %eq3A_669 = arith.cmpi eq, %iota3A, %eq3A_668 : vector<16xi32>
          %ge3A_670 = arith.constant 16 : i32
          %ge3A_671 = vector.broadcast %ge3A_670 : i32 to vector<16xi32>
          %ge3A_672 = arith.cmpi sge, %select_n3A_656, %ge3A_671 : vector<16xi32>
          %and3A_673 = arith.andi %eq3A_669, %ge3A_672 : vector<16xi1>
          %select_n3A_674 = arith.select %and3A_673, %scan3A_665, %select_n3A_656 : vector<16xi1>, vector<16xi32>
          %add3A_675 = arith.constant 2 : i32
          %add3A_676 = arith.addi %mul3A_96, %add3A_675 : i32
          %broadcast_in_dim3A_677 = arith.constant 1024 : i32
          %broadcast_in_dim3A_678 = vector.broadcast %broadcast_in_dim3A_677 : i32 to vector<16xi32>
          %scan3A_679 = arith.constant 1 : i32
          %scan3A_680 = arith.constant 15 : i32
          %scan3A_681 = arith.addi %scan3A_679, %scan3A_680 : i32
          %scan3A_682 = arith.constant 1 : i32
          %scan3A_683 = scf.for %scan3A_1398 = %scan3A_679 to %scan3A_681 step %scan3A_682 iter_args(%scan3A_1399 = %broadcast_in_dim3A_678) -> (vector<16xi32>)  : i32 {
            %mul3A_1400 = arith.constant 16 : i32
            %mul3A_1401 = arith.muli %scan3A_1398, %mul3A_1400 : i32
            %get3A_1402 = arith.index_cast %add3A_676 : i32 to index
            %get3A_1403 = arith.index_cast %mul3A_1401 : i32 to index
            %get3A_1404 = tpu.vector_load %arg5[%get3A_1402, %get3A_1403] {strides = array<i32>} : memref<128x256xf32, #tpu.memory_space<vmem>>, vector<16xf32>,
            %gt3A_1405 = arith.constant 1.500000e-01 : f32
            %gt3A_1406 = vector.broadcast %gt3A_1405 : f32 to vector<16xf32>
            %gt3A_1407 = arith.cmpf ogt, %get3A_1404, %gt3A_1406 : vector<16xf32>
            %all_reduce_ffs3A_1408 = tpu.all_reduce %gt3A_1407 {dim = 0 : i64, kind = #tpu.reduction_kind<find_first_set>} : vector<16xi1> -> vector<16xi32>
            %lt3A_1409 = arith.constant 16 : i32
            %lt3A_1410 = vector.broadcast %lt3A_1409 : i32 to vector<16xi32>
            %lt3A_1411 = arith.cmpi slt, %all_reduce_ffs3A_1408, %lt3A_1410 : vector<16xi32>
            %mul3A_1412 = arith.constant 16 : i32
            %mul3A_1413 = arith.muli %scan3A_1398, %mul3A_1412 : i32
            %add3A_1414 = vector.broadcast %mul3A_1413 : i32 to vector<16xi32>
            %add3A_1415 = arith.addi %add3A_1414, %all_reduce_ffs3A_1408 : vector<16xi32>
            %jit3A_1416 = arith.constant 1024 : i32
            %broadcast_in_dim3A_1417 = vector.broadcast %jit3A_1416 : i32 to vector<16xi32>
            %select_n3A_1418 = arith.select %lt3A_1411, %add3A_1415, %broadcast_in_dim3A_1417 : vector<16xi1>, vector<16xi32>
            %min3A = arith.minsi %scan3A_1399, %select_n3A_1418 : vector<16xi32>
            scf.yield %min3A : vector<16xi32>
          }
          %scan3A_684 = arith.constant 15 : i32
          %eq3A_685 = arith.constant 2 : i32
          %eq3A_686 = vector.broadcast %eq3A_685 : i32 to vector<16xi32>
          %eq3A_687 = arith.cmpi eq, %iota3A, %eq3A_686 : vector<16xi32>
          %ge3A_688 = arith.constant 16 : i32
          %ge3A_689 = vector.broadcast %ge3A_688 : i32 to vector<16xi32>
          %ge3A_690 = arith.cmpi sge, %select_n3A_674, %ge3A_689 : vector<16xi32>
          %and3A_691 = arith.andi %eq3A_687, %ge3A_690 : vector<16xi1>
          %select_n3A_692 = arith.select %and3A_691, %scan3A_683, %select_n3A_674 : vector<16xi1>, vector<16xi32>
          %add3A_693 = arith.constant 3 : i32
          %add3A_694 = arith.addi %mul3A_96, %add3A_693 : i32
          %broadcast_in_dim3A_695 = arith.constant 1024 : i32
          %broadcast_in_dim3A_696 = vector.broadcast %broadcast_in_dim3A_695 : i32 to vector<16xi32>
          %scan3A_697 = arith.constant 1 : i32
          %scan3A_698 = arith.constant 15 : i32
          %scan3A_699 = arith.addi %scan3A_697, %scan3A_698 : i32
          %scan3A_700 = arith.constant 1 : i32
          %scan3A_701 = scf.for %scan3A_1398 = %scan3A_697 to %scan3A_699 step %scan3A_700 iter_args(%scan3A_1399 = %broadcast_in_dim3A_696) -> (vector<16xi32>)  : i32 {
            %mul3A_1400 = arith.constant 16 : i32
            %mul3A_1401 = arith.muli %scan3A_1398, %mul3A_1400 : i32
            %get3A_1402 = arith.index_cast %add3A_694 : i32 to index
            %get3A_1403 = arith.index_cast %mul3A_1401 : i32 to index
            %get3A_1404 = tpu.vector_load %arg5[%get3A_1402, %get3A_1403] {strides = array<i32>} : memref<128x256xf32, #tpu.memory_space<vmem>>, vector<16xf32>,
            %gt3A_1405 = arith.constant 1.500000e-01 : f32
            %gt3A_1406 = vector.broadcast %gt3A_1405 : f32 to vector<16xf32>
            %gt3A_1407 = arith.cmpf ogt, %get3A_1404, %gt3A_1406 : vector<16xf32>
            %all_reduce_ffs3A_1408 = tpu.all_reduce %gt3A_1407 {dim = 0 : i64, kind = #tpu.reduction_kind<find_first_set>} : vector<16xi1> -> vector<16xi32>
            %lt3A_1409 = arith.constant 16 : i32
            %lt3A_1410 = vector.broadcast %lt3A_1409 : i32 to vector<16xi32>
            %lt3A_1411 = arith.cmpi slt, %all_reduce_ffs3A_1408, %lt3A_1410 : vector<16xi32>
            %mul3A_1412 = arith.constant 16 : i32
            %mul3A_1413 = arith.muli %scan3A_1398, %mul3A_1412 : i32
            %add3A_1414 = vector.broadcast %mul3A_1413 : i32 to vector<16xi32>
            %add3A_1415 = arith.addi %add3A_1414, %all_reduce_ffs3A_1408 : vector<16xi32>
            %jit3A_1416 = arith.constant 1024 : i32
            %broadcast_in_dim3A_1417 = vector.broadcast %jit3A_1416 : i32 to vector<16xi32>
            %select_n3A_1418 = arith.select %lt3A_1411, %add3A_1415, %broadcast_in_dim3A_1417 : vector<16xi1>, vector<16xi32>
            %min3A = arith.minsi %scan3A_1399, %select_n3A_1418 : vector<16xi32>
            scf.yield %min3A : vector<16xi32>
          }
          %scan3A_702 = arith.constant 15 : i32
          %eq3A_703 = arith.constant 3 : i32
          %eq3A_704 = vector.broadcast %eq3A_703 : i32 to vector<16xi32>
          %eq3A_705 = arith.cmpi eq, %iota3A, %eq3A_704 : vector<16xi32>
          %ge3A_706 = arith.constant 16 : i32
          %ge3A_707 = vector.broadcast %ge3A_706 : i32 to vector<16xi32>
          %ge3A_708 = arith.cmpi sge, %select_n3A_692, %ge3A_707 : vector<16xi32>
          %and3A_709 = arith.andi %eq3A_705, %ge3A_708 : vector<16xi1>
          %select_n3A_710 = arith.select %and3A_709, %scan3A_701, %select_n3A_692 : vector<16xi1>, vector<16xi32>
          %add3A_711 = arith.constant 4 : i32
          %add3A_712 = arith.addi %mul3A_96, %add3A_711 : i32
          %broadcast_in_dim3A_713 = arith.constant 1024 : i32
          %broadcast_in_dim3A_714 = vector.broadcast %broadcast_in_dim3A_713 : i32 to vector<16xi32>
          %scan3A_715 = arith.constant 1 : i32
          %scan3A_716 = arith.constant 15 : i32
          %scan3A_717 = arith.addi %scan3A_715, %scan3A_716 : i32
          %scan3A_718 = arith.constant 1 : i32
          %scan3A_719 = scf.for %scan3A_1398 = %scan3A_715 to %scan3A_717 step %scan3A_718 iter_args(%scan3A_1399 = %broadcast_in_dim3A_714) -> (vector<16xi32>)  : i32 {
            %mul3A_1400 = arith.constant 16 : i32
            %mul3A_1401 = arith.muli %scan3A_1398, %mul3A_1400 : i32
            %get3A_1402 = arith.index_cast %add3A_712 : i32 to index
            %get3A_1403 = arith.index_cast %mul3A_1401 : i32 to index
            %get3A_1404 = tpu.vector_load %arg5[%get3A_1402, %get3A_1403] {strides = array<i32>} : memref<128x256xf32, #tpu.memory_space<vmem>>, vector<16xf32>,
            %gt3A_1405 = arith.constant 1.500000e-01 : f32
            %gt3A_1406 = vector.broadcast %gt3A_1405 : f32 to vector<16xf32>
            %gt3A_1407 = arith.cmpf ogt, %get3A_1404, %gt3A_1406 : vector<16xf32>
            %all_reduce_ffs3A_1408 = tpu.all_reduce %gt3A_1407 {dim = 0 : i64, kind = #tpu.reduction_kind<find_first_set>} : vector<16xi1> -> vector<16xi32>
            %lt3A_1409 = arith.constant 16 : i32
            %lt3A_1410 = vector.broadcast %lt3A_1409 : i32 to vector<16xi32>
            %lt3A_1411 = arith.cmpi slt, %all_reduce_ffs3A_1408, %lt3A_1410 : vector<16xi32>
            %mul3A_1412 = arith.constant 16 : i32
            %mul3A_1413 = arith.muli %scan3A_1398, %mul3A_1412 : i32
            %add3A_1414 = vector.broadcast %mul3A_1413 : i32 to vector<16xi32>
            %add3A_1415 = arith.addi %add3A_1414, %all_reduce_ffs3A_1408 : vector<16xi32>
            %jit3A_1416 = arith.constant 1024 : i32
            %broadcast_in_dim3A_1417 = vector.broadcast %jit3A_1416 : i32 to vector<16xi32>
            %select_n3A_1418 = arith.select %lt3A_1411, %add3A_1415, %broadcast_in_dim3A_1417 : vector<16xi1>, vector<16xi32>
            %min3A = arith.minsi %scan3A_1399, %select_n3A_1418 : vector<16xi32>
            scf.yield %min3A : vector<16xi32>
          }
          %scan3A_720 = arith.constant 15 : i32
          %eq3A_721 = arith.constant 4 : i32
          %eq3A_722 = vector.broadcast %eq3A_721 : i32 to vector<16xi32>
          %eq3A_723 = arith.cmpi eq, %iota3A, %eq3A_722 : vector<16xi32>
          %ge3A_724 = arith.constant 16 : i32
          %ge3A_725 = vector.broadcast %ge3A_724 : i32 to vector<16xi32>
          %ge3A_726 = arith.cmpi sge, %select_n3A_710, %ge3A_725 : vector<16xi32>
          %and3A_727 = arith.andi %eq3A_723, %ge3A_726 : vector<16xi1>
          %select_n3A_728 = arith.select %and3A_727, %scan3A_719, %select_n3A_710 : vector<16xi1>, vector<16xi32>
          %add3A_729 = arith.constant 5 : i32
          %add3A_730 = arith.addi %mul3A_96, %add3A_729 : i32
          %broadcast_in_dim3A_731 = arith.constant 1024 : i32
          %broadcast_in_dim3A_732 = vector.broadcast %broadcast_in_dim3A_731 : i32 to vector<16xi32>
          %scan3A_733 = arith.constant 1 : i32
          %scan3A_734 = arith.constant 15 : i32
          %scan3A_735 = arith.addi %scan3A_733, %scan3A_734 : i32
          %scan3A_736 = arith.constant 1 : i32
          %scan3A_737 = scf.for %scan3A_1398 = %scan3A_733 to %scan3A_735 step %scan3A_736 iter_args(%scan3A_1399 = %broadcast_in_dim3A_732) -> (vector<16xi32>)  : i32 {
            %mul3A_1400 = arith.constant 16 : i32
            %mul3A_1401 = arith.muli %scan3A_1398, %mul3A_1400 : i32
            %get3A_1402 = arith.index_cast %add3A_730 : i32 to index
            %get3A_1403 = arith.index_cast %mul3A_1401 : i32 to index
            %get3A_1404 = tpu.vector_load %arg5[%get3A_1402, %get3A_1403] {strides = array<i32>} : memref<128x256xf32, #tpu.memory_space<vmem>>, vector<16xf32>,
            %gt3A_1405 = arith.constant 1.500000e-01 : f32
            %gt3A_1406 = vector.broadcast %gt3A_1405 : f32 to vector<16xf32>
            %gt3A_1407 = arith.cmpf ogt, %get3A_1404, %gt3A_1406 : vector<16xf32>
            %all_reduce_ffs3A_1408 = tpu.all_reduce %gt3A_1407 {dim = 0 : i64, kind = #tpu.reduction_kind<find_first_set>} : vector<16xi1> -> vector<16xi32>
            %lt3A_1409 = arith.constant 16 : i32
            %lt3A_1410 = vector.broadcast %lt3A_1409 : i32 to vector<16xi32>
            %lt3A_1411 = arith.cmpi slt, %all_reduce_ffs3A_1408, %lt3A_1410 : vector<16xi32>
            %mul3A_1412 = arith.constant 16 : i32
            %mul3A_1413 = arith.muli %scan3A_1398, %mul3A_1412 : i32
            %add3A_1414 = vector.broadcast %mul3A_1413 : i32 to vector<16xi32>
            %add3A_1415 = arith.addi %add3A_1414, %all_reduce_ffs3A_1408 : vector<16xi32>
            %jit3A_1416 = arith.constant 1024 : i32
            %broadcast_in_dim3A_1417 = vector.broadcast %jit3A_1416 : i32 to vector<16xi32>
            %select_n3A_1418 = arith.select %lt3A_1411, %add3A_1415, %broadcast_in_dim3A_1417 : vector<16xi1>, vector<16xi32>
            %min3A = arith.minsi %scan3A_1399, %select_n3A_1418 : vector<16xi32>
            scf.yield %min3A : vector<16xi32>
          }
          %scan3A_738 = arith.constant 15 : i32
          %eq3A_739 = arith.constant 5 : i32
          %eq3A_740 = vector.broadcast %eq3A_739 : i32 to vector<16xi32>
          %eq3A_741 = arith.cmpi eq, %iota3A, %eq3A_740 : vector<16xi32>
          %ge3A_742 = arith.constant 16 : i32
          %ge3A_743 = vector.broadcast %ge3A_742 : i32 to vector<16xi32>
          %ge3A_744 = arith.cmpi sge, %select_n3A_728, %ge3A_743 : vector<16xi32>
          %and3A_745 = arith.andi %eq3A_741, %ge3A_744 : vector<16xi1>
          %select_n3A_746 = arith.select %and3A_745, %scan3A_737, %select_n3A_728 : vector<16xi1>, vector<16xi32>
          %add3A_747 = arith.constant 6 : i32
          %add3A_748 = arith.addi %mul3A_96, %add3A_747 : i32
          %broadcast_in_dim3A_749 = arith.constant 1024 : i32
          %broadcast_in_dim3A_750 = vector.broadcast %broadcast_in_dim3A_749 : i32 to vector<16xi32>
          %scan3A_751 = arith.constant 1 : i32
          %scan3A_752 = arith.constant 15 : i32
          %scan3A_753 = arith.addi %scan3A_751, %scan3A_752 : i32
          %scan3A_754 = arith.constant 1 : i32
          %scan3A_755 = scf.for %scan3A_1398 = %scan3A_751 to %scan3A_753 step %scan3A_754 iter_args(%scan3A_1399 = %broadcast_in_dim3A_750) -> (vector<16xi32>)  : i32 {
            %mul3A_1400 = arith.constant 16 : i32
            %mul3A_1401 = arith.muli %scan3A_1398, %mul3A_1400 : i32
            %get3A_1402 = arith.index_cast %add3A_748 : i32 to index
            %get3A_1403 = arith.index_cast %mul3A_1401 : i32 to index
            %get3A_1404 = tpu.vector_load %arg5[%get3A_1402, %get3A_1403] {strides = array<i32>} : memref<128x256xf32, #tpu.memory_space<vmem>>, vector<16xf32>,
            %gt3A_1405 = arith.constant 1.500000e-01 : f32
            %gt3A_1406 = vector.broadcast %gt3A_1405 : f32 to vector<16xf32>
            %gt3A_1407 = arith.cmpf ogt, %get3A_1404, %gt3A_1406 : vector<16xf32>
            %all_reduce_ffs3A_1408 = tpu.all_reduce %gt3A_1407 {dim = 0 : i64, kind = #tpu.reduction_kind<find_first_set>} : vector<16xi1> -> vector<16xi32>
            %lt3A_1409 = arith.constant 16 : i32
            %lt3A_1410 = vector.broadcast %lt3A_1409 : i32 to vector<16xi32>
            %lt3A_1411 = arith.cmpi slt, %all_reduce_ffs3A_1408, %lt3A_1410 : vector<16xi32>
            %mul3A_1412 = arith.constant 16 : i32
            %mul3A_1413 = arith.muli %scan3A_1398, %mul3A_1412 : i32
            %add3A_1414 = vector.broadcast %mul3A_1413 : i32 to vector<16xi32>
            %add3A_1415 = arith.addi %add3A_1414, %all_reduce_ffs3A_1408 : vector<16xi32>
            %jit3A_1416 = arith.constant 1024 : i32
            %broadcast_in_dim3A_1417 = vector.broadcast %jit3A_1416 : i32 to vector<16xi32>
            %select_n3A_1418 = arith.select %lt3A_1411, %add3A_1415, %broadcast_in_dim3A_1417 : vector<16xi1>, vector<16xi32>
            %min3A = arith.minsi %scan3A_1399, %select_n3A_1418 : vector<16xi32>
            scf.yield %min3A : vector<16xi32>
          }
          %scan3A_756 = arith.constant 15 : i32
          %eq3A_757 = arith.constant 6 : i32
          %eq3A_758 = vector.broadcast %eq3A_757 : i32 to vector<16xi32>
          %eq3A_759 = arith.cmpi eq, %iota3A, %eq3A_758 : vector<16xi32>
          %ge3A_760 = arith.constant 16 : i32
          %ge3A_761 = vector.broadcast %ge3A_760 : i32 to vector<16xi32>
          %ge3A_762 = arith.cmpi sge, %select_n3A_746, %ge3A_761 : vector<16xi32>
          %and3A_763 = arith.andi %eq3A_759, %ge3A_762 : vector<16xi1>
          %select_n3A_764 = arith.select %and3A_763, %scan3A_755, %select_n3A_746 : vector<16xi1>, vector<16xi32>
          %add3A_765 = arith.constant 7 : i32
          %add3A_766 = arith.addi %mul3A_96, %add3A_765 : i32
          %broadcast_in_dim3A_767 = arith.constant 1024 : i32
          %broadcast_in_dim3A_768 = vector.broadcast %broadcast_in_dim3A_767 : i32 to vector<16xi32>
          %scan3A_769 = arith.constant 1 : i32
          %scan3A_770 = arith.constant 15 : i32
          %scan3A_771 = arith.addi %scan3A_769, %scan3A_770 : i32
          %scan3A_772 = arith.constant 1 : i32
          %scan3A_773 = scf.for %scan3A_1398 = %scan3A_769 to %scan3A_771 step %scan3A_772 iter_args(%scan3A_1399 = %broadcast_in_dim3A_768) -> (vector<16xi32>)  : i32 {
            %mul3A_1400 = arith.constant 16 : i32
            %mul3A_1401 = arith.muli %scan3A_1398, %mul3A_1400 : i32
            %get3A_1402 = arith.index_cast %add3A_766 : i32 to index
            %get3A_1403 = arith.index_cast %mul3A_1401 : i32 to index
            %get3A_1404 = tpu.vector_load %arg5[%get3A_1402, %get3A_1403] {strides = array<i32>} : memref<128x256xf32, #tpu.memory_space<vmem>>, vector<16xf32>,
            %gt3A_1405 = arith.constant 1.500000e-01 : f32
            %gt3A_1406 = vector.broadcast %gt3A_1405 : f32 to vector<16xf32>
            %gt3A_1407 = arith.cmpf ogt, %get3A_1404, %gt3A_1406 : vector<16xf32>
            %all_reduce_ffs3A_1408 = tpu.all_reduce %gt3A_1407 {dim = 0 : i64, kind = #tpu.reduction_kind<find_first_set>} : vector<16xi1> -> vector<16xi32>
            %lt3A_1409 = arith.constant 16 : i32
            %lt3A_1410 = vector.broadcast %lt3A_1409 : i32 to vector<16xi32>
            %lt3A_1411 = arith.cmpi slt, %all_reduce_ffs3A_1408, %lt3A_1410 : vector<16xi32>
            %mul3A_1412 = arith.constant 16 : i32
            %mul3A_1413 = arith.muli %scan3A_1398, %mul3A_1412 : i32
            %add3A_1414 = vector.broadcast %mul3A_1413 : i32 to vector<16xi32>
            %add3A_1415 = arith.addi %add3A_1414, %all_reduce_ffs3A_1408 : vector<16xi32>
            %jit3A_1416 = arith.constant 1024 : i32
            %broadcast_in_dim3A_1417 = vector.broadcast %jit3A_1416 : i32 to vector<16xi32>
            %select_n3A_1418 = arith.select %lt3A_1411, %add3A_1415, %broadcast_in_dim3A_1417 : vector<16xi1>, vector<16xi32>
            %min3A = arith.minsi %scan3A_1399, %select_n3A_1418 : vector<16xi32>
            scf.yield %min3A : vector<16xi32>
          }
          %scan3A_774 = arith.constant 15 : i32
          %eq3A_775 = arith.constant 7 : i32
          %eq3A_776 = vector.broadcast %eq3A_775 : i32 to vector<16xi32>
          %eq3A_777 = arith.cmpi eq, %iota3A, %eq3A_776 : vector<16xi32>
          %ge3A_778 = arith.constant 16 : i32
          %ge3A_779 = vector.broadcast %ge3A_778 : i32 to vector<16xi32>
          %ge3A_780 = arith.cmpi sge, %select_n3A_764, %ge3A_779 : vector<16xi32>
          %and3A_781 = arith.andi %eq3A_777, %ge3A_780 : vector<16xi1>
          %select_n3A_782 = arith.select %and3A_781, %scan3A_773, %select_n3A_764 : vector<16xi1>, vector<16xi32>
          %add3A_783 = arith.constant 8 : i32
          %add3A_784 = arith.addi %mul3A_96, %add3A_783 : i32
          %broadcast_in_dim3A_785 = arith.constant 1024 : i32
          %broadcast_in_dim3A_786 = vector.broadcast %broadcast_in_dim3A_785 : i32 to vector<16xi32>
          %scan3A_787 = arith.constant 1 : i32
          %scan3A_788 = arith.constant 15 : i32
          %scan3A_789 = arith.addi %scan3A_787, %scan3A_788 : i32
          %scan3A_790 = arith.constant 1 : i32
          %scan3A_791 = scf.for %scan3A_1398 = %scan3A_787 to %scan3A_789 step %scan3A_790 iter_args(%scan3A_1399 = %broadcast_in_dim3A_786) -> (vector<16xi32>)  : i32 {
            %mul3A_1400 = arith.constant 16 : i32
            %mul3A_1401 = arith.muli %scan3A_1398, %mul3A_1400 : i32
            %get3A_1402 = arith.index_cast %add3A_784 : i32 to index
            %get3A_1403 = arith.index_cast %mul3A_1401 : i32 to index
            %get3A_1404 = tpu.vector_load %arg5[%get3A_1402, %get3A_1403] {strides = array<i32>} : memref<128x256xf32, #tpu.memory_space<vmem>>, vector<16xf32>,
            %gt3A_1405 = arith.constant 1.500000e-01 : f32
            %gt3A_1406 = vector.broadcast %gt3A_1405 : f32 to vector<16xf32>
            %gt3A_1407 = arith.cmpf ogt, %get3A_1404, %gt3A_1406 : vector<16xf32>
            %all_reduce_ffs3A_1408 = tpu.all_reduce %gt3A_1407 {dim = 0 : i64, kind = #tpu.reduction_kind<find_first_set>} : vector<16xi1> -> vector<16xi32>
            %lt3A_1409 = arith.constant 16 : i32
            %lt3A_1410 = vector.broadcast %lt3A_1409 : i32 to vector<16xi32>
            %lt3A_1411 = arith.cmpi slt, %all_reduce_ffs3A_1408, %lt3A_1410 : vector<16xi32>
            %mul3A_1412 = arith.constant 16 : i32
            %mul3A_1413 = arith.muli %scan3A_1398, %mul3A_1412 : i32
            %add3A_1414 = vector.broadcast %mul3A_1413 : i32 to vector<16xi32>
            %add3A_1415 = arith.addi %add3A_1414, %all_reduce_ffs3A_1408 : vector<16xi32>
            %jit3A_1416 = arith.constant 1024 : i32
            %broadcast_in_dim3A_1417 = vector.broadcast %jit3A_1416 : i32 to vector<16xi32>
            %select_n3A_1418 = arith.select %lt3A_1411, %add3A_1415, %broadcast_in_dim3A_1417 : vector<16xi1>, vector<16xi32>
            %min3A = arith.minsi %scan3A_1399, %select_n3A_1418 : vector<16xi32>
            scf.yield %min3A : vector<16xi32>
          }
          %scan3A_792 = arith.constant 15 : i32
          %eq3A_793 = arith.constant 8 : i32
          %eq3A_794 = vector.broadcast %eq3A_793 : i32 to vector<16xi32>
          %eq3A_795 = arith.cmpi eq, %iota3A, %eq3A_794 : vector<16xi32>
          %ge3A_796 = arith.constant 16 : i32
          %ge3A_797 = vector.broadcast %ge3A_796 : i32 to vector<16xi32>
          %ge3A_798 = arith.cmpi sge, %select_n3A_782, %ge3A_797 : vector<16xi32>
          %and3A_799 = arith.andi %eq3A_795, %ge3A_798 : vector<16xi1>
          %select_n3A_800 = arith.select %and3A_799, %scan3A_791, %select_n3A_782 : vector<16xi1>, vector<16xi32>
          %add3A_801 = arith.constant 9 : i32
          %add3A_802 = arith.addi %mul3A_96, %add3A_801 : i32
          %broadcast_in_dim3A_803 = arith.constant 1024 : i32
          %broadcast_in_dim3A_804 = vector.broadcast %broadcast_in_dim3A_803 : i32 to vector<16xi32>
          %scan3A_805 = arith.constant 1 : i32
          %scan3A_806 = arith.constant 15 : i32
          %scan3A_807 = arith.addi %scan3A_805, %scan3A_806 : i32
          %scan3A_808 = arith.constant 1 : i32
          %scan3A_809 = scf.for %scan3A_1398 = %scan3A_805 to %scan3A_807 step %scan3A_808 iter_args(%scan3A_1399 = %broadcast_in_dim3A_804) -> (vector<16xi32>)  : i32 {
            %mul3A_1400 = arith.constant 16 : i32
            %mul3A_1401 = arith.muli %scan3A_1398, %mul3A_1400 : i32
            %get3A_1402 = arith.index_cast %add3A_802 : i32 to index
            %get3A_1403 = arith.index_cast %mul3A_1401 : i32 to index
            %get3A_1404 = tpu.vector_load %arg5[%get3A_1402, %get3A_1403] {strides = array<i32>} : memref<128x256xf32, #tpu.memory_space<vmem>>, vector<16xf32>,
            %gt3A_1405 = arith.constant 1.500000e-01 : f32
            %gt3A_1406 = vector.broadcast %gt3A_1405 : f32 to vector<16xf32>
            %gt3A_1407 = arith.cmpf ogt, %get3A_1404, %gt3A_1406 : vector<16xf32>
            %all_reduce_ffs3A_1408 = tpu.all_reduce %gt3A_1407 {dim = 0 : i64, kind = #tpu.reduction_kind<find_first_set>} : vector<16xi1> -> vector<16xi32>
            %lt3A_1409 = arith.constant 16 : i32
            %lt3A_1410 = vector.broadcast %lt3A_1409 : i32 to vector<16xi32>
            %lt3A_1411 = arith.cmpi slt, %all_reduce_ffs3A_1408, %lt3A_1410 : vector<16xi32>
            %mul3A_1412 = arith.constant 16 : i32
            %mul3A_1413 = arith.muli %scan3A_1398, %mul3A_1412 : i32
            %add3A_1414 = vector.broadcast %mul3A_1413 : i32 to vector<16xi32>
            %add3A_1415 = arith.addi %add3A_1414, %all_reduce_ffs3A_1408 : vector<16xi32>
            %jit3A_1416 = arith.constant 1024 : i32
            %broadcast_in_dim3A_1417 = vector.broadcast %jit3A_1416 : i32 to vector<16xi32>
            %select_n3A_1418 = arith.select %lt3A_1411, %add3A_1415, %broadcast_in_dim3A_1417 : vector<16xi1>, vector<16xi32>
            %min3A = arith.minsi %scan3A_1399, %select_n3A_1418 : vector<16xi32>
            scf.yield %min3A : vector<16xi32>
          }
          %scan3A_810 = arith.constant 15 : i32
          %eq3A_811 = arith.constant 9 : i32
          %eq3A_812 = vector.broadcast %eq3A_811 : i32 to vector<16xi32>
          %eq3A_813 = arith.cmpi eq, %iota3A, %eq3A_812 : vector<16xi32>
          %ge3A_814 = arith.constant 16 : i32
          %ge3A_815 = vector.broadcast %ge3A_814 : i32 to vector<16xi32>
          %ge3A_816 = arith.cmpi sge, %select_n3A_800, %ge3A_815 : vector<16xi32>
          %and3A_817 = arith.andi %eq3A_813, %ge3A_816 : vector<16xi1>
          %select_n3A_818 = arith.select %and3A_817, %scan3A_809, %select_n3A_800 : vector<16xi1>, vector<16xi32>
          %add3A_819 = arith.constant 10 : i32
          %add3A_820 = arith.addi %mul3A_96, %add3A_819 : i32
          %broadcast_in_dim3A_821 = arith.constant 1024 : i32
          %broadcast_in_dim3A_822 = vector.broadcast %broadcast_in_dim3A_821 : i32 to vector<16xi32>
          %scan3A_823 = arith.constant 1 : i32
          %scan3A_824 = arith.constant 15 : i32
          %scan3A_825 = arith.addi %scan3A_823, %scan3A_824 : i32
          %scan3A_826 = arith.constant 1 : i32
          %scan3A_827 = scf.for %scan3A_1398 = %scan3A_823 to %scan3A_825 step %scan3A_826 iter_args(%scan3A_1399 = %broadcast_in_dim3A_822) -> (vector<16xi32>)  : i32 {
            %mul3A_1400 = arith.constant 16 : i32
            %mul3A_1401 = arith.muli %scan3A_1398, %mul3A_1400 : i32
            %get3A_1402 = arith.index_cast %add3A_820 : i32 to index
            %get3A_1403 = arith.index_cast %mul3A_1401 : i32 to index
            %get3A_1404 = tpu.vector_load %arg5[%get3A_1402, %get3A_1403] {strides = array<i32>} : memref<128x256xf32, #tpu.memory_space<vmem>>, vector<16xf32>,
            %gt3A_1405 = arith.constant 1.500000e-01 : f32
            %gt3A_1406 = vector.broadcast %gt3A_1405 : f32 to vector<16xf32>
            %gt3A_1407 = arith.cmpf ogt, %get3A_1404, %gt3A_1406 : vector<16xf32>
            %all_reduce_ffs3A_1408 = tpu.all_reduce %gt3A_1407 {dim = 0 : i64, kind = #tpu.reduction_kind<find_first_set>} : vector<16xi1> -> vector<16xi32>
            %lt3A_1409 = arith.constant 16 : i32
            %lt3A_1410 = vector.broadcast %lt3A_1409 : i32 to vector<16xi32>
            %lt3A_1411 = arith.cmpi slt, %all_reduce_ffs3A_1408, %lt3A_1410 : vector<16xi32>
            %mul3A_1412 = arith.constant 16 : i32
            %mul3A_1413 = arith.muli %scan3A_1398, %mul3A_1412 : i32
            %add3A_1414 = vector.broadcast %mul3A_1413 : i32 to vector<16xi32>
            %add3A_1415 = arith.addi %add3A_1414, %all_reduce_ffs3A_1408 : vector<16xi32>
            %jit3A_1416 = arith.constant 1024 : i32
            %broadcast_in_dim3A_1417 = vector.broadcast %jit3A_1416 : i32 to vector<16xi32>
            %select_n3A_1418 = arith.select %lt3A_1411, %add3A_1415, %broadcast_in_dim3A_1417 : vector<16xi1>, vector<16xi32>
            %min3A = arith.minsi %scan3A_1399, %select_n3A_1418 : vector<16xi32>
            scf.yield %min3A : vector<16xi32>
          }
          %scan3A_828 = arith.constant 15 : i32
          %eq3A_829 = arith.constant 10 : i32
          %eq3A_830 = vector.broadcast %eq3A_829 : i32 to vector<16xi32>
          %eq3A_831 = arith.cmpi eq, %iota3A, %eq3A_830 : vector<16xi32>
          %ge3A_832 = arith.constant 16 : i32
          %ge3A_833 = vector.broadcast %ge3A_832 : i32 to vector<16xi32>
          %ge3A_834 = arith.cmpi sge, %select_n3A_818, %ge3A_833 : vector<16xi32>
          %and3A_835 = arith.andi %eq3A_831, %ge3A_834 : vector<16xi1>
          %select_n3A_836 = arith.select %and3A_835, %scan3A_827, %select_n3A_818 : vector<16xi1>, vector<16xi32>
          %add3A_837 = arith.constant 11 : i32
          %add3A_838 = arith.addi %mul3A_96, %add3A_837 : i32
          %broadcast_in_dim3A_839 = arith.constant 1024 : i32
          %broadcast_in_dim3A_840 = vector.broadcast %broadcast_in_dim3A_839 : i32 to vector<16xi32>
          %scan3A_841 = arith.constant 1 : i32
          %scan3A_842 = arith.constant 15 : i32
          %scan3A_843 = arith.addi %scan3A_841, %scan3A_842 : i32
          %scan3A_844 = arith.constant 1 : i32
          %scan3A_845 = scf.for %scan3A_1398 = %scan3A_841 to %scan3A_843 step %scan3A_844 iter_args(%scan3A_1399 = %broadcast_in_dim3A_840) -> (vector<16xi32>)  : i32 {
            %mul3A_1400 = arith.constant 16 : i32
            %mul3A_1401 = arith.muli %scan3A_1398, %mul3A_1400 : i32
            %get3A_1402 = arith.index_cast %add3A_838 : i32 to index
            %get3A_1403 = arith.index_cast %mul3A_1401 : i32 to index
            %get3A_1404 = tpu.vector_load %arg5[%get3A_1402, %get3A_1403] {strides = array<i32>} : memref<128x256xf32, #tpu.memory_space<vmem>>, vector<16xf32>,
            %gt3A_1405 = arith.constant 1.500000e-01 : f32
            %gt3A_1406 = vector.broadcast %gt3A_1405 : f32 to vector<16xf32>
            %gt3A_1407 = arith.cmpf ogt, %get3A_1404, %gt3A_1406 : vector<16xf32>
            %all_reduce_ffs3A_1408 = tpu.all_reduce %gt3A_1407 {dim = 0 : i64, kind = #tpu.reduction_kind<find_first_set>} : vector<16xi1> -> vector<16xi32>
            %lt3A_1409 = arith.constant 16 : i32
            %lt3A_1410 = vector.broadcast %lt3A_1409 : i32 to vector<16xi32>
            %lt3A_1411 = arith.cmpi slt, %all_reduce_ffs3A_1408, %lt3A_1410 : vector<16xi32>
            %mul3A_1412 = arith.constant 16 : i32
            %mul3A_1413 = arith.muli %scan3A_1398, %mul3A_1412 : i32
            %add3A_1414 = vector.broadcast %mul3A_1413 : i32 to vector<16xi32>
            %add3A_1415 = arith.addi %add3A_1414, %all_reduce_ffs3A_1408 : vector<16xi32>
            %jit3A_1416 = arith.constant 1024 : i32
            %broadcast_in_dim3A_1417 = vector.broadcast %jit3A_1416 : i32 to vector<16xi32>
            %select_n3A_1418 = arith.select %lt3A_1411, %add3A_1415, %broadcast_in_dim3A_1417 : vector<16xi1>, vector<16xi32>
            %min3A = arith.minsi %scan3A_1399, %select_n3A_1418 : vector<16xi32>
            scf.yield %min3A : vector<16xi32>
          }
          %scan3A_846 = arith.constant 15 : i32
          %eq3A_847 = arith.constant 11 : i32
          %eq3A_848 = vector.broadcast %eq3A_847 : i32 to vector<16xi32>
          %eq3A_849 = arith.cmpi eq, %iota3A, %eq3A_848 : vector<16xi32>
          %ge3A_850 = arith.constant 16 : i32
          %ge3A_851 = vector.broadcast %ge3A_850 : i32 to vector<16xi32>
          %ge3A_852 = arith.cmpi sge, %select_n3A_836, %ge3A_851 : vector<16xi32>
          %and3A_853 = arith.andi %eq3A_849, %ge3A_852 : vector<16xi1>
          %select_n3A_854 = arith.select %and3A_853, %scan3A_845, %select_n3A_836 : vector<16xi1>, vector<16xi32>
          %add3A_855 = arith.constant 12 : i32
          %add3A_856 = arith.addi %mul3A_96, %add3A_855 : i32
          %broadcast_in_dim3A_857 = arith.constant 1024 : i32
          %broadcast_in_dim3A_858 = vector.broadcast %broadcast_in_dim3A_857 : i32 to vector<16xi32>
          %scan3A_859 = arith.constant 1 : i32
          %scan3A_860 = arith.constant 15 : i32
          %scan3A_861 = arith.addi %scan3A_859, %scan3A_860 : i32
          %scan3A_862 = arith.constant 1 : i32
          %scan3A_863 = scf.for %scan3A_1398 = %scan3A_859 to %scan3A_861 step %scan3A_862 iter_args(%scan3A_1399 = %broadcast_in_dim3A_858) -> (vector<16xi32>)  : i32 {
            %mul3A_1400 = arith.constant 16 : i32
            %mul3A_1401 = arith.muli %scan3A_1398, %mul3A_1400 : i32
            %get3A_1402 = arith.index_cast %add3A_856 : i32 to index
            %get3A_1403 = arith.index_cast %mul3A_1401 : i32 to index
            %get3A_1404 = tpu.vector_load %arg5[%get3A_1402, %get3A_1403] {strides = array<i32>} : memref<128x256xf32, #tpu.memory_space<vmem>>, vector<16xf32>,
            %gt3A_1405 = arith.constant 1.500000e-01 : f32
            %gt3A_1406 = vector.broadcast %gt3A_1405 : f32 to vector<16xf32>
            %gt3A_1407 = arith.cmpf ogt, %get3A_1404, %gt3A_1406 : vector<16xf32>
            %all_reduce_ffs3A_1408 = tpu.all_reduce %gt3A_1407 {dim = 0 : i64, kind = #tpu.reduction_kind<find_first_set>} : vector<16xi1> -> vector<16xi32>
            %lt3A_1409 = arith.constant 16 : i32
            %lt3A_1410 = vector.broadcast %lt3A_1409 : i32 to vector<16xi32>
            %lt3A_1411 = arith.cmpi slt, %all_reduce_ffs3A_1408, %lt3A_1410 : vector<16xi32>
            %mul3A_1412 = arith.constant 16 : i32
            %mul3A_1413 = arith.muli %scan3A_1398, %mul3A_1412 : i32
            %add3A_1414 = vector.broadcast %mul3A_1413 : i32 to vector<16xi32>
            %add3A_1415 = arith.addi %add3A_1414, %all_reduce_ffs3A_1408 : vector<16xi32>
            %jit3A_1416 = arith.constant 1024 : i32
            %broadcast_in_dim3A_1417 = vector.broadcast %jit3A_1416 : i32 to vector<16xi32>
            %select_n3A_1418 = arith.select %lt3A_1411, %add3A_1415, %broadcast_in_dim3A_1417 : vector<16xi1>, vector<16xi32>
            %min3A = arith.minsi %scan3A_1399, %select_n3A_1418 : vector<16xi32>
            scf.yield %min3A : vector<16xi32>
          }
          %scan3A_864 = arith.constant 15 : i32
          %eq3A_865 = arith.constant 12 : i32
          %eq3A_866 = vector.broadcast %eq3A_865 : i32 to vector<16xi32>
          %eq3A_867 = arith.cmpi eq, %iota3A, %eq3A_866 : vector<16xi32>
          %ge3A_868 = arith.constant 16 : i32
          %ge3A_869 = vector.broadcast %ge3A_868 : i32 to vector<16xi32>
          %ge3A_870 = arith.cmpi sge, %select_n3A_854, %ge3A_869 : vector<16xi32>
          %and3A_871 = arith.andi %eq3A_867, %ge3A_870 : vector<16xi1>
          %select_n3A_872 = arith.select %and3A_871, %scan3A_863, %select_n3A_854 : vector<16xi1>, vector<16xi32>
          %add3A_873 = arith.constant 13 : i32
          %add3A_874 = arith.addi %mul3A_96, %add3A_873 : i32
          %broadcast_in_dim3A_875 = arith.constant 1024 : i32
          %broadcast_in_dim3A_876 = vector.broadcast %broadcast_in_dim3A_875 : i32 to vector<16xi32>
          %scan3A_877 = arith.constant 1 : i32
          %scan3A_878 = arith.constant 15 : i32
          %scan3A_879 = arith.addi %scan3A_877, %scan3A_878 : i32
          %scan3A_880 = arith.constant 1 : i32
          %scan3A_881 = scf.for %scan3A_1398 = %scan3A_877 to %scan3A_879 step %scan3A_880 iter_args(%scan3A_1399 = %broadcast_in_dim3A_876) -> (vector<16xi32>)  : i32 {
            %mul3A_1400 = arith.constant 16 : i32
            %mul3A_1401 = arith.muli %scan3A_1398, %mul3A_1400 : i32
            %get3A_1402 = arith.index_cast %add3A_874 : i32 to index
            %get3A_1403 = arith.index_cast %mul3A_1401 : i32 to index
            %get3A_1404 = tpu.vector_load %arg5[%get3A_1402, %get3A_1403] {strides = array<i32>} : memref<128x256xf32, #tpu.memory_space<vmem>>, vector<16xf32>,
            %gt3A_1405 = arith.constant 1.500000e-01 : f32
            %gt3A_1406 = vector.broadcast %gt3A_1405 : f32 to vector<16xf32>
            %gt3A_1407 = arith.cmpf ogt, %get3A_1404, %gt3A_1406 : vector<16xf32>
            %all_reduce_ffs3A_1408 = tpu.all_reduce %gt3A_1407 {dim = 0 : i64, kind = #tpu.reduction_kind<find_first_set>} : vector<16xi1> -> vector<16xi32>
            %lt3A_1409 = arith.constant 16 : i32
            %lt3A_1410 = vector.broadcast %lt3A_1409 : i32 to vector<16xi32>
            %lt3A_1411 = arith.cmpi slt, %all_reduce_ffs3A_1408, %lt3A_1410 : vector<16xi32>
            %mul3A_1412 = arith.constant 16 : i32
            %mul3A_1413 = arith.muli %scan3A_1398, %mul3A_1412 : i32
            %add3A_1414 = vector.broadcast %mul3A_1413 : i32 to vector<16xi32>
            %add3A_1415 = arith.addi %add3A_1414, %all_reduce_ffs3A_1408 : vector<16xi32>
            %jit3A_1416 = arith.constant 1024 : i32
            %broadcast_in_dim3A_1417 = vector.broadcast %jit3A_1416 : i32 to vector<16xi32>
            %select_n3A_1418 = arith.select %lt3A_1411, %add3A_1415, %broadcast_in_dim3A_1417 : vector<16xi1>, vector<16xi32>
            %min3A = arith.minsi %scan3A_1399, %select_n3A_1418 : vector<16xi32>
            scf.yield %min3A : vector<16xi32>
          }
          %scan3A_882 = arith.constant 15 : i32
          %eq3A_883 = arith.constant 13 : i32
          %eq3A_884 = vector.broadcast %eq3A_883 : i32 to vector<16xi32>
          %eq3A_885 = arith.cmpi eq, %iota3A, %eq3A_884 : vector<16xi32>
          %ge3A_886 = arith.constant 16 : i32
          %ge3A_887 = vector.broadcast %ge3A_886 : i32 to vector<16xi32>
          %ge3A_888 = arith.cmpi sge, %select_n3A_872, %ge3A_887 : vector<16xi32>
          %and3A_889 = arith.andi %eq3A_885, %ge3A_888 : vector<16xi1>
          %select_n3A_890 = arith.select %and3A_889, %scan3A_881, %select_n3A_872 : vector<16xi1>, vector<16xi32>
          %add3A_891 = arith.constant 14 : i32
          %add3A_892 = arith.addi %mul3A_96, %add3A_891 : i32
          %broadcast_in_dim3A_893 = arith.constant 1024 : i32
          %broadcast_in_dim3A_894 = vector.broadcast %broadcast_in_dim3A_893 : i32 to vector<16xi32>
          %scan3A_895 = arith.constant 1 : i32
          %scan3A_896 = arith.constant 15 : i32
          %scan3A_897 = arith.addi %scan3A_895, %scan3A_896 : i32
          %scan3A_898 = arith.constant 1 : i32
          %scan3A_899 = scf.for %scan3A_1398 = %scan3A_895 to %scan3A_897 step %scan3A_898 iter_args(%scan3A_1399 = %broadcast_in_dim3A_894) -> (vector<16xi32>)  : i32 {
            %mul3A_1400 = arith.constant 16 : i32
            %mul3A_1401 = arith.muli %scan3A_1398, %mul3A_1400 : i32
            %get3A_1402 = arith.index_cast %add3A_892 : i32 to index
            %get3A_1403 = arith.index_cast %mul3A_1401 : i32 to index
            %get3A_1404 = tpu.vector_load %arg5[%get3A_1402, %get3A_1403] {strides = array<i32>} : memref<128x256xf32, #tpu.memory_space<vmem>>, vector<16xf32>,
            %gt3A_1405 = arith.constant 1.500000e-01 : f32
            %gt3A_1406 = vector.broadcast %gt3A_1405 : f32 to vector<16xf32>
            %gt3A_1407 = arith.cmpf ogt, %get3A_1404, %gt3A_1406 : vector<16xf32>
            %all_reduce_ffs3A_1408 = tpu.all_reduce %gt3A_1407 {dim = 0 : i64, kind = #tpu.reduction_kind<find_first_set>} : vector<16xi1> -> vector<16xi32>
            %lt3A_1409 = arith.constant 16 : i32
            %lt3A_1410 = vector.broadcast %lt3A_1409 : i32 to vector<16xi32>
            %lt3A_1411 = arith.cmpi slt, %all_reduce_ffs3A_1408, %lt3A_1410 : vector<16xi32>
            %mul3A_1412 = arith.constant 16 : i32
            %mul3A_1413 = arith.muli %scan3A_1398, %mul3A_1412 : i32
            %add3A_1414 = vector.broadcast %mul3A_1413 : i32 to vector<16xi32>
            %add3A_1415 = arith.addi %add3A_1414, %all_reduce_ffs3A_1408 : vector<16xi32>
            %jit3A_1416 = arith.constant 1024 : i32
            %broadcast_in_dim3A_1417 = vector.broadcast %jit3A_1416 : i32 to vector<16xi32>
            %select_n3A_1418 = arith.select %lt3A_1411, %add3A_1415, %broadcast_in_dim3A_1417 : vector<16xi1>, vector<16xi32>
            %min3A = arith.minsi %scan3A_1399, %select_n3A_1418 : vector<16xi32>
            scf.yield %min3A : vector<16xi32>
          }
          %scan3A_900 = arith.constant 15 : i32
          %eq3A_901 = arith.constant 14 : i32
          %eq3A_902 = vector.broadcast %eq3A_901 : i32 to vector<16xi32>
          %eq3A_903 = arith.cmpi eq, %iota3A, %eq3A_902 : vector<16xi32>
          %ge3A_904 = arith.constant 16 : i32
          %ge3A_905 = vector.broadcast %ge3A_904 : i32 to vector<16xi32>
          %ge3A_906 = arith.cmpi sge, %select_n3A_890, %ge3A_905 : vector<16xi32>
          %and3A_907 = arith.andi %eq3A_903, %ge3A_906 : vector<16xi1>
          %select_n3A_908 = arith.select %and3A_907, %scan3A_899, %select_n3A_890 : vector<16xi1>, vector<16xi32>
          %add3A_909 = arith.constant 15 : i32
          %add3A_910 = arith.addi %mul3A_96, %add3A_909 : i32
          %broadcast_in_dim3A_911 = arith.constant 1024 : i32
          %broadcast_in_dim3A_912 = vector.broadcast %broadcast_in_dim3A_911 : i32 to vector<16xi32>
          %scan3A_913 = arith.constant 1 : i32
          %scan3A_914 = arith.constant 15 : i32
          %scan3A_915 = arith.addi %scan3A_913, %scan3A_914 : i32
          %scan3A_916 = arith.constant 1 : i32
          %scan3A_917 = scf.for %scan3A_1398 = %scan3A_913 to %scan3A_915 step %scan3A_916 iter_args(%scan3A_1399 = %broadcast_in_dim3A_912) -> (vector<16xi32>)  : i32 {
            %mul3A_1400 = arith.constant 16 : i32
            %mul3A_1401 = arith.muli %scan3A_1398, %mul3A_1400 : i32
            %get3A_1402 = arith.index_cast %add3A_910 : i32 to index
            %get3A_1403 = arith.index_cast %mul3A_1401 : i32 to index
            %get3A_1404 = tpu.vector_load %arg5[%get3A_1402, %get3A_1403] {strides = array<i32>} : memref<128x256xf32, #tpu.memory_space<vmem>>, vector<16xf32>,
            %gt3A_1405 = arith.constant 1.500000e-01 : f32
            %gt3A_1406 = vector.broadcast %gt3A_1405 : f32 to vector<16xf32>
            %gt3A_1407 = arith.cmpf ogt, %get3A_1404, %gt3A_1406 : vector<16xf32>
            %all_reduce_ffs3A_1408 = tpu.all_reduce %gt3A_1407 {dim = 0 : i64, kind = #tpu.reduction_kind<find_first_set>} : vector<16xi1> -> vector<16xi32>
            %lt3A_1409 = arith.constant 16 : i32
            %lt3A_1410 = vector.broadcast %lt3A_1409 : i32 to vector<16xi32>
            %lt3A_1411 = arith.cmpi slt, %all_reduce_ffs3A_1408, %lt3A_1410 : vector<16xi32>
            %mul3A_1412 = arith.constant 16 : i32
            %mul3A_1413 = arith.muli %scan3A_1398, %mul3A_1412 : i32
            %add3A_1414 = vector.broadcast %mul3A_1413 : i32 to vector<16xi32>
            %add3A_1415 = arith.addi %add3A_1414, %all_reduce_ffs3A_1408 : vector<16xi32>
            %jit3A_1416 = arith.constant 1024 : i32
            %broadcast_in_dim3A_1417 = vector.broadcast %jit3A_1416 : i32 to vector<16xi32>
            %select_n3A_1418 = arith.select %lt3A_1411, %add3A_1415, %broadcast_in_dim3A_1417 : vector<16xi1>, vector<16xi32>
            %min3A = arith.minsi %scan3A_1399, %select_n3A_1418 : vector<16xi32>
            scf.yield %min3A : vector<16xi32>
          }
          %scan3A_918 = arith.constant 15 : i32
          %eq3A_919 = arith.constant 15 : i32
          %eq3A_920 = vector.broadcast %eq3A_919 : i32 to vector<16xi32>
          %eq3A_921 = arith.cmpi eq, %iota3A, %eq3A_920 : vector<16xi32>
          %ge3A_922 = arith.constant 16 : i32
          %ge3A_923 = vector.broadcast %ge3A_922 : i32 to vector<16xi32>
          %ge3A_924 = arith.cmpi sge, %select_n3A_908, %ge3A_923 : vector<16xi32>
          %and3A_925 = arith.andi %eq3A_921, %ge3A_924 : vector<16xi1>
          %select_n3A_926 = arith.select %and3A_925, %scan3A_917, %select_n3A_908 : vector<16xi1>, vector<16xi32>
          %ge3A_927 = arith.constant 256 : i32
          %ge3A_928 = vector.broadcast %ge3A_927 : i32 to vector<16xi32>
          %ge3A_929 = arith.cmpi sge, %select_n3A_926, %ge3A_928 : vector<16xi32>
          %jit3A = arith.constant 0 : i32
          %broadcast_in_dim3A_930 = vector.broadcast %jit3A : i32 to vector<16xi32>
          %select_n3A_931 = arith.select %ge3A_929, %broadcast_in_dim3A_930, %select_n3A_926 : vector<16xi1>, vector<16xi32>
          %add3A_932 = arith.constant 0 : i32
          %add3A_933 = arith.addi %mul3A_96, %add3A_932 : i32
          %slice3A = vector.extract_strided_slice %select_n3A_931 {offsets = [0], sizes = [1], strides = [1]} : vector<16xi32> to vector<1xi32>
          %squeeze3A = vector.extract %slice3A[0] : i32 from vector<1xi32>
          %broadcast_in_dim3A_934 = vector.broadcast %squeeze3A : i32 to vector<16xi32>
          %broadcast_in_dim3A_935 = vector.broadcast %add3A_933 : i32 to vector<16xi32>
          %add3A_936 = arith.addi %broadcast_in_dim3A_934, %iota3A : vector<16xi32>
          %and3A_937 = arith.constant 255 : i32
          %and3A_938 = vector.broadcast %and3A_937 : i32 to vector<16xi32>
          %and3A_939 = arith.andi %add3A_936, %and3A_938 : vector<16xi32>
          %add3A_940 = arith.constant 16 : i32
          %add3A_941 = vector.broadcast %add3A_940 : i32 to vector<16xi32>
          %add3A_942 = arith.addi %and3A_939, %add3A_941 : vector<16xi32>
          %and3A_943 = arith.constant 255 : i32
          %and3A_944 = vector.broadcast %and3A_943 : i32 to vector<16xi32>
          %and3A_945 = arith.andi %add3A_942, %and3A_944 : vector<16xi32>
          %gather3A_946 = tpu.vector_load_idx %arg5[%broadcast_in_dim3A_935, %and3A_939] : memref<128x256xf32, #tpu.memory_space<vmem>>[vector<16xi32>, vector<16xi32>], vector<16xf32>,
          %gather3A_947 = tpu.vector_load_idx %arg5[%broadcast_in_dim3A_935, %and3A_945] : memref<128x256xf32, #tpu.memory_space<vmem>>[vector<16xi32>, vector<16xi32>], vector<16xf32>,
          tpu.vector_store_idx %arg7[%iota3A, %broadcast_in_dim3A_935], %gather3A_946 : memref<64x128xf32, #tpu.memory_space<vmem>>[vector<16xi32>, vector<16xi32>], vector<16xf32>,
          %add3A_948 = arith.constant 16 : i32
          %add3A_949 = vector.broadcast %add3A_948 : i32 to vector<16xi32>
          %add3A_950 = arith.addi %iota3A, %add3A_949 : vector<16xi32>
          tpu.vector_store_idx %arg7[%add3A_950, %broadcast_in_dim3A_935], %gather3A_947 : memref<64x128xf32, #tpu.memory_space<vmem>>[vector<16xi32>, vector<16xi32>], vector<16xf32>,
          %add3A_951 = arith.constant 1 : i32
          %add3A_952 = arith.addi %mul3A_96, %add3A_951 : i32
          %slice3A_953 = vector.extract_strided_slice %select_n3A_931 {offsets = [1], sizes = [1], strides = [1]} : vector<16xi32> to vector<1xi32>
          %squeeze3A_954 = vector.extract %slice3A_953[0] : i32 from vector<1xi32>
          %broadcast_in_dim3A_955 = vector.broadcast %squeeze3A_954 : i32 to vector<16xi32>
          %broadcast_in_dim3A_956 = vector.broadcast %add3A_952 : i32 to vector<16xi32>
          %add3A_957 = arith.addi %broadcast_in_dim3A_955, %iota3A : vector<16xi32>
          %and3A_958 = arith.constant 255 : i32
          %and3A_959 = vector.broadcast %and3A_958 : i32 to vector<16xi32>
          %and3A_960 = arith.andi %add3A_957, %and3A_959 : vector<16xi32>
          %add3A_961 = arith.constant 16 : i32
          %add3A_962 = vector.broadcast %add3A_961 : i32 to vector<16xi32>
          %add3A_963 = arith.addi %and3A_960, %add3A_962 : vector<16xi32>
          %and3A_964 = arith.constant 255 : i32
          %and3A_965 = vector.broadcast %and3A_964 : i32 to vector<16xi32>
          %and3A_966 = arith.andi %add3A_963, %and3A_965 : vector<16xi32>
          %gather3A_967 = tpu.vector_load_idx %arg5[%broadcast_in_dim3A_956, %and3A_960] : memref<128x256xf32, #tpu.memory_space<vmem>>[vector<16xi32>, vector<16xi32>], vector<16xf32>,
          %gather3A_968 = tpu.vector_load_idx %arg5[%broadcast_in_dim3A_956, %and3A_966] : memref<128x256xf32, #tpu.memory_space<vmem>>[vector<16xi32>, vector<16xi32>], vector<16xf32>,
          tpu.vector_store_idx %arg7[%iota3A, %broadcast_in_dim3A_956], %gather3A_967 : memref<64x128xf32, #tpu.memory_space<vmem>>[vector<16xi32>, vector<16xi32>], vector<16xf32>,
          %add3A_969 = arith.constant 16 : i32
          %add3A_970 = vector.broadcast %add3A_969 : i32 to vector<16xi32>
          %add3A_971 = arith.addi %iota3A, %add3A_970 : vector<16xi32>
          tpu.vector_store_idx %arg7[%add3A_971, %broadcast_in_dim3A_956], %gather3A_968 : memref<64x128xf32, #tpu.memory_space<vmem>>[vector<16xi32>, vector<16xi32>], vector<16xf32>,
          %add3A_972 = arith.constant 2 : i32
          %add3A_973 = arith.addi %mul3A_96, %add3A_972 : i32
          %slice3A_974 = vector.extract_strided_slice %select_n3A_931 {offsets = [2], sizes = [1], strides = [1]} : vector<16xi32> to vector<1xi32>
          %squeeze3A_975 = vector.extract %slice3A_974[0] : i32 from vector<1xi32>
          %broadcast_in_dim3A_976 = vector.broadcast %squeeze3A_975 : i32 to vector<16xi32>
          %broadcast_in_dim3A_977 = vector.broadcast %add3A_973 : i32 to vector<16xi32>
          %add3A_978 = arith.addi %broadcast_in_dim3A_976, %iota3A : vector<16xi32>
          %and3A_979 = arith.constant 255 : i32
          %and3A_980 = vector.broadcast %and3A_979 : i32 to vector<16xi32>
          %and3A_981 = arith.andi %add3A_978, %and3A_980 : vector<16xi32>
          %add3A_982 = arith.constant 16 : i32
          %add3A_983 = vector.broadcast %add3A_982 : i32 to vector<16xi32>
          %add3A_984 = arith.addi %and3A_981, %add3A_983 : vector<16xi32>
          %and3A_985 = arith.constant 255 : i32
          %and3A_986 = vector.broadcast %and3A_985 : i32 to vector<16xi32>
          %and3A_987 = arith.andi %add3A_984, %and3A_986 : vector<16xi32>
          %gather3A_988 = tpu.vector_load_idx %arg5[%broadcast_in_dim3A_977, %and3A_981] : memref<128x256xf32, #tpu.memory_space<vmem>>[vector<16xi32>, vector<16xi32>], vector<16xf32>,
          %gather3A_989 = tpu.vector_load_idx %arg5[%broadcast_in_dim3A_977, %and3A_987] : memref<128x256xf32, #tpu.memory_space<vmem>>[vector<16xi32>, vector<16xi32>], vector<16xf32>,
          tpu.vector_store_idx %arg7[%iota3A, %broadcast_in_dim3A_977], %gather3A_988 : memref<64x128xf32, #tpu.memory_space<vmem>>[vector<16xi32>, vector<16xi32>], vector<16xf32>,
          %add3A_990 = arith.constant 16 : i32
          %add3A_991 = vector.broadcast %add3A_990 : i32 to vector<16xi32>
          %add3A_992 = arith.addi %iota3A, %add3A_991 : vector<16xi32>
          tpu.vector_store_idx %arg7[%add3A_992, %broadcast_in_dim3A_977], %gather3A_989 : memref<64x128xf32, #tpu.memory_space<vmem>>[vector<16xi32>, vector<16xi32>], vector<16xf32>,
          %add3A_993 = arith.constant 3 : i32
          %add3A_994 = arith.addi %mul3A_96, %add3A_993 : i32
          %slice3A_995 = vector.extract_strided_slice %select_n3A_931 {offsets = [3], sizes = [1], strides = [1]} : vector<16xi32> to vector<1xi32>
          %squeeze3A_996 = vector.extract %slice3A_995[0] : i32 from vector<1xi32>
          %broadcast_in_dim3A_997 = vector.broadcast %squeeze3A_996 : i32 to vector<16xi32>
          %broadcast_in_dim3A_998 = vector.broadcast %add3A_994 : i32 to vector<16xi32>
          %add3A_999 = arith.addi %broadcast_in_dim3A_997, %iota3A : vector<16xi32>
          %and3A_1000 = arith.constant 255 : i32
          %and3A_1001 = vector.broadcast %and3A_1000 : i32 to vector<16xi32>
          %and3A_1002 = arith.andi %add3A_999, %and3A_1001 : vector<16xi32>
          %add3A_1003 = arith.constant 16 : i32
          %add3A_1004 = vector.broadcast %add3A_1003 : i32 to vector<16xi32>
          %add3A_1005 = arith.addi %and3A_1002, %add3A_1004 : vector<16xi32>
          %and3A_1006 = arith.constant 255 : i32
          %and3A_1007 = vector.broadcast %and3A_1006 : i32 to vector<16xi32>
          %and3A_1008 = arith.andi %add3A_1005, %and3A_1007 : vector<16xi32>
          %gather3A_1009 = tpu.vector_load_idx %arg5[%broadcast_in_dim3A_998, %and3A_1002] : memref<128x256xf32, #tpu.memory_space<vmem>>[vector<16xi32>, vector<16xi32>], vector<16xf32>,
          %gather3A_1010 = tpu.vector_load_idx %arg5[%broadcast_in_dim3A_998, %and3A_1008] : memref<128x256xf32, #tpu.memory_space<vmem>>[vector<16xi32>, vector<16xi32>], vector<16xf32>,
          tpu.vector_store_idx %arg7[%iota3A, %broadcast_in_dim3A_998], %gather3A_1009 : memref<64x128xf32, #tpu.memory_space<vmem>>[vector<16xi32>, vector<16xi32>], vector<16xf32>,
          %add3A_1011 = arith.constant 16 : i32
          %add3A_1012 = vector.broadcast %add3A_1011 : i32 to vector<16xi32>
          %add3A_1013 = arith.addi %iota3A, %add3A_1012 : vector<16xi32>
          tpu.vector_store_idx %arg7[%add3A_1013, %broadcast_in_dim3A_998], %gather3A_1010 : memref<64x128xf32, #tpu.memory_space<vmem>>[vector<16xi32>, vector<16xi32>], vector<16xf32>,
          %add3A_1014 = arith.constant 4 : i32
          %add3A_1015 = arith.addi %mul3A_96, %add3A_1014 : i32
          %slice3A_1016 = vector.extract_strided_slice %select_n3A_931 {offsets = [4], sizes = [1], strides = [1]} : vector<16xi32> to vector<1xi32>
          %squeeze3A_1017 = vector.extract %slice3A_1016[0] : i32 from vector<1xi32>
          %broadcast_in_dim3A_1018 = vector.broadcast %squeeze3A_1017 : i32 to vector<16xi32>
          %broadcast_in_dim3A_1019 = vector.broadcast %add3A_1015 : i32 to vector<16xi32>
          %add3A_1020 = arith.addi %broadcast_in_dim3A_1018, %iota3A : vector<16xi32>
          %and3A_1021 = arith.constant 255 : i32
          %and3A_1022 = vector.broadcast %and3A_1021 : i32 to vector<16xi32>
          %and3A_1023 = arith.andi %add3A_1020, %and3A_1022 : vector<16xi32>
          %add3A_1024 = arith.constant 16 : i32
          %add3A_1025 = vector.broadcast %add3A_1024 : i32 to vector<16xi32>
          %add3A_1026 = arith.addi %and3A_1023, %add3A_1025 : vector<16xi32>
          %and3A_1027 = arith.constant 255 : i32
          %and3A_1028 = vector.broadcast %and3A_1027 : i32 to vector<16xi32>
          %and3A_1029 = arith.andi %add3A_1026, %and3A_1028 : vector<16xi32>
          %gather3A_1030 = tpu.vector_load_idx %arg5[%broadcast_in_dim3A_1019, %and3A_1023] : memref<128x256xf32, #tpu.memory_space<vmem>>[vector<16xi32>, vector<16xi32>], vector<16xf32>,
          %gather3A_1031 = tpu.vector_load_idx %arg5[%broadcast_in_dim3A_1019, %and3A_1029] : memref<128x256xf32, #tpu.memory_space<vmem>>[vector<16xi32>, vector<16xi32>], vector<16xf32>,
          tpu.vector_store_idx %arg7[%iota3A, %broadcast_in_dim3A_1019], %gather3A_1030 : memref<64x128xf32, #tpu.memory_space<vmem>>[vector<16xi32>, vector<16xi32>], vector<16xf32>,
          %add3A_1032 = arith.constant 16 : i32
          %add3A_1033 = vector.broadcast %add3A_1032 : i32 to vector<16xi32>
          %add3A_1034 = arith.addi %iota3A, %add3A_1033 : vector<16xi32>
          tpu.vector_store_idx %arg7[%add3A_1034, %broadcast_in_dim3A_1019], %gather3A_1031 : memref<64x128xf32, #tpu.memory_space<vmem>>[vector<16xi32>, vector<16xi32>], vector<16xf32>,
          %add3A_1035 = arith.constant 5 : i32
          %add3A_1036 = arith.addi %mul3A_96, %add3A_1035 : i32
          %slice3A_1037 = vector.extract_strided_slice %select_n3A_931 {offsets = [5], sizes = [1], strides = [1]} : vector<16xi32> to vector<1xi32>
          %squeeze3A_1038 = vector.extract %slice3A_1037[0] : i32 from vector<1xi32>
          %broadcast_in_dim3A_1039 = vector.broadcast %squeeze3A_1038 : i32 to vector<16xi32>
          %broadcast_in_dim3A_1040 = vector.broadcast %add3A_1036 : i32 to vector<16xi32>
          %add3A_1041 = arith.addi %broadcast_in_dim3A_1039, %iota3A : vector<16xi32>
          %and3A_1042 = arith.constant 255 : i32
          %and3A_1043 = vector.broadcast %and3A_1042 : i32 to vector<16xi32>
          %and3A_1044 = arith.andi %add3A_1041, %and3A_1043 : vector<16xi32>
          %add3A_1045 = arith.constant 16 : i32
          %add3A_1046 = vector.broadcast %add3A_1045 : i32 to vector<16xi32>
          %add3A_1047 = arith.addi %and3A_1044, %add3A_1046 : vector<16xi32>
          %and3A_1048 = arith.constant 255 : i32
          %and3A_1049 = vector.broadcast %and3A_1048 : i32 to vector<16xi32>
          %and3A_1050 = arith.andi %add3A_1047, %and3A_1049 : vector<16xi32>
          %gather3A_1051 = tpu.vector_load_idx %arg5[%broadcast_in_dim3A_1040, %and3A_1044] : memref<128x256xf32, #tpu.memory_space<vmem>>[vector<16xi32>, vector<16xi32>], vector<16xf32>,
          %gather3A_1052 = tpu.vector_load_idx %arg5[%broadcast_in_dim3A_1040, %and3A_1050] : memref<128x256xf32, #tpu.memory_space<vmem>>[vector<16xi32>, vector<16xi32>], vector<16xf32>,
          tpu.vector_store_idx %arg7[%iota3A, %broadcast_in_dim3A_1040], %gather3A_1051 : memref<64x128xf32, #tpu.memory_space<vmem>>[vector<16xi32>, vector<16xi32>], vector<16xf32>,
          %add3A_1053 = arith.constant 16 : i32
          %add3A_1054 = vector.broadcast %add3A_1053 : i32 to vector<16xi32>
          %add3A_1055 = arith.addi %iota3A, %add3A_1054 : vector<16xi32>
          tpu.vector_store_idx %arg7[%add3A_1055, %broadcast_in_dim3A_1040], %gather3A_1052 : memref<64x128xf32, #tpu.memory_space<vmem>>[vector<16xi32>, vector<16xi32>], vector<16xf32>,
          %add3A_1056 = arith.constant 6 : i32
          %add3A_1057 = arith.addi %mul3A_96, %add3A_1056 : i32
          %slice3A_1058 = vector.extract_strided_slice %select_n3A_931 {offsets = [6], sizes = [1], strides = [1]} : vector<16xi32> to vector<1xi32>
          %squeeze3A_1059 = vector.extract %slice3A_1058[0] : i32 from vector<1xi32>
          %broadcast_in_dim3A_1060 = vector.broadcast %squeeze3A_1059 : i32 to vector<16xi32>
          %broadcast_in_dim3A_1061 = vector.broadcast %add3A_1057 : i32 to vector<16xi32>
          %add3A_1062 = arith.addi %broadcast_in_dim3A_1060, %iota3A : vector<16xi32>
          %and3A_1063 = arith.constant 255 : i32
          %and3A_1064 = vector.broadcast %and3A_1063 : i32 to vector<16xi32>
          %and3A_1065 = arith.andi %add3A_1062, %and3A_1064 : vector<16xi32>
          %add3A_1066 = arith.constant 16 : i32
          %add3A_1067 = vector.broadcast %add3A_1066 : i32 to vector<16xi32>
          %add3A_1068 = arith.addi %and3A_1065, %add3A_1067 : vector<16xi32>
          %and3A_1069 = arith.constant 255 : i32
          %and3A_1070 = vector.broadcast %and3A_1069 : i32 to vector<16xi32>
          %and3A_1071 = arith.andi %add3A_1068, %and3A_1070 : vector<16xi32>
          %gather3A_1072 = tpu.vector_load_idx %arg5[%broadcast_in_dim3A_1061, %and3A_1065] : memref<128x256xf32, #tpu.memory_space<vmem>>[vector<16xi32>, vector<16xi32>], vector<16xf32>,
          %gather3A_1073 = tpu.vector_load_idx %arg5[%broadcast_in_dim3A_1061, %and3A_1071] : memref<128x256xf32, #tpu.memory_space<vmem>>[vector<16xi32>, vector<16xi32>], vector<16xf32>,
          tpu.vector_store_idx %arg7[%iota3A, %broadcast_in_dim3A_1061], %gather3A_1072 : memref<64x128xf32, #tpu.memory_space<vmem>>[vector<16xi32>, vector<16xi32>], vector<16xf32>,
          %add3A_1074 = arith.constant 16 : i32
          %add3A_1075 = vector.broadcast %add3A_1074 : i32 to vector<16xi32>
          %add3A_1076 = arith.addi %iota3A, %add3A_1075 : vector<16xi32>
          tpu.vector_store_idx %arg7[%add3A_1076, %broadcast_in_dim3A_1061], %gather3A_1073 : memref<64x128xf32, #tpu.memory_space<vmem>>[vector<16xi32>, vector<16xi32>], vector<16xf32>,
          %add3A_1077 = arith.constant 7 : i32
          %add3A_1078 = arith.addi %mul3A_96, %add3A_1077 : i32
          %slice3A_1079 = vector.extract_strided_slice %select_n3A_931 {offsets = [7], sizes = [1], strides = [1]} : vector<16xi32> to vector<1xi32>
          %squeeze3A_1080 = vector.extract %slice3A_1079[0] : i32 from vector<1xi32>
          %broadcast_in_dim3A_1081 = vector.broadcast %squeeze3A_1080 : i32 to vector<16xi32>
          %broadcast_in_dim3A_1082 = vector.broadcast %add3A_1078 : i32 to vector<16xi32>
          %add3A_1083 = arith.addi %broadcast_in_dim3A_1081, %iota3A : vector<16xi32>
          %and3A_1084 = arith.constant 255 : i32
          %and3A_1085 = vector.broadcast %and3A_1084 : i32 to vector<16xi32>
          %and3A_1086 = arith.andi %add3A_1083, %and3A_1085 : vector<16xi32>
          %add3A_1087 = arith.constant 16 : i32
          %add3A_1088 = vector.broadcast %add3A_1087 : i32 to vector<16xi32>
          %add3A_1089 = arith.addi %and3A_1086, %add3A_1088 : vector<16xi32>
          %and3A_1090 = arith.constant 255 : i32
          %and3A_1091 = vector.broadcast %and3A_1090 : i32 to vector<16xi32>
          %and3A_1092 = arith.andi %add3A_1089, %and3A_1091 : vector<16xi32>
          %gather3A_1093 = tpu.vector_load_idx %arg5[%broadcast_in_dim3A_1082, %and3A_1086] : memref<128x256xf32, #tpu.memory_space<vmem>>[vector<16xi32>, vector<16xi32>], vector<16xf32>,
          %gather3A_1094 = tpu.vector_load_idx %arg5[%broadcast_in_dim3A_1082, %and3A_1092] : memref<128x256xf32, #tpu.memory_space<vmem>>[vector<16xi32>, vector<16xi32>], vector<16xf32>,
          tpu.vector_store_idx %arg7[%iota3A, %broadcast_in_dim3A_1082], %gather3A_1093 : memref<64x128xf32, #tpu.memory_space<vmem>>[vector<16xi32>, vector<16xi32>], vector<16xf32>,
          %add3A_1095 = arith.constant 16 : i32
          %add3A_1096 = vector.broadcast %add3A_1095 : i32 to vector<16xi32>
          %add3A_1097 = arith.addi %iota3A, %add3A_1096 : vector<16xi32>
          tpu.vector_store_idx %arg7[%add3A_1097, %broadcast_in_dim3A_1082], %gather3A_1094 : memref<64x128xf32, #tpu.memory_space<vmem>>[vector<16xi32>, vector<16xi32>], vector<16xf32>,
          %add3A_1098 = arith.constant 8 : i32
          %add3A_1099 = arith.addi %mul3A_96, %add3A_1098 : i32
          %slice3A_1100 = vector.extract_strided_slice %select_n3A_931 {offsets = [8], sizes = [1], strides = [1]} : vector<16xi32> to vector<1xi32>
          %squeeze3A_1101 = vector.extract %slice3A_1100[0] : i32 from vector<1xi32>
          %broadcast_in_dim3A_1102 = vector.broadcast %squeeze3A_1101 : i32 to vector<16xi32>
          %broadcast_in_dim3A_1103 = vector.broadcast %add3A_1099 : i32 to vector<16xi32>
          %add3A_1104 = arith.addi %broadcast_in_dim3A_1102, %iota3A : vector<16xi32>
          %and3A_1105 = arith.constant 255 : i32
          %and3A_1106 = vector.broadcast %and3A_1105 : i32 to vector<16xi32>
          %and3A_1107 = arith.andi %add3A_1104, %and3A_1106 : vector<16xi32>
          %add3A_1108 = arith.constant 16 : i32
          %add3A_1109 = vector.broadcast %add3A_1108 : i32 to vector<16xi32>
          %add3A_1110 = arith.addi %and3A_1107, %add3A_1109 : vector<16xi32>
          %and3A_1111 = arith.constant 255 : i32
          %and3A_1112 = vector.broadcast %and3A_1111 : i32 to vector<16xi32>
          %and3A_1113 = arith.andi %add3A_1110, %and3A_1112 : vector<16xi32>
          %gather3A_1114 = tpu.vector_load_idx %arg5[%broadcast_in_dim3A_1103, %and3A_1107] : memref<128x256xf32, #tpu.memory_space<vmem>>[vector<16xi32>, vector<16xi32>], vector<16xf32>,
          %gather3A_1115 = tpu.vector_load_idx %arg5[%broadcast_in_dim3A_1103, %and3A_1113] : memref<128x256xf32, #tpu.memory_space<vmem>>[vector<16xi32>, vector<16xi32>], vector<16xf32>,
          tpu.vector_store_idx %arg7[%iota3A, %broadcast_in_dim3A_1103], %gather3A_1114 : memref<64x128xf32, #tpu.memory_space<vmem>>[vector<16xi32>, vector<16xi32>], vector<16xf32>,
          %add3A_1116 = arith.constant 16 : i32
          %add3A_1117 = vector.broadcast %add3A_1116 : i32 to vector<16xi32>
          %add3A_1118 = arith.addi %iota3A, %add3A_1117 : vector<16xi32>
          tpu.vector_store_idx %arg7[%add3A_1118, %broadcast_in_dim3A_1103], %gather3A_1115 : memref<64x128xf32, #tpu.memory_space<vmem>>[vector<16xi32>, vector<16xi32>], vector<16xf32>,
          %add3A_1119 = arith.constant 9 : i32
          %add3A_1120 = arith.addi %mul3A_96, %add3A_1119 : i32
          %slice3A_1121 = vector.extract_strided_slice %select_n3A_931 {offsets = [9], sizes = [1], strides = [1]} : vector<16xi32> to vector<1xi32>
          %squeeze3A_1122 = vector.extract %slice3A_1121[0] : i32 from vector<1xi32>
          %broadcast_in_dim3A_1123 = vector.broadcast %squeeze3A_1122 : i32 to vector<16xi32>
          %broadcast_in_dim3A_1124 = vector.broadcast %add3A_1120 : i32 to vector<16xi32>
          %add3A_1125 = arith.addi %broadcast_in_dim3A_1123, %iota3A : vector<16xi32>
          %and3A_1126 = arith.constant 255 : i32
          %and3A_1127 = vector.broadcast %and3A_1126 : i32 to vector<16xi32>
          %and3A_1128 = arith.andi %add3A_1125, %and3A_1127 : vector<16xi32>
          %add3A_1129 = arith.constant 16 : i32
          %add3A_1130 = vector.broadcast %add3A_1129 : i32 to vector<16xi32>
          %add3A_1131 = arith.addi %and3A_1128, %add3A_1130 : vector<16xi32>
          %and3A_1132 = arith.constant 255 : i32
          %and3A_1133 = vector.broadcast %and3A_1132 : i32 to vector<16xi32>
          %and3A_1134 = arith.andi %add3A_1131, %and3A_1133 : vector<16xi32>
          %gather3A_1135 = tpu.vector_load_idx %arg5[%broadcast_in_dim3A_1124, %and3A_1128] : memref<128x256xf32, #tpu.memory_space<vmem>>[vector<16xi32>, vector<16xi32>], vector<16xf32>,
          %gather3A_1136 = tpu.vector_load_idx %arg5[%broadcast_in_dim3A_1124, %and3A_1134] : memref<128x256xf32, #tpu.memory_space<vmem>>[vector<16xi32>, vector<16xi32>], vector<16xf32>,
          tpu.vector_store_idx %arg7[%iota3A, %broadcast_in_dim3A_1124], %gather3A_1135 : memref<64x128xf32, #tpu.memory_space<vmem>>[vector<16xi32>, vector<16xi32>], vector<16xf32>,
          %add3A_1137 = arith.constant 16 : i32
          %add3A_1138 = vector.broadcast %add3A_1137 : i32 to vector<16xi32>
          %add3A_1139 = arith.addi %iota3A, %add3A_1138 : vector<16xi32>
          tpu.vector_store_idx %arg7[%add3A_1139, %broadcast_in_dim3A_1124], %gather3A_1136 : memref<64x128xf32, #tpu.memory_space<vmem>>[vector<16xi32>, vector<16xi32>], vector<16xf32>,
          %add3A_1140 = arith.constant 10 : i32
          %add3A_1141 = arith.addi %mul3A_96, %add3A_1140 : i32
          %slice3A_1142 = vector.extract_strided_slice %select_n3A_931 {offsets = [10], sizes = [1], strides = [1]} : vector<16xi32> to vector<1xi32>
          %squeeze3A_1143 = vector.extract %slice3A_1142[0] : i32 from vector<1xi32>
          %broadcast_in_dim3A_1144 = vector.broadcast %squeeze3A_1143 : i32 to vector<16xi32>
          %broadcast_in_dim3A_1145 = vector.broadcast %add3A_1141 : i32 to vector<16xi32>
          %add3A_1146 = arith.addi %broadcast_in_dim3A_1144, %iota3A : vector<16xi32>
          %and3A_1147 = arith.constant 255 : i32
          %and3A_1148 = vector.broadcast %and3A_1147 : i32 to vector<16xi32>
          %and3A_1149 = arith.andi %add3A_1146, %and3A_1148 : vector<16xi32>
          %add3A_1150 = arith.constant 16 : i32
          %add3A_1151 = vector.broadcast %add3A_1150 : i32 to vector<16xi32>
          %add3A_1152 = arith.addi %and3A_1149, %add3A_1151 : vector<16xi32>
          %and3A_1153 = arith.constant 255 : i32
          %and3A_1154 = vector.broadcast %and3A_1153 : i32 to vector<16xi32>
          %and3A_1155 = arith.andi %add3A_1152, %and3A_1154 : vector<16xi32>
          %gather3A_1156 = tpu.vector_load_idx %arg5[%broadcast_in_dim3A_1145, %and3A_1149] : memref<128x256xf32, #tpu.memory_space<vmem>>[vector<16xi32>, vector<16xi32>], vector<16xf32>,
          %gather3A_1157 = tpu.vector_load_idx %arg5[%broadcast_in_dim3A_1145, %and3A_1155] : memref<128x256xf32, #tpu.memory_space<vmem>>[vector<16xi32>, vector<16xi32>], vector<16xf32>,
          tpu.vector_store_idx %arg7[%iota3A, %broadcast_in_dim3A_1145], %gather3A_1156 : memref<64x128xf32, #tpu.memory_space<vmem>>[vector<16xi32>, vector<16xi32>], vector<16xf32>,
          %add3A_1158 = arith.constant 16 : i32
          %add3A_1159 = vector.broadcast %add3A_1158 : i32 to vector<16xi32>
          %add3A_1160 = arith.addi %iota3A, %add3A_1159 : vector<16xi32>
          tpu.vector_store_idx %arg7[%add3A_1160, %broadcast_in_dim3A_1145], %gather3A_1157 : memref<64x128xf32, #tpu.memory_space<vmem>>[vector<16xi32>, vector<16xi32>], vector<16xf32>,
          %add3A_1161 = arith.constant 11 : i32
          %add3A_1162 = arith.addi %mul3A_96, %add3A_1161 : i32
          %slice3A_1163 = vector.extract_strided_slice %select_n3A_931 {offsets = [11], sizes = [1], strides = [1]} : vector<16xi32> to vector<1xi32>
          %squeeze3A_1164 = vector.extract %slice3A_1163[0] : i32 from vector<1xi32>
          %broadcast_in_dim3A_1165 = vector.broadcast %squeeze3A_1164 : i32 to vector<16xi32>
          %broadcast_in_dim3A_1166 = vector.broadcast %add3A_1162 : i32 to vector<16xi32>
          %add3A_1167 = arith.addi %broadcast_in_dim3A_1165, %iota3A : vector<16xi32>
          %and3A_1168 = arith.constant 255 : i32
          %and3A_1169 = vector.broadcast %and3A_1168 : i32 to vector<16xi32>
          %and3A_1170 = arith.andi %add3A_1167, %and3A_1169 : vector<16xi32>
          %add3A_1171 = arith.constant 16 : i32
          %add3A_1172 = vector.broadcast %add3A_1171 : i32 to vector<16xi32>
          %add3A_1173 = arith.addi %and3A_1170, %add3A_1172 : vector<16xi32>
          %and3A_1174 = arith.constant 255 : i32
          %and3A_1175 = vector.broadcast %and3A_1174 : i32 to vector<16xi32>
          %and3A_1176 = arith.andi %add3A_1173, %and3A_1175 : vector<16xi32>
          %gather3A_1177 = tpu.vector_load_idx %arg5[%broadcast_in_dim3A_1166, %and3A_1170] : memref<128x256xf32, #tpu.memory_space<vmem>>[vector<16xi32>, vector<16xi32>], vector<16xf32>,
          %gather3A_1178 = tpu.vector_load_idx %arg5[%broadcast_in_dim3A_1166, %and3A_1176] : memref<128x256xf32, #tpu.memory_space<vmem>>[vector<16xi32>, vector<16xi32>], vector<16xf32>,
          tpu.vector_store_idx %arg7[%iota3A, %broadcast_in_dim3A_1166], %gather3A_1177 : memref<64x128xf32, #tpu.memory_space<vmem>>[vector<16xi32>, vector<16xi32>], vector<16xf32>,
          %add3A_1179 = arith.constant 16 : i32
          %add3A_1180 = vector.broadcast %add3A_1179 : i32 to vector<16xi32>
          %add3A_1181 = arith.addi %iota3A, %add3A_1180 : vector<16xi32>
          tpu.vector_store_idx %arg7[%add3A_1181, %broadcast_in_dim3A_1166], %gather3A_1178 : memref<64x128xf32, #tpu.memory_space<vmem>>[vector<16xi32>, vector<16xi32>], vector<16xf32>,
          %add3A_1182 = arith.constant 12 : i32
          %add3A_1183 = arith.addi %mul3A_96, %add3A_1182 : i32
          %slice3A_1184 = vector.extract_strided_slice %select_n3A_931 {offsets = [12], sizes = [1], strides = [1]} : vector<16xi32> to vector<1xi32>
          %squeeze3A_1185 = vector.extract %slice3A_1184[0] : i32 from vector<1xi32>
          %broadcast_in_dim3A_1186 = vector.broadcast %squeeze3A_1185 : i32 to vector<16xi32>
          %broadcast_in_dim3A_1187 = vector.broadcast %add3A_1183 : i32 to vector<16xi32>
          %add3A_1188 = arith.addi %broadcast_in_dim3A_1186, %iota3A : vector<16xi32>
          %and3A_1189 = arith.constant 255 : i32
          %and3A_1190 = vector.broadcast %and3A_1189 : i32 to vector<16xi32>
          %and3A_1191 = arith.andi %add3A_1188, %and3A_1190 : vector<16xi32>
          %add3A_1192 = arith.constant 16 : i32
          %add3A_1193 = vector.broadcast %add3A_1192 : i32 to vector<16xi32>
          %add3A_1194 = arith.addi %and3A_1191, %add3A_1193 : vector<16xi32>
          %and3A_1195 = arith.constant 255 : i32
          %and3A_1196 = vector.broadcast %and3A_1195 : i32 to vector<16xi32>
          %and3A_1197 = arith.andi %add3A_1194, %and3A_1196 : vector<16xi32>
          %gather3A_1198 = tpu.vector_load_idx %arg5[%broadcast_in_dim3A_1187, %and3A_1191] : memref<128x256xf32, #tpu.memory_space<vmem>>[vector<16xi32>, vector<16xi32>], vector<16xf32>,
          %gather3A_1199 = tpu.vector_load_idx %arg5[%broadcast_in_dim3A_1187, %and3A_1197] : memref<128x256xf32, #tpu.memory_space<vmem>>[vector<16xi32>, vector<16xi32>], vector<16xf32>,
          tpu.vector_store_idx %arg7[%iota3A, %broadcast_in_dim3A_1187], %gather3A_1198 : memref<64x128xf32, #tpu.memory_space<vmem>>[vector<16xi32>, vector<16xi32>], vector<16xf32>,
          %add3A_1200 = arith.constant 16 : i32
          %add3A_1201 = vector.broadcast %add3A_1200 : i32 to vector<16xi32>
          %add3A_1202 = arith.addi %iota3A, %add3A_1201 : vector<16xi32>
          tpu.vector_store_idx %arg7[%add3A_1202, %broadcast_in_dim3A_1187], %gather3A_1199 : memref<64x128xf32, #tpu.memory_space<vmem>>[vector<16xi32>, vector<16xi32>], vector<16xf32>,
          %add3A_1203 = arith.constant 13 : i32
          %add3A_1204 = arith.addi %mul3A_96, %add3A_1203 : i32
          %slice3A_1205 = vector.extract_strided_slice %select_n3A_931 {offsets = [13], sizes = [1], strides = [1]} : vector<16xi32> to vector<1xi32>
          %squeeze3A_1206 = vector.extract %slice3A_1205[0] : i32 from vector<1xi32>
          %broadcast_in_dim3A_1207 = vector.broadcast %squeeze3A_1206 : i32 to vector<16xi32>
          %broadcast_in_dim3A_1208 = vector.broadcast %add3A_1204 : i32 to vector<16xi32>
          %add3A_1209 = arith.addi %broadcast_in_dim3A_1207, %iota3A : vector<16xi32>
          %and3A_1210 = arith.constant 255 : i32
          %and3A_1211 = vector.broadcast %and3A_1210 : i32 to vector<16xi32>
          %and3A_1212 = arith.andi %add3A_1209, %and3A_1211 : vector<16xi32>
          %add3A_1213 = arith.constant 16 : i32
          %add3A_1214 = vector.broadcast %add3A_1213 : i32 to vector<16xi32>
          %add3A_1215 = arith.addi %and3A_1212, %add3A_1214 : vector<16xi32>
          %and3A_1216 = arith.constant 255 : i32
          %and3A_1217 = vector.broadcast %and3A_1216 : i32 to vector<16xi32>
          %and3A_1218 = arith.andi %add3A_1215, %and3A_1217 : vector<16xi32>
          %gather3A_1219 = tpu.vector_load_idx %arg5[%broadcast_in_dim3A_1208, %and3A_1212] : memref<128x256xf32, #tpu.memory_space<vmem>>[vector<16xi32>, vector<16xi32>], vector<16xf32>,
          %gather3A_1220 = tpu.vector_load_idx %arg5[%broadcast_in_dim3A_1208, %and3A_1218] : memref<128x256xf32, #tpu.memory_space<vmem>>[vector<16xi32>, vector<16xi32>], vector<16xf32>,
          tpu.vector_store_idx %arg7[%iota3A, %broadcast_in_dim3A_1208], %gather3A_1219 : memref<64x128xf32, #tpu.memory_space<vmem>>[vector<16xi32>, vector<16xi32>], vector<16xf32>,
          %add3A_1221 = arith.constant 16 : i32
          %add3A_1222 = vector.broadcast %add3A_1221 : i32 to vector<16xi32>
          %add3A_1223 = arith.addi %iota3A, %add3A_1222 : vector<16xi32>
          tpu.vector_store_idx %arg7[%add3A_1223, %broadcast_in_dim3A_1208], %gather3A_1220 : memref<64x128xf32, #tpu.memory_space<vmem>>[vector<16xi32>, vector<16xi32>], vector<16xf32>,
          %add3A_1224 = arith.constant 14 : i32
          %add3A_1225 = arith.addi %mul3A_96, %add3A_1224 : i32
          %slice3A_1226 = vector.extract_strided_slice %select_n3A_931 {offsets = [14], sizes = [1], strides = [1]} : vector<16xi32> to vector<1xi32>
          %squeeze3A_1227 = vector.extract %slice3A_1226[0] : i32 from vector<1xi32>
          %broadcast_in_dim3A_1228 = vector.broadcast %squeeze3A_1227 : i32 to vector<16xi32>
          %broadcast_in_dim3A_1229 = vector.broadcast %add3A_1225 : i32 to vector<16xi32>
          %add3A_1230 = arith.addi %broadcast_in_dim3A_1228, %iota3A : vector<16xi32>
          %and3A_1231 = arith.constant 255 : i32
          %and3A_1232 = vector.broadcast %and3A_1231 : i32 to vector<16xi32>
          %and3A_1233 = arith.andi %add3A_1230, %and3A_1232 : vector<16xi32>
          %add3A_1234 = arith.constant 16 : i32
          %add3A_1235 = vector.broadcast %add3A_1234 : i32 to vector<16xi32>
          %add3A_1236 = arith.addi %and3A_1233, %add3A_1235 : vector<16xi32>
          %and3A_1237 = arith.constant 255 : i32
          %and3A_1238 = vector.broadcast %and3A_1237 : i32 to vector<16xi32>
          %and3A_1239 = arith.andi %add3A_1236, %and3A_1238 : vector<16xi32>
          %gather3A_1240 = tpu.vector_load_idx %arg5[%broadcast_in_dim3A_1229, %and3A_1233] : memref<128x256xf32, #tpu.memory_space<vmem>>[vector<16xi32>, vector<16xi32>], vector<16xf32>,
          %gather3A_1241 = tpu.vector_load_idx %arg5[%broadcast_in_dim3A_1229, %and3A_1239] : memref<128x256xf32, #tpu.memory_space<vmem>>[vector<16xi32>, vector<16xi32>], vector<16xf32>,
          tpu.vector_store_idx %arg7[%iota3A, %broadcast_in_dim3A_1229], %gather3A_1240 : memref<64x128xf32, #tpu.memory_space<vmem>>[vector<16xi32>, vector<16xi32>], vector<16xf32>,
          %add3A_1242 = arith.constant 16 : i32
          %add3A_1243 = vector.broadcast %add3A_1242 : i32 to vector<16xi32>
          %add3A_1244 = arith.addi %iota3A, %add3A_1243 : vector<16xi32>
          tpu.vector_store_idx %arg7[%add3A_1244, %broadcast_in_dim3A_1229], %gather3A_1241 : memref<64x128xf32, #tpu.memory_space<vmem>>[vector<16xi32>, vector<16xi32>], vector<16xf32>,
          %add3A_1245 = arith.constant 15 : i32
          %add3A_1246 = arith.addi %mul3A_96, %add3A_1245 : i32
          %slice3A_1247 = vector.extract_strided_slice %select_n3A_931 {offsets = [15], sizes = [1], strides = [1]} : vector<16xi32> to vector<1xi32>
          %squeeze3A_1248 = vector.extract %slice3A_1247[0] : i32 from vector<1xi32>
          %broadcast_in_dim3A_1249 = vector.broadcast %squeeze3A_1248 : i32 to vector<16xi32>
          %broadcast_in_dim3A_1250 = vector.broadcast %add3A_1246 : i32 to vector<16xi32>
          %add3A_1251 = arith.addi %broadcast_in_dim3A_1249, %iota3A : vector<16xi32>
          %and3A_1252 = arith.constant 255 : i32
          %and3A_1253 = vector.broadcast %and3A_1252 : i32 to vector<16xi32>
          %and3A_1254 = arith.andi %add3A_1251, %and3A_1253 : vector<16xi32>
          %add3A_1255 = arith.constant 16 : i32
          %add3A_1256 = vector.broadcast %add3A_1255 : i32 to vector<16xi32>
          %add3A_1257 = arith.addi %and3A_1254, %add3A_1256 : vector<16xi32>
          %and3A_1258 = arith.constant 255 : i32
          %and3A_1259 = vector.broadcast %and3A_1258 : i32 to vector<16xi32>
          %and3A_1260 = arith.andi %add3A_1257, %and3A_1259 : vector<16xi32>
          %gather3A_1261 = tpu.vector_load_idx %arg5[%broadcast_in_dim3A_1250, %and3A_1254] : memref<128x256xf32, #tpu.memory_space<vmem>>[vector<16xi32>, vector<16xi32>], vector<16xf32>,
          %gather3A_1262 = tpu.vector_load_idx %arg5[%broadcast_in_dim3A_1250, %and3A_1260] : memref<128x256xf32, #tpu.memory_space<vmem>>[vector<16xi32>, vector<16xi32>], vector<16xf32>,
          tpu.vector_store_idx %arg7[%iota3A, %broadcast_in_dim3A_1250], %gather3A_1261 : memref<64x128xf32, #tpu.memory_space<vmem>>[vector<16xi32>, vector<16xi32>], vector<16xf32>,
          %add3A_1263 = arith.constant 16 : i32
          %add3A_1264 = vector.broadcast %add3A_1263 : i32 to vector<16xi32>
          %add3A_1265 = arith.addi %iota3A, %add3A_1264 : vector<16xi32>
          tpu.vector_store_idx %arg7[%add3A_1265, %broadcast_in_dim3A_1250], %gather3A_1262 : memref<64x128xf32, #tpu.memory_space<vmem>>[vector<16xi32>, vector<16xi32>], vector<16xf32>,
          %convert_element_type3A_1266 = arith.sitofp %select_n3A_931 : vector<16xi32> to vector<16xf32>
          %mul3A_1267 = arith.constant 3.906250e-03 : f32
          %mul3A_1268 = vector.broadcast %mul3A_1267 : f32 to vector<16xf32>
          %mul3A_1269 = arith.mulf %convert_element_type3A_1266, %mul3A_1268 : vector<16xf32>
          %swap3A_1270 = arith.constant 32 : i32
          %swap3A_1271 = arith.index_cast %swap3A_1270 : i32 to index
          %swap3A_1272 = arith.index_cast %mul3A_96 : i32 to index
          %swap3A_1273 = tpu.vector_load %arg7[%swap3A_1271, %swap3A_1272] {strides = array<i32>} : memref<64x128xf32, #tpu.memory_space<vmem>>, vector<16xf32>,
          tpu.vector_store %arg7[%swap3A_1271, %swap3A_1272], %mul3A_1269 {strides = array<i32>} : memref<64x128xf32, #tpu.memory_space<vmem>>, vector<16xf32>,
          %swap3A_1274 = arith.constant 33 : i32
          %swap3A_1275 = arith.index_cast %swap3A_1274 : i32 to index
          %swap3A_1276 = arith.index_cast %mul3A_96 : i32 to index
          %swap3A_1277 = tpu.vector_load %arg7[%swap3A_1275, %swap3A_1276] {strides = array<i32>} : memref<64x128xf32, #tpu.memory_space<vmem>>, vector<16xf32>,
          tpu.vector_store %arg7[%swap3A_1275, %swap3A_1276], %mul3A_1269 {strides = array<i32>} : memref<64x128xf32, #tpu.memory_space<vmem>>, vector<16xf32>,
          %swap3A_1278 = arith.constant 34 : i32
          %swap3A_1279 = arith.index_cast %swap3A_1278 : i32 to index
          %swap3A_1280 = arith.index_cast %mul3A_96 : i32 to index
          %swap3A_1281 = tpu.vector_load %arg7[%swap3A_1279, %swap3A_1280] {strides = array<i32>} : memref<64x128xf32, #tpu.memory_space<vmem>>, vector<16xf32>,
          tpu.vector_store %arg7[%swap3A_1279, %swap3A_1280], %mul3A_1269 {strides = array<i32>} : memref<64x128xf32, #tpu.memory_space<vmem>>, vector<16xf32>,
          %swap3A_1282 = arith.constant 35 : i32
          %swap3A_1283 = arith.index_cast %swap3A_1282 : i32 to index
          %swap3A_1284 = arith.index_cast %mul3A_96 : i32 to index
          %swap3A_1285 = tpu.vector_load %arg7[%swap3A_1283, %swap3A_1284] {strides = array<i32>} : memref<64x128xf32, #tpu.memory_space<vmem>>, vector<16xf32>,
          tpu.vector_store %arg7[%swap3A_1283, %swap3A_1284], %mul3A_1269 {strides = array<i32>} : memref<64x128xf32, #tpu.memory_space<vmem>>, vector<16xf32>,
          %swap3A_1286 = arith.constant 36 : i32
          %swap3A_1287 = arith.index_cast %swap3A_1286 : i32 to index
          %swap3A_1288 = arith.index_cast %mul3A_96 : i32 to index
          %swap3A_1289 = tpu.vector_load %arg7[%swap3A_1287, %swap3A_1288] {strides = array<i32>} : memref<64x128xf32, #tpu.memory_space<vmem>>, vector<16xf32>,
          tpu.vector_store %arg7[%swap3A_1287, %swap3A_1288], %mul3A_1269 {strides = array<i32>} : memref<64x128xf32, #tpu.memory_space<vmem>>, vector<16xf32>,
          %swap3A_1290 = arith.constant 37 : i32
          %swap3A_1291 = arith.index_cast %swap3A_1290 : i32 to index
          %swap3A_1292 = arith.index_cast %mul3A_96 : i32 to index
          %swap3A_1293 = tpu.vector_load %arg7[%swap3A_1291, %swap3A_1292] {strides = array<i32>} : memref<64x128xf32, #tpu.memory_space<vmem>>, vector<16xf32>,
          tpu.vector_store %arg7[%swap3A_1291, %swap3A_1292], %mul3A_1269 {strides = array<i32>} : memref<64x128xf32, #tpu.memory_space<vmem>>, vector<16xf32>,
          %swap3A_1294 = arith.constant 38 : i32
          %swap3A_1295 = arith.index_cast %swap3A_1294 : i32 to index
          %swap3A_1296 = arith.index_cast %mul3A_96 : i32 to index
          %swap3A_1297 = tpu.vector_load %arg7[%swap3A_1295, %swap3A_1296] {strides = array<i32>} : memref<64x128xf32, #tpu.memory_space<vmem>>, vector<16xf32>,
          tpu.vector_store %arg7[%swap3A_1295, %swap3A_1296], %mul3A_1269 {strides = array<i32>} : memref<64x128xf32, #tpu.memory_space<vmem>>, vector<16xf32>,
          %swap3A_1298 = arith.constant 39 : i32
          %swap3A_1299 = arith.index_cast %swap3A_1298 : i32 to index
          %swap3A_1300 = arith.index_cast %mul3A_96 : i32 to index
          %swap3A_1301 = tpu.vector_load %arg7[%swap3A_1299, %swap3A_1300] {strides = array<i32>} : memref<64x128xf32, #tpu.memory_space<vmem>>, vector<16xf32>,
          tpu.vector_store %arg7[%swap3A_1299, %swap3A_1300], %mul3A_1269 {strides = array<i32>} : memref<64x128xf32, #tpu.memory_space<vmem>>, vector<16xf32>,
          %swap3A_1302 = arith.constant 40 : i32
          %swap3A_1303 = arith.index_cast %swap3A_1302 : i32 to index
          %swap3A_1304 = arith.index_cast %mul3A_96 : i32 to index
          %swap3A_1305 = tpu.vector_load %arg7[%swap3A_1303, %swap3A_1304] {strides = array<i32>} : memref<64x128xf32, #tpu.memory_space<vmem>>, vector<16xf32>,
          tpu.vector_store %arg7[%swap3A_1303, %swap3A_1304], %mul3A_1269 {strides = array<i32>} : memref<64x128xf32, #tpu.memory_space<vmem>>, vector<16xf32>,
          %swap3A_1306 = arith.constant 41 : i32
          %swap3A_1307 = arith.index_cast %swap3A_1306 : i32 to index
          %swap3A_1308 = arith.index_cast %mul3A_96 : i32 to index
          %swap3A_1309 = tpu.vector_load %arg7[%swap3A_1307, %swap3A_1308] {strides = array<i32>} : memref<64x128xf32, #tpu.memory_space<vmem>>, vector<16xf32>,
          tpu.vector_store %arg7[%swap3A_1307, %swap3A_1308], %mul3A_1269 {strides = array<i32>} : memref<64x128xf32, #tpu.memory_space<vmem>>, vector<16xf32>,
          %swap3A_1310 = arith.constant 42 : i32
          %swap3A_1311 = arith.index_cast %swap3A_1310 : i32 to index
          %swap3A_1312 = arith.index_cast %mul3A_96 : i32 to index
          %swap3A_1313 = tpu.vector_load %arg7[%swap3A_1311, %swap3A_1312] {strides = array<i32>} : memref<64x128xf32, #tpu.memory_space<vmem>>, vector<16xf32>,
          tpu.vector_store %arg7[%swap3A_1311, %swap3A_1312], %mul3A_1269 {strides = array<i32>} : memref<64x128xf32, #tpu.memory_space<vmem>>, vector<16xf32>,
          %swap3A_1314 = arith.constant 43 : i32
          %swap3A_1315 = arith.index_cast %swap3A_1314 : i32 to index
          %swap3A_1316 = arith.index_cast %mul3A_96 : i32 to index
          %swap3A_1317 = tpu.vector_load %arg7[%swap3A_1315, %swap3A_1316] {strides = array<i32>} : memref<64x128xf32, #tpu.memory_space<vmem>>, vector<16xf32>,
          tpu.vector_store %arg7[%swap3A_1315, %swap3A_1316], %mul3A_1269 {strides = array<i32>} : memref<64x128xf32, #tpu.memory_space<vmem>>, vector<16xf32>,
          %swap3A_1318 = arith.constant 44 : i32
          %swap3A_1319 = arith.index_cast %swap3A_1318 : i32 to index
          %swap3A_1320 = arith.index_cast %mul3A_96 : i32 to index
          %swap3A_1321 = tpu.vector_load %arg7[%swap3A_1319, %swap3A_1320] {strides = array<i32>} : memref<64x128xf32, #tpu.memory_space<vmem>>, vector<16xf32>,
          tpu.vector_store %arg7[%swap3A_1319, %swap3A_1320], %mul3A_1269 {strides = array<i32>} : memref<64x128xf32, #tpu.memory_space<vmem>>, vector<16xf32>,
          %swap3A_1322 = arith.constant 45 : i32
          %swap3A_1323 = arith.index_cast %swap3A_1322 : i32 to index
          %swap3A_1324 = arith.index_cast %mul3A_96 : i32 to index
          %swap3A_1325 = tpu.vector_load %arg7[%swap3A_1323, %swap3A_1324] {strides = array<i32>} : memref<64x128xf32, #tpu.memory_space<vmem>>, vector<16xf32>,
          tpu.vector_store %arg7[%swap3A_1323, %swap3A_1324], %mul3A_1269 {strides = array<i32>} : memref<64x128xf32, #tpu.memory_space<vmem>>, vector<16xf32>,
          %swap3A_1326 = arith.constant 46 : i32
          %swap3A_1327 = arith.index_cast %swap3A_1326 : i32 to index
          %swap3A_1328 = arith.index_cast %mul3A_96 : i32 to index
          %swap3A_1329 = tpu.vector_load %arg7[%swap3A_1327, %swap3A_1328] {strides = array<i32>} : memref<64x128xf32, #tpu.memory_space<vmem>>, vector<16xf32>,
          tpu.vector_store %arg7[%swap3A_1327, %swap3A_1328], %mul3A_1269 {strides = array<i32>} : memref<64x128xf32, #tpu.memory_space<vmem>>, vector<16xf32>,
          %swap3A_1330 = arith.constant 47 : i32
          %swap3A_1331 = arith.index_cast %swap3A_1330 : i32 to index
          %swap3A_1332 = arith.index_cast %mul3A_96 : i32 to index
          %swap3A_1333 = tpu.vector_load %arg7[%swap3A_1331, %swap3A_1332] {strides = array<i32>} : memref<64x128xf32, #tpu.memory_space<vmem>>, vector<16xf32>,
          tpu.vector_store %arg7[%swap3A_1331, %swap3A_1332], %mul3A_1269 {strides = array<i32>} : memref<64x128xf32, #tpu.memory_space<vmem>>, vector<16xf32>,
          %swap3A_1334 = arith.constant 48 : i32
          %swap3A_1335 = arith.index_cast %swap3A_1334 : i32 to index
          %swap3A_1336 = arith.index_cast %mul3A_96 : i32 to index
          %swap3A_1337 = tpu.vector_load %arg7[%swap3A_1335, %swap3A_1336] {strides = array<i32>} : memref<64x128xf32, #tpu.memory_space<vmem>>, vector<16xf32>,
          tpu.vector_store %arg7[%swap3A_1335, %swap3A_1336], %mul3A_1269 {strides = array<i32>} : memref<64x128xf32, #tpu.memory_space<vmem>>, vector<16xf32>,
          %swap3A_1338 = arith.constant 49 : i32
          %swap3A_1339 = arith.index_cast %swap3A_1338 : i32 to index
          %swap3A_1340 = arith.index_cast %mul3A_96 : i32 to index
          %swap3A_1341 = tpu.vector_load %arg7[%swap3A_1339, %swap3A_1340] {strides = array<i32>} : memref<64x128xf32, #tpu.memory_space<vmem>>, vector<16xf32>,
          tpu.vector_store %arg7[%swap3A_1339, %swap3A_1340], %mul3A_1269 {strides = array<i32>} : memref<64x128xf32, #tpu.memory_space<vmem>>, vector<16xf32>,
          %swap3A_1342 = arith.constant 50 : i32
          %swap3A_1343 = arith.index_cast %swap3A_1342 : i32 to index
          %swap3A_1344 = arith.index_cast %mul3A_96 : i32 to index
          %swap3A_1345 = tpu.vector_load %arg7[%swap3A_1343, %swap3A_1344] {strides = array<i32>} : memref<64x128xf32, #tpu.memory_space<vmem>>, vector<16xf32>,
          tpu.vector_store %arg7[%swap3A_1343, %swap3A_1344], %mul3A_1269 {strides = array<i32>} : memref<64x128xf32, #tpu.memory_space<vmem>>, vector<16xf32>,
          %swap3A_1346 = arith.constant 51 : i32
          %swap3A_1347 = arith.index_cast %swap3A_1346 : i32 to index
          %swap3A_1348 = arith.index_cast %mul3A_96 : i32 to index
          %swap3A_1349 = tpu.vector_load %arg7[%swap3A_1347, %swap3A_1348] {strides = array<i32>} : memref<64x128xf32, #tpu.memory_space<vmem>>, vector<16xf32>,
          tpu.vector_store %arg7[%swap3A_1347, %swap3A_1348], %mul3A_1269 {strides = array<i32>} : memref<64x128xf32, #tpu.memory_space<vmem>>, vector<16xf32>,
          %swap3A_1350 = arith.constant 52 : i32
          %swap3A_1351 = arith.index_cast %swap3A_1350 : i32 to index
          %swap3A_1352 = arith.index_cast %mul3A_96 : i32 to index
          %swap3A_1353 = tpu.vector_load %arg7[%swap3A_1351, %swap3A_1352] {strides = array<i32>} : memref<64x128xf32, #tpu.memory_space<vmem>>, vector<16xf32>,
          tpu.vector_store %arg7[%swap3A_1351, %swap3A_1352], %mul3A_1269 {strides = array<i32>} : memref<64x128xf32, #tpu.memory_space<vmem>>, vector<16xf32>,
          %swap3A_1354 = arith.constant 53 : i32
          %swap3A_1355 = arith.index_cast %swap3A_1354 : i32 to index
          %swap3A_1356 = arith.index_cast %mul3A_96 : i32 to index
          %swap3A_1357 = tpu.vector_load %arg7[%swap3A_1355, %swap3A_1356] {strides = array<i32>} : memref<64x128xf32, #tpu.memory_space<vmem>>, vector<16xf32>,
          tpu.vector_store %arg7[%swap3A_1355, %swap3A_1356], %mul3A_1269 {strides = array<i32>} : memref<64x128xf32, #tpu.memory_space<vmem>>, vector<16xf32>,
          %swap3A_1358 = arith.constant 54 : i32
          %swap3A_1359 = arith.index_cast %swap3A_1358 : i32 to index
          %swap3A_1360 = arith.index_cast %mul3A_96 : i32 to index
          %swap3A_1361 = tpu.vector_load %arg7[%swap3A_1359, %swap3A_1360] {strides = array<i32>} : memref<64x128xf32, #tpu.memory_space<vmem>>, vector<16xf32>,
          tpu.vector_store %arg7[%swap3A_1359, %swap3A_1360], %mul3A_1269 {strides = array<i32>} : memref<64x128xf32, #tpu.memory_space<vmem>>, vector<16xf32>,
          %swap3A_1362 = arith.constant 55 : i32
          %swap3A_1363 = arith.index_cast %swap3A_1362 : i32 to index
          %swap3A_1364 = arith.index_cast %mul3A_96 : i32 to index
          %swap3A_1365 = tpu.vector_load %arg7[%swap3A_1363, %swap3A_1364] {strides = array<i32>} : memref<64x128xf32, #tpu.memory_space<vmem>>, vector<16xf32>,
          tpu.vector_store %arg7[%swap3A_1363, %swap3A_1364], %mul3A_1269 {strides = array<i32>} : memref<64x128xf32, #tpu.memory_space<vmem>>, vector<16xf32>,
          %swap3A_1366 = arith.constant 56 : i32
          %swap3A_1367 = arith.index_cast %swap3A_1366 : i32 to index
          %swap3A_1368 = arith.index_cast %mul3A_96 : i32 to index
          %swap3A_1369 = tpu.vector_load %arg7[%swap3A_1367, %swap3A_1368] {strides = array<i32>} : memref<64x128xf32, #tpu.memory_space<vmem>>, vector<16xf32>,
          tpu.vector_store %arg7[%swap3A_1367, %swap3A_1368], %mul3A_1269 {strides = array<i32>} : memref<64x128xf32, #tpu.memory_space<vmem>>, vector<16xf32>,
          %swap3A_1370 = arith.constant 57 : i32
          %swap3A_1371 = arith.index_cast %swap3A_1370 : i32 to index
          %swap3A_1372 = arith.index_cast %mul3A_96 : i32 to index
          %swap3A_1373 = tpu.vector_load %arg7[%swap3A_1371, %swap3A_1372] {strides = array<i32>} : memref<64x128xf32, #tpu.memory_space<vmem>>, vector<16xf32>,
          tpu.vector_store %arg7[%swap3A_1371, %swap3A_1372], %mul3A_1269 {strides = array<i32>} : memref<64x128xf32, #tpu.memory_space<vmem>>, vector<16xf32>,
          %swap3A_1374 = arith.constant 58 : i32
          %swap3A_1375 = arith.index_cast %swap3A_1374 : i32 to index
          %swap3A_1376 = arith.index_cast %mul3A_96 : i32 to index
          %swap3A_1377 = tpu.vector_load %arg7[%swap3A_1375, %swap3A_1376] {strides = array<i32>} : memref<64x128xf32, #tpu.memory_space<vmem>>, vector<16xf32>,
          tpu.vector_store %arg7[%swap3A_1375, %swap3A_1376], %mul3A_1269 {strides = array<i32>} : memref<64x128xf32, #tpu.memory_space<vmem>>, vector<16xf32>,
          %swap3A_1378 = arith.constant 59 : i32
          %swap3A_1379 = arith.index_cast %swap3A_1378 : i32 to index
          %swap3A_1380 = arith.index_cast %mul3A_96 : i32 to index
          %swap3A_1381 = tpu.vector_load %arg7[%swap3A_1379, %swap3A_1380] {strides = array<i32>} : memref<64x128xf32, #tpu.memory_space<vmem>>, vector<16xf32>,
          tpu.vector_store %arg7[%swap3A_1379, %swap3A_1380], %mul3A_1269 {strides = array<i32>} : memref<64x128xf32, #tpu.memory_space<vmem>>, vector<16xf32>,
          %swap3A_1382 = arith.constant 60 : i32
          %swap3A_1383 = arith.index_cast %swap3A_1382 : i32 to index
          %swap3A_1384 = arith.index_cast %mul3A_96 : i32 to index
          %swap3A_1385 = tpu.vector_load %arg7[%swap3A_1383, %swap3A_1384] {strides = array<i32>} : memref<64x128xf32, #tpu.memory_space<vmem>>, vector<16xf32>,
          tpu.vector_store %arg7[%swap3A_1383, %swap3A_1384], %mul3A_1269 {strides = array<i32>} : memref<64x128xf32, #tpu.memory_space<vmem>>, vector<16xf32>,
          %swap3A_1386 = arith.constant 61 : i32
          %swap3A_1387 = arith.index_cast %swap3A_1386 : i32 to index
          %swap3A_1388 = arith.index_cast %mul3A_96 : i32 to index
          %swap3A_1389 = tpu.vector_load %arg7[%swap3A_1387, %swap3A_1388] {strides = array<i32>} : memref<64x128xf32, #tpu.memory_space<vmem>>, vector<16xf32>,
          tpu.vector_store %arg7[%swap3A_1387, %swap3A_1388], %mul3A_1269 {strides = array<i32>} : memref<64x128xf32, #tpu.memory_space<vmem>>, vector<16xf32>,
          %swap3A_1390 = arith.constant 62 : i32
          %swap3A_1391 = arith.index_cast %swap3A_1390 : i32 to index
          %swap3A_1392 = arith.index_cast %mul3A_96 : i32 to index
          %swap3A_1393 = tpu.vector_load %arg7[%swap3A_1391, %swap3A_1392] {strides = array<i32>} : memref<64x128xf32, #tpu.memory_space<vmem>>, vector<16xf32>,
          tpu.vector_store %arg7[%swap3A_1391, %swap3A_1392], %mul3A_1269 {strides = array<i32>} : memref<64x128xf32, #tpu.memory_space<vmem>>, vector<16xf32>,
          %swap3A_1394 = arith.constant 63 : i32
          %swap3A_1395 = arith.index_cast %swap3A_1394 : i32 to index
          %swap3A_1396 = arith.index_cast %mul3A_96 : i32 to index
          %swap3A_1397 = tpu.vector_load %arg7[%swap3A_1395, %swap3A_1396] {strides = array<i32>} : memref<64x128xf32, #tpu.memory_space<vmem>>, vector<16xf32>,
          tpu.vector_store %arg7[%swap3A_1395, %swap3A_1396], %mul3A_1269 {strides = array<i32>} : memref<64x128xf32, #tpu.memory_space<vmem>>, vector<16xf32>,
        } else {
        }
        %scan3A_639 = arith.constant 0 : i32
        scf.yield %scan3A_639 : i32
      }
      %scan3A_83 = arith.constant 8 : i32
      %add3A_84 = arith.constant 1 : i32
      %add3A_85 = arith.addi %mul3A_26, %add3A_84 : i32
      %mul3A_86 = arith.constant 128 : i32
      %mul3A_87 = arith.muli %add3A_85, %mul3A_86 : i32
      %add3A_88 = arith.addi %mul3A_2, %mul3A_87 : i32
      %dma_start3A_89 = arith.constant 0 : i32
      %dma_start3A_90 = tpu.memref_slice %arg3[%dma_start3A_89, %add3A_88] : memref<64x65536xf32, #tpu.memory_space<hbm>> -> memref<64x128xf32, #tpu.memory_space<hbm>>
      %dma_start3A_91 = arith.constant 0 : i32
      %dma_start3A_92 = tpu.memref_slice %arg3[%dma_start3A_91, %add3A_88] : memref<64x65536xf32, #tpu.memory_space<hbm>> -> memref<64x128xf32, #tpu.memory_space<hbm>>
      tpu.enqueue_dma source(%arg7 : memref<64x128xf32, #tpu.memory_space<vmem>>) target(%dma_start3A_92 : memref<64x128xf32, #tpu.memory_space<hbm>>) target_semaphore(%arg11 : memref<!tpu.dma_semaphore, #tpu.memory_space<semaphore_mem>>)
    }
    %scan3A_12 = arith.constant 8 : i32
    %add3A_13 = arith.constant 1792 : i32
    %add3A_14 = arith.addi %mul3A_2, %add3A_13 : i32
    %dma_wait3A = arith.constant 0 : i32
    %dma_wait3A_15 = tpu.memref_slice %arg3[%dma_wait3A, %add3A_14] : memref<64x65536xf32, #tpu.memory_space<hbm>> -> memref<64x128xf32, #tpu.memory_space<hbm>>
    %dma_wait3A_16 = arith.constant 0 : i32
    %dma_wait3A_17 = tpu.memref_slice %arg3[%dma_wait3A_16, %add3A_14] : memref<64x65536xf32, #tpu.memory_space<hbm>> -> memref<64x128xf32, #tpu.memory_space<hbm>>
    tpu.wait_dma2 semaphore(%arg10 : memref<!tpu.dma_semaphore, #tpu.memory_space<semaphore_mem>>) src(%arg6 : memref<64x128xf32, #tpu.memory_space<vmem>>) dst(%dma_wait3A_17 : memref<64x128xf32, #tpu.memory_space<hbm>>)
    %add3A_18 = arith.constant 1920 : i32
    %add3A_19 = arith.addi %mul3A_2, %add3A_18 : i32
    %dma_wait3A_20 = arith.constant 0 : i32
    %dma_wait3A_21 = tpu.memref_slice %arg3[%dma_wait3A_20, %add3A_19] : memref<64x65536xf32, #tpu.memory_space<hbm>> -> memref<64x128xf32, #tpu.memory_space<hbm>>
    %dma_wait3A_22 = arith.constant 0 : i32
    %dma_wait3A_23 = tpu.memref_slice %arg3[%dma_wait3A_22, %add3A_19] : memref<64x65536xf32, #tpu.memory_space<hbm>> -> memref<64x128xf32, #tpu.memory_space<hbm>>
    tpu.wait_dma2 semaphore(%arg11 : memref<!tpu.dma_semaphore, #tpu.memory_space<semaphore_mem>>) src(%arg7 : memref<64x128xf32, #tpu.memory_space<vmem>>) dst(%dma_wait3A_23 : memref<64x128xf32, #tpu.memory_space<hbm>>)
    return
  }
}

</mosaic_0001>

<sc_bundles>
// kernel: kernel.3.cloned.1.call-start
scs
__scs_entry_jumppad:
0x0: {  	(pc) =	sbr.rel $0x88, $3  }
0x1: {  	(tag) =	ssettag $0x0;
	lr =	simm.s32 $0x1  }
0x2: {  	[smem:$0x3FA0] =	sst lr;
	_ =	strace $0xD0000000  }
0x3: {  	_ = 	snop  }
0x4: {  	_ = 	snop  }
0x5: {  	_ = 	snop  }
0x6: {  	_ = 	snop  }
0x7: {  	_ = 	snop  }
__scs_overlays_trampoline_lowered:
0x8: {  	[smem:$0x3FAF] =	sst s0  }
0x9: {  	[smem:$0x3FB0] =	sst s1  }
0xa: {  	[smem:$0x3FB1] =	sst s2  }
0xb: {  	[smem:$0x3FB2] =	sst s3  }
0xc: {  	[smem:$0x3FB3] =	sst s4  }
0xd: {  	[smem:$0x3FB4] =	sst s5  }
0xe: {  	[smem:$0x3FB5] =	sst s6  }
0xf: {  	[smem:$0x3FB6] =	sst s7  }
0x10: {  	[smem:$0x3FB7] =	sst s8  }
0x11: {  	[smem:$0x3FB8] =	sst s9;
	s0 =	simm.s32 @!p0 $0x0  }
0x12: {  	s1 =	sld [smem:$0x3F9E];
	s0 =	simm.s32 @p0 $0x1  }
0x13: {  	[smem:$0x3FB9] =	sst s0;
	s0 =	simm.s32 @!p1 $0x0  }
0x14: {  	s2 =	sld [smem:$0x3F9D];
	s0 =	simm.s32 @p1 $0x1  }
0x15: {  	[smem:$0x3FBA] =	sst s0;
	s0 =	simm.s32 @!p2 $0x0  }
0x16: {  	s3 =	sld [smem:$0x3FDB];
	s0 =	simm.s32 @p2 $0x1  }
0x17: {  	s4 =	simm.s32 $0x1BF5;
	[smem:$0x3FBC] =	sst s0  }
0x18: {  	s0 =	sld [smem:$0x3F9F];
	_ =	swait.ge [sflag:s4], $0x0  }
0x19: {  	s7 =	sld [smem:$0x3FA0]  }
0x1a: {  	s8 =	sadd.s32 $0xFFFFE003, lr  }
0x1b: {  	s9 =	sadd.s32 $0xFFFFFEF7, lr;
	s5 =	simm.s32 $0xFFFFFFFF;
	p2 =	slt.u32 s8, $0xFFFFF086  }
0x1c: {  	p1 =	slt.u32 s9, $0xF7A;
	s5 =	simm.s32 @!p2 $0x0  }
0x1d: {  	s5 =	simm.s32 @p1 $0x1;
	p0 =	seq.s32 s7, s2  }
0x1e: {  	s7 =	smul.u32 @!p0 $0xF7A, s2;
	p2 =	seq.s32 @!p0 s5, $0x0  }
0x1f: {  	s9 =	smul.u32 $0xF7A, s1;
	s8 =	simm.s32 @!p0 $0x1BF5;
	p2 =	por !p2, p0  }
0x20: {  	[sflag:s8] =	ssyncset.s32 @!p0 $0xFFFFF086;
	s6 =	sadd.s32 @!p0 s3, s7;
	s7 =	simm.s32 @!p0 $0x108  }
0x21: {  	s3 =	sadd.s32 s3, s9;
	s6 =	sadd.s32 @!p0 $0x88, s6;
	s7 =	simm.s32 @p2 $0x1082  }
0x22: {  	[simem:s7], [sflag:s8] =	dma.local @!p0 [hbm:s6], $0xF7A  }
0x23: {  	s9 =	sor.u32 $0xD0000000, s2;
	s6 =	simm.s32 $0x108;
	_ =	swait.ge @!p0 [sflag:s8], $0x0  }
0x24: {  	s3 =	sadd.s32 $0x88, s3;
	s6 =	simm.s32 @!p1 $0x1082;
	[sflag:s4] =	ssyncset.s32 $0xFFFFF086  }
0x25: {  	[simem:s6], [sflag:s4] =	dma.local [hbm:s3], $0xF7A  }
0x26: {  	[smem:$0x3FA0] =	sst s1;
	(tag) =	ssettag s2;
	_ =	strace s9  }
0x27: {  	s1 =	sld [smem:$0x3FB0]  }
0x28: {  	s2 =	sld [smem:$0x3FB1]  }
0x29: {  	s4 =	sld [smem:$0x3FB3]  }
0x2a: {  	p0 =	seq.s32 s5, $0x0;
	s5 =	sld [smem:$0x3FB4]  }
0x2b: {  	s6 =	sld [smem:$0x3FB5]  }
0x2c: {  	s7 =	sld [smem:$0x3FB6]  }
0x2d: {  	s3 =	simm.s32 $0x108;
	s8 =	sld [smem:$0x3FB7]  }
0x2e: {  	s3 =	simm.s32 @!p0 $0x1082;
	s9 =	sld [smem:$0x3FB8]  }
0x2f: {  	lr =	sadd.s32 s0, s3;
	s0 =	sld [smem:$0x3FAF]  }
0x30: {  	s3 =	sld [smem:$0x3FB2]  }
0x31: {  	[smem:$0x3FBB] =	sst s10  }
0x32: {  	s10 =	sld [smem:$0x3FB9];
	_ =	sdelay $0x3  }
0x33: {  	p0 =	seq.s32 s10, $0x1;
	s10 =	sld [smem:$0x3FBB];
	_ =	sdelay $0x3  }
0x34: {  	[smem:$0x3FBB] =	sst s10  }
0x35: {  	s10 =	sld [smem:$0x3FBA];
	_ =	sdelay $0x3  }
0x36: {  	p1 =	seq.s32 s10, $0x1;
	s10 =	sld [smem:$0x3FBB];
	_ =	sdelay $0x3  }
0x37: {  	[smem:$0x3FBB] =	sst s10  }
0x38: {  	s10 =	sld [smem:$0x3FBC]  }
0x39: {  	_ = 	snop;
	(pc) =	sbr.ind lr, $3  }
0x3a: {  	_ = 	snop  }
0x3b: {  	_ = 	snop  }
0x3c: {  	p2 =	seq.s32 s10, $0x1;
	s10 =	sld [smem:$0x3FBB]  }
0x3d: {  	_ =	shalt  }
0x3e: {  	_ =	shalt  }
0x3f: {  	_ =	shalt  }
0x40: {  	_ =	shalt  }
0x41: {  	_ =	shalt  }
0x42: {  	_ =	shalt  }
0x43: {  	_ =	shalt  }
0x44: {  	_ =	shalt  }
0x45: {  	_ =	shalt  }
0x46: {  	_ =	shalt  }
0x47: {  	_ =	shalt  }
0x48: {  	_ =	shalt  }
0x49: {  	_ =	shalt  }
0x4a: {  	_ =	shalt  }
0x4b: {  	_ =	shalt  }
0x4c: {  	_ =	shalt  }
0x4d: {  	_ =	shalt  }
0x4e: {  	_ =	shalt  }
0x4f: {  	_ =	shalt  }
0x50: {  	_ =	shalt  }
0x51: {  	_ =	shalt  }
0x52: {  	_ =	shalt  }
0x53: {  	_ =	shalt  }
0x54: {  	_ =	shalt  }
0x55: {  	_ =	shalt  }
0x56: {  	_ =	shalt  }
0x57: {  	_ =	shalt  }
0x58: {  	_ =	shalt  }
0x59: {  	_ =	shalt  }
0x5a: {  	_ =	shalt  }
0x5b: {  	_ =	shalt  }
0x5c: {  	_ =	shalt  }
0x5d: {  	_ =	shalt  }
0x5e: {  	_ =	shalt  }
0x5f: {  	_ =	shalt  }
0x60: {  	_ =	shalt  }
0x61: {  	_ =	shalt  }
0x62: {  	_ =	shalt  }
0x63: {  	_ =	shalt  }
0x64: {  	_ =	shalt  }
0x65: {  	_ =	shalt  }
0x66: {  	_ =	shalt  }
0x67: {  	_ =	shalt  }
0x68: {  	_ =	shalt  }
0x69: {  	_ =	shalt  }
0x6a: {  	_ =	shalt  }
0x6b: {  	_ =	shalt  }
0x6c: {  	_ =	shalt  }
0x6d: {  	_ =	shalt  }
0x6e: {  	_ =	shalt  }
0x6f: {  	_ =	shalt  }
0x70: {  	_ =	shalt  }
0x71: {  	_ =	shalt  }
0x72: {  	_ =	shalt  }
0x73: {  	_ =	shalt  }
0x74: {  	_ =	shalt  }
0x75: {  	_ =	shalt  }
0x76: {  	_ =	shalt  }
0x77: {  	_ =	shalt  }
0x78: {  	_ =	shalt  }
0x79: {  	_ =	shalt  }
0x7a: {  	_ =	shalt  }
0x7b: {  	_ =	shalt  }
0x7c: {  	_ =	shalt  }
0x7d: {  	_ =	shalt  }
0x7e: {  	_ =	shalt  }
0x7f: {  	_ =	shalt  }
0x80: {  	_ =	shalt  }
0x81: {  	_ =	shalt  }
0x82: {  	_ =	shalt  }
0x83: {  	_ =	shalt  }
0x84: {  	_ =	shalt  }
0x85: {  	_ =	shalt  }
0x86: {  	_ =	shalt  }
0x87: {  	_ =	shalt  }
.Lfunc_end0:
.L_simem_size_0:
called_computation_lowered:
.L_overlay_start_0:
0x88: {  	s2 =	sld [smem:$0x3FD9]  }
0x89: {  	s3 =	sld [smem:$0x3FFE];
	_ =	sdelay $0x1  }
0x8a: {  	s1 =	srdreg.scid  }
0x8b: {  	s0 =	sand.u32 $0x1, s1  }
0x8c: {  	s18 =	sshll.u32 s0, $0xA;
	s2 =	sadd.s32 s3, s2  }
0x8d: {  	s2 =	sadd.s32 s2, s18  }
0x8e: {  	[smem:$0x3FC7] =	sst s2  }
0x8f: {  	_ = 	snop  }
0x90: {  	s2 =	sld [smem:$0x3FC9]  }
0x91: {  	s19 =	sld [smem:$0x3FD0];
	(tm) =	ssettm $0x1  }
0x92: {  	s4 =	sld [smem:$0x3FFB];
	_ =	sdelay $0x3  }
0x93: {  	_ =	strace s4  }
0x94: {  	s4 =	sld [smem:$0x3FFC];
	_ =	sdelay $0x3  }
0x95: {  	_ =	strace s4  }
0x96: {  	s4 =	sld [smem:$0x3FFD];
	_ =	sdelay $0x3  }
0x97: {  	_ =	strace s4  }
0x98: {  	_ =	strace $0x8FFFFFFF  }
0x99: {  	s20 =	sld [smem:$0x3FDB];
	_ =	sdelay $0x1  }
0x9a: {  	s5 =	simm.s32 $_scs_section_size  }
0x9b: {  	s6 =	simm.s32 $_size__tile_overlayer_lowered;
	s7 =	simm.s32 $_tile_overlayer_lowered  }
0x9c: {  	s23 =	simm.s32 $0x1BFF;
	s22 =	sshll.u32 s7, $0x1;
	s4 =	sadd.s32 s5, s20  }
0x9d: {  	s8 =	simm.s32 $0x0;
	s21 =	sshll.u32 s6, $0x1;
	s6 =	sadd.s32 s22, s4  }
0x9e: {  	[timem:s8], [sflag:s23] =	dma.local [hbm:s6], s21  }
0x9f: {  	_ =	swait.ge [sflag:s23], s21  }
0xa0: {  	s5 =	ssub.s32 $0x0, s21;
	[sflag:s23] =	ssyncset.done $0x0  }
0xa1: {  	[sflag:s23] =	ssyncadd.s32 s5;
	_ =	sdelay $0x1  }
0xa2: {  	s24 =	simm.s32 $0x1B8B  }
0xa3: {  	_ =	swait.ge [sflag:s24], $0x1  }
0xa4: {  	[sflag:s24] =	ssyncset.done $0x0  }
0xa5: {  	s25 =	simm.s32 $0x1B8E;
	[sflag:s24] =	ssyncadd.s32 $0xFFFFFFFF  }
0xa6: {  	s26 =	simm.s32 $execute0_lowered;
	[smem:$0x3FD2] =	sst s25  }
0xa7: {  	s5 =	sshll.u32 s26, $0x1;
	_ =	strace $0x80000046;
	[dreg:$0x1] =	wrdreg $0xFFFFFFFF  }
0xa8: {  	s28 =	simm.s32 $_size_execute0_lowered;
	s4 =	sadd.s32 s4, s5;
	[dreg:$0x0] =	wrdreg $0x0  }
0xa9: {  	s5 =	sshll.u32 s28, $0x1;
	[dreg:$0x2] =	wrdreg s4  }
0xaa: {  	[dreg:$0x3] =	wrdreg s5  }
0xab: {  	[dreg:$0x4] =	wrdreg $0xC0  }
0xac: {  	_ =	task [dreg:s8], $0x5FFFF  }
0xad: {  	[dreg:$0x1] =	wrdreg $0xFFFFFFFF  }
0xae: {  	[dreg:$0x0] =	wrdreg $0x60  }
0xaf: {  	[dreg:$0x2] =	wrdreg s2  }
0xb0: {  	[dreg:$0x3] =	wrdreg s19  }
0xb1: {  	[dreg:$0x4] =	wrdreg $0x9  }
0xb2: {  	_ =	task.clear_ibuf [dreg:s8], $0x5FFFF;
	_ =	strace $0x90000046  }
0xb3: {  	s29 =	simm.s32 $0x9;
	_ =	strace $0x80000048  }
0xb4: {  	_ =	swait.ge [sflag:s29], $0x1  }
0xb5: {  	[sflag:s29] =	ssyncadd.s32 $0xFFFFFFFF  }
0xb6: {  	_ =	strace $0x90000048  }
0xb7: {  	_ =	sfence  }
0xb8: {  	s30 =	sld [smem:$0x0];
	_ =	sdelay $0x2  }
0xb9: {  	s31 =	sshll.u32 s1, $0xD;
	s1 =	sshrl.u32 s1, $0x2  }
0xba: {  	s3 =	sand.u32 $0x4000, s31;
	s1 =	sadd.s32 s1, s30  }
0xbb: {  	s0 =	sor.u32 s3, s0;
	s1 =	sshll.u32 s1, $0x11  }
0xbc: {  	s0 =	sor.u32 s1, s0  }
0xbd: {  	s0 =	sadd.s32 $0x8F2B, s0  }
0xbe: {  	[sflag:s0] =	ssyncadd.remote.s32 $0x1  }
0xbf: {  	_ =	sfence.sel $0xFFFF  }
0xc0: {  	[dreg:$0x0] =	wrdreg $0xFFFFFFFF;
	(pc) =	sbr.abs _section_cstart, $3  }
0xc1: {  	[dreg:$0x1] =	wrdreg $0xFFFFFFFF  }
0xc2: {  	_ =	task.clear_ibuf [dreg:s8], $0x2FFFF;
	_ =	strace $0x9FFFFFFF  }
0xc3: {  	(tm) =	ssettm $0x7FFFFFFF  }
tec
execute0_lowered:
.L_overlay_start_1:
0x0: {  	(tag) =	ssettag $0x1  }
0x1: {  	vm1 =	vmmov $0x3;
	v0 =	vimm.s32 $0x0  }
0x2: {  	s5 =	rddreg [dreg:$0x0];
	s0 =	srdreg.scid;
	v0 =	vsel vm1, $0xFFFFFFFF, v0  }
0x3: {  	s6 =	rddreg [dreg:$0x1];
	s2 =	stileid.u32;
	vm1 =	vmmov $0x7;
	s0 =	sand.u32 $0x1, s0;
	[tilespmem:$0x1FFD0] =	vst v0;
	v0 =	vimm.s32 $0x0  }
0x4: {  	s2 =	sshll.u32 s2, $0xC;
	s1 =	ssub.s32 $0x2, s0;
	s0 =	sshll.u32 s0, $0xB;
	v0 =	vsel vm1, $0xFFFFFFFF, v0  }
0x5: {  	s4 =	simm.s32 $0x0;
	s10 =	simm.s32 $0x8000;
	vm1 =	vmmov $0xf;
	s0 =	sor.u32 s0, s2;
	[tilespmem:$0x1FFE0] =	vst v0;
	v0 =	vimm.s32 $0x0  }
0x6: {  	s11 =	simm.s32 $0x1;
	[smem:$0x7FF] =	sst s4;
	s2 =	sshll.u32 s0, $0x5;
	v0 =	vsel vm1, $0xFFFFFFFF, v0  }
0x7: {  	vm0 =	vmmov $0x1;
	vm4 =	vmmov $0x1f;
	s3 =	sshrl.u32 s1, $0x1;
	s30 =	sadd.s32 s6, s0;
	s2 =	sadd.s32 s5, s2;
	[tilespmem:$0x1FFF0] =	vst v0  }
.Ltmp0:
0x8: {  	vm5 =	vmmov $0x3f;
	vm6 =	vmmov $0x7f;
	vm7 =	vmmov $0xff;
	_ =	strace $0x80000047;
	[dreg:$0x3] =	wrdreg s2;
	(pc) =	sbr.rel .LBB2_1-.Ltmp0, $4  }
0x9: {  	vm8 =	vmmov $0x1ff;
	vm9 =	vmmov $0x3ff;
	s1 =	ssub.s32 s1, s3;
	s31 =	sor.u32 $0x100, s0;
	v0 =	vlaneseq.u32;
	[dreg:$0x4] =	wrdreg s30  }
0xa: {  	vm10 =	vmmov $0x7ff;
	vm11 =	vmmov $0xfff;
	s12 =	simm.s32 $0x10000;
	s1 =	smax.u32 s1, $0x1;
	v1 =	vmul.u32 $0x80, v0;
	[dreg:$0x5] =	wrdreg s31  }
0xb: {  	vm12 =	vmmov $0x1fff;
	vm13 =	vmmov $0x3fff;
	vm14 =	vmmov $0x7fff;
	s15 =	simm.s32 $0x2;
	s0 =	sor.u32 $0x80, s0;
	[dreg:$0x6] =	wrdreg s1  }
0xc: {  	v57 =	vimm.f32 $0.0e+00;
	s17 =	simm.s32 $0x12000;
	v2 =	vor.u32 $0x10, v0;
	[dreg:$0x7] =	wrdreg s0;
	s2 =	simm.s32 $0x0;
	v3 =	vor.u32 $0x800, v1  }
.LBB2_79:
0xd: {  	s0 =	simm.s32 $0x3  }
0xe: {  	_ =	swait.ge [sflag:s0], $0x2000  }
0xf: {  	[sflag:s0] =	ssyncset.done $0x0  }
0x10: {  	s1 =	simm.s32 $0x4;
	[sflag:s0] =	ssyncadd.s32 $0xFFFFE000  }
0x11: {  	_ =	swait.ge [sflag:s1], $0x2000  }
0x12: {  	s2 =	rddreg [dreg:$0x8]  }
0x13: {  	s31 =	rddreg [dreg:$0x6];
	s2 =	sadd.s32 $0x1, s2  }
0x14: {  	p0 =	sne.s32 s2, s31  }
.Ltmp1:
0x15: {  	_ = 	snop;
	(pc) =	sbr.rel @!p0 .LBB2_80-.Ltmp1, $3  }
0x16: {  	_ =	sdelay $0x1  }
0x17: {  	[sflag:s1] =	ssyncset.done $0x0  }
0x18: {  	[sflag:s1] =	ssyncadd.s32 $0xFFFFE000  }
.LBB2_1:
.Ltmp2:
0x19: {  	(pc) =	sbr.rel .LBB2_2-.Ltmp2, $4  }
0x1a: {  	_ = 	snop  }
0x1b: {  	[dreg:$0x8] =	wrdreg s2  }
0x1c: {  	s0 =	rddreg [dreg:$0x3];
	s20 =	simm.s32 $0x0  }
0x1d: {  	[tilespmem:s4], [sflag:$0x1] =	stream.linear.gather [hbm4b:s0+s4], $0x8000, $0x38;
	[tilespmem:$0x14000] =	vst v63  }
.LBB2_78:
0x1e: {  	s20 =	sadd.s32 $0x1, s20  }
0x1f: {  	p0 =	sne.s32 s20, $0x8  }
.Ltmp3:
0x20: {  	_ = 	snop;
	(pc) =	sbr.rel @!p0 .LBB2_79-.Ltmp3, $4  }
0x21: {  	_ = 	snop  }
0x22: {  	s0 =	rddreg [dreg:$0x1]  }
0x23: {  	s1 =	simm.s32 $0x400;
	s2 =	simm.s32 $0x80000;
	s0 =	sadd.s32 s0, s21  }
0x24: {  	[hbm4b:s0+s1] =	stream.strided.scatter [tilespmem:s17], [sflag:$0x4], $0x2000, s2, s1, $0x38;
	[tilespmem:$0x14000] =	vst v63  }
.LBB2_2:
0x25: {  	s22 =	sshll.u32 s20, $0x8;
	s0 =	rddreg [dreg:$0x7]  }
0x26: {  	s21 =	sor.u32 s0, s22  }
0x27: {  	s1 =	rddreg [dreg:$0x0];
	s0 =	sshll.u32 s21, $0x5  }
0x28: {  	s0 =	sadd.s32 s1, s0  }
0x29: {  	[tilespmem:s10], [sflag:$0x2] =	stream.linear.gather [hbm4b:s0+s4], $0x8000, $0x38;
	[tilespmem:$0x14000] =	vst v63  }
0x2a: {  	_ =	swait.ge [sflag:s11], $0x8000  }
.Ltmp4:
0x2b: {  	p0 =	seq.s32 s20, $0x0;
	[sflag:s11] =	ssyncset.done $0x0;
	(pc) =	sbr.rel .LBB2_3-.Ltmp4, $4  }
0x2c: {  	s0 =	simm.s32 @!p0 $0x3;
	[sflag:s11] =	ssyncadd.s32 $0xFFFF8000  }
0x2d: {  	_ =	swait.ge @!p0 [sflag:s0], $0x2000  }
0x2e: {  	[sflag:s0] =	ssyncset.done @!p0 $0x0  }
0x2f: {  	s23 =	simm.s32 $0x0;
	[sflag:s0] =	ssyncadd.s32 @!p0 $0xFFFFE000  }
.LBB2_36:
0x30: {  	v6 =	vld [tilespmem:$0x1FFB0];
	_ =	sdelay $0x2  }
0x31: {  	v8 =	vld [tilespmem:$0x1FFA0]  }
0x32: {  	vm2 =	vmand vm15, vm0  }
0x33: {  	v6 =	vsel vm2, v6, v24  }
0x34: {  	vm3 =	vcmask $0x704;
	v24 =	vld [tilespmem:$0x1FF90];
	vm2 =	vgt.s32 v6, $0xF  }
0x35: {  	vm2 =	vmand vm2, vm3  }
0x36: {  	v6 =	vsel vm2, v8, v6  }
0x37: {  	vm3 =	vcmask $0xB08;
	vm2 =	vgt.s32 v6, $0xF  }
0x38: {  	vm2 =	vmand vm2, vm3  }
0x39: {  	v6 =	vsel vm2, v24, v6;
	v24 =	vld [tilespmem:$0x1FF80];
	_ =	sdelay $0x2  }
0x3a: {  	vm3 =	vcmask $0xF0C;
	vm2 =	vgt.s32 v6, $0xF  }
0x3b: {  	vm2 =	vmand vm2, vm3  }
0x3c: {  	v6 =	vsel vm2, v24, v6;
	v24 =	vld [tilespmem:$0x1FF70];
	_ =	sdelay $0x2  }
0x3d: {  	vm3 =	vcmask $0x1310;
	vm2 =	vgt.s32 v6, $0xF  }
0x3e: {  	vm2 =	vmand vm2, vm3  }
0x3f: {  	v6 =	vsel vm2, v24, v6;
	v24 =	vld [tilespmem:$0x1FF60];
	_ =	sdelay $0x2  }
0x40: {  	vm3 =	vcmask $0x1714;
	vm2 =	vgt.s32 v6, $0xF  }
0x41: {  	vm2 =	vmand vm2, vm3  }
0x42: {  	v6 =	vsel vm2, v24, v6  }
0x43: {  	vm3 =	vcmask $0x1B18;
	vm2 =	vgt.s32 v6, $0xF  }
0x44: {  	vm2 =	vmand vm2, vm3  }
0x45: {  	v6 =	vsel vm2, v60, v6  }
0x46: {  	vm3 =	vcmask $0x1F1C;
	vm2 =	vgt.s32 v6, $0xF  }
0x47: {  	vm2 =	vmand vm2, vm3  }
0x48: {  	v6 =	vsel vm2, v61, v6  }
0x49: {  	vm3 =	vcmask $0x2320;
	vm2 =	vgt.s32 v6, $0xF  }
0x4a: {  	vm2 =	vmand vm2, vm3  }
0x4b: {  	v6 =	vsel vm2, v62, v6  }
0x4c: {  	vm3 =	vcmask $0x2724;
	vm2 =	vgt.s32 v6, $0xF  }
0x4d: {  	vm2 =	vmand vm2, vm3  }
0x4e: {  	v6 =	vsel vm2, v63, v6  }
0x4f: {  	vm3 =	vcmask $0x2B28;
	vm2 =	vgt.s32 v6, $0xF  }
0x50: {  	vm2 =	vmand vm2, vm3  }
0x51: {  	v4 =	vsel vm2, v4, v6  }
0x52: {  	vm3 =	vcmask $0x2F2C;
	vm2 =	vgt.s32 v4, $0xF  }
0x53: {  	vm2 =	vmand vm2, vm3  }
0x54: {  	v4 =	vsel vm2, v54, v4  }
0x55: {  	vm3 =	vcmask $0x3330;
	vm2 =	vgt.s32 v4, $0xF  }
0x56: {  	vm2 =	vmand vm2, vm3  }
0x57: {  	vm3 =	vgt.f32 v59, $1.500000060e-01;
	v4 =	vsel vm2, v55, v4  }
0x58: {  	vm15 =	vcmask $0x3734;
	v55 =	vmctz.xlane vm3;
	vm2 =	vgt.s32 v4, $0xF  }
0x59: {  	v5 =	vnsel vm1, $0x400, v5;
	vm2 =	vmand vm2, vm15  }
0x5a: {  	vm1 =	vlt.s32 v56, v5;
	vm3 =	vlt.s32 v55, $0x10;
	v4 =	vsel vm2, v57, v4  }
0x5b: {  	v6 =	vadd.s32 s0, v55;
	vm15 =	vcmask $0x3B38;
	vm2 =	vgt.s32 v4, $0xF  }
0x5c: {  	v5 =	vsel vm1, v56, v5;
	v6 =	vnsel vm3, $0x400, v6;
	vm2 =	vmand vm2, vm15  }
0x5d: {  	vm1 =	vlt.s32 v5, v6;
	v4 =	vsel vm2, v58, v4  }
0x5e: {  	v5 =	vsel vm1, v5, v6;
	vm1 =	vcmask $0x3F3C;
	vm2 =	vgt.s32 v4, $0xF  }
0x5f: {  	vm1 =	vmand vm2, vm1  }
0x60: {  	v4 =	vsel vm1, v5, v4  }
0x61: {  	vm1 =	vgt.s32 v4, $0xFF  }
0x62: {  	v24 =	vsel vm1, $0x0, v4  }
0x63: {  	v4 =	vbroadcast v24, $0x0;
	_ =	sdelay $0x1  }
0x64: {  	v5 =	vadd.s32 v0, v4  }
0x65: {  	v4 =	vadd.s32 v2, v4;
	v56 =	vshll.u32 v5, $0x3  }
0x66: {  	v5 =	vand.u32 $0x7F, v5;
	v57 =	vshll.u32 v4, $0x3;
	v6 =	vand.u32 $0x400, v56  }
0x67: {  	v4 =	vand.u32 $0x7F, v4;
	v58 =	vand.u32 $0x400, v57;
	v5 =	vor.u32 v6, v5  }
0x68: {  	v4 =	vor.u32 v58, v4;
	v5 =	vor.u32 v7, v5  }
0x69: {  	v59 =	vbroadcast v24, $0x1;
	v4 =	vor.u32 v7, v4;
	_ =	sdelay $0x1  }
0x6a: {  	v55 =	vld [tilespmem:$0x1FFC0];
	v60 =	vadd.s32 v0, v59  }
0x6b: {  	v12 =	vor.u32 $0x80, v12;
	v61 =	vshll.u32 v60, $0x3;
	v6 =	vadd.s32 v2, v59  }
0x6c: {  	v8 =	vand.u32 $0x400, v61;
	v7 =	vand.u32 $0x7F, v60;
	v62 =	vshll.u32 v6, $0x3;
	v5 =	vld.idx.msk [tilespmem:v5+s4+$0x0], $0xffff  }
0x6d: {  	v6 =	vand.u32 $0x7F, v6;
	v7 =	vor.u32 v8, v7;
	v8 =	vand.u32 $0x400, v62;
	v4 =	vld.idx.msk [tilespmem:v4+s4+$0x0], $0xffff  }
0x6e: {  	v7 =	vor.u32 v12, v7;
	v6 =	vor.u32 v8, v6  }
0x6f: {  	v63 =	vbroadcast v24, $0x2;
	v6 =	vor.u32 v12, v6;
	_ =	sdelay $0x1  }
0x70: {  	v54 =	vadd.s32 v0, v63;
	[tilespmem:v9+s12+$0x0] =	vst.idx.msk $0xffff, v5  }
0x71: {  	v56 =	vand.u32 $0x7F, v54;
	v5 =	vshll.u32 v54, $0x3;
	[tilespmem:v55+s12+$0x0] =	vst.idx.msk $0xffff, v4;
	v4 =	vadd.s32 v2, v63  }
0x72: {  	v58 =	vor.u32 $0x100, v15;
	v5 =	vand.u32 $0x400, v5;
	v7 =	vld.idx.msk [tilespmem:v7+s4+$0x0], $0xffff;
	v57 =	vshll.u32 v4, $0x3  }
0x73: {  	v5 =	vor.u32 v5, v56;
	v6 =	vld.idx.msk [tilespmem:v6+s4+$0x0], $0xffff;
	v4 =	vand.u32 $0x7F, v4;
	v8 =	vand.u32 $0x400, v57  }
0x74: {  	v5 =	vor.u32 v58, v5;
	v4 =	vor.u32 v8, v4  }
0x75: {  	v59 =	vbroadcast v24, $0x3;
	v4 =	vor.u32 v58, v4;
	_ =	sdelay $0x1  }
0x76: {  	v60 =	vadd.s32 v0, v59;
	[tilespmem:v11+s12+$0x0] =	vst.idx.msk $0xffff, v7  }
0x77: {  	v15 =	vor.u32 $0x180, v18;
	v62 =	vadd.s32 v2, v59;
	v61 =	vshll.u32 v60, $0x3;
	[tilespmem:v10+s12+$0x0] =	vst.idx.msk $0xffff, v6  }
0x78: {  	v12 =	vshll.u32 v62, $0x3;
	v63 =	vand.u32 $0x7F, v60;
	v7 =	vand.u32 $0x400, v61;
	v5 =	vld.idx.msk [tilespmem:v5+s4+$0x0], $0xffff  }
0x79: {  	v8 =	vand.u32 $0x400, v12;
	v7 =	vor.u32 v7, v63;
	v6 =	vand.u32 $0x7F, v62;
	v4 =	vld.idx.msk [tilespmem:v4+s4+$0x0], $0xffff  }
0x7a: {  	v7 =	vor.u32 v15, v7;
	v6 =	vor.u32 v8, v6  }
0x7b: {  	v18 =	vbroadcast v24, $0x4;
	v6 =	vor.u32 v15, v6;
	_ =	sdelay $0x1  }
0x7c: {  	v54 =	vadd.s32 v0, v18;
	[tilespmem:v14+s12+$0x0] =	vst.idx.msk $0xffff, v5  }
0x7d: {  	v5 =	vshll.u32 v54, $0x3;
	[tilespmem:v13+s12+$0x0] =	vst.idx.msk $0xffff, v4  }
0x7e: {  	v55 =	vand.u32 $0x7F, v54;
	v4 =	vadd.s32 v2, v18;
	v5 =	vand.u32 $0x400, v5;
	v7 =	vld.idx.msk [tilespmem:v7+s4+$0x0], $0xffff  }
0x7f: {  	v57 =	vor.u32 $0x200, v21;
	v5 =	vor.u32 v5, v55;
	v56 =	vshll.u32 v4, $0x3;
	v6 =	vld.idx.msk [tilespmem:v6+s4+$0x0], $0xffff  }
0x80: {  	v4 =	vand.u32 $0x7F, v4;
	v8 =	vand.u32 $0x400, v56;
	v5 =	vor.u32 v57, v5  }
0x81: {  	v4 =	vor.u32 v8, v4  }
0x82: {  	v58 =	vbroadcast v24, $0x5;
	v4 =	vor.u32 v57, v4  }
0x83: {  	[tilespmem:v17+s12+$0x0] =	vst.idx.msk $0xffff, v7  }
0x84: {  	v59 =	vadd.s32 v0, v58;
	[tilespmem:v16+s12+$0x0] =	vst.idx.msk $0xffff, v6  }
0x85: {  	v12 =	vor.u32 $0x280, v25;
	v61 =	vadd.s32 v2, v58;
	v60 =	vshll.u32 v59, $0x3;
	v5 =	vld.idx.msk [tilespmem:v5+s4+$0x0], $0xffff  }
0x86: {  	v62 =	vand.u32 $0x7F, v59;
	v63 =	vshll.u32 v61, $0x3;
	v7 =	vand.u32 $0x400, v60  }
0x87: {  	v8 =	vand.u32 $0x400, v63;
	v7 =	vor.u32 v7, v62;
	v6 =	vand.u32 $0x7F, v61;
	v4 =	vld.idx.msk [tilespmem:v4+s4+$0x0], $0xffff  }
0x88: {  	v7 =	vor.u32 v12, v7;
	v6 =	vor.u32 v8, v6  }
0x89: {  	v13 =	vbroadcast v24, $0x6;
	v6 =	vor.u32 v12, v6  }
0x8a: {  	[tilespmem:v20+s12+$0x0] =	vst.idx.msk $0xffff, v5;
	v20 =	vld [tilespmem:$0x1FF50]  }
0x8b: {  	v25 =	vld [tilespmem:$0x1FF40];
	v14 =	vadd.s32 v0, v13  }
0x8c: {  	v15 =	vand.u32 $0x7F, v14;
	v5 =	vshll.u32 v14, $0x3;
	[tilespmem:v19+s12+$0x0] =	vst.idx.msk $0xffff, v4;
	v4 =	vadd.s32 v2, v13  }
0x8d: {  	v17 =	vor.u32 $0x300, v30;
	v5 =	vand.u32 $0x400, v5;
	v7 =	vld.idx.msk [tilespmem:v7+s4+$0x0], $0xffff;
	v16 =	vshll.u32 v4, $0x3  }
0x8e: {  	v5 =	vor.u32 v5, v15;
	v6 =	vld.idx.msk [tilespmem:v6+s4+$0x0], $0xffff;
	v4 =	vand.u32 $0x7F, v4;
	v8 =	vand.u32 $0x400, v16  }
0x8f: {  	v5 =	vor.u32 v17, v5;
	v4 =	vor.u32 v8, v4  }
0x90: {  	v18 =	vbroadcast v24, $0x7;
	v4 =	vor.u32 v17, v4;
	_ =	sdelay $0x1  }
0x91: {  	v19 =	vadd.s32 v0, v18;
	[tilespmem:v20+s12+$0x0] =	vst.idx.msk $0xffff, v7  }
0x92: {  	v56 =	vor.u32 $0x380, v33;
	v30 =	vadd.s32 v2, v18;
	v21 =	vshll.u32 v19, $0x3;
	[tilespmem:v25+s12+$0x0] =	vst.idx.msk $0xffff, v6  }
0x93: {  	v55 =	vshll.u32 v30, $0x3;
	v54 =	vand.u32 $0x7F, v19;
	v7 =	vand.u32 $0x400, v21;
	v5 =	vld.idx.msk [tilespmem:v5+s4+$0x0], $0xffff  }
0x94: {  	v8 =	vand.u32 $0x400, v55;
	v7 =	vor.u32 v7, v54;
	v6 =	vand.u32 $0x7F, v30;
	v4 =	vld.idx.msk [tilespmem:v4+s4+$0x0], $0xffff  }
0x95: {  	v6 =	vor.u32 v8, v6;
	v7 =	vor.u32 v56, v7  }
0x96: {  	v57 =	vbroadcast v24, $0x8;
	v6 =	vor.u32 v56, v6;
	_ =	sdelay $0x1  }
0x97: {  	[tilespmem:v23+s12+$0x0] =	vst.idx.msk $0xffff, v5;
	v5 =	vadd.s32 v0, v57  }
0x98: {  	[tilespmem:v22+s12+$0x0] =	vst.idx.msk $0xffff, v4;
	v4 =	vadd.s32 v2, v57;
	v58 =	vshll.u32 v5, $0x3  }
0x99: {  	v5 =	vand.u32 $0x7F, v5;
	v7 =	vld.idx.msk [tilespmem:v7+s4+$0x0], $0xffff;
	v8 =	vand.u32 $0x400, v58;
	v59 =	vshll.u32 v4, $0x3  }
0x9a: {  	v6 =	vld.idx.msk [tilespmem:v6+s4+$0x0], $0xffff;
	v4 =	vand.u32 $0x7F, v4;
	v5 =	vor.u32 v8, v5;
	v60 =	vand.u32 $0x400, v59  }
0x9b: {  	v5 =	vor.u32 v34, v5;
	v4 =	vor.u32 v60, v4  }
0x9c: {  	v61 =	vbroadcast v24, $0x9;
	v4 =	vor.u32 v34, v4;
	_ =	sdelay $0x1  }
0x9d: {  	v62 =	vadd.s32 v0, v61;
	v12 =	vadd.s32 v2, v61;
	[tilespmem:v27+s12+$0x0] =	vst.idx.msk $0xffff, v7  }
0x9e: {  	v63 =	vshll.u32 v62, $0x3;
	v14 =	vshll.u32 v12, $0x3;
	[tilespmem:v26+s12+$0x0] =	vst.idx.msk $0xffff, v6  }
0x9f: {  	v13 =	vand.u32 $0x7F, v62;
	v15 =	vor.u32 $0x80, v38;
	v7 =	vand.u32 $0x400, v63;
	v5 =	vld.idx.msk [tilespmem:v5+s4+$0x0], $0xffff  }
0xa0: {  	v8 =	vand.u32 $0x400, v14;
	v7 =	vor.u32 v7, v13;
	v6 =	vand.u32 $0x7F, v12;
	v4 =	vld.idx.msk [tilespmem:v4+s4+$0x0], $0xffff  }
0xa1: {  	v7 =	vor.u32 v15, v7;
	v6 =	vor.u32 v8, v6  }
0xa2: {  	v16 =	vbroadcast v24, $0xA;
	v6 =	vor.u32 v15, v6;
	_ =	sdelay $0x1  }
0xa3: {  	v17 =	vadd.s32 v0, v16;
	[tilespmem:v29+s12+$0x0] =	vst.idx.msk $0xffff, v5  }
0xa4: {  	v18 =	vand.u32 $0x7F, v17;
	v5 =	vshll.u32 v17, $0x3;
	[tilespmem:v28+s12+$0x0] =	vst.idx.msk $0xffff, v4;
	v4 =	vadd.s32 v2, v16  }
0xa5: {  	v20 =	vor.u32 $0x100, v41;
	v5 =	vand.u32 $0x400, v5;
	v7 =	vld.idx.msk [tilespmem:v7+s4+$0x0], $0xffff;
	v19 =	vshll.u32 v4, $0x3  }
0xa6: {  	v5 =	vor.u32 v5, v18;
	v6 =	vld.idx.msk [tilespmem:v6+s4+$0x0], $0xffff;
	v4 =	vand.u32 $0x7F, v4;
	v8 =	vand.u32 $0x400, v19  }
0xa7: {  	v5 =	vor.u32 v20, v5;
	v4 =	vor.u32 v8, v4  }
0xa8: {  	v21 =	vbroadcast v24, $0xB;
	v4 =	vor.u32 v20, v4;
	_ =	sdelay $0x1  }
0xa9: {  	v25 =	vadd.s32 v2, v21;
	v22 =	vadd.s32 v0, v21;
	[tilespmem:v32+s12+$0x0] =	vst.idx.msk $0xffff, v7  }
0xaa: {  	v23 =	vshll.u32 v22, $0x3;
	v27 =	vshll.u32 v25, $0x3;
	[tilespmem:v31+s12+$0x0] =	vst.idx.msk $0xffff, v6  }
0xab: {  	v26 =	vand.u32 $0x7F, v22;
	v28 =	vor.u32 $0x180, v42;
	v7 =	vand.u32 $0x400, v23;
	v5 =	vld.idx.msk [tilespmem:v5+s4+$0x0], $0xffff  }
0xac: {  	v8 =	vand.u32 $0x400, v27;
	v7 =	vor.u32 v7, v26;
	v6 =	vand.u32 $0x7F, v25;
	v4 =	vld.idx.msk [tilespmem:v4+s4+$0x0], $0xffff  }
0xad: {  	v7 =	vor.u32 v28, v7;
	v6 =	vor.u32 v8, v6  }
0xae: {  	v29 =	vbroadcast v24, $0xC;
	v6 =	vor.u32 v28, v6;
	_ =	sdelay $0x1  }
0xaf: {  	v30 =	vadd.s32 v0, v29;
	[tilespmem:v36+s12+$0x0] =	vst.idx.msk $0xffff, v5  }
0xb0: {  	v33 =	vor.u32 $0x200, v46;
	v5 =	vshll.u32 v30, $0x3;
	[tilespmem:v35+s12+$0x0] =	vst.idx.msk $0xffff, v4;
	v4 =	vadd.s32 v2, v29  }
0xb1: {  	v31 =	vand.u32 $0x7F, v30;
	v5 =	vand.u32 $0x400, v5;
	v7 =	vld.idx.msk [tilespmem:v7+s4+$0x0], $0xffff;
	v32 =	vshll.u32 v4, $0x3  }
0xb2: {  	v5 =	vor.u32 v5, v31;
	v6 =	vld.idx.msk [tilespmem:v6+s4+$0x0], $0xffff;
	v4 =	vand.u32 $0x7F, v4;
	v8 =	vand.u32 $0x400, v32  }
0xb3: {  	v5 =	vor.u32 v33, v5;
	v4 =	vor.u32 v8, v4  }
0xb4: {  	v34 =	vbroadcast v24, $0xD;
	v4 =	vor.u32 v33, v4;
	_ =	sdelay $0x1  }
0xb5: {  	v35 =	vadd.s32 v0, v34;
	[tilespmem:v37+s12+$0x0] =	vst.idx.msk $0xffff, v7  }
0xb6: {  	v42 =	vor.u32 $0x280, v47;
	v36 =	vshll.u32 v35, $0x3;
	v37 =	vadd.s32 v2, v34;
	[tilespmem:v45+s12+$0x0] =	vst.idx.msk $0xffff, v6  }
0xb7: {  	v38 =	vand.u32 $0x7F, v35;
	v7 =	vand.u32 $0x400, v36;
	v41 =	vshll.u32 v37, $0x3;
	v5 =	vld.idx.msk [tilespmem:v5+s4+$0x0], $0xffff  }
0xb8: {  	v7 =	vor.u32 v7, v38;
	v6 =	vand.u32 $0x7F, v37;
	v8 =	vand.u32 $0x400, v41;
	v4 =	vld.idx.msk [tilespmem:v4+s4+$0x0], $0xffff  }
0xb9: {  	v7 =	vor.u32 v42, v7;
	v6 =	vor.u32 v8, v6  }
0xba: {  	v45 =	vbroadcast v24, $0xE;
	v6 =	vor.u32 v42, v6;
	_ =	sdelay $0x1  }
0xbb: {  	v46 =	vadd.s32 v0, v45;
	[tilespmem:v39+s12+$0x0] =	vst.idx.msk $0xffff, v5  }
0xbc: {  	v55 =	vor.u32 $0x300, v48;
	v5 =	vshll.u32 v46, $0x3;
	[tilespmem:v40+s12+$0x0] =	vst.idx.msk $0xffff, v4;
	v4 =	vadd.s32 v2, v45  }
0xbd: {  	v47 =	vand.u32 $0x7F, v46;
	v5 =	vand.u32 $0x400, v5;
	v7 =	vld.idx.msk [tilespmem:v7+s4+$0x0], $0xffff;
	v54 =	vshll.u32 v4, $0x3  }
0xbe: {  	v5 =	vor.u32 v5, v47;
	v6 =	vld.idx.msk [tilespmem:v6+s4+$0x0], $0xffff;
	v4 =	vand.u32 $0x7F, v4;
	v8 =	vand.u32 $0x400, v54  }
0xbf: {  	v5 =	vor.u32 v55, v5;
	v4 =	vor.u32 v8, v4  }
0xc0: {  	v56 =	vbroadcast v24, $0xF;
	v4 =	vor.u32 v55, v4;
	_ =	sdelay $0x1  }
0xc1: {  	v57 =	vadd.s32 v0, v56;
	[tilespmem:v44+s12+$0x0] =	vst.idx.msk $0xffff, v7  }
0xc2: {  	v62 =	vor.u32 $0x380, v49;
	v58 =	vshll.u32 v57, $0x3;
	v59 =	vadd.s32 v2, v56;
	[tilespmem:v43+s12+$0x0] =	vst.idx.msk $0xffff, v6  }
0xc3: {  	v60 =	vand.u32 $0x7F, v57;
	v61 =	vshll.u32 v59, $0x3;
	v7 =	vand.u32 $0x400, v58;
	v5 =	vld.idx.msk [tilespmem:v5+s4+$0x0], $0xffff  }
0xc4: {  	v8 =	vand.u32 $0x400, v61;
	v7 =	vor.u32 v7, v60;
	v6 =	vand.u32 $0x7F, v59;
	v4 =	vld.idx.msk [tilespmem:v4+s4+$0x0], $0xffff  }
0xc5: {  	v6 =	vor.u32 v8, v6;
	v7 =	vor.u32 v62, v7  }
0xc6: {  	v6 =	vor.u32 v62, v6;
	_ =	sdelay $0x1  }
0xc7: {  	[tilespmem:v50+s12+$0x0] =	vst.idx.msk $0xffff, v5  }
0xc8: {  	[tilespmem:v51+s12+$0x0] =	vst.idx.msk $0xffff, v4  }
0xc9: {  	v4 =	vld.idx.msk [tilespmem:v7+s4+$0x0], $0xffff  }
0xca: {  	v5 =	vld.idx.msk [tilespmem:v6+s4+$0x0], $0xffff;
	_ =	sdelay $0x1  }
0xcb: {  	v63 =	vcvt.s32.f32 v24;
	_ =	sdelay $0x1  }
0xcc: {  	[tilespmem:v52+s12+$0x0] =	vst.idx.msk $0xffff, v4;
	v4 =	vmul.f32 $3.906250000e-03, v63  }
0xcd: {  	[tilespmem:v53+s12+$0x0] =	vst.idx.msk $0xffff, v5  }
0xce: {  	[tilespmem:s24+$0x11000] =	vst v4  }
0xcf: {  	[tilespmem:s24+$0x11080] =	vst v4  }
0xd0: {  	[tilespmem:s24+$0x11100] =	vst v4  }
0xd1: {  	[tilespmem:s24+$0x11180] =	vst v4  }
0xd2: {  	[tilespmem:s24+$0x11200] =	vst v4  }
0xd3: {  	[tilespmem:s24+$0x11280] =	vst v4  }
0xd4: {  	[tilespmem:s24+$0x11300] =	vst v4  }
0xd5: {  	[tilespmem:s24+$0x11380] =	vst v4  }
0xd6: {  	[tilespmem:s24+$0x11400] =	vst v4  }
0xd7: {  	[tilespmem:s24+$0x11480] =	vst v4  }
0xd8: {  	[tilespmem:s24+$0x11500] =	vst v4  }
0xd9: {  	[tilespmem:s24+$0x11580] =	vst v4  }
0xda: {  	[tilespmem:s24+$0x11600] =	vst v4  }
0xdb: {  	[tilespmem:s24+$0x11680] =	vst v4  }
0xdc: {  	[tilespmem:s24+$0x11700] =	vst v4  }
0xdd: {  	[tilespmem:s24+$0x11780] =	vst v4  }
0xde: {  	[tilespmem:s24+$0x11800] =	vst v4  }
0xdf: {  	[tilespmem:s24+$0x11880] =	vst v4  }
0xe0: {  	[tilespmem:s24+$0x11900] =	vst v4  }
0xe1: {  	[tilespmem:s24+$0x11980] =	vst v4  }
0xe2: {  	[tilespmem:s24+$0x11A00] =	vst v4  }
0xe3: {  	[tilespmem:s24+$0x11A80] =	vst v4  }
0xe4: {  	[tilespmem:s24+$0x11B00] =	vst v4  }
0xe5: {  	[tilespmem:s24+$0x11B80] =	vst v4  }
0xe6: {  	[tilespmem:s24+$0x11C00] =	vst v4  }
0xe7: {  	[tilespmem:s24+$0x11C80] =	vst v4  }
0xe8: {  	[tilespmem:s24+$0x11D00] =	vst v4  }
0xe9: {  	[tilespmem:s24+$0x11D80] =	vst v4  }
0xea: {  	[tilespmem:s24+$0x11E00] =	vst v4  }
0xeb: {  	[tilespmem:s24+$0x11E80] =	vst v4  }
0xec: {  	[tilespmem:s24+$0x11F00] =	vst v4  }
0xed: {  	v57 =	vimm.f32 $0.0e+00;
	[tilespmem:s24+$0x11F80] =	vst v4  }
.LBB2_37:
0xee: {  	s23 =	sadd.s32 $0x1, s23  }
0xef: {  	p1 =	sne.s32 s23, $0x8  }
.Ltmp5:
0xf0: {  	_ = 	snop;
	(pc) =	sbr.rel @!p1 .LBB2_38-.Ltmp5, $1  }
0xf1: {  	_ =	sdelay $0x3  }
.LBB2_3:
0xf2: {  	s0 =	sshll.u32 s23, $0xC  }
0xf3: {  	s5 =	sand.u32 $0x3FFFF000, s0  }
0xf4: {  	v4 =	vld [tilespmem:s5+$0x0]  }
0xf5: {  	v5 =	vld [tilespmem:s5+$0x80]  }
0xf6: {  	v7 =	vld [tilespmem:s5+$0x180]  }
0xf7: {  	v8 =	vld [tilespmem:s5+$0x200]  }
0xf8: {  	v9 =	vld [tilespmem:s5+$0x280]  }
0xf9: {  	vm1 =	vgt.f32 v4, $1.500000060e-01;
	v4 =	vld [tilespmem:s5+$0x300];
	_ =	sdelay $0x1  }
0xfa: {  	v6 =	vld [tilespmem:s5+$0x100];
	vm15 =	vgt.f32 v5, $1.500000060e-01;
	v5 =	vmctz.xlane vm1;
	vm1 =	vgt.f32 v7, $1.500000060e-01  }
0xfb: {  	v13 =	vmctz.xlane vm1;
	vm1 =	vgt.f32 v8, $1.500000060e-01  }
0xfc: {  	v14 =	vld [tilespmem:$0x1FFD0];
	v16 =	vmctz.xlane vm1;
	vm1 =	vgt.f32 v9, $1.500000060e-01  }
0xfd: {  	v19 =	vmctz.xlane vm1;
	vm1 =	vgt.f32 v4, $1.500000060e-01;
	v4 =	vld [tilespmem:$0x1FFE0];
	_ =	sdelay $0x1  }
0xfe: {  	vm2 =	vgt.f32 v6, $1.500000060e-01;
	v11 =	vmctz.xlane vm15  }
0xff: {  	v10 =	vmctz.xlane vm2  }
0x100: {  	s24 =	sshll.u32 s23, $0x4;
	vm2 =	vnez.u8 v14;
	v12 =	vsel vm0, v5, v11  }
0x101: {  	s9 =	sor.u32 $0x8, s24;
	v12 =	vsel vm2, v12, v10;
	vm2 =	vnez.u8 v4  }
0x102: {  	s6 =	sor.u32 $0x9, s24;
	s25 =	sshll.u32 s9, $0x8;
	v4 =	vsel vm2, v12, v13;
	v12 =	vld [tilespmem:$0x1FFF0]  }
0x103: {  	s0 =	sor.u32 $0xA, s24;
	s1 =	sshll.u32 s6, $0x8;
	s3 =	sand.u32 $0x3FFFF800, s25;
	v6 =	vld [tilespmem:s5+$0x380]  }
0x104: {  	s7 =	sor.u32 $0xB, s24;
	s2 =	sshll.u32 s0, $0x8;
	s1 =	sand.u32 $0x7800, s1;
	v7 =	vld [tilespmem:s3+$0x0]  }
0x105: {  	s8 =	sshll.u32 s7, $0x8;
	s31 =	sand.u32 $0x7800, s2;
	s2 =	sor.u32 $0xC, s24;
	v8 =	vld [tilespmem:s1+$0x80]  }
0x106: {  	s19 =	sor.u32 $0xD, s24;
	s30 =	sand.u32 $0x7800, s8;
	s26 =	sshll.u32 s2, $0x8;
	v9 =	vld [tilespmem:s31+$0x100]  }
0x107: {  	s18 =	sor.u32 $0xE, s24;
	s13 =	sshll.u32 s19, $0x8;
	s29 =	sand.u32 $0x7800, s26;
	v14 =	vld [tilespmem:s30+$0x180];
	vm2 =	vnez.u8 v12  }
0x108: {  	s28 =	sand.u32 $0x7800, s13;
	s25 =	sshll.u32 s18, $0x8;
	s8 =	sshllo.u32 s23, $0x4;
	v22 =	vmctz.xlane vm1;
	vm1 =	vgt.f32 v6, $1.500000060e-01;
	v6 =	vld [tilespmem:s29+$0x200];
	v4 =	vsel vm2, v4, v16  }
0x109: {  	s14 =	sshll.u32 s8, $0x8;
	s26 =	sand.u32 $0x7800, s25;
	v26 =	vmctz.xlane vm1;
	vm1 =	vgt.f32 v7, $1.500000060e-01;
	v7 =	vld [tilespmem:s28+$0x280];
	v4 =	vsel vm4, v4, v19  }
0x10a: {  	s25 =	sand.u32 $0x7800, s14;
	v28 =	vmctz.xlane vm1;
	vm1 =	vgt.f32 v8, $1.500000060e-01;
	v8 =	vld [tilespmem:s26+$0x300];
	v12 =	vsel vm5, v4, v22  }
0x10b: {  	v4 =	vmctz.xlane vm1;
	vm1 =	vgt.f32 v9, $1.500000060e-01;
	v9 =	vld [tilespmem:s25+$0x380];
	v12 =	vsel vm6, v12, v26  }
0x10c: {  	v35 =	vmctz.xlane vm1;
	vm1 =	vgt.f32 v14, $1.500000060e-01;
	v12 =	vsel vm7, v12, v28  }
0x10d: {  	v37 =	vmctz.xlane vm1;
	vm1 =	vgt.f32 v6, $1.500000060e-01;
	v6 =	vsel vm8, v12, v4  }
0x10e: {  	v39 =	vmctz.xlane vm1;
	vm1 =	vgt.f32 v7, $1.500000060e-01;
	v6 =	vsel vm9, v6, v35  }
0x10f: {  	v43 =	vmctz.xlane vm1;
	vm1 =	vgt.f32 v8, $1.500000060e-01;
	v6 =	vsel vm10, v6, v37  }
0x110: {  	v48 =	vmctz.xlane vm1;
	vm1 =	vgt.f32 v9, $1.500000060e-01;
	v6 =	vsel vm11, v6, v39  }
0x111: {  	v50 =	vmctz.xlane vm1;
	v6 =	vsel vm12, v6, v43  }
0x112: {  	v6 =	vsel vm13, v6, v48  }
0x113: {  	v24 =	vsel vm14, v6, v50  }
0x114: {  	v6 =	vcvt.s32.f32 v24;
	_ =	sdelay $0x1  }
0x115: {  	v8 =	vmul.f32 $3.906250000e-03, v6;
	_ =	sdelay $0x1  }
0x116: {  	[tilespmem:s24+$0x11000] =	vst v8  }
0x117: {  	[tilespmem:s24+$0x11080] =	vst v8  }
0x118: {  	[tilespmem:s24+$0x11100] =	vst v8  }
0x119: {  	[tilespmem:s24+$0x11180] =	vst v8  }
0x11a: {  	[tilespmem:s24+$0x11200] =	vst v8  }
0x11b: {  	[tilespmem:s24+$0x11280] =	vst v8  }
0x11c: {  	[tilespmem:s24+$0x11300] =	vst v8  }
0x11d: {  	[tilespmem:s24+$0x11380] =	vst v8  }
0x11e: {  	[tilespmem:s24+$0x11400] =	vst v8  }
0x11f: {  	[tilespmem:s24+$0x11480] =	vst v8  }
0x120: {  	[tilespmem:s24+$0x11500] =	vst v8  }
0x121: {  	[tilespmem:s24+$0x11580] =	vst v8  }
0x122: {  	[tilespmem:s24+$0x11600] =	vst v8  }
0x123: {  	[tilespmem:s24+$0x11680] =	vst v8  }
0x124: {  	[tilespmem:s24+$0x11700] =	vst v8  }
0x125: {  	[tilespmem:s24+$0x11780] =	vst v8  }
0x126: {  	[tilespmem:s24+$0x11800] =	vst v8  }
0x127: {  	[tilespmem:s24+$0x11880] =	vst v8  }
0x128: {  	[tilespmem:s24+$0x11900] =	vst v8  }
0x129: {  	[tilespmem:s24+$0x11980] =	vst v8  }
0x12a: {  	[tilespmem:s24+$0x11A00] =	vst v8  }
0x12b: {  	[tilespmem:s24+$0x11A80] =	vst v8  }
0x12c: {  	[tilespmem:s24+$0x11B00] =	vst v8  }
0x12d: {  	[tilespmem:s24+$0x11B80] =	vst v8  }
0x12e: {  	v6 =	vadd.s32 v0, v5;
	[tilespmem:s24+$0x11C00] =	vst v8  }
0x12f: {  	v7 =	vmov s24;
	v5 =	vadd.s32 v2, v5;
	v9 =	vshll.u32 v6, $0x3;
	[tilespmem:s24+$0x11C80] =	vst v8  }
0x130: {  	v7 =	vshll.u32 v7, $0x8;
	v12 =	vshll.u32 v5, $0x3;
	v9 =	vand.u32 $0xFFFFFC00, v9;
	[tilespmem:s24+$0x11D00] =	vst v8  }
0x131: {  	v6 =	vand.u32 $0x7F, v6;
	v12 =	vand.u32 $0xFFFFFC00, v12;
	[tilespmem:s24+$0x11D80] =	vst v8;
	v9 =	vadd.s32 v7, v9  }
0x132: {  	v5 =	vand.u32 $0x7F, v5;
	[tilespmem:s24+$0x11E00] =	vst v8;
	v9 =	vor.u32 v6, v9;
	v6 =	vadd.s32 v7, v12  }
0x133: {  	s13 =	sor.u32 $0x1, s24;
	v14 =	vadd.s32 v0, v11;
	[tilespmem:s24+$0x11E80] =	vst v8;
	v5 =	vor.u32 v5, v6  }
0x134: {  	v55 =	vor.u32 s24, v3;
	v15 =	vshll.u32 v14, $0x3;
	[tilespmem:s24+$0x11F00] =	vst v8;
	v12 =	vmov s13  }
0x135: {  	v11 =	vadd.s32 v2, v11;
	[tilespmem:s24+$0x11F80] =	vst v8;
	v8 =	vand.u32 $0xFFFFFC00, v15;
	v12 =	vshll.u32 v12, $0x8  }
0x136: {  	v15 =	vshll.u32 v11, $0x3;
	v6 =	vor.u32 s24, v1;
	v12 =	vand.u32 $0x7000, v12  }
0x137: {  	v8 =	vadd.s32 v12, v8;
	v17 =	vld.idx.msk [tilespmem:v9+s4+$0x0], $0xffff;
	v9 =	vand.u32 $0x7F, v14;
	v14 =	vand.u32 $0xFFFFFC00, v15  }
0x138: {  	v5 =	vld.idx.msk [tilespmem:v5+s4+$0x0], $0xffff;
	v8 =	vor.u32 v9, v8;
	v9 =	vand.u32 $0x7F, v11;
	v11 =	vadd.s32 v12, v14  }
0x139: {  	s14 =	sor.u32 $0x2, s24;
	v14 =	vor.u32 $0x80, v8;
	v8 =	vor.u32 v9, v11  }
0x13a: {  	v15 =	vmov s14;
	v11 =	vor.u32 $0x80, v8  }
0x13b: {  	v18 =	vadd.s32 v0, v10;
	v10 =	vadd.s32 v2, v10;
	v15 =	vshll.u32 v15, $0x8  }
0x13c: {  	v9 =	vor.u32 s13, v1;
	v15 =	vand.u32 $0x7000, v15;
	[tilespmem:v6+s12+$0x0] =	vst.idx.msk $0xffff, v17;
	v17 =	vshll.u32 v18, $0x3  }
0x13d: {  	v8 =	vor.u32 s13, v3;
	[tilespmem:v55+s12+$0x0] =	vst.idx.msk $0xffff, v5;
	v5 =	vand.u32 $0xFFFFFC00, v17;
	v17 =	vshll.u32 v10, $0x3  }
0x13e: {  	v18 =	vand.u32 $0x7F, v18;
	v14 =	vld.idx.msk [tilespmem:v14+s4+$0x0], $0xffff;
	v5 =	vadd.s32 v15, v5;
	v17 =	vand.u32 $0xFFFFFC00, v17  }
0x13f: {  	v10 =	vand.u32 $0x7F, v10;
	v20 =	vld.idx.msk [tilespmem:v11+s4+$0x0], $0xffff;
	v5 =	vor.u32 v18, v5;
	v11 =	vadd.s32 v15, v17  }
0x140: {  	v5 =	vor.u32 $0x100, v5;
	v10 =	vor.u32 v10, v11  }
0x141: {  	s16 =	sor.u32 $0x3, s24;
	v21 =	vadd.s32 v0, v13;
	v17 =	vor.u32 $0x100, v10  }
0x142: {  	v23 =	vshll.u32 v21, $0x3;
	v21 =	vand.u32 $0x7F, v21;
	v18 =	vmov s16  }
0x143: {  	v13 =	vadd.s32 v2, v13;
	v11 =	vor.u32 s14, v1;
	[tilespmem:v9+s12+$0x0] =	vst.idx.msk $0xffff, v14;
	v14 =	vshll.u32 v18, $0x8  }
0x144: {  	[tilespmem:v8+s12+$0x0] =	vst.idx.msk $0xffff, v20;
	v18 =	vand.u32 $0x7000, v14;
	v14 =	vand.u32 $0xFFFFFC00, v23;
	v20 =	vshll.u32 v13, $0x3  }
0x145: {  	v10 =	vor.u32 s14, v3;
	v5 =	vld.idx.msk [tilespmem:v5+s4+$0x0], $0xffff;
	v14 =	vadd.s32 v18, v14;
	v20 =	vand.u32 $0xFFFFFC00, v20  }
0x146: {  	v13 =	vand.u32 $0x7F, v13;
	v17 =	vld.idx.msk [tilespmem:v17+s4+$0x0], $0xffff;
	v14 =	vor.u32 v21, v14;
	v20 =	vadd.s32 v18, v20  }
0x147: {  	v23 =	vor.u32 $0x180, v14;
	v13 =	vor.u32 v13, v20  }
0x148: {  	v25 =	vadd.s32 v0, v16;
	s14 =	sor.u32 $0x4, s24;
	v20 =	vor.u32 $0x180, v13  }
0x149: {  	v27 =	vshll.u32 v25, $0x3;
	v25 =	vand.u32 $0x7F, v25;
	v21 =	vmov s14  }
0x14a: {  	v16 =	vadd.s32 v2, v16;
	v14 =	vor.u32 s16, v1;
	[tilespmem:v11+s12+$0x0] =	vst.idx.msk $0xffff, v5;
	v5 =	vshll.u32 v21, $0x8  }
0x14b: {  	[tilespmem:v10+s12+$0x0] =	vst.idx.msk $0xffff, v17;
	v21 =	vand.u32 $0x7000, v5;
	v5 =	vand.u32 $0xFFFFFC00, v27;
	v17 =	vshll.u32 v16, $0x3  }
0x14c: {  	v13 =	vor.u32 s16, v3;
	v23 =	vld.idx.msk [tilespmem:v23+s4+$0x0], $0xffff;
	v5 =	vadd.s32 v21, v5;
	v17 =	vand.u32 $0xFFFFFC00, v17  }
0x14d: {  	v16 =	vand.u32 $0x7F, v16;
	v20 =	vld.idx.msk [tilespmem:v20+s4+$0x0], $0xffff;
	v5 =	vor.u32 v25, v5;
	v17 =	vadd.s32 v21, v17  }
0x14e: {  	v5 =	vor.u32 $0x200, v5;
	v16 =	vor.u32 v16, v17  }
0x14f: {  	v29 =	vadd.s32 v0, v19;
	s16 =	sor.u32 $0x5, s24;
	v27 =	vor.u32 $0x200, v16  }
0x150: {  	v30 =	vshll.u32 v29, $0x3;
	v29 =	vand.u32 $0x7F, v29;
	v25 =	vmov s16  }
0x151: {  	v19 =	vadd.s32 v2, v19;
	v17 =	vor.u32 s14, v1;
	[tilespmem:v14+s12+$0x0] =	vst.idx.msk $0xffff, v23;
	v23 =	vshll.u32 v25, $0x8  }
0x152: {  	[tilespmem:v13+s12+$0x0] =	vst.idx.msk $0xffff, v20;
	v25 =	vand.u32 $0x7000, v23;
	v20 =	vand.u32 $0xFFFFFC00, v30;
	v23 =	vshll.u32 v19, $0x3  }
0x153: {  	v16 =	vor.u32 s14, v3;
	v5 =	vld.idx.msk [tilespmem:v5+s4+$0x0], $0xffff;
	v20 =	vadd.s32 v25, v20;
	v23 =	vand.u32 $0xFFFFFC00, v23  }
0x154: {  	v19 =	vand.u32 $0x7F, v19;
	v27 =	vld.idx.msk [tilespmem:v27+s4+$0x0], $0xffff;
	v20 =	vor.u32 v29, v20;
	v23 =	vadd.s32 v25, v23  }
0x155: {  	v29 =	vor.u32 $0x280, v20;
	v19 =	vor.u32 v19, v23  }
0x156: {  	v31 =	vadd.s32 v0, v22;
	s14 =	sor.u32 $0x6, s24;
	v23 =	vor.u32 $0x280, v19  }
0x157: {  	v32 =	vshll.u32 v31, $0x3;
	v31 =	vand.u32 $0x7F, v31;
	v30 =	vmov s14  }
0x158: {  	v22 =	vadd.s32 v2, v22;
	v20 =	vor.u32 s16, v1;
	[tilespmem:v17+s12+$0x0] =	vst.idx.msk $0xffff, v5;
	v5 =	vshll.u32 v30, $0x8  }
0x159: {  	[tilespmem:v16+s12+$0x0] =	vst.idx.msk $0xffff, v27;
	v30 =	vand.u32 $0x7000, v5;
	v5 =	vand.u32 $0xFFFFFC00, v32;
	v27 =	vshll.u32 v22, $0x3  }
0x15a: {  	v19 =	vor.u32 s16, v3;
	v29 =	vld.idx.msk [tilespmem:v29+s4+$0x0], $0xffff;
	v5 =	vadd.s32 v30, v5;
	v27 =	vand.u32 $0xFFFFFC00, v27  }
0x15b: {  	v22 =	vand.u32 $0x7F, v22;
	v45 =	vld.idx.msk [tilespmem:v23+s4+$0x0], $0xffff;
	v5 =	vor.u32 v31, v5;
	v23 =	vadd.s32 v30, v27  }
0x15c: {  	v5 =	vor.u32 $0x300, v5;
	v22 =	vor.u32 v22, v23  }
0x15d: {  	v34 =	vadd.s32 v0, v26;
	s16 =	sor.u32 $0x7, s24;
	v27 =	vor.u32 $0x300, v22  }
0x15e: {  	v46 =	vand.u32 $0x7F, v34;
	v26 =	vadd.s32 v2, v26;
	v31 =	vmov s16  }
0x15f: {  	v23 =	vor.u32 s14, v1;
	[tilespmem:v20+s12+$0x0] =	vst.idx.msk $0xffff, v29;
	v29 =	vshll.u32 v31, $0x8;
	v31 =	vshll.u32 v34, $0x3  }
0x160: {  	[tilespmem:v19+s12+$0x0] =	vst.idx.msk $0xffff, v45;
	v33 =	vand.u32 $0x7000, v29;
	v29 =	vand.u32 $0xFFFFFC00, v31;
	v31 =	vshll.u32 v26, $0x3  }
0x161: {  	v22 =	vor.u32 s14, v3;
	v5 =	vld.idx.msk [tilespmem:v5+s4+$0x0], $0xffff;
	v29 =	vadd.s32 v33, v29;
	v31 =	vand.u32 $0xFFFFFC00, v31  }
0x162: {  	v26 =	vand.u32 $0x7F, v26;
	v47 =	vld.idx.msk [tilespmem:v27+s4+$0x0], $0xffff;
	v27 =	vor.u32 v46, v29;
	v29 =	vadd.s32 v33, v31  }
0x163: {  	v31 =	vor.u32 $0x380, v27;
	v26 =	vor.u32 v26, v29  }
0x164: {  	v29 =	vor.u32 $0x380, v26  }
0x165: {  	v49 =	vmov s9  }
0x166: {  	v34 =	vshll.u32 v49, $0x8;
	[tilespmem:v23+s12+$0x0] =	vst.idx.msk $0xffff, v5;
	v5 =	vadd.s32 v0, v28  }
0x167: {  	v27 =	vor.u32 s16, v1;
	v28 =	vadd.s32 v2, v28;
	[tilespmem:v22+s12+$0x0] =	vst.idx.msk $0xffff, v47;
	v36 =	vshll.u32 v5, $0x3  }
0x168: {  	v26 =	vor.u32 s16, v3;
	v52 =	vshll.u32 v28, $0x3;
	v31 =	vld.idx.msk [tilespmem:v31+s4+$0x0], $0xffff;
	v51 =	vand.u32 $0xFFFFFC00, v36  }
0x169: {  	v5 =	vand.u32 $0x7F, v5;
	v53 =	vand.u32 $0xFFFFFC00, v52;
	v38 =	vld.idx.msk [tilespmem:v29+s4+$0x0], $0xffff;
	v29 =	vadd.s32 v34, v51  }
0x16a: {  	v28 =	vand.u32 $0x7F, v28;
	v5 =	vor.u32 v5, v29;
	v29 =	vadd.s32 v34, v53  }
0x16b: {  	v40 =	vadd.s32 v0, v4;
	v32 =	vor.u32 v28, v29  }
0x16c: {  	v54 =	vmov s6;
	v56 =	vshll.u32 v40, $0x3;
	v4 =	vadd.s32 v2, v4  }
0x16d: {  	v40 =	vand.u32 $0x7F, v40;
	v58 =	vshll.u32 v4, $0x3;
	[tilespmem:v27+s12+$0x0] =	vst.idx.msk $0xffff, v31;
	v31 =	vshll.u32 v54, $0x8  }
0x16e: {  	v4 =	vand.u32 $0x7F, v4;
	[tilespmem:v26+s12+$0x0] =	vst.idx.msk $0xffff, v38;
	v38 =	vand.u32 $0x7800, v31;
	v31 =	vand.u32 $0xFFFFFC00, v56  }
0x16f: {  	v36 =	vand.u32 $0xFFFFFC00, v58;
	v29 =	vor.u32 s9, v1;
	v5 =	vld.idx.msk [tilespmem:v5+s4+$0x0], $0xffff;
	v31 =	vadd.s32 v38, v31  }
0x170: {  	v28 =	vor.u32 s9, v3;
	v59 =	vadd.s32 v38, v36;
	v41 =	vld.idx.msk [tilespmem:v32+s4+$0x0], $0xffff;
	v31 =	vor.u32 v40, v31  }
0x171: {  	v4 =	vor.u32 v4, v59;
	v60 =	vor.u32 $0x80, v31  }
0x172: {  	v42 =	vadd.s32 v0, v35;
	v4 =	vor.u32 $0x80, v4  }
0x173: {  	v61 =	vmov s0;
	v62 =	vshll.u32 v42, $0x3;
	v35 =	vadd.s32 v2, v35  }
0x174: {  	v63 =	vshll.u32 v35, $0x3;
	v35 =	vand.u32 $0x7F, v35;
	[tilespmem:v29+s12+$0x0] =	vst.idx.msk $0xffff, v5;
	v5 =	vshll.u32 v61, $0x8  }
0x175: {  	v49 =	vand.u32 $0x7F, v42;
	[tilespmem:v28+s12+$0x0] =	vst.idx.msk $0xffff, v41;
	v41 =	vand.u32 $0x7800, v5;
	v5 =	vand.u32 $0xFFFFFC00, v62  }
0x176: {  	v32 =	vor.u32 s6, v1;
	v40 =	vand.u32 $0xFFFFFC00, v63;
	v44 =	vld.idx.msk [tilespmem:v60+s4+$0x0], $0xffff;
	v5 =	vadd.s32 v41, v5  }
0x177: {  	v31 =	vor.u32 s6, v3;
	v4 =	vld.idx.msk [tilespmem:v4+s4+$0x0], $0xffff;
	v51 =	vadd.s32 v41, v40;
	v5 =	vor.u32 v49, v5  }
0x178: {  	v35 =	vor.u32 v35, v51;
	v5 =	vor.u32 $0x100, v5  }
0x179: {  	v53 =	vmov s7;
	v52 =	vor.u32 $0x100, v35  }
0x17a: {  	v45 =	vadd.s32 v0, v37;
	v37 =	vadd.s32 v2, v37;
	v42 =	vshll.u32 v53, $0x8  }
0x17b: {  	v42 =	vand.u32 $0x7800, v42;
	v54 =	vshll.u32 v45, $0x3;
	v45 =	vand.u32 $0x7F, v45;
	[tilespmem:v32+s12+$0x0] =	vst.idx.msk $0xffff, v44  }
0x17c: {  	v56 =	vshll.u32 v37, $0x3;
	v37 =	vand.u32 $0x7F, v37;
	[tilespmem:v31+s12+$0x0] =	vst.idx.msk $0xffff, v4;
	v4 =	vand.u32 $0xFFFFFC00, v54  }
0x17d: {  	v36 =	vor.u32 s0, v1;
	v44 =	vand.u32 $0xFFFFFC00, v56;
	v5 =	vld.idx.msk [tilespmem:v5+s4+$0x0], $0xffff;
	v4 =	vadd.s32 v42, v4  }
0x17e: {  	v35 =	vor.u32 s0, v3;
	v44 =	vadd.s32 v42, v44;
	v40 =	vld.idx.msk [tilespmem:v52+s4+$0x0], $0xffff;
	v4 =	vor.u32 v45, v4  }
0x17f: {  	v37 =	vor.u32 v37, v44;
	v4 =	vor.u32 $0x180, v4  }
0x180: {  	vm15 =	vgt.s32 v24, $0xF;
	v58 =	vadd.s32 v0, v39;
	v44 =	vor.u32 $0x180, v37  }
0x181: {  	v46 =	vmov s2;
	v39 =	vadd.s32 v2, v39;
	v47 =	vand.u32 $0x7F, v58  }
0x182: {  	v49 =	vshll.u32 v39, $0x3;
	v45 =	vshll.u32 v58, $0x3;
	[tilespmem:v36+s12+$0x0] =	vst.idx.msk $0xffff, v5;
	v5 =	vshll.u32 v46, $0x8  }
0x183: {  	v39 =	vand.u32 $0x7F, v39;
	[tilespmem:v35+s12+$0x0] =	vst.idx.msk $0xffff, v40;
	v46 =	vand.u32 $0x7800, v5;
	v5 =	vand.u32 $0xFFFFFC00, v45  }
0x184: {  	v59 =	vand.u32 $0xFFFFFC00, v49;
	v37 =	vor.u32 s7, v1;
	v4 =	vld.idx.msk [tilespmem:v4+s4+$0x0], $0xffff;
	v5 =	vadd.s32 v46, v5  }
0x185: {  	v45 =	vor.u32 s7, v3;
	v40 =	vadd.s32 v46, v59;
	v44 =	vld.idx.msk [tilespmem:v44+s4+$0x0], $0xffff;
	v5 =	vor.u32 v47, v5  }
0x186: {  	v56 =	vsel vm15, $0x3F800000, v57;
	v39 =	vor.u32 v39, v40;
	v5 =	vor.u32 $0x200, v5  }
0x187: {  	v51 =	vadd.s32 v0, v43;
	(xrf0) =	vmax.scan.msk.f32 $0xffff, v56;
	v60 =	vor.u32 $0x200, v39  }
0x188: {  	v61 =	vmov s19;
	v43 =	vadd.s32 v2, v43;
	v62 =	vand.u32 $0x7F, v51  }
0x189: {  	v63 =	vshll.u32 v43, $0x3;
	v52 =	vshll.u32 v51, $0x3;
	v47 =	vshll.u32 v61, $0x8;
	[tilespmem:v37+s12+$0x0] =	vst.idx.msk $0xffff, v4  }
0x18a: {  	v43 =	vand.u32 $0x7F, v43;
	v47 =	vand.u32 $0x7800, v47;
	v4 =	vand.u32 $0xFFFFFC00, v52;
	[tilespmem:v45+s12+$0x0] =	vst.idx.msk $0xffff, v44  }
0x18b: {  	v54 =	vand.u32 $0xFFFFFC00, v63;
	v39 =	vor.u32 s2, v1;
	v4 =	vadd.s32 v47, v4;
	v5 =	vld.idx.msk [tilespmem:v5+s4+$0x0], $0xffff  }
0x18c: {  	v40 =	vor.u32 s2, v3;
	v44 =	vadd.s32 v47, v54;
	v4 =	vor.u32 v62, v4;
	v49 =	vld.idx.msk [tilespmem:v60+s4+$0x0], $0xffff  }
0x18d: {  	v56, _, _ =	vpop (xrf0);
	v43 =	vor.u32 v43, v44;
	v4 =	vor.u32 $0x280, v4  }
0x18e: {  	v53 =	vadd.s32 v0, v48;
	(v2sf) =	vpush v56, $0xF;
	v58 =	vor.u32 $0x280, v43  }
0x18f: {  	v59 =	vmov s18;
	v54 =	vadd.s32 v2, v48;
	v44 =	vor.u32 s19, v1  }
0x190: {  	v60 =	vshll.u32 v53, $0x3;
	v61 =	vshll.u32 v54, $0x3;
	[tilespmem:v39+s12+$0x0] =	vst.idx.msk $0xffff, v5;
	v5 =	vshll.u32 v59, $0x8  }
0x191: {  	v62 =	vand.u32 $0x7F, v53;
	[tilespmem:v40+s12+$0x0] =	vst.idx.msk $0xffff, v49;
	v48 =	vand.u32 $0x7800, v5;
	v5 =	vand.u32 $0xFFFFFC00, v60  }
0x192: {  	v63 =	vand.u32 $0x7F, v54;
	v49 =	vand.u32 $0xFFFFFC00, v61;
	v4 =	vld.idx.msk [tilespmem:v4+s4+$0x0], $0xffff;
	v5 =	vadd.s32 v48, v5  }
0x193: {  	v43 =	vor.u32 s19, v3;
	v51 =	vld.idx.msk [tilespmem:v58+s4+$0x0], $0xffff;
	v49 =	vadd.s32 v48, v49;
	v5 =	vor.u32 v62, v5  }
0x194: {  	v49 =	vor.u32 v63, v49;
	v5 =	vor.u32 $0x300, v5  }
0x195: {  	v59 =	vadd.s32 v0, v50;
	v52 =	vor.u32 $0x300, v49  }
0x196: {  	v60 =	vshll.u32 v59, $0x3;
	v61 =	vadd.s32 v2, v50;
	v58 =	vmov s8  }
0x197: {  	v50 =	vor.u32 s18, v1;
	v54 =	vand.u32 $0x7F, v61;
	v49 =	vshll.u32 v58, $0x8;
	[tilespmem:v44+s12+$0x0] =	vst.idx.msk $0xffff, v4  }
0x198: {  	v63 =	vshll.u32 v61, $0x3;
	v49 =	vand.u32 $0x7800, v49;
	v4 =	vand.u32 $0xFFFFFC00, v60;
	[tilespmem:v43+s12+$0x0] =	vst.idx.msk $0xffff, v51  }
0x199: {  	v62 =	vand.u32 $0x7F, v59;
	v53 =	vand.u32 $0xFFFFFC00, v63;
	v4 =	vadd.s32 v49, v4;
	v5 =	vld.idx.msk [tilespmem:v5+s4+$0x0], $0xffff  }
0x19a: {  	v53 =	vadd.s32 v49, v53;
	v51 =	vor.u32 s18, v3;
	v4 =	vor.u32 v62, v4;
	v52 =	vld.idx.msk [tilespmem:v52+s4+$0x0], $0xffff  }
0x19b: {  	v53 =	vor.u32 v54, v53;
	v4 =	vor.u32 $0x380, v4  }
0x19c: {  	v53 =	vor.u32 $0x380, v53;
	_ =	sdelay $0x1  }
0x19d: {  	[tilespmem:v50+s12+$0x0] =	vst.idx.msk $0xffff, v5  }
0x19e: {  	[tilespmem:v51+s12+$0x0] =	vst.idx.msk $0xffff, v52  }
0x19f: {  	s19 =	spop (v2sf);
	v52 =	vor.u32 s8, v1;
	v4 =	vld.idx.msk [tilespmem:v4+s4+$0x0], $0xffff  }
0x1a0: {  	p1 =	sgt.f32 s19, $0.0e+00;
	v5 =	vld.idx.msk [tilespmem:v53+s4+$0x0], $0xffff;
	v53 =	vor.u32 s8, v3  }
.Ltmp6:
0x1a1: {  	_ = 	snop;
	(pc) =	sbr.rel @!p1 .LBB2_37-.Ltmp6, $3  }
0x1a2: {  	_ =	sdelay $0x1  }
0x1a3: {  	[tilespmem:v52+s12+$0x0] =	vst.idx.msk $0xffff, v4  }
0x1a4: {  	s0 =	simm.s32 $0x80;
	s2 =	simm.s32 $0x10;
	v4 =	vimm.s32 $0x400;
	[tilespmem:v53+s12+$0x0] =	vst.idx.msk $0xffff, v5  }
0x1a5: {  	s0 =	sand.u32 $0x400, s0  }
0x1a6: {  	s6 =	sand.u32 $0x70, s2;
	s0 =	sadd.s32 s0, s5  }
0x1a7: {  	s7 =	sadd.s32 s6, s0  }
0x1a8: {  	v5 =	vld [tilespmem:s7+$0x0];
	_ =	sdelay $0x2  }
0x1a9: {  	s19 =	simm.s32 $0x100  }
0x1aa: {  	s0 =	simm.s32 $0x20;
	s6 =	sand.u32 $0x400, s19  }
0x1ab: {  	s8 =	sand.u32 $0x70, s0;
	s6 =	sadd.s32 s6, s5;
	vm1 =	vgt.f32 v5, $1.500000060e-01  }
0x1ac: {  	s6 =	sadd.s32 s8, s6;
	v5 =	vmctz.xlane vm1  }
0x1ad: {  	v54 =	vld [tilespmem:s6+$0x0]  }
0x1ae: {  	[tilespmem:$0x1FFC0] =	vst v55;
	s9 =	simm.s32 $0x30;
	s18 =	simm.s32 $0x180;
	s8 =	simm.s32 $0x20;
	vm1 =	vlt.s32 v5, $0x10;
	v55 =	vadd.s32 s2, v5;
	v5 =	vimm.s32 $0x400  }
.LBB2_5:
0x1af: {  	s13 =	sand.u32 $0x400, s18  }
0x1b0: {  	p1 =	sne.s32 s9, $0xF0;
	v55 =	vnsel vm1, $0x400, v55;
	s14 =	smov.u32 s9;
	s9 =	sadd.s32 $0x10, s9  }
.Ltmp7:
0x1b1: {  	s19 =	sand.u32 $0x70, s14;
	s13 =	sadd.s32 s13, s5;
	vm1 =	vlt.s32 v5, v55;
	(pc) =	sbr.rel @p1 .LBB2_5-.Ltmp7, $3  }
0x1b2: {  	s13 =	sadd.s32 s19, s13;
	vm2 =	vgt.f32 v54, $1.500000060e-01;
	v5 =	vsel vm1, v5, v55  }
0x1b3: {  	v54 =	vld [tilespmem:s13+$0x0];
	v55 =	vmctz.xlane vm2;
	_ =	sdelay $0x1  }
0x1b4: {  	s18 =	sadd.s32 $0x80, s18;
	vm1 =	vlt.s32 v55, $0x10;
	v55 =	vadd.s32 s8, v55;
	s8 =	smov.u32 s14  }
0x1b5: {  	_ =	sdelay $0x1  }
0x1b6: {  	v56 =	vld [tilespmem:s7+$0x80];
	vm2 =	vgt.f32 v54, $1.500000060e-01  }
0x1b7: {  	v54 =	vmctz.xlane vm2  }
0x1b8: {  	v55 =	vnsel vm1, $0x400, v55  }
0x1b9: {  	vm1 =	vlt.s32 v5, v55;
	vm3 =	vlt.s32 v54, $0x10;
	v54 =	vadd.s32 s8, v54  }
0x1ba: {  	v5 =	vsel vm1, v5, v55;
	v54 =	vnsel vm3, $0x400, v54  }
0x1bb: {  	vm2 =	vgt.f32 v56, $1.500000060e-01;
	vm1 =	vlt.s32 v5, v54  }
0x1bc: {  	v63 =	vmctz.xlane vm2;
	v5 =	vsel vm1, v5, v54  }
0x1bd: {  	[tilespmem:$0x1FFB0] =	vst v5;
	v5 =	vld [tilespmem:s6+$0x80]  }
0x1be: {  	s7 =	simm.s32 $0x30;
	vm1 =	vlt.s32 v63, $0x10;
	v54 =	vadd.s32 s2, v63;
	s6 =	simm.s32 $0x180  }
.LBB2_7:
0x1bf: {  	s2 =	sand.u32 $0x400, s6  }
0x1c0: {  	p1 =	sne.s32 s7, $0xF0;
	v54 =	vnsel vm1, $0x400, v54;
	s8 =	smov.u32 s7;
	s7 =	sadd.s32 $0x10, s7  }
.Ltmp8:
0x1c1: {  	s9 =	sand.u32 $0x70, s8;
	s2 =	sadd.s32 s2, s5;
	vm1 =	vlt.s32 v4, v54;
	(pc) =	sbr.rel @p1 .LBB2_7-.Ltmp8, $3  }
0x1c2: {  	s2 =	sadd.s32 s9, s2;
	vm2 =	vgt.f32 v5, $1.500000060e-01;
	v4 =	vsel vm1, v4, v54  }
0x1c3: {  	v5 =	vld [tilespmem:s2+$0x80];
	v54 =	vmctz.xlane vm2;
	_ =	sdelay $0x1  }
0x1c4: {  	s6 =	sadd.s32 $0x80, s6;
	vm1 =	vlt.s32 v54, $0x10;
	v54 =	vadd.s32 s0, v54;
	s0 =	smov.u32 s8  }
0x1c5: {  	s6 =	simm.s32 $0x80  }
0x1c6: {  	s2 =	simm.s32 $0x10;
	s6 =	sand.u32 $0x400, s6  }
0x1c7: {  	s7 =	sand.u32 $0x70, s2;
	s6 =	sadd.s32 s6, s5  }
0x1c8: {  	s6 =	sadd.s32 s7, s6  }
0x1c9: {  	v55 =	vld [tilespmem:s6+$0x100]  }
0x1ca: {  	vm2 =	vgt.f32 v5, $1.500000060e-01  }
0x1cb: {  	v5 =	vmctz.xlane vm2  }
0x1cc: {  	v54 =	vnsel vm1, $0x400, v54;
	s19 =	simm.s32 $0x100  }
0x1cd: {  	vm1 =	vlt.s32 v4, v54;
	s7 =	sand.u32 $0x400, s19;
	vm2 =	vlt.s32 v5, $0x10;
	v5 =	vadd.s32 s0, v5;
	s0 =	simm.s32 $0x20  }
0x1ce: {  	v54 =	vsel vm1, v4, v54;
	s7 =	sadd.s32 s7, s5;
	v5 =	vnsel vm2, $0x400, v5;
	s8 =	sand.u32 $0x70, s0;
	vm1 =	vgt.f32 v55, $1.500000060e-01  }
0x1cf: {  	vm2 =	vlt.s32 v54, v5;
	s7 =	sadd.s32 s8, s7;
	v55 =	vmctz.xlane vm1  }
0x1d0: {  	v4 =	vimm.s32 $0x400;
	v5 =	vsel vm2, v54, v5;
	v54 =	vld [tilespmem:s7+$0x100]  }
0x1d1: {  	s9 =	simm.s32 $0x30;
	s18 =	simm.s32 $0x180;
	s8 =	simm.s32 $0x20;
	[tilespmem:$0x1FFA0] =	vst v5;
	v5 =	vimm.s32 $0x400;
	vm1 =	vlt.s32 v55, $0x10;
	v55 =	vadd.s32 s2, v55  }
.LBB2_9:
0x1d2: {  	s13 =	sand.u32 $0x400, s18  }
0x1d3: {  	p1 =	sne.s32 s9, $0xF0;
	v55 =	vnsel vm1, $0x400, v55;
	s14 =	smov.u32 s9;
	s9 =	sadd.s32 $0x10, s9  }
.Ltmp9:
0x1d4: {  	s19 =	sand.u32 $0x70, s14;
	s13 =	sadd.s32 s13, s5;
	vm1 =	vlt.s32 v5, v55;
	(pc) =	sbr.rel @p1 .LBB2_9-.Ltmp9, $3  }
0x1d5: {  	s13 =	sadd.s32 s19, s13;
	vm2 =	vgt.f32 v54, $1.500000060e-01;
	v5 =	vsel vm1, v5, v55  }
0x1d6: {  	v54 =	vld [tilespmem:s13+$0x100];
	v55 =	vmctz.xlane vm2;
	_ =	sdelay $0x1  }
0x1d7: {  	s18 =	sadd.s32 $0x80, s18;
	vm1 =	vlt.s32 v55, $0x10;
	v55 =	vadd.s32 s8, v55;
	s8 =	smov.u32 s14  }
0x1d8: {  	_ =	sdelay $0x1  }
0x1d9: {  	v56 =	vld [tilespmem:s6+$0x180];
	vm2 =	vgt.f32 v54, $1.500000060e-01  }
0x1da: {  	v54 =	vmctz.xlane vm2  }
0x1db: {  	v55 =	vnsel vm1, $0x400, v55  }
0x1dc: {  	vm1 =	vlt.s32 v5, v55;
	vm3 =	vlt.s32 v54, $0x10;
	v54 =	vadd.s32 s8, v54  }
0x1dd: {  	v5 =	vsel vm1, v5, v55;
	v54 =	vnsel vm3, $0x400, v54  }
0x1de: {  	vm2 =	vgt.f32 v56, $1.500000060e-01;
	vm1 =	vlt.s32 v5, v54  }
0x1df: {  	v63 =	vmctz.xlane vm2;
	v5 =	vsel vm1, v5, v54  }
0x1e0: {  	[tilespmem:$0x1FF90] =	vst v5;
	v5 =	vld [tilespmem:s7+$0x180]  }
0x1e1: {  	s6 =	simm.s32 $0x30;
	vm1 =	vlt.s32 v63, $0x10;
	v54 =	vadd.s32 s2, v63;
	s7 =	simm.s32 $0x180  }
.LBB2_11:
0x1e2: {  	s2 =	sand.u32 $0x400, s7  }
0x1e3: {  	p1 =	sne.s32 s6, $0xF0;
	v54 =	vnsel vm1, $0x400, v54;
	s8 =	smov.u32 s6;
	s6 =	sadd.s32 $0x10, s6  }
.Ltmp10:
0x1e4: {  	s9 =	sand.u32 $0x70, s8;
	s2 =	sadd.s32 s2, s5;
	vm1 =	vlt.s32 v4, v54;
	(pc) =	sbr.rel @p1 .LBB2_11-.Ltmp10, $3  }
0x1e5: {  	s2 =	sadd.s32 s9, s2;
	vm2 =	vgt.f32 v5, $1.500000060e-01;
	v4 =	vsel vm1, v4, v54  }
0x1e6: {  	v5 =	vld [tilespmem:s2+$0x180];
	v54 =	vmctz.xlane vm2;
	_ =	sdelay $0x1  }
0x1e7: {  	s7 =	sadd.s32 $0x80, s7;
	vm1 =	vlt.s32 v54, $0x10;
	v54 =	vadd.s32 s0, v54;
	s0 =	smov.u32 s8  }
0x1e8: {  	s6 =	simm.s32 $0x80  }
0x1e9: {  	s2 =	simm.s32 $0x10;
	s6 =	sand.u32 $0x400, s6  }
0x1ea: {  	s7 =	sand.u32 $0x70, s2;
	s6 =	sadd.s32 s6, s5  }
0x1eb: {  	s6 =	sadd.s32 s7, s6  }
0x1ec: {  	v55 =	vld [tilespmem:s6+$0x200]  }
0x1ed: {  	vm2 =	vgt.f32 v5, $1.500000060e-01  }
0x1ee: {  	v5 =	vmctz.xlane vm2  }
0x1ef: {  	v54 =	vnsel vm1, $0x400, v54;
	s19 =	simm.s32 $0x100  }
0x1f0: {  	vm1 =	vlt.s32 v4, v54;
	s7 =	sand.u32 $0x400, s19;
	vm2 =	vlt.s32 v5, $0x10;
	v5 =	vadd.s32 s0, v5;
	s0 =	simm.s32 $0x20  }
0x1f1: {  	v54 =	vsel vm1, v4, v54;
	s7 =	sadd.s32 s7, s5;
	v5 =	vnsel vm2, $0x400, v5;
	s8 =	sand.u32 $0x70, s0;
	vm1 =	vgt.f32 v55, $1.500000060e-01  }
0x1f2: {  	vm2 =	vlt.s32 v54, v5;
	s7 =	sadd.s32 s8, s7;
	v55 =	vmctz.xlane vm1  }
0x1f3: {  	v4 =	vimm.s32 $0x400;
	v5 =	vsel vm2, v54, v5;
	v54 =	vld [tilespmem:s7+$0x200]  }
0x1f4: {  	s9 =	simm.s32 $0x30;
	s18 =	simm.s32 $0x180;
	s8 =	simm.s32 $0x20;
	[tilespmem:$0x1FF80] =	vst v5;
	v5 =	vimm.s32 $0x400;
	vm1 =	vlt.s32 v55, $0x10;
	v55 =	vadd.s32 s2, v55  }
.LBB2_13:
0x1f5: {  	s13 =	sand.u32 $0x400, s18  }
0x1f6: {  	p1 =	sne.s32 s9, $0xF0;
	v55 =	vnsel vm1, $0x400, v55;
	s14 =	smov.u32 s9;
	s9 =	sadd.s32 $0x10, s9  }
.Ltmp11:
0x1f7: {  	s19 =	sand.u32 $0x70, s14;
	s13 =	sadd.s32 s13, s5;
	vm1 =	vlt.s32 v5, v55;
	(pc) =	sbr.rel @p1 .LBB2_13-.Ltmp11, $3  }
0x1f8: {  	s13 =	sadd.s32 s19, s13;
	vm2 =	vgt.f32 v54, $1.500000060e-01;
	v5 =	vsel vm1, v5, v55  }
0x1f9: {  	v54 =	vld [tilespmem:s13+$0x200];
	v55 =	vmctz.xlane vm2;
	_ =	sdelay $0x1  }
0x1fa: {  	s18 =	sadd.s32 $0x80, s18;
	vm1 =	vlt.s32 v55, $0x10;
	v55 =	vadd.s32 s8, v55;
	s8 =	smov.u32 s14  }
0x1fb: {  	_ =	sdelay $0x1  }
0x1fc: {  	v56 =	vld [tilespmem:s6+$0x280];
	vm2 =	vgt.f32 v54, $1.500000060e-01  }
0x1fd: {  	v54 =	vmctz.xlane vm2  }
0x1fe: {  	v55 =	vnsel vm1, $0x400, v55  }
0x1ff: {  	vm1 =	vlt.s32 v5, v55;
	vm3 =	vlt.s32 v54, $0x10;
	v54 =	vadd.s32 s8, v54  }
0x200: {  	v5 =	vsel vm1, v5, v55;
	v54 =	vnsel vm3, $0x400, v54  }
0x201: {  	vm2 =	vgt.f32 v56, $1.500000060e-01;
	vm1 =	vlt.s32 v5, v54  }
0x202: {  	v63 =	vmctz.xlane vm2;
	v5 =	vsel vm1, v5, v54  }
0x203: {  	[tilespmem:$0x1FF70] =	vst v5;
	v5 =	vld [tilespmem:s7+$0x280]  }
0x204: {  	s6 =	simm.s32 $0x30;
	vm1 =	vlt.s32 v63, $0x10;
	v54 =	vadd.s32 s2, v63;
	s7 =	simm.s32 $0x180  }
.LBB2_15:
0x205: {  	s2 =	sand.u32 $0x400, s7  }
0x206: {  	p1 =	sne.s32 s6, $0xF0;
	v54 =	vnsel vm1, $0x400, v54;
	s8 =	smov.u32 s6;
	s6 =	sadd.s32 $0x10, s6  }
.Ltmp12:
0x207: {  	s9 =	sand.u32 $0x70, s8;
	s2 =	sadd.s32 s2, s5;
	vm1 =	vlt.s32 v4, v54;
	(pc) =	sbr.rel @p1 .LBB2_15-.Ltmp12, $3  }
0x208: {  	s2 =	sadd.s32 s9, s2;
	vm2 =	vgt.f32 v5, $1.500000060e-01;
	v4 =	vsel vm1, v4, v54  }
0x209: {  	v5 =	vld [tilespmem:s2+$0x280];
	v54 =	vmctz.xlane vm2;
	_ =	sdelay $0x1  }
0x20a: {  	s7 =	sadd.s32 $0x80, s7;
	vm1 =	vlt.s32 v54, $0x10;
	v54 =	vadd.s32 s0, v54;
	s0 =	smov.u32 s8  }
0x20b: {  	s6 =	simm.s32 $0x80  }
0x20c: {  	s2 =	simm.s32 $0x10;
	s6 =	sand.u32 $0x400, s6  }
0x20d: {  	s7 =	sand.u32 $0x70, s2;
	s6 =	sadd.s32 s6, s5  }
0x20e: {  	s6 =	sadd.s32 s7, s6  }
0x20f: {  	v55 =	vld [tilespmem:s6+$0x300]  }
0x210: {  	vm2 =	vgt.f32 v5, $1.500000060e-01  }
0x211: {  	v5 =	vmctz.xlane vm2  }
0x212: {  	v54 =	vnsel vm1, $0x400, v54;
	s19 =	simm.s32 $0x100  }
0x213: {  	vm1 =	vlt.s32 v4, v54;
	s7 =	sand.u32 $0x400, s19;
	vm2 =	vlt.s32 v5, $0x10;
	v5 =	vadd.s32 s0, v5;
	s0 =	simm.s32 $0x20  }
0x214: {  	v54 =	vsel vm1, v4, v54;
	s7 =	sadd.s32 s7, s5;
	v5 =	vnsel vm2, $0x400, v5;
	s8 =	sand.u32 $0x70, s0;
	vm1 =	vgt.f32 v55, $1.500000060e-01  }
0x215: {  	vm2 =	vlt.s32 v54, v5;
	s7 =	sadd.s32 s8, s7;
	v55 =	vmctz.xlane vm1  }
0x216: {  	v4 =	vimm.s32 $0x400;
	v5 =	vsel vm2, v54, v5;
	v54 =	vld [tilespmem:s7+$0x300]  }
0x217: {  	s9 =	simm.s32 $0x30;
	s18 =	simm.s32 $0x180;
	s8 =	simm.s32 $0x20;
	[tilespmem:$0x1FF60] =	vst v5;
	v5 =	vimm.s32 $0x400;
	vm1 =	vlt.s32 v55, $0x10;
	v55 =	vadd.s32 s2, v55  }
.LBB2_17:
0x218: {  	s13 =	sand.u32 $0x400, s18  }
0x219: {  	p1 =	sne.s32 s9, $0xF0;
	v55 =	vnsel vm1, $0x400, v55;
	s14 =	smov.u32 s9;
	s9 =	sadd.s32 $0x10, s9  }
.Ltmp13:
0x21a: {  	s19 =	sand.u32 $0x70, s14;
	s13 =	sadd.s32 s13, s5;
	vm1 =	vlt.s32 v5, v55;
	(pc) =	sbr.rel @p1 .LBB2_17-.Ltmp13, $3  }
0x21b: {  	s13 =	sadd.s32 s19, s13;
	vm2 =	vgt.f32 v54, $1.500000060e-01;
	v5 =	vsel vm1, v5, v55  }
0x21c: {  	v54 =	vld [tilespmem:s13+$0x300];
	v55 =	vmctz.xlane vm2;
	_ =	sdelay $0x1  }
0x21d: {  	s18 =	sadd.s32 $0x80, s18;
	vm1 =	vlt.s32 v55, $0x10;
	v55 =	vadd.s32 s8, v55;
	s8 =	smov.u32 s14  }
0x21e: {  	_ = 	snop  }
0x21f: {  	v56 =	vld [tilespmem:s6+$0x380]  }
0x220: {  	vm2 =	vgt.f32 v54, $1.500000060e-01  }
0x221: {  	v54 =	vmctz.xlane vm2  }
0x222: {  	v55 =	vnsel vm1, $0x400, v55  }
0x223: {  	vm1 =	vlt.s32 v5, v55;
	vm3 =	vlt.s32 v54, $0x10;
	v54 =	vadd.s32 s8, v54  }
0x224: {  	v5 =	vsel vm1, v5, v55;
	vm2 =	vgt.f32 v56, $1.500000060e-01;
	v54 =	vnsel vm3, $0x400, v54  }
0x225: {  	v59 =	vmctz.xlane vm2;
	vm1 =	vlt.s32 v5, v54  }
0x226: {  	v60 =	vsel vm1, v5, v54;
	v5 =	vld [tilespmem:s7+$0x380]  }
0x227: {  	s6 =	simm.s32 $0x30;
	s7 =	simm.s32 $0x180;
	vm1 =	vlt.s32 v59, $0x10;
	v54 =	vadd.s32 s2, v59  }
.LBB2_19:
0x228: {  	s2 =	sand.u32 $0x400, s7  }
0x229: {  	p1 =	sne.s32 s6, $0xF0;
	v54 =	vnsel vm1, $0x400, v54;
	s8 =	smov.u32 s6;
	s6 =	sadd.s32 $0x10, s6  }
.Ltmp14:
0x22a: {  	s9 =	sand.u32 $0x70, s8;
	s2 =	sadd.s32 s2, s5;
	vm1 =	vlt.s32 v4, v54;
	(pc) =	sbr.rel @p1 .LBB2_19-.Ltmp14, $3  }
0x22b: {  	s2 =	sadd.s32 s9, s2;
	vm2 =	vgt.f32 v5, $1.500000060e-01;
	v4 =	vsel vm1, v4, v54  }
0x22c: {  	v5 =	vld [tilespmem:s2+$0x380];
	v54 =	vmctz.xlane vm2;
	_ =	sdelay $0x1  }
0x22d: {  	s7 =	sadd.s32 $0x80, s7;
	vm1 =	vlt.s32 v54, $0x10;
	v54 =	vadd.s32 s0, v54;
	s0 =	smov.u32 s8  }
0x22e: {  	s5 =	simm.s32 $0x80  }
0x22f: {  	s2 =	simm.s32 $0x10;
	s5 =	sand.u32 $0x400, s5  }
0x230: {  	s6 =	sand.u32 $0x70, s2;
	s7 =	sadd.s32 s5, s3  }
0x231: {  	s7 =	sadd.s32 s6, s7  }
0x232: {  	v55 =	vld [tilespmem:s7+$0x0]  }
0x233: {  	vm2 =	vgt.f32 v5, $1.500000060e-01  }
0x234: {  	v5 =	vmctz.xlane vm2  }
0x235: {  	v54 =	vnsel vm1, $0x400, v54;
	s19 =	simm.s32 $0x100  }
0x236: {  	vm1 =	vlt.s32 v4, v54;
	s7 =	sand.u32 $0x400, s19;
	vm2 =	vlt.s32 v5, $0x10;
	v5 =	vadd.s32 s0, v5;
	s0 =	simm.s32 $0x20  }
0x237: {  	v54 =	vsel vm1, v4, v54;
	s9 =	sadd.s32 s7, s3;
	v5 =	vnsel vm2, $0x400, v5;
	s8 =	sand.u32 $0x70, s0;
	vm1 =	vgt.f32 v55, $1.500000060e-01  }
0x238: {  	vm2 =	vlt.s32 v54, v5;
	s9 =	sadd.s32 s8, s9;
	v55 =	vmctz.xlane vm1  }
0x239: {  	v4 =	vimm.s32 $0x400;
	v61 =	vsel vm2, v54, v5;
	v54 =	vld [tilespmem:s9+$0x0]  }
0x23a: {  	s18 =	simm.s32 $0x30;
	s19 =	simm.s32 $0x180;
	v5 =	vimm.s32 $0x400;
	s9 =	simm.s32 $0x20;
	vm1 =	vlt.s32 v55, $0x10;
	v55 =	vadd.s32 s2, v55  }
.LBB2_21:
0x23b: {  	s13 =	sand.u32 $0x400, s19  }
0x23c: {  	p1 =	sne.s32 s18, $0xF0;
	v55 =	vnsel vm1, $0x400, v55;
	s14 =	smov.u32 s18;
	s18 =	sadd.s32 $0x10, s18  }
.Ltmp15:
0x23d: {  	s16 =	sand.u32 $0x70, s14;
	s13 =	sadd.s32 s13, s3;
	vm1 =	vlt.s32 v5, v55;
	(pc) =	sbr.rel @p1 .LBB2_21-.Ltmp15, $3  }
0x23e: {  	s13 =	sadd.s32 s16, s13;
	vm2 =	vgt.f32 v54, $1.500000060e-01;
	v5 =	vsel vm1, v5, v55  }
0x23f: {  	v54 =	vld [tilespmem:s13+$0x0];
	v55 =	vmctz.xlane vm2;
	_ =	sdelay $0x1  }
0x240: {  	s19 =	sadd.s32 $0x80, s19;
	vm1 =	vlt.s32 v55, $0x10;
	v55 =	vadd.s32 s9, v55;
	s9 =	smov.u32 s14  }
0x241: {  	s3 =	sadd.s32 s5, s1  }
0x242: {  	s3 =	sadd.s32 s6, s3  }
0x243: {  	v56 =	vld [tilespmem:s3+$0x80]  }
0x244: {  	vm2 =	vgt.f32 v54, $1.500000060e-01  }
0x245: {  	v54 =	vmctz.xlane vm2  }
0x246: {  	v55 =	vnsel vm1, $0x400, v55  }
0x247: {  	vm1 =	vlt.s32 v5, v55;
	vm3 =	vlt.s32 v54, $0x10;
	v54 =	vadd.s32 s9, v54  }
0x248: {  	s18 =	sadd.s32 s7, s1;
	v5 =	vsel vm1, v5, v55;
	v54 =	vnsel vm3, $0x400, v54;
	vm2 =	vgt.f32 v56, $1.500000060e-01  }
0x249: {  	s19 =	sadd.s32 s8, s18;
	vm1 =	vlt.s32 v5, v54;
	v59 =	vmctz.xlane vm2  }
0x24a: {  	v62 =	vsel vm1, v5, v54;
	v5 =	vld [tilespmem:s19+$0x80]  }
0x24b: {  	[tilespmem:$0x1FF50] =	vst v20;
	s5 =	simm.s32 $0x180;
	s3 =	simm.s32 $0x30;
	vm1 =	vlt.s32 v59, $0x10;
	v54 =	vadd.s32 s2, v59  }
.LBB2_23:
0x24c: {  	s2 =	sand.u32 $0x400, s5  }
0x24d: {  	p1 =	sne.s32 s3, $0xF0;
	v54 =	vnsel vm1, $0x400, v54;
	s6 =	smov.u32 s3;
	s3 =	sadd.s32 $0x10, s3  }
.Ltmp16:
0x24e: {  	s7 =	sand.u32 $0x70, s6;
	s2 =	sadd.s32 s2, s1;
	vm1 =	vlt.s32 v4, v54;
	(pc) =	sbr.rel @p1 .LBB2_23-.Ltmp16, $3  }
0x24f: {  	s2 =	sadd.s32 s7, s2;
	vm2 =	vgt.f32 v5, $1.500000060e-01;
	v4 =	vsel vm1, v4, v54  }
0x250: {  	v5 =	vld [tilespmem:s2+$0x80];
	v54 =	vmctz.xlane vm2;
	_ =	sdelay $0x1  }
0x251: {  	s5 =	sadd.s32 $0x80, s5;
	vm1 =	vlt.s32 v54, $0x10;
	v54 =	vadd.s32 s0, v54;
	s0 =	smov.u32 s6  }
0x252: {  	s2 =	simm.s32 $0x80  }
0x253: {  	s1 =	simm.s32 $0x10;
	s2 =	sand.u32 $0x400, s2  }
0x254: {  	s3 =	sand.u32 $0x70, s1;
	s5 =	sadd.s32 s2, s31  }
0x255: {  	s5 =	sadd.s32 s3, s5  }
0x256: {  	v55 =	vld [tilespmem:s5+$0x100]  }
0x257: {  	vm2 =	vgt.f32 v5, $1.500000060e-01  }
0x258: {  	v5 =	vmctz.xlane vm2  }
0x259: {  	v54 =	vnsel vm1, $0x400, v54;
	s19 =	simm.s32 $0x100  }
0x25a: {  	vm1 =	vlt.s32 v4, v54;
	s5 =	sand.u32 $0x400, s19;
	vm2 =	vlt.s32 v5, $0x10;
	v5 =	vadd.s32 s0, v5;
	s0 =	simm.s32 $0x20  }
0x25b: {  	v4 =	vsel vm1, v4, v54;
	s7 =	sadd.s32 s5, s31;
	v5 =	vnsel vm2, $0x400, v5;
	s6 =	sand.u32 $0x70, s0;
	vm1 =	vgt.f32 v55, $1.500000060e-01  }
0x25c: {  	vm2 =	vlt.s32 v4, v5;
	s7 =	sadd.s32 s6, s7;
	v55 =	vmctz.xlane vm1  }
0x25d: {  	v54 =	vimm.s32 $0x400;
	v63 =	vsel vm2, v4, v5;
	v5 =	vld [tilespmem:s7+$0x100]  }
0x25e: {  	[tilespmem:$0x1FF40] =	vst v19;
	v20 =	vmovc v17;
	s8 =	simm.s32 $0x30;
	s9 =	simm.s32 $0x180;
	v4 =	vimm.s32 $0x400;
	s7 =	simm.s32 $0x20;
	vm1 =	vlt.s32 v55, $0x10;
	v55 =	vadd.s32 s1, v55  }
.LBB2_25:
0x25f: {  	s13 =	sand.u32 $0x400, s9  }
0x260: {  	p1 =	sne.s32 s8, $0xF0;
	v55 =	vnsel vm1, $0x400, v55;
	s14 =	smov.u32 s8;
	s8 =	sadd.s32 $0x10, s8  }
.Ltmp17:
0x261: {  	s16 =	sand.u32 $0x70, s14;
	s13 =	sadd.s32 s13, s31;
	vm1 =	vlt.s32 v4, v55;
	(pc) =	sbr.rel @p1 .LBB2_25-.Ltmp17, $3  }
0x262: {  	s13 =	sadd.s32 s16, s13;
	vm2 =	vgt.f32 v5, $1.500000060e-01;
	v4 =	vsel vm1, v4, v55  }
0x263: {  	v5 =	vld [tilespmem:s13+$0x100];
	v55 =	vmctz.xlane vm2;
	_ =	sdelay $0x1  }
0x264: {  	s9 =	sadd.s32 $0x80, s9;
	vm1 =	vlt.s32 v55, $0x10;
	v55 =	vadd.s32 s7, v55;
	s7 =	smov.u32 s14  }
0x265: {  	s2 =	sadd.s32 s2, s30  }
0x266: {  	s2 =	sadd.s32 s3, s2  }
0x267: {  	v56 =	vld [tilespmem:s2+$0x180]  }
0x268: {  	vm2 =	vgt.f32 v5, $1.500000060e-01  }
0x269: {  	v5 =	vmctz.xlane vm2  }
0x26a: {  	v55 =	vnsel vm1, $0x400, v55  }
0x26b: {  	vm1 =	vlt.s32 v4, v55;
	vm3 =	vlt.s32 v5, $0x10;
	v5 =	vadd.s32 s7, v5  }
0x26c: {  	s19 =	sadd.s32 s5, s30;
	v4 =	vsel vm1, v4, v55;
	v5 =	vnsel vm3, $0x400, v5;
	vm2 =	vgt.f32 v56, $1.500000060e-01  }
0x26d: {  	s31 =	sadd.s32 s6, s19;
	vm1 =	vlt.s32 v4, v5;
	v59 =	vmctz.xlane vm2  }
0x26e: {  	v4 =	vsel vm1, v4, v5;
	v5 =	vld [tilespmem:s31+$0x180]  }
0x26f: {  	v19 =	vmovc v16;
	v17 =	vmov v14;
	s3 =	simm.s32 $0x180;
	s2 =	simm.s32 $0x30;
	vm1 =	vlt.s32 v59, $0x10;
	v55 =	vadd.s32 s1, v59  }
.LBB2_27:
0x270: {  	s1 =	sand.u32 $0x400, s3  }
0x271: {  	p1 =	sne.s32 s2, $0xF0;
	v55 =	vnsel vm1, $0x400, v55;
	s5 =	smov.u32 s2;
	s2 =	sadd.s32 $0x10, s2  }
.Ltmp18:
0x272: {  	s6 =	sand.u32 $0x70, s5;
	s1 =	sadd.s32 s1, s30;
	vm1 =	vlt.s32 v54, v55;
	(pc) =	sbr.rel @p1 .LBB2_27-.Ltmp18, $3  }
0x273: {  	s1 =	sadd.s32 s6, s1;
	vm2 =	vgt.f32 v5, $1.500000060e-01;
	v54 =	vsel vm1, v54, v55  }
0x274: {  	v5 =	vld [tilespmem:s1+$0x180];
	v55 =	vmctz.xlane vm2;
	_ =	sdelay $0x1  }
0x275: {  	s3 =	sadd.s32 $0x80, s3;
	vm1 =	vlt.s32 v55, $0x10;
	v55 =	vadd.s32 s0, v55;
	s0 =	smov.u32 s5  }
0x276: {  	s2 =	simm.s32 $0x80  }
0x277: {  	s1 =	simm.s32 $0x10;
	s2 =	sand.u32 $0x400, s2  }
0x278: {  	s3 =	sand.u32 $0x70, s1;
	s5 =	sadd.s32 s2, s29  }
0x279: {  	s5 =	sadd.s32 s3, s5  }
0x27a: {  	v56 =	vld [tilespmem:s5+$0x200]  }
0x27b: {  	vm2 =	vgt.f32 v5, $1.500000060e-01  }
0x27c: {  	v5 =	vmctz.xlane vm2  }
0x27d: {  	v55 =	vnsel vm1, $0x400, v55;
	s31 =	simm.s32 $0x100  }
0x27e: {  	vm1 =	vlt.s32 v54, v55;
	s5 =	sand.u32 $0x400, s31;
	vm2 =	vlt.s32 v5, $0x10;
	v5 =	vadd.s32 s0, v5;
	s0 =	simm.s32 $0x20  }
0x27f: {  	v54 =	vsel vm1, v54, v55;
	s7 =	sadd.s32 s5, s29;
	v5 =	vnsel vm2, $0x400, v5;
	s6 =	sand.u32 $0x70, s0;
	vm1 =	vgt.f32 v56, $1.500000060e-01  }
0x280: {  	vm2 =	vlt.s32 v54, v5;
	s7 =	sadd.s32 s6, s7;
	v57 =	vmctz.xlane vm1  }
0x281: {  	v54 =	vsel vm2, v54, v5;
	v55 =	vld [tilespmem:s7+$0x200];
	v5 =	vimm.s32 $0x400  }
0x282: {  	v16 =	vmovc v13;
	v14 =	vmovc v11;
	s8 =	simm.s32 $0x30;
	s9 =	simm.s32 $0x180;
	s7 =	simm.s32 $0x20;
	v56 =	vimm.s32 $0x400;
	vm1 =	vlt.s32 v57, $0x10;
	v57 =	vadd.s32 s1, v57  }
.LBB2_29:
0x283: {  	s13 =	sand.u32 $0x400, s9  }
0x284: {  	p1 =	sne.s32 s8, $0xF0;
	v57 =	vnsel vm1, $0x400, v57;
	s14 =	smov.u32 s8;
	s8 =	sadd.s32 $0x10, s8  }
.Ltmp19:
0x285: {  	s16 =	sand.u32 $0x70, s14;
	s13 =	sadd.s32 s13, s29;
	vm1 =	vlt.s32 v5, v57;
	(pc) =	sbr.rel @p1 .LBB2_29-.Ltmp19, $3  }
0x286: {  	s13 =	sadd.s32 s16, s13;
	vm2 =	vgt.f32 v55, $1.500000060e-01;
	v5 =	vsel vm1, v5, v57  }
0x287: {  	v55 =	vld [tilespmem:s13+$0x200];
	v57 =	vmctz.xlane vm2;
	_ =	sdelay $0x1  }
0x288: {  	s9 =	sadd.s32 $0x80, s9;
	vm1 =	vlt.s32 v57, $0x10;
	v57 =	vadd.s32 s7, v57;
	s7 =	smov.u32 s14  }
0x289: {  	s2 =	sadd.s32 s2, s28  }
0x28a: {  	s2 =	sadd.s32 s3, s2  }
0x28b: {  	v58 =	vld [tilespmem:s2+$0x280]  }
0x28c: {  	vm2 =	vgt.f32 v55, $1.500000060e-01  }
0x28d: {  	v55 =	vmctz.xlane vm2  }
0x28e: {  	v57 =	vnsel vm1, $0x400, v57  }
0x28f: {  	vm1 =	vlt.s32 v5, v57;
	vm3 =	vlt.s32 v55, $0x10;
	v55 =	vadd.s32 s7, v55  }
0x290: {  	s30 =	sadd.s32 s5, s28;
	v5 =	vsel vm1, v5, v57;
	v55 =	vnsel vm3, $0x400, v55;
	vm2 =	vgt.f32 v58, $1.500000060e-01  }
0x291: {  	s31 =	sadd.s32 s6, s30;
	vm1 =	vlt.s32 v5, v55;
	v57 =	vmctz.xlane vm2  }
0x292: {  	v55 =	vsel vm1, v5, v55;
	v5 =	vld [tilespmem:s31+$0x280]  }
0x293: {  	v13 =	vmovc v10;
	v11 =	vmov v9;
	s3 =	simm.s32 $0x180;
	s2 =	simm.s32 $0x30;
	vm1 =	vlt.s32 v57, $0x10;
	v57 =	vadd.s32 s1, v57  }
.LBB2_31:
0x294: {  	s1 =	sand.u32 $0x400, s3  }
0x295: {  	p1 =	sne.s32 s2, $0xF0;
	v57 =	vnsel vm1, $0x400, v57;
	s5 =	smov.u32 s2;
	s2 =	sadd.s32 $0x10, s2  }
.Ltmp20:
0x296: {  	s6 =	sand.u32 $0x70, s5;
	s1 =	sadd.s32 s1, s28;
	vm1 =	vlt.s32 v56, v57;
	(pc) =	sbr.rel @p1 .LBB2_31-.Ltmp20, $3  }
0x297: {  	s1 =	sadd.s32 s6, s1;
	vm2 =	vgt.f32 v5, $1.500000060e-01;
	v56 =	vsel vm1, v56, v57  }
0x298: {  	v5 =	vld [tilespmem:s1+$0x280];
	v57 =	vmctz.xlane vm2;
	_ =	sdelay $0x1  }
0x299: {  	s3 =	sadd.s32 $0x80, s3;
	vm1 =	vlt.s32 v57, $0x10;
	v57 =	vadd.s32 s0, v57;
	s0 =	smov.u32 s5  }
0x29a: {  	s2 =	simm.s32 $0x80  }
0x29b: {  	s1 =	simm.s32 $0x10;
	s2 =	sand.u32 $0x400, s2  }
0x29c: {  	s3 =	sand.u32 $0x70, s1;
	s5 =	sadd.s32 s2, s26  }
0x29d: {  	s5 =	sadd.s32 s3, s5  }
0x29e: {  	v58 =	vld [tilespmem:s5+$0x300]  }
0x29f: {  	vm2 =	vgt.f32 v5, $1.500000060e-01  }
0x2a0: {  	v5 =	vmctz.xlane vm2  }
0x2a1: {  	v57 =	vnsel vm1, $0x400, v57;
	s31 =	simm.s32 $0x100  }
0x2a2: {  	vm1 =	vlt.s32 v56, v57;
	s5 =	sand.u32 $0x400, s31;
	vm2 =	vlt.s32 v5, $0x10;
	v5 =	vadd.s32 s0, v5;
	s0 =	simm.s32 $0x20  }
0x2a3: {  	v57 =	vsel vm1, v56, v57;
	s7 =	sadd.s32 s5, s26;
	v5 =	vnsel vm2, $0x400, v5;
	s6 =	sand.u32 $0x70, s0;
	vm1 =	vgt.f32 v58, $1.500000060e-01  }
0x2a4: {  	vm2 =	vlt.s32 v57, v5;
	s7 =	sadd.s32 s6, s7;
	v59 =	vmctz.xlane vm1  }
0x2a5: {  	v56 =	vimm.s32 $0x400;
	v57 =	vsel vm2, v57, v5;
	v58 =	vld [tilespmem:s7+$0x300]  }
0x2a6: {  	v10 =	vmovc v8;
	v9 =	vmovc v6;
	s8 =	simm.s32 $0x30;
	s9 =	simm.s32 $0x180;
	v5 =	vimm.s32 $0x400;
	s7 =	simm.s32 $0x20;
	vm1 =	vlt.s32 v59, $0x10;
	v59 =	vadd.s32 s1, v59  }
.LBB2_33:
0x2a7: {  	s13 =	sand.u32 $0x400, s9  }
0x2a8: {  	p1 =	sne.s32 s8, $0xF0;
	v59 =	vnsel vm1, $0x400, v59;
	s14 =	smov.u32 s8;
	s8 =	sadd.s32 $0x10, s8  }
.Ltmp21:
0x2a9: {  	s16 =	sand.u32 $0x70, s14;
	s13 =	sadd.s32 s13, s26;
	vm1 =	vlt.s32 v5, v59;
	(pc) =	sbr.rel @p1 .LBB2_33-.Ltmp21, $3  }
0x2aa: {  	s13 =	sadd.s32 s16, s13;
	vm2 =	vgt.f32 v58, $1.500000060e-01;
	v5 =	vsel vm1, v5, v59  }
0x2ab: {  	v58 =	vld [tilespmem:s13+$0x300];
	v59 =	vmctz.xlane vm2;
	_ =	sdelay $0x1  }
0x2ac: {  	s9 =	sadd.s32 $0x80, s9;
	vm1 =	vlt.s32 v59, $0x10;
	v59 =	vadd.s32 s7, v59;
	s7 =	smov.u32 s14  }
0x2ad: {  	s2 =	sadd.s32 s2, s25  }
0x2ae: {  	s2 =	sadd.s32 s3, s2  }
0x2af: {  	v6 =	vld [tilespmem:s2+$0x380];
	_ =	sdelay $0x2  }
0x2b0: {  	vm2 =	vgt.f32 v58, $1.500000060e-01  }
0x2b1: {  	v58 =	vmctz.xlane vm2  }
0x2b2: {  	vm2 =	vgt.f32 v6, $1.500000060e-01;
	v6 =	vnsel vm1, $0x400, v59  }
0x2b3: {  	s30 =	sadd.s32 s5, s25;
	vm3 =	vlt.s32 v58, $0x10;
	v58 =	vadd.s32 s7, v58;
	vm1 =	vlt.s32 v5, v6  }
0x2b4: {  	s31 =	sadd.s32 s6, s30;
	v8 =	vmctz.xlane vm2;
	v5 =	vsel vm1, v5, v6;
	v6 =	vnsel vm3, $0x400, v58  }
0x2b5: {  	v59 =	vld [tilespmem:s31+$0x380];
	vm1 =	vlt.s32 v5, v6  }
0x2b6: {  	s3 =	simm.s32 $0x180;
	s2 =	simm.s32 $0x30;
	v58 =	vsel vm1, v5, v6;
	vm1 =	vlt.s32 v8, $0x10;
	v5 =	vadd.s32 s1, v8  }
.LBB2_35:
0x2b7: {  	s1 =	sand.u32 $0x400, s3  }
0x2b8: {  	p1 =	sne.s32 s2, $0xF0;
	v5 =	vnsel vm1, $0x400, v5;
	s5 =	smov.u32 s2;
	s2 =	sadd.s32 $0x10, s2  }
.Ltmp22:
0x2b9: {  	s6 =	sand.u32 $0x70, s5;
	s1 =	sadd.s32 s1, s25;
	vm1 =	vlt.s32 v56, v5;
	(pc) =	sbr.rel @p1 .LBB2_35-.Ltmp22, $3  }
0x2ba: {  	vm2 =	vgt.f32 v59, $1.500000060e-01;
	s1 =	sadd.s32 s6, s1;
	v56 =	vsel vm1, v56, v5  }
0x2bb: {  	v5 =	vmctz.xlane vm2;
	v59 =	vld [tilespmem:s1+$0x380];
	_ =	sdelay $0x1  }
0x2bc: {  	s3 =	sadd.s32 $0x80, s3;
	vm1 =	vlt.s32 v5, $0x10;
	v5 =	vadd.s32 s0, v5;
	s0 =	smov.u32 s5  }
.Ltmp23:
0x2bd: {  	_ = 	snop;
	(pc) =	sbr.rel .LBB2_36-.Ltmp23, $1  }
0x2be: {  	_ =	sdelay $0x3  }
.LBB2_38:
0x2bf: {  	p1 =	sne.s32 s20, $0x7  }
.Ltmp24:
0x2c0: {  	_ = 	snop;
	(pc) =	sbr.rel @p1 .LBB2_40-.Ltmp24, $4  }
0x2c1: {  	_ = 	snop  }
0x2c2: {  	s0 =	rddreg [dreg:$0x4]  }
0x2c3: {  	s1 =	simm.s32 $0x400;
	s2 =	simm.s32 $0x80000;
	s0 =	sadd.s32 s22, s0  }
0x2c4: {  	[hbm4b:s0+s1] =	stream.strided.scatter [tilespmem:s12], [sflag:$0x3], $0x2000, s2, s1, $0x38;
	[tilespmem:$0x14000] =	vst v63  }
.Ltmp25:
0x2c5: {  	(pc) =	sbr.rel .LBB2_41-.Ltmp25, $4  }
0x2c6: {  	_ = 	snop  }
0x2c7: {  	_ =	swait.ge [sflag:s15], $0x8000  }
0x2c8: {  	[sflag:s15] =	ssyncset.done $0x0  }
0x2c9: {  	[sflag:s15] =	ssyncadd.s32 $0xFFFF8000  }
.LBB2_40:
0x2ca: {  	s0 =	rddreg [dreg:$0x5]  }
0x2cb: {  	s0 =	sadd.s32 s22, s0  }
0x2cc: {  	s1 =	rddreg [dreg:$0x0];
	s0 =	sshll.u32 s0, $0x5  }
.Ltmp26:
0x2cd: {  	s0 =	sadd.s32 s1, s0;
	(pc) =	sbr.rel @p0 .LBB2_42-.Ltmp26, $4  }
0x2ce: {  	[tilespmem:s4], [sflag:$0x1] =	stream.linear.gather [hbm4b:s0+s4], $0x8000, $0x38;
	[tilespmem:$0x14000] =	vst v63  }
0x2cf: {  	_ =	swait.ge [sflag:s15], $0x8000  }
0x2d0: {  	[sflag:s15] =	ssyncset.done $0x0  }
0x2d1: {  	[sflag:s15] =	ssyncadd.s32 $0xFFFF8000  }
.LBB2_41:
0x2d2: {  	s0 =	simm.s32 $0x4  }
0x2d3: {  	_ =	swait.ge [sflag:s0], $0x2000  }
0x2d4: {  	[sflag:s0] =	ssyncset.done $0x0  }
0x2d5: {  	[sflag:s0] =	ssyncadd.s32 $0xFFFFE000  }
.LBB2_42:
.Ltmp27:
0x2d6: {  	(pc) =	sbr.rel .LBB2_43-.Ltmp27, $2  }
0x2d7: {  	_ =	sdelay $0x2  }
0x2d8: {  	s22 =	simm.s32 $0x0  }
.LBB2_76:
0x2d9: {  	v6 =	vld [tilespmem:$0x1FF30];
	_ =	sdelay $0x2  }
0x2da: {  	v8 =	vld [tilespmem:$0x1FF20]  }
0x2db: {  	vm2 =	vmand vm15, vm0  }
0x2dc: {  	v6 =	vsel vm2, v6, v24  }
0x2dd: {  	vm3 =	vcmask $0x704;
	v24 =	vld [tilespmem:$0x1FF10];
	vm2 =	vgt.s32 v6, $0xF  }
0x2de: {  	vm2 =	vmand vm2, vm3  }
0x2df: {  	v6 =	vsel vm2, v8, v6  }
0x2e0: {  	vm3 =	vcmask $0xB08;
	vm2 =	vgt.s32 v6, $0xF  }
0x2e1: {  	vm2 =	vmand vm2, vm3  }
0x2e2: {  	v6 =	vsel vm2, v24, v6;
	v24 =	vld [tilespmem:$0x1FF00];
	_ =	sdelay $0x2  }
0x2e3: {  	vm3 =	vcmask $0xF0C;
	vm2 =	vgt.s32 v6, $0xF  }
0x2e4: {  	vm2 =	vmand vm2, vm3  }
0x2e5: {  	v6 =	vsel vm2, v24, v6;
	v24 =	vld [tilespmem:$0x1FEF0];
	_ =	sdelay $0x2  }
0x2e6: {  	vm3 =	vcmask $0x1310;
	vm2 =	vgt.s32 v6, $0xF  }
0x2e7: {  	vm2 =	vmand vm2, vm3  }
0x2e8: {  	v6 =	vsel vm2, v24, v6;
	v24 =	vld [tilespmem:$0x1FEE0];
	_ =	sdelay $0x2  }
0x2e9: {  	vm3 =	vcmask $0x1714;
	vm2 =	vgt.s32 v6, $0xF  }
0x2ea: {  	vm2 =	vmand vm2, vm3  }
0x2eb: {  	v6 =	vsel vm2, v24, v6  }
0x2ec: {  	vm3 =	vcmask $0x1B18;
	vm2 =	vgt.s32 v6, $0xF  }
0x2ed: {  	vm2 =	vmand vm2, vm3  }
0x2ee: {  	v6 =	vsel vm2, v60, v6  }
0x2ef: {  	vm3 =	vcmask $0x1F1C;
	vm2 =	vgt.s32 v6, $0xF  }
0x2f0: {  	vm2 =	vmand vm2, vm3  }
0x2f1: {  	v6 =	vsel vm2, v61, v6  }
0x2f2: {  	vm3 =	vcmask $0x2320;
	vm2 =	vgt.s32 v6, $0xF  }
0x2f3: {  	vm2 =	vmand vm2, vm3  }
0x2f4: {  	v6 =	vsel vm2, v62, v6  }
0x2f5: {  	vm3 =	vcmask $0x2724;
	vm2 =	vgt.s32 v6, $0xF  }
0x2f6: {  	vm2 =	vmand vm2, vm3  }
0x2f7: {  	v6 =	vsel vm2, v63, v6  }
0x2f8: {  	vm3 =	vcmask $0x2B28;
	vm2 =	vgt.s32 v6, $0xF  }
0x2f9: {  	vm2 =	vmand vm2, vm3  }
0x2fa: {  	v4 =	vsel vm2, v4, v6  }
0x2fb: {  	vm3 =	vcmask $0x2F2C;
	vm2 =	vgt.s32 v4, $0xF  }
0x2fc: {  	vm2 =	vmand vm2, vm3  }
0x2fd: {  	v4 =	vsel vm2, v54, v4  }
0x2fe: {  	vm3 =	vcmask $0x3330;
	vm2 =	vgt.s32 v4, $0xF  }
0x2ff: {  	vm2 =	vmand vm2, vm3  }
0x300: {  	v4 =	vsel vm2, v55, v4  }
0x301: {  	vm15 =	vcmask $0x3734;
	vm2 =	vgt.s32 v4, $0xF  }
0x302: {  	vm3 =	vgt.f32 v59, $1.500000060e-01;
	vm2 =	vmand vm2, vm15  }
0x303: {  	v5 =	vnsel vm1, $0x400, v5;
	v4 =	vsel vm2, v57, v4;
	v57 =	vmctz.xlane vm3  }
0x304: {  	vm1 =	vlt.s32 v56, v5;
	vm15 =	vcmask $0x3B38  }
0x305: {  	vm2 =	vgt.s32 v4, $0xF;
	vm3 =	vlt.s32 v57, $0x10;
	v6 =	vadd.s32 s0, v57  }
0x306: {  	v5 =	vsel vm1, v56, v5;
	vm2 =	vmand vm2, vm15;
	v6 =	vnsel vm3, $0x400, v6  }
0x307: {  	v4 =	vsel vm2, v58, v4;
	vm1 =	vlt.s32 v5, v6  }
0x308: {  	vm2 =	vgt.s32 v4, $0xF;
	v5 =	vsel vm1, v5, v6;
	vm1 =	vcmask $0x3F3C  }
0x309: {  	vm1 =	vmand vm2, vm1  }
0x30a: {  	v4 =	vsel vm1, v5, v4  }
0x30b: {  	vm1 =	vgt.s32 v4, $0xFF  }
0x30c: {  	v24 =	vsel vm1, $0x0, v4  }
0x30d: {  	v4 =	vbroadcast v24, $0x0;
	_ =	sdelay $0x1  }
0x30e: {  	v5 =	vadd.s32 v0, v4  }
0x30f: {  	v4 =	vadd.s32 v2, v4;
	v58 =	vshll.u32 v5, $0x3  }
0x310: {  	v5 =	vand.u32 $0x7F, v5;
	v59 =	vshll.u32 v4, $0x3;
	v6 =	vand.u32 $0x400, v58  }
0x311: {  	v4 =	vand.u32 $0x7F, v4;
	v60 =	vand.u32 $0x400, v59;
	v5 =	vor.u32 v6, v5  }
0x312: {  	v4 =	vor.u32 v60, v4;
	v5 =	vor.u32 v7, v5  }
0x313: {  	v61 =	vbroadcast v24, $0x1;
	v4 =	vor.u32 v7, v4;
	_ =	sdelay $0x1  }
0x314: {  	v62 =	vadd.s32 v0, v61  }
0x315: {  	v12 =	vor.u32 $0x80, v12;
	v63 =	vshll.u32 v62, $0x3;
	v6 =	vadd.s32 v2, v61  }
0x316: {  	v8 =	vand.u32 $0x400, v63;
	v7 =	vand.u32 $0x7F, v62;
	v54 =	vshll.u32 v6, $0x3;
	v5 =	vld.idx.msk [tilespmem:v5+s10+$0x0], $0xffff  }
0x317: {  	v6 =	vand.u32 $0x7F, v6;
	v7 =	vor.u32 v8, v7;
	v8 =	vand.u32 $0x400, v54;
	v4 =	vld.idx.msk [tilespmem:v4+s10+$0x0], $0xffff  }
0x318: {  	v7 =	vor.u32 v12, v7;
	v6 =	vor.u32 v8, v6  }
0x319: {  	v55 =	vbroadcast v24, $0x2;
	v6 =	vor.u32 v12, v6;
	_ =	sdelay $0x1  }
0x31a: {  	v56 =	vadd.s32 v0, v55;
	[tilespmem:v9+s17+$0x0] =	vst.idx.msk $0xffff, v5  }
0x31b: {  	v57 =	vand.u32 $0x7F, v56;
	v5 =	vshll.u32 v56, $0x3;
	[tilespmem:v10+s17+$0x0] =	vst.idx.msk $0xffff, v4;
	v4 =	vadd.s32 v2, v55  }
0x31c: {  	v59 =	vor.u32 $0x100, v15;
	v5 =	vand.u32 $0x400, v5;
	v7 =	vld.idx.msk [tilespmem:v7+s10+$0x0], $0xffff;
	v58 =	vshll.u32 v4, $0x3  }
0x31d: {  	v5 =	vor.u32 v5, v57;
	v6 =	vld.idx.msk [tilespmem:v6+s10+$0x0], $0xffff;
	v4 =	vand.u32 $0x7F, v4;
	v8 =	vand.u32 $0x400, v58  }
0x31e: {  	v5 =	vor.u32 v59, v5;
	v4 =	vor.u32 v8, v4  }
0x31f: {  	v60 =	vbroadcast v24, $0x3;
	v4 =	vor.u32 v59, v4;
	_ =	sdelay $0x1  }
0x320: {  	v61 =	vadd.s32 v0, v60;
	[tilespmem:v13+s17+$0x0] =	vst.idx.msk $0xffff, v7  }
0x321: {  	v18 =	vor.u32 $0x180, v18;
	v63 =	vadd.s32 v2, v60;
	v62 =	vshll.u32 v61, $0x3;
	[tilespmem:v11+s17+$0x0] =	vst.idx.msk $0xffff, v6  }
0x322: {  	v15 =	vshll.u32 v63, $0x3;
	v13 =	vand.u32 $0x7F, v61;
	v7 =	vand.u32 $0x400, v62;
	v5 =	vld.idx.msk [tilespmem:v5+s10+$0x0], $0xffff  }
0x323: {  	v8 =	vand.u32 $0x400, v15;
	v7 =	vor.u32 v7, v13;
	v6 =	vand.u32 $0x7F, v63;
	v4 =	vld.idx.msk [tilespmem:v4+s10+$0x0], $0xffff  }
0x324: {  	v7 =	vor.u32 v18, v7;
	v6 =	vor.u32 v8, v6  }
0x325: {  	v54 =	vbroadcast v24, $0x4;
	v6 =	vor.u32 v18, v6;
	_ =	sdelay $0x1  }
0x326: {  	v55 =	vadd.s32 v0, v54;
	[tilespmem:v16+s17+$0x0] =	vst.idx.msk $0xffff, v5  }
0x327: {  	v56 =	vand.u32 $0x7F, v55;
	v5 =	vshll.u32 v55, $0x3;
	[tilespmem:v14+s17+$0x0] =	vst.idx.msk $0xffff, v4;
	v4 =	vadd.s32 v2, v54  }
0x328: {  	v58 =	vor.u32 $0x200, v21;
	v5 =	vand.u32 $0x400, v5;
	v7 =	vld.idx.msk [tilespmem:v7+s10+$0x0], $0xffff;
	v57 =	vshll.u32 v4, $0x3  }
0x329: {  	v5 =	vor.u32 v5, v56;
	v6 =	vld.idx.msk [tilespmem:v6+s10+$0x0], $0xffff;
	v4 =	vand.u32 $0x7F, v4;
	v8 =	vand.u32 $0x400, v57  }
0x32a: {  	v5 =	vor.u32 v58, v5;
	v4 =	vor.u32 v8, v4  }
0x32b: {  	v59 =	vbroadcast v24, $0x5;
	v4 =	vor.u32 v58, v4;
	_ =	sdelay $0x1  }
0x32c: {  	v60 =	vadd.s32 v0, v59;
	[tilespmem:v19+s17+$0x0] =	vst.idx.msk $0xffff, v7  }
0x32d: {  	v62 =	vadd.s32 v2, v59;
	v61 =	vshll.u32 v60, $0x3;
	v63 =	vand.u32 $0x7F, v60;
	[tilespmem:v17+s17+$0x0] =	vst.idx.msk $0xffff, v6  }
0x32e: {  	v12 =	vshll.u32 v62, $0x3;
	v13 =	vor.u32 $0x280, v25;
	v7 =	vand.u32 $0x400, v61;
	v5 =	vld.idx.msk [tilespmem:v5+s10+$0x0], $0xffff  }
0x32f: {  	v8 =	vand.u32 $0x400, v12;
	v7 =	vor.u32 v7, v63;
	v6 =	vand.u32 $0x7F, v62;
	v4 =	vld.idx.msk [tilespmem:v4+s10+$0x0], $0xffff  }
0x330: {  	v7 =	vor.u32 v13, v7;
	v6 =	vor.u32 v8, v6  }
0x331: {  	v14 =	vbroadcast v24, $0x6;
	v6 =	vor.u32 v13, v6;
	_ =	sdelay $0x1  }
0x332: {  	v15 =	vadd.s32 v0, v14;
	[tilespmem:v22+s17+$0x0] =	vst.idx.msk $0xffff, v5;
	v22 =	vld [tilespmem:$0x1FED0]  }
0x333: {  	v18 =	vor.u32 $0x300, v30;
	v5 =	vshll.u32 v15, $0x3;
	[tilespmem:v20+s17+$0x0] =	vst.idx.msk $0xffff, v4;
	v4 =	vadd.s32 v2, v14  }
0x334: {  	v16 =	vand.u32 $0x7F, v15;
	v5 =	vand.u32 $0x400, v5;
	v7 =	vld.idx.msk [tilespmem:v7+s10+$0x0], $0xffff;
	v17 =	vshll.u32 v4, $0x3  }
0x335: {  	v5 =	vor.u32 v5, v16;
	v6 =	vld.idx.msk [tilespmem:v6+s10+$0x0], $0xffff;
	v4 =	vand.u32 $0x7F, v4;
	v8 =	vand.u32 $0x400, v17  }
0x336: {  	v5 =	vor.u32 v18, v5;
	v4 =	vor.u32 v8, v4  }
0x337: {  	v19 =	vbroadcast v24, $0x7;
	v4 =	vor.u32 v18, v4  }
0x338: {  	v56 =	vld [tilespmem:$0x1FEB0]  }
0x339: {  	v57 =	vld [tilespmem:$0x1FEC0];
	v20 =	vadd.s32 v0, v19;
	[tilespmem:v23+s17+$0x0] =	vst.idx.msk $0xffff, v7  }
0x33a: {  	v54 =	vor.u32 $0x380, v33;
	v21 =	vshll.u32 v20, $0x3;
	v23 =	vadd.s32 v2, v19;
	[tilespmem:v22+s17+$0x0] =	vst.idx.msk $0xffff, v6  }
0x33b: {  	v25 =	vand.u32 $0x7F, v20;
	v7 =	vand.u32 $0x400, v21;
	v30 =	vshll.u32 v23, $0x3;
	v5 =	vld.idx.msk [tilespmem:v5+s10+$0x0], $0xffff  }
0x33c: {  	v7 =	vor.u32 v7, v25;
	v6 =	vand.u32 $0x7F, v23;
	v8 =	vand.u32 $0x400, v30;
	v4 =	vld.idx.msk [tilespmem:v4+s10+$0x0], $0xffff  }
0x33d: {  	v7 =	vor.u32 v54, v7;
	v6 =	vor.u32 v8, v6  }
0x33e: {  	v55 =	vbroadcast v24, $0x8;
	v6 =	vor.u32 v54, v6;
	_ =	sdelay $0x1  }
0x33f: {  	[tilespmem:v56+s17+$0x0] =	vst.idx.msk $0xffff, v5;
	v5 =	vadd.s32 v0, v55  }
0x340: {  	[tilespmem:v57+s17+$0x0] =	vst.idx.msk $0xffff, v4;
	v4 =	vadd.s32 v2, v55;
	v58 =	vshll.u32 v5, $0x3  }
0x341: {  	v5 =	vand.u32 $0x7F, v5;
	v7 =	vld.idx.msk [tilespmem:v7+s10+$0x0], $0xffff;
	v8 =	vand.u32 $0x400, v58;
	v59 =	vshll.u32 v4, $0x3  }
0x342: {  	v6 =	vld.idx.msk [tilespmem:v6+s10+$0x0], $0xffff;
	v4 =	vand.u32 $0x7F, v4;
	v5 =	vor.u32 v8, v5;
	v60 =	vand.u32 $0x400, v59  }
0x343: {  	v5 =	vor.u32 v34, v5;
	v4 =	vor.u32 v60, v4  }
0x344: {  	v61 =	vbroadcast v24, $0x9;
	v4 =	vor.u32 v34, v4;
	_ =	sdelay $0x1  }
0x345: {  	v62 =	vadd.s32 v0, v61;
	[tilespmem:v27+s17+$0x0] =	vst.idx.msk $0xffff, v7  }
0x346: {  	v12 =	vadd.s32 v2, v61;
	v63 =	vshll.u32 v62, $0x3;
	v13 =	vand.u32 $0x7F, v62;
	[tilespmem:v26+s17+$0x0] =	vst.idx.msk $0xffff, v6  }
0x347: {  	v15 =	vor.u32 $0x80, v38;
	v14 =	vshll.u32 v12, $0x3;
	v7 =	vand.u32 $0x400, v63;
	v5 =	vld.idx.msk [tilespmem:v5+s10+$0x0], $0xffff  }
0x348: {  	v8 =	vand.u32 $0x400, v14;
	v7 =	vor.u32 v7, v13;
	v6 =	vand.u32 $0x7F, v12;
	v4 =	vld.idx.msk [tilespmem:v4+s10+$0x0], $0xffff  }
0x349: {  	v7 =	vor.u32 v15, v7;
	v6 =	vor.u32 v8, v6  }
0x34a: {  	v16 =	vbroadcast v24, $0xA;
	v6 =	vor.u32 v15, v6;
	_ =	sdelay $0x1  }
0x34b: {  	v17 =	vadd.s32 v0, v16;
	[tilespmem:v29+s17+$0x0] =	vst.idx.msk $0xffff, v5  }
0x34c: {  	v20 =	vor.u32 $0x100, v41;
	v5 =	vshll.u32 v17, $0x3;
	[tilespmem:v28+s17+$0x0] =	vst.idx.msk $0xffff, v4;
	v4 =	vadd.s32 v2, v16  }
0x34d: {  	v18 =	vand.u32 $0x7F, v17;
	v5 =	vand.u32 $0x400, v5;
	v7 =	vld.idx.msk [tilespmem:v7+s10+$0x0], $0xffff;
	v19 =	vshll.u32 v4, $0x3  }
0x34e: {  	v5 =	vor.u32 v5, v18;
	v6 =	vld.idx.msk [tilespmem:v6+s10+$0x0], $0xffff;
	v4 =	vand.u32 $0x7F, v4;
	v8 =	vand.u32 $0x400, v19  }
0x34f: {  	v5 =	vor.u32 v20, v5;
	v4 =	vor.u32 v8, v4  }
0x350: {  	v21 =	vbroadcast v24, $0xB;
	v4 =	vor.u32 v20, v4;
	_ =	sdelay $0x1  }
0x351: {  	v22 =	vadd.s32 v0, v21;
	v25 =	vadd.s32 v2, v21;
	[tilespmem:v32+s17+$0x0] =	vst.idx.msk $0xffff, v7  }
0x352: {  	v23 =	vshll.u32 v22, $0x3;
	v27 =	vshll.u32 v25, $0x3;
	[tilespmem:v31+s17+$0x0] =	vst.idx.msk $0xffff, v6  }
0x353: {  	v26 =	vand.u32 $0x7F, v22;
	v28 =	vor.u32 $0x180, v42;
	v7 =	vand.u32 $0x400, v23;
	v5 =	vld.idx.msk [tilespmem:v5+s10+$0x0], $0xffff  }
0x354: {  	v8 =	vand.u32 $0x400, v27;
	v7 =	vor.u32 v7, v26;
	v6 =	vand.u32 $0x7F, v25;
	v4 =	vld.idx.msk [tilespmem:v4+s10+$0x0], $0xffff  }
0x355: {  	v7 =	vor.u32 v28, v7;
	v6 =	vor.u32 v8, v6  }
0x356: {  	v29 =	vbroadcast v24, $0xC;
	v6 =	vor.u32 v28, v6;
	_ =	sdelay $0x1  }
0x357: {  	v30 =	vadd.s32 v0, v29;
	[tilespmem:v36+s17+$0x0] =	vst.idx.msk $0xffff, v5  }
0x358: {  	v33 =	vor.u32 $0x200, v46;
	v5 =	vshll.u32 v30, $0x3;
	[tilespmem:v35+s17+$0x0] =	vst.idx.msk $0xffff, v4;
	v4 =	vadd.s32 v2, v29  }
0x359: {  	v31 =	vand.u32 $0x7F, v30;
	v5 =	vand.u32 $0x400, v5;
	v7 =	vld.idx.msk [tilespmem:v7+s10+$0x0], $0xffff;
	v32 =	vshll.u32 v4, $0x3  }
0x35a: {  	v5 =	vor.u32 v5, v31;
	v6 =	vld.idx.msk [tilespmem:v6+s10+$0x0], $0xffff;
	v4 =	vand.u32 $0x7F, v4;
	v8 =	vand.u32 $0x400, v32  }
0x35b: {  	v5 =	vor.u32 v33, v5;
	v4 =	vor.u32 v8, v4  }
0x35c: {  	v34 =	vbroadcast v24, $0xD;
	v4 =	vor.u32 v33, v4;
	_ =	sdelay $0x1  }
0x35d: {  	v35 =	vadd.s32 v0, v34;
	[tilespmem:v37+s17+$0x0] =	vst.idx.msk $0xffff, v7  }
0x35e: {  	v42 =	vor.u32 $0x280, v47;
	v36 =	vshll.u32 v35, $0x3;
	v37 =	vadd.s32 v2, v34;
	[tilespmem:v45+s17+$0x0] =	vst.idx.msk $0xffff, v6  }
0x35f: {  	v38 =	vand.u32 $0x7F, v35;
	v7 =	vand.u32 $0x400, v36;
	v41 =	vshll.u32 v37, $0x3;
	v5 =	vld.idx.msk [tilespmem:v5+s10+$0x0], $0xffff  }
0x360: {  	v7 =	vor.u32 v7, v38;
	v6 =	vand.u32 $0x7F, v37;
	v8 =	vand.u32 $0x400, v41;
	v4 =	vld.idx.msk [tilespmem:v4+s10+$0x0], $0xffff  }
0x361: {  	v7 =	vor.u32 v42, v7;
	v6 =	vor.u32 v8, v6  }
0x362: {  	v45 =	vbroadcast v24, $0xE;
	v6 =	vor.u32 v42, v6;
	_ =	sdelay $0x1  }
0x363: {  	v46 =	vadd.s32 v0, v45;
	[tilespmem:v39+s17+$0x0] =	vst.idx.msk $0xffff, v5  }
0x364: {  	v55 =	vor.u32 $0x300, v50;
	v5 =	vshll.u32 v46, $0x3;
	[tilespmem:v40+s17+$0x0] =	vst.idx.msk $0xffff, v4;
	v4 =	vadd.s32 v2, v45  }
0x365: {  	v47 =	vand.u32 $0x7F, v46;
	v5 =	vand.u32 $0x400, v5;
	v7 =	vld.idx.msk [tilespmem:v7+s10+$0x0], $0xffff;
	v54 =	vshll.u32 v4, $0x3  }
0x366: {  	v5 =	vor.u32 v5, v47;
	v6 =	vld.idx.msk [tilespmem:v6+s10+$0x0], $0xffff;
	v4 =	vand.u32 $0x7F, v4;
	v8 =	vand.u32 $0x400, v54  }
0x367: {  	v5 =	vor.u32 v55, v5;
	v4 =	vor.u32 v8, v4  }
0x368: {  	v56 =	vbroadcast v24, $0xF;
	v4 =	vor.u32 v55, v4;
	_ =	sdelay $0x1  }
0x369: {  	v57 =	vadd.s32 v0, v56;
	[tilespmem:v44+s17+$0x0] =	vst.idx.msk $0xffff, v7  }
0x36a: {  	v62 =	vor.u32 $0x380, v51;
	v58 =	vshll.u32 v57, $0x3;
	v59 =	vadd.s32 v2, v56;
	[tilespmem:v43+s17+$0x0] =	vst.idx.msk $0xffff, v6  }
0x36b: {  	v60 =	vand.u32 $0x7F, v57;
	v61 =	vshll.u32 v59, $0x3;
	v7 =	vand.u32 $0x400, v58;
	v5 =	vld.idx.msk [tilespmem:v5+s10+$0x0], $0xffff  }
0x36c: {  	v8 =	vand.u32 $0x400, v61;
	v7 =	vor.u32 v7, v60;
	v6 =	vand.u32 $0x7F, v59;
	v4 =	vld.idx.msk [tilespmem:v4+s10+$0x0], $0xffff  }
0x36d: {  	v6 =	vor.u32 v8, v6;
	v7 =	vor.u32 v62, v7  }
0x36e: {  	v6 =	vor.u32 v62, v6;
	_ =	sdelay $0x1  }
0x36f: {  	[tilespmem:v48+s17+$0x0] =	vst.idx.msk $0xffff, v5  }
0x370: {  	[tilespmem:v49+s17+$0x0] =	vst.idx.msk $0xffff, v4  }
0x371: {  	v4 =	vld.idx.msk [tilespmem:v7+s10+$0x0], $0xffff  }
0x372: {  	v5 =	vld.idx.msk [tilespmem:v6+s10+$0x0], $0xffff;
	_ =	sdelay $0x1  }
0x373: {  	v63 =	vcvt.s32.f32 v24;
	_ =	sdelay $0x1  }
0x374: {  	[tilespmem:v52+s17+$0x0] =	vst.idx.msk $0xffff, v4;
	v4 =	vmul.f32 $3.906250000e-03, v63  }
0x375: {  	[tilespmem:v53+s17+$0x0] =	vst.idx.msk $0xffff, v5  }
0x376: {  	[tilespmem:s23+$0x13000] =	vst v4  }
0x377: {  	[tilespmem:s23+$0x13080] =	vst v4  }
0x378: {  	[tilespmem:s23+$0x13100] =	vst v4  }
0x379: {  	[tilespmem:s23+$0x13180] =	vst v4  }
0x37a: {  	[tilespmem:s23+$0x13200] =	vst v4  }
0x37b: {  	[tilespmem:s23+$0x13280] =	vst v4  }
0x37c: {  	[tilespmem:s23+$0x13300] =	vst v4  }
0x37d: {  	[tilespmem:s23+$0x13380] =	vst v4  }
0x37e: {  	[tilespmem:s23+$0x13400] =	vst v4  }
0x37f: {  	[tilespmem:s23+$0x13480] =	vst v4  }
0x380: {  	[tilespmem:s23+$0x13500] =	vst v4  }
0x381: {  	[tilespmem:s23+$0x13580] =	vst v4  }
0x382: {  	[tilespmem:s23+$0x13600] =	vst v4  }
0x383: {  	[tilespmem:s23+$0x13680] =	vst v4  }
0x384: {  	[tilespmem:s23+$0x13700] =	vst v4  }
0x385: {  	[tilespmem:s23+$0x13780] =	vst v4  }
0x386: {  	[tilespmem:s23+$0x13800] =	vst v4  }
0x387: {  	[tilespmem:s23+$0x13880] =	vst v4  }
0x388: {  	[tilespmem:s23+$0x13900] =	vst v4  }
0x389: {  	[tilespmem:s23+$0x13980] =	vst v4  }
0x38a: {  	[tilespmem:s23+$0x13A00] =	vst v4  }
0x38b: {  	[tilespmem:s23+$0x13A80] =	vst v4  }
0x38c: {  	[tilespmem:s23+$0x13B00] =	vst v4  }
0x38d: {  	[tilespmem:s23+$0x13B80] =	vst v4  }
0x38e: {  	[tilespmem:s23+$0x13C00] =	vst v4  }
0x38f: {  	[tilespmem:s23+$0x13C80] =	vst v4  }
0x390: {  	[tilespmem:s23+$0x13D00] =	vst v4  }
0x391: {  	[tilespmem:s23+$0x13D80] =	vst v4  }
0x392: {  	[tilespmem:s23+$0x13E00] =	vst v4  }
0x393: {  	[tilespmem:s23+$0x13E80] =	vst v4  }
0x394: {  	[tilespmem:s23+$0x13F00] =	vst v4  }
0x395: {  	v57 =	vimm.f32 $0.0e+00;
	[tilespmem:s23+$0x13F80] =	vst v4  }
.LBB2_77:
0x396: {  	s22 =	sadd.s32 $0x1, s22  }
0x397: {  	p0 =	sne.s32 s22, $0x8  }
.Ltmp28:
0x398: {  	_ = 	snop;
	(pc) =	sbr.rel @!p0 .LBB2_78-.Ltmp28, $1  }
0x399: {  	_ =	sdelay $0x3  }
.LBB2_43:
0x39a: {  	s0 =	sshll.u32 s22, $0xC  }
0x39b: {  	s1 =	sand.u32 $0x3FFFF000, s0  }
0x39c: {  	v4 =	vld [tilespmem:s1+$0x8000]  }
0x39d: {  	v5 =	vld [tilespmem:s1+$0x8080]  }
0x39e: {  	v7 =	vld [tilespmem:s1+$0x8180]  }
0x39f: {  	v8 =	vld [tilespmem:s1+$0x8200]  }
0x3a0: {  	v9 =	vld [tilespmem:s1+$0x8280]  }
0x3a1: {  	vm1 =	vgt.f32 v4, $1.500000060e-01;
	v4 =	vld [tilespmem:s1+$0x8300];
	_ =	sdelay $0x1  }
0x3a2: {  	v6 =	vld [tilespmem:s1+$0x8100];
	vm2 =	vgt.f32 v5, $1.500000060e-01;
	v5 =	vmctz.xlane vm1;
	vm1 =	vgt.f32 v7, $1.500000060e-01  }
0x3a3: {  	v13 =	vmctz.xlane vm1;
	vm1 =	vgt.f32 v8, $1.500000060e-01  }
0x3a4: {  	v14 =	vld [tilespmem:$0x1FFD0];
	v16 =	vmctz.xlane vm1;
	vm1 =	vgt.f32 v9, $1.500000060e-01  }
0x3a5: {  	v19 =	vmctz.xlane vm1;
	vm1 =	vgt.f32 v4, $1.500000060e-01;
	v4 =	vld [tilespmem:$0x1FFE0];
	_ =	sdelay $0x1  }
0x3a6: {  	vm3 =	vgt.f32 v6, $1.500000060e-01;
	v11 =	vmctz.xlane vm2  }
0x3a7: {  	v10 =	vmctz.xlane vm3  }
0x3a8: {  	s23 =	sshll.u32 s22, $0x4;
	vm2 =	vnez.u8 v14;
	v12 =	vsel vm0, v5, v11  }
0x3a9: {  	s9 =	sor.u32 $0x8, s23;
	v12 =	vsel vm2, v12, v10;
	vm2 =	vnez.u8 v4  }
0x3aa: {  	s6 =	sor.u32 $0x9, s23;
	s8 =	sshll.u32 s9, $0x8;
	v4 =	vsel vm2, v12, v13;
	v12 =	vld [tilespmem:$0x1FFF0]  }
0x3ab: {  	s0 =	sor.u32 $0xA, s23;
	s2 =	sshll.u32 s6, $0x8;
	s3 =	sand.u32 $0x3FFFF800, s8;
	v6 =	vld [tilespmem:s1+$0x8380]  }
0x3ac: {  	s7 =	sor.u32 $0xB, s23;
	s13 =	sshll.u32 s0, $0x8;
	s5 =	sand.u32 $0x7800, s2;
	v7 =	vld [tilespmem:s3+$0x8000]  }
0x3ad: {  	s24 =	sand.u32 $0x7800, s13;
	s8 =	sshll.u32 s7, $0x8;
	s2 =	sor.u32 $0xC, s23;
	v8 =	vld [tilespmem:s5+$0x8080]  }
0x3ae: {  	s19 =	sor.u32 $0xD, s23;
	s25 =	sand.u32 $0x7800, s8;
	s14 =	sshll.u32 s2, $0x8;
	v9 =	vld [tilespmem:s24+$0x8100]  }
0x3af: {  	s28 =	sor.u32 $0xE, s23;
	s16 =	sshll.u32 s19, $0x8;
	s29 =	sand.u32 $0x7800, s14;
	v14 =	vld [tilespmem:s25+$0x8180];
	vm2 =	vnez.u8 v12  }
0x3b0: {  	s26 =	sshllo.u32 s22, $0x4;
	s18 =	sshll.u32 s28, $0x8;
	s31 =	sand.u32 $0x7800, s16;
	v22 =	vmctz.xlane vm1;
	vm1 =	vgt.f32 v6, $1.500000060e-01;
	v6 =	vld [tilespmem:s29+$0x8200];
	v4 =	vsel vm2, v4, v16  }
0x3b1: {  	s13 =	sshll.u32 s26, $0x8;
	s8 =	sand.u32 $0x7800, s18;
	v26 =	vmctz.xlane vm1;
	vm1 =	vgt.f32 v7, $1.500000060e-01;
	v7 =	vld [tilespmem:s31+$0x8280];
	v4 =	vsel vm4, v4, v19  }
0x3b2: {  	s18 =	sand.u32 $0x7800, s13;
	v28 =	vmctz.xlane vm1;
	vm1 =	vgt.f32 v8, $1.500000060e-01;
	v8 =	vld [tilespmem:s8+$0x8300];
	v12 =	vsel vm5, v4, v22  }
0x3b3: {  	v4 =	vmctz.xlane vm1;
	vm1 =	vgt.f32 v9, $1.500000060e-01;
	v9 =	vld [tilespmem:s18+$0x8380];
	v12 =	vsel vm6, v12, v26  }
0x3b4: {  	v35 =	vmctz.xlane vm1;
	vm1 =	vgt.f32 v14, $1.500000060e-01;
	v12 =	vsel vm7, v12, v28  }
0x3b5: {  	v37 =	vmctz.xlane vm1;
	vm1 =	vgt.f32 v6, $1.500000060e-01;
	v6 =	vsel vm8, v12, v4  }
0x3b6: {  	v39 =	vmctz.xlane vm1;
	vm1 =	vgt.f32 v7, $1.500000060e-01;
	v6 =	vsel vm9, v6, v35  }
0x3b7: {  	v43 =	vmctz.xlane vm1;
	vm1 =	vgt.f32 v8, $1.500000060e-01;
	v6 =	vsel vm10, v6, v37  }
0x3b8: {  	v48 =	vmctz.xlane vm1;
	vm1 =	vgt.f32 v9, $1.500000060e-01;
	v6 =	vsel vm11, v6, v39  }
0x3b9: {  	v51 =	vmctz.xlane vm1;
	v6 =	vsel vm12, v6, v43  }
0x3ba: {  	v6 =	vsel vm13, v6, v48  }
0x3bb: {  	v24 =	vsel vm14, v6, v51  }
0x3bc: {  	v6 =	vcvt.s32.f32 v24;
	_ =	sdelay $0x1  }
0x3bd: {  	v8 =	vmul.f32 $3.906250000e-03, v6;
	_ =	sdelay $0x1  }
0x3be: {  	[tilespmem:s23+$0x13000] =	vst v8  }
0x3bf: {  	[tilespmem:s23+$0x13080] =	vst v8  }
0x3c0: {  	[tilespmem:s23+$0x13100] =	vst v8  }
0x3c1: {  	[tilespmem:s23+$0x13180] =	vst v8  }
0x3c2: {  	[tilespmem:s23+$0x13200] =	vst v8  }
0x3c3: {  	[tilespmem:s23+$0x13280] =	vst v8  }
0x3c4: {  	[tilespmem:s23+$0x13300] =	vst v8  }
0x3c5: {  	[tilespmem:s23+$0x13380] =	vst v8  }
0x3c6: {  	[tilespmem:s23+$0x13400] =	vst v8  }
0x3c7: {  	[tilespmem:s23+$0x13480] =	vst v8  }
0x3c8: {  	[tilespmem:s23+$0x13500] =	vst v8  }
0x3c9: {  	[tilespmem:s23+$0x13580] =	vst v8  }
0x3ca: {  	[tilespmem:s23+$0x13600] =	vst v8  }
0x3cb: {  	[tilespmem:s23+$0x13680] =	vst v8  }
0x3cc: {  	[tilespmem:s23+$0x13700] =	vst v8  }
0x3cd: {  	[tilespmem:s23+$0x13780] =	vst v8  }
0x3ce: {  	[tilespmem:s23+$0x13800] =	vst v8  }
0x3cf: {  	[tilespmem:s23+$0x13880] =	vst v8  }
0x3d0: {  	[tilespmem:s23+$0x13900] =	vst v8  }
0x3d1: {  	[tilespmem:s23+$0x13980] =	vst v8  }
0x3d2: {  	[tilespmem:s23+$0x13A00] =	vst v8  }
0x3d3: {  	[tilespmem:s23+$0x13A80] =	vst v8  }
0x3d4: {  	[tilespmem:s23+$0x13B00] =	vst v8  }
0x3d5: {  	[tilespmem:s23+$0x13B80] =	vst v8  }
0x3d6: {  	v6 =	vadd.s32 v0, v5;
	[tilespmem:s23+$0x13C00] =	vst v8  }
0x3d7: {  	v7 =	vmov s23;
	v5 =	vadd.s32 v2, v5;
	v9 =	vshll.u32 v6, $0x3;
	[tilespmem:s23+$0x13C80] =	vst v8  }
0x3d8: {  	v7 =	vshll.u32 v7, $0x8;
	v12 =	vshll.u32 v5, $0x3;
	v9 =	vand.u32 $0xFFFFFC00, v9;
	[tilespmem:s23+$0x13D00] =	vst v8  }
0x3d9: {  	v6 =	vand.u32 $0x7F, v6;
	v12 =	vand.u32 $0xFFFFFC00, v12;
	[tilespmem:s23+$0x13D80] =	vst v8;
	v9 =	vadd.s32 v7, v9  }
0x3da: {  	v5 =	vand.u32 $0x7F, v5;
	[tilespmem:s23+$0x13E00] =	vst v8;
	v9 =	vor.u32 v6, v9;
	v6 =	vadd.s32 v7, v12  }
0x3db: {  	s30 =	sor.u32 $0x1, s23;
	v14 =	vadd.s32 v0, v11;
	[tilespmem:s23+$0x13E80] =	vst v8;
	v5 =	vor.u32 v5, v6  }
0x3dc: {  	v58 =	vor.u32 s23, v3;
	v15 =	vshll.u32 v14, $0x3;
	[tilespmem:s23+$0x13F00] =	vst v8;
	v12 =	vmov s30  }
0x3dd: {  	v11 =	vadd.s32 v2, v11;
	[tilespmem:s23+$0x13F80] =	vst v8;
	v8 =	vand.u32 $0xFFFFFC00, v15;
	v12 =	vshll.u32 v12, $0x8  }
0x3de: {  	v15 =	vshll.u32 v11, $0x3;
	v6 =	vor.u32 s23, v1;
	v12 =	vand.u32 $0x7000, v12  }
0x3df: {  	v8 =	vadd.s32 v12, v8;
	v17 =	vld.idx.msk [tilespmem:v9+s10+$0x0], $0xffff;
	v9 =	vand.u32 $0x7F, v14;
	v14 =	vand.u32 $0xFFFFFC00, v15  }
0x3e0: {  	v5 =	vld.idx.msk [tilespmem:v5+s10+$0x0], $0xffff;
	v8 =	vor.u32 v9, v8;
	v9 =	vand.u32 $0x7F, v11;
	v11 =	vadd.s32 v12, v14  }
0x3e1: {  	s14 =	sor.u32 $0x2, s23;
	v14 =	vor.u32 $0x80, v8;
	v8 =	vor.u32 v9, v11  }
0x3e2: {  	v15 =	vmov s14;
	v11 =	vor.u32 $0x80, v8  }
0x3e3: {  	v18 =	vadd.s32 v0, v10;
	v10 =	vadd.s32 v2, v10;
	v15 =	vshll.u32 v15, $0x8  }
0x3e4: {  	v9 =	vor.u32 s30, v1;
	v15 =	vand.u32 $0x7000, v15;
	[tilespmem:v6+s17+$0x0] =	vst.idx.msk $0xffff, v17;
	v17 =	vshll.u32 v18, $0x3  }
0x3e5: {  	v8 =	vor.u32 s30, v3;
	[tilespmem:v58+s17+$0x0] =	vst.idx.msk $0xffff, v5;
	v5 =	vand.u32 $0xFFFFFC00, v17;
	v17 =	vshll.u32 v10, $0x3  }
0x3e6: {  	v18 =	vand.u32 $0x7F, v18;
	v14 =	vld.idx.msk [tilespmem:v14+s10+$0x0], $0xffff;
	v5 =	vadd.s32 v15, v5;
	v17 =	vand.u32 $0xFFFFFC00, v17  }
0x3e7: {  	v10 =	vand.u32 $0x7F, v10;
	v20 =	vld.idx.msk [tilespmem:v11+s10+$0x0], $0xffff;
	v5 =	vor.u32 v18, v5;
	v11 =	vadd.s32 v15, v17  }
0x3e8: {  	v5 =	vor.u32 $0x100, v5;
	v10 =	vor.u32 v10, v11  }
0x3e9: {  	s16 =	sor.u32 $0x3, s23;
	v21 =	vadd.s32 v0, v13;
	v17 =	vor.u32 $0x100, v10  }
0x3ea: {  	v23 =	vshll.u32 v21, $0x3;
	v21 =	vand.u32 $0x7F, v21;
	v18 =	vmov s16  }
0x3eb: {  	v13 =	vadd.s32 v2, v13;
	v11 =	vor.u32 s14, v1;
	[tilespmem:v9+s17+$0x0] =	vst.idx.msk $0xffff, v14;
	v14 =	vshll.u32 v18, $0x8  }
0x3ec: {  	[tilespmem:v8+s17+$0x0] =	vst.idx.msk $0xffff, v20;
	v18 =	vand.u32 $0x7000, v14;
	v14 =	vand.u32 $0xFFFFFC00, v23;
	v20 =	vshll.u32 v13, $0x3  }
0x3ed: {  	v10 =	vor.u32 s14, v3;
	v5 =	vld.idx.msk [tilespmem:v5+s10+$0x0], $0xffff;
	v14 =	vadd.s32 v18, v14;
	v20 =	vand.u32 $0xFFFFFC00, v20  }
0x3ee: {  	v13 =	vand.u32 $0x7F, v13;
	v17 =	vld.idx.msk [tilespmem:v17+s10+$0x0], $0xffff;
	v14 =	vor.u32 v21, v14;
	v20 =	vadd.s32 v18, v20  }
0x3ef: {  	v23 =	vor.u32 $0x180, v14;
	v13 =	vor.u32 v13, v20  }
0x3f0: {  	v25 =	vadd.s32 v0, v16;
	s30 =	sor.u32 $0x4, s23;
	v20 =	vor.u32 $0x180, v13  }
0x3f1: {  	v27 =	vshll.u32 v25, $0x3;
	v25 =	vand.u32 $0x7F, v25;
	v21 =	vmov s30  }
0x3f2: {  	v16 =	vadd.s32 v2, v16;
	v14 =	vor.u32 s16, v1;
	[tilespmem:v11+s17+$0x0] =	vst.idx.msk $0xffff, v5;
	v5 =	vshll.u32 v21, $0x8  }
0x3f3: {  	[tilespmem:v10+s17+$0x0] =	vst.idx.msk $0xffff, v17;
	v21 =	vand.u32 $0x7000, v5;
	v5 =	vand.u32 $0xFFFFFC00, v27;
	v17 =	vshll.u32 v16, $0x3  }
0x3f4: {  	v13 =	vor.u32 s16, v3;
	v23 =	vld.idx.msk [tilespmem:v23+s10+$0x0], $0xffff;
	v5 =	vadd.s32 v21, v5;
	v17 =	vand.u32 $0xFFFFFC00, v17  }
0x3f5: {  	v16 =	vand.u32 $0x7F, v16;
	v20 =	vld.idx.msk [tilespmem:v20+s10+$0x0], $0xffff;
	v5 =	vor.u32 v25, v5;
	v17 =	vadd.s32 v21, v17  }
0x3f6: {  	v5 =	vor.u32 $0x200, v5;
	v16 =	vor.u32 v16, v17  }
0x3f7: {  	v29 =	vadd.s32 v0, v19;
	s16 =	sor.u32 $0x5, s23;
	v27 =	vor.u32 $0x200, v16  }
0x3f8: {  	v30 =	vshll.u32 v29, $0x3;
	v29 =	vand.u32 $0x7F, v29;
	v25 =	vmov s16  }
0x3f9: {  	v19 =	vadd.s32 v2, v19;
	v17 =	vor.u32 s30, v1;
	[tilespmem:v14+s17+$0x0] =	vst.idx.msk $0xffff, v23;
	v23 =	vshll.u32 v25, $0x8  }
0x3fa: {  	[tilespmem:v13+s17+$0x0] =	vst.idx.msk $0xffff, v20;
	v25 =	vand.u32 $0x7000, v23;
	v20 =	vand.u32 $0xFFFFFC00, v30;
	v23 =	vshll.u32 v19, $0x3  }
0x3fb: {  	v16 =	vor.u32 s30, v3;
	v5 =	vld.idx.msk [tilespmem:v5+s10+$0x0], $0xffff;
	v20 =	vadd.s32 v25, v20;
	v23 =	vand.u32 $0xFFFFFC00, v23  }
0x3fc: {  	v19 =	vand.u32 $0x7F, v19;
	v27 =	vld.idx.msk [tilespmem:v27+s10+$0x0], $0xffff;
	v20 =	vor.u32 v29, v20;
	v23 =	vadd.s32 v25, v23  }
0x3fd: {  	v29 =	vor.u32 $0x280, v20;
	v19 =	vor.u32 v19, v23  }
0x3fe: {  	v31 =	vadd.s32 v0, v22;
	s30 =	sor.u32 $0x6, s23;
	v23 =	vor.u32 $0x280, v19  }
0x3ff: {  	v32 =	vshll.u32 v31, $0x3;
	v31 =	vand.u32 $0x7F, v31;
	v30 =	vmov s30  }
0x400: {  	v22 =	vadd.s32 v2, v22;
	v20 =	vor.u32 s16, v1;
	[tilespmem:v17+s17+$0x0] =	vst.idx.msk $0xffff, v5;
	v5 =	vshll.u32 v30, $0x8  }
0x401: {  	[tilespmem:v16+s17+$0x0] =	vst.idx.msk $0xffff, v27;
	v30 =	vand.u32 $0x7000, v5;
	v5 =	vand.u32 $0xFFFFFC00, v32;
	v27 =	vshll.u32 v22, $0x3  }
0x402: {  	v19 =	vor.u32 s16, v3;
	v29 =	vld.idx.msk [tilespmem:v29+s10+$0x0], $0xffff;
	v5 =	vadd.s32 v30, v5;
	v27 =	vand.u32 $0xFFFFFC00, v27  }
0x403: {  	v22 =	vand.u32 $0x7F, v22;
	v54 =	vld.idx.msk [tilespmem:v23+s10+$0x0], $0xffff;
	v5 =	vor.u32 v31, v5;
	v23 =	vadd.s32 v30, v27  }
0x404: {  	v5 =	vor.u32 $0x300, v5;
	v22 =	vor.u32 v22, v23  }
0x405: {  	v34 =	vadd.s32 v0, v26;
	s16 =	sor.u32 $0x7, s23;
	v27 =	vor.u32 $0x300, v22  }
0x406: {  	v55 =	vand.u32 $0x7F, v34;
	v26 =	vadd.s32 v2, v26;
	v31 =	vmov s16  }
0x407: {  	v23 =	vor.u32 s30, v1;
	[tilespmem:v20+s17+$0x0] =	vst.idx.msk $0xffff, v29;
	v29 =	vshll.u32 v31, $0x8;
	v31 =	vshll.u32 v34, $0x3  }
0x408: {  	[tilespmem:v19+s17+$0x0] =	vst.idx.msk $0xffff, v54;
	v33 =	vand.u32 $0x7000, v29;
	v29 =	vand.u32 $0xFFFFFC00, v31;
	v31 =	vshll.u32 v26, $0x3  }
0x409: {  	v22 =	vor.u32 s30, v3;
	v5 =	vld.idx.msk [tilespmem:v5+s10+$0x0], $0xffff;
	v29 =	vadd.s32 v33, v29;
	v31 =	vand.u32 $0xFFFFFC00, v31  }
0x40a: {  	v26 =	vand.u32 $0x7F, v26;
	v56 =	vld.idx.msk [tilespmem:v27+s10+$0x0], $0xffff;
	v27 =	vor.u32 v55, v29;
	v29 =	vadd.s32 v33, v31  }
0x40b: {  	v31 =	vor.u32 $0x380, v27;
	v26 =	vor.u32 v26, v29  }
0x40c: {  	v29 =	vor.u32 $0x380, v26  }
0x40d: {  	v59 =	vmov s9  }
0x40e: {  	v34 =	vshll.u32 v59, $0x8;
	[tilespmem:v23+s17+$0x0] =	vst.idx.msk $0xffff, v5;
	v5 =	vadd.s32 v0, v28  }
0x40f: {  	v27 =	vor.u32 s16, v1;
	v28 =	vadd.s32 v2, v28;
	[tilespmem:v22+s17+$0x0] =	vst.idx.msk $0xffff, v56;
	v36 =	vshll.u32 v5, $0x3  }
0x410: {  	v26 =	vor.u32 s16, v3;
	v61 =	vshll.u32 v28, $0x3;
	v31 =	vld.idx.msk [tilespmem:v31+s10+$0x0], $0xffff;
	v60 =	vand.u32 $0xFFFFFC00, v36  }
0x411: {  	v5 =	vand.u32 $0x7F, v5;
	v62 =	vand.u32 $0xFFFFFC00, v61;
	v38 =	vld.idx.msk [tilespmem:v29+s10+$0x0], $0xffff;
	v29 =	vadd.s32 v34, v60  }
0x412: {  	v28 =	vand.u32 $0x7F, v28;
	v5 =	vor.u32 v5, v29;
	v29 =	vadd.s32 v34, v62  }
0x413: {  	v40 =	vadd.s32 v0, v4;
	v32 =	vor.u32 v28, v29  }
0x414: {  	v63 =	vmov s6;
	v44 =	vshll.u32 v40, $0x3;
	v4 =	vadd.s32 v2, v4  }
0x415: {  	v40 =	vand.u32 $0x7F, v40;
	v45 =	vshll.u32 v4, $0x3;
	[tilespmem:v27+s17+$0x0] =	vst.idx.msk $0xffff, v31;
	v31 =	vshll.u32 v63, $0x8  }
0x416: {  	v4 =	vand.u32 $0x7F, v4;
	[tilespmem:v26+s17+$0x0] =	vst.idx.msk $0xffff, v38;
	v38 =	vand.u32 $0x7800, v31;
	v31 =	vand.u32 $0xFFFFFC00, v44  }
0x417: {  	v36 =	vand.u32 $0xFFFFFC00, v45;
	v29 =	vor.u32 s9, v1;
	v5 =	vld.idx.msk [tilespmem:v5+s10+$0x0], $0xffff;
	v31 =	vadd.s32 v38, v31  }
0x418: {  	v28 =	vor.u32 s9, v3;
	v46 =	vadd.s32 v38, v36;
	v41 =	vld.idx.msk [tilespmem:v32+s10+$0x0], $0xffff;
	v31 =	vor.u32 v40, v31  }
0x419: {  	v4 =	vor.u32 v4, v46;
	v47 =	vor.u32 $0x80, v31  }
0x41a: {  	v42 =	vadd.s32 v0, v35;
	v4 =	vor.u32 $0x80, v4  }
0x41b: {  	v49 =	vmov s0;
	v50 =	vshll.u32 v42, $0x3;
	v35 =	vadd.s32 v2, v35  }
0x41c: {  	v53 =	vand.u32 $0x7F, v42;
	v52 =	vshll.u32 v35, $0x3;
	[tilespmem:v29+s17+$0x0] =	vst.idx.msk $0xffff, v5;
	v5 =	vshll.u32 v49, $0x8  }
0x41d: {  	v35 =	vand.u32 $0x7F, v35;
	[tilespmem:v28+s17+$0x0] =	vst.idx.msk $0xffff, v41;
	v41 =	vand.u32 $0x7800, v5;
	v5 =	vand.u32 $0xFFFFFC00, v50  }
0x41e: {  	v32 =	vor.u32 s6, v1;
	v40 =	vand.u32 $0xFFFFFC00, v52;
	v44 =	vld.idx.msk [tilespmem:v47+s10+$0x0], $0xffff;
	v5 =	vadd.s32 v41, v5  }
0x41f: {  	v31 =	vor.u32 s6, v3;
	v4 =	vld.idx.msk [tilespmem:v4+s10+$0x0], $0xffff;
	v54 =	vadd.s32 v41, v40;
	v5 =	vor.u32 v53, v5  }
0x420: {  	v35 =	vor.u32 v35, v54;
	v5 =	vor.u32 $0x100, v5  }
0x421: {  	v56 =	vmov s7;
	v55 =	vor.u32 $0x100, v35  }
0x422: {  	v45 =	vadd.s32 v0, v37;
	v42 =	vshll.u32 v56, $0x8;
	v37 =	vadd.s32 v2, v37  }
0x423: {  	v59 =	vshll.u32 v45, $0x3;
	v42 =	vand.u32 $0x7800, v42;
	v60 =	vshll.u32 v37, $0x3;
	[tilespmem:v32+s17+$0x0] =	vst.idx.msk $0xffff, v44  }
0x424: {  	v45 =	vand.u32 $0x7F, v45;
	v37 =	vand.u32 $0x7F, v37;
	[tilespmem:v31+s17+$0x0] =	vst.idx.msk $0xffff, v4;
	v4 =	vand.u32 $0xFFFFFC00, v59  }
0x425: {  	v36 =	vor.u32 s0, v1;
	v44 =	vand.u32 $0xFFFFFC00, v60;
	v5 =	vld.idx.msk [tilespmem:v5+s10+$0x0], $0xffff;
	v4 =	vadd.s32 v42, v4  }
0x426: {  	v35 =	vor.u32 s0, v3;
	v44 =	vadd.s32 v42, v44;
	v40 =	vld.idx.msk [tilespmem:v55+s10+$0x0], $0xffff;
	v4 =	vor.u32 v45, v4  }
0x427: {  	v37 =	vor.u32 v37, v44;
	v4 =	vor.u32 $0x180, v4  }
0x428: {  	v61 =	vadd.s32 v0, v39;
	v39 =	vadd.s32 v2, v39;
	v44 =	vor.u32 $0x180, v37  }
0x429: {  	vm15 =	vgt.s32 v24, $0xF;
	v46 =	vmov s2;
	v49 =	vshll.u32 v39, $0x3  }
0x42a: {  	v39 =	vand.u32 $0x7F, v39;
	v45 =	vshll.u32 v61, $0x3;
	[tilespmem:v36+s17+$0x0] =	vst.idx.msk $0xffff, v5;
	v5 =	vshll.u32 v46, $0x8  }
0x42b: {  	v62 =	vand.u32 $0xFFFFFC00, v49;
	[tilespmem:v35+s17+$0x0] =	vst.idx.msk $0xffff, v40;
	v46 =	vand.u32 $0x7800, v5;
	v5 =	vand.u32 $0xFFFFFC00, v45  }
0x42c: {  	v47 =	vand.u32 $0x7F, v61;
	v37 =	vor.u32 s7, v1;
	v4 =	vld.idx.msk [tilespmem:v4+s10+$0x0], $0xffff;
	v5 =	vadd.s32 v46, v5  }
0x42d: {  	v45 =	vor.u32 s7, v3;
	v40 =	vadd.s32 v46, v62;
	v44 =	vld.idx.msk [tilespmem:v44+s10+$0x0], $0xffff;
	v5 =	vor.u32 v47, v5  }
0x42e: {  	v56 =	vsel vm15, $0x3F800000, v57;
	v39 =	vor.u32 v39, v40;
	v5 =	vor.u32 $0x200, v5  }
0x42f: {  	(xrf0) =	vmax.scan.msk.f32 $0xffff, v56;
	v50 =	vadd.s32 v0, v43;
	v63 =	vor.u32 $0x200, v39  }
0x430: {  	v52 =	vmov s19;
	v43 =	vadd.s32 v2, v43;
	v53 =	vand.u32 $0x7F, v50  }
0x431: {  	v54 =	vshll.u32 v43, $0x3;
	v47 =	vshll.u32 v52, $0x8;
	v52 =	vshll.u32 v50, $0x3;
	[tilespmem:v37+s17+$0x0] =	vst.idx.msk $0xffff, v4  }
0x432: {  	v43 =	vand.u32 $0x7F, v43;
	v47 =	vand.u32 $0x7800, v47;
	v4 =	vand.u32 $0xFFFFFC00, v52;
	[tilespmem:v45+s17+$0x0] =	vst.idx.msk $0xffff, v44  }
0x433: {  	v55 =	vand.u32 $0xFFFFFC00, v54;
	v39 =	vor.u32 s2, v1;
	v4 =	vadd.s32 v47, v4;
	v5 =	vld.idx.msk [tilespmem:v5+s10+$0x0], $0xffff  }
0x434: {  	v40 =	vor.u32 s2, v3;
	v44 =	vadd.s32 v47, v55;
	v4 =	vor.u32 v53, v4;
	v49 =	vld.idx.msk [tilespmem:v63+s10+$0x0], $0xffff  }
0x435: {  	v62, _, _ =	vpop (xrf0);
	v43 =	vor.u32 v43, v44;
	v4 =	vor.u32 $0x280, v4  }
0x436: {  	v60 =	vmov s28;
	(v2sf) =	vpush v62, $0xF;
	v59 =	vor.u32 $0x280, v43  }
0x437: {  	v44 =	vor.u32 s19, v1;
	v53 =	vadd.s32 v0, v48;
	v48 =	vadd.s32 v2, v48  }
0x438: {  	v43 =	vor.u32 s19, v3;
	v54 =	vshll.u32 v53, $0x3;
	[tilespmem:v39+s17+$0x0] =	vst.idx.msk $0xffff, v5;
	v5 =	vshll.u32 v60, $0x8  }
0x439: {  	v61 =	vshll.u32 v48, $0x3;
	[tilespmem:v40+s17+$0x0] =	vst.idx.msk $0xffff, v49;
	v50 =	vand.u32 $0x7800, v5;
	v5 =	vand.u32 $0xFFFFFC00, v54  }
0x43a: {  	v53 =	vand.u32 $0x7F, v53;
	v49 =	vand.u32 $0xFFFFFC00, v61;
	v4 =	vld.idx.msk [tilespmem:v4+s10+$0x0], $0xffff;
	v5 =	vadd.s32 v50, v5  }
0x43b: {  	v48 =	vand.u32 $0x7F, v48;
	v52 =	vld.idx.msk [tilespmem:v59+s10+$0x0], $0xffff;
	v49 =	vadd.s32 v50, v49;
	v5 =	vor.u32 v53, v5  }
0x43c: {  	v48 =	vor.u32 v48, v49;
	v5 =	vor.u32 $0x300, v5  }
0x43d: {  	v55 =	vadd.s32 v0, v51;
	v63 =	vor.u32 $0x300, v48  }
0x43e: {  	v56 =	vadd.s32 v2, v51;
	v62 =	vand.u32 $0x7F, v55;
	v59 =	vmov s26  }
0x43f: {  	v60 =	vshll.u32 v55, $0x3;
	v61 =	vshll.u32 v56, $0x3;
	[tilespmem:v44+s17+$0x0] =	vst.idx.msk $0xffff, v4;
	v4 =	vshll.u32 v59, $0x8  }
0x440: {  	v49 =	vor.u32 s28, v3;
	[tilespmem:v43+s17+$0x0] =	vst.idx.msk $0xffff, v52;
	v51 =	vand.u32 $0x7800, v4;
	v4 =	vand.u32 $0xFFFFFC00, v60  }
0x441: {  	v48 =	vor.u32 s28, v1;
	v52 =	vand.u32 $0xFFFFFC00, v61;
	v5 =	vld.idx.msk [tilespmem:v5+s10+$0x0], $0xffff;
	v4 =	vadd.s32 v51, v4  }
0x442: {  	v53 =	vld.idx.msk [tilespmem:v63+s10+$0x0], $0xffff;
	v63 =	vand.u32 $0x7F, v56;
	v52 =	vadd.s32 v51, v52;
	v4 =	vor.u32 v62, v4  }
0x443: {  	v52 =	vor.u32 v63, v52;
	v4 =	vor.u32 $0x380, v4  }
0x444: {  	v54 =	vor.u32 $0x380, v52;
	_ =	sdelay $0x1  }
0x445: {  	[tilespmem:v48+s17+$0x0] =	vst.idx.msk $0xffff, v5  }
0x446: {  	[tilespmem:v49+s17+$0x0] =	vst.idx.msk $0xffff, v53  }
0x447: {  	s30 =	spop (v2sf);
	v52 =	vor.u32 s26, v1;
	v4 =	vld.idx.msk [tilespmem:v4+s10+$0x0], $0xffff  }
0x448: {  	p0 =	sgt.f32 s30, $0.0e+00;
	v53 =	vor.u32 s26, v3;
	v5 =	vld.idx.msk [tilespmem:v54+s10+$0x0], $0xffff  }
.Ltmp29:
0x449: {  	_ = 	snop;
	(pc) =	sbr.rel @!p0 .LBB2_77-.Ltmp29, $3  }
0x44a: {  	_ =	sdelay $0x1  }
0x44b: {  	[tilespmem:v52+s17+$0x0] =	vst.idx.msk $0xffff, v4  }
0x44c: {  	[tilespmem:v53+s17+$0x0] =	vst.idx.msk $0xffff, v5  }
0x44d: {  	s0 =	simm.s32 $0x80  }
0x44e: {  	s19 =	sadd.s32 $0x8000, s1;
	s2 =	simm.s32 $0x10;
	s0 =	sand.u32 $0x400, s0  }
0x44f: {  	s14 =	sand.u32 $0x70, s2;
	s0 =	sadd.s32 s0, s19  }
0x450: {  	s6 =	sadd.s32 s14, s0  }
0x451: {  	v4 =	vld [tilespmem:s6+$0x0];
	_ =	sdelay $0x2  }
0x452: {  	s30 =	sadd.s32 $0x8000, s3;
	s16 =	simm.s32 $0x100  }
0x453: {  	s28 =	sor.u32 $0x8000, s5;
	s1 =	sand.u32 $0x400, s16;
	s0 =	simm.s32 $0x20  }
0x454: {  	s26 =	sor.u32 $0x8000, s24;
	s9 =	sadd.s32 s1, s19;
	s7 =	sand.u32 $0x70, s0;
	vm1 =	vgt.f32 v4, $1.500000060e-01  }
0x455: {  	s25 =	sor.u32 $0x8000, s25;
	s24 =	sor.u32 $0x8000, s29;
	s7 =	sadd.s32 s7, s9;
	v5 =	vmctz.xlane vm1  }
0x456: {  	s5 =	sor.u32 $0x8000, s31;
	s3 =	sor.u32 $0x8000, s8;
	s8 =	simm.s32 $0x20;
	v54 =	vld [tilespmem:s7+$0x0];
	v4 =	vimm.s32 $0x400  }
0x457: {  	s1 =	sor.u32 $0x8000, s18;
	s18 =	simm.s32 $0x180;
	s9 =	simm.s32 $0x30;
	vm1 =	vlt.s32 v5, $0x10;
	v55 =	vadd.s32 s2, v5;
	v5 =	vimm.s32 $0x400  }
.LBB2_45:
0x458: {  	s13 =	sand.u32 $0x400, s18  }
0x459: {  	p0 =	sne.s32 s9, $0xF0;
	v55 =	vnsel vm1, $0x400, v55;
	s14 =	smov.u32 s9;
	s9 =	sadd.s32 $0x10, s9  }
.Ltmp30:
0x45a: {  	s16 =	sand.u32 $0x70, s14;
	s13 =	sadd.s32 s13, s19;
	vm1 =	vlt.s32 v5, v55;
	(pc) =	sbr.rel @p0 .LBB2_45-.Ltmp30, $3  }
0x45b: {  	s13 =	sadd.s32 s16, s13;
	vm2 =	vgt.f32 v54, $1.500000060e-01;
	v5 =	vsel vm1, v5, v55  }
0x45c: {  	v54 =	vld [tilespmem:s13+$0x0];
	v55 =	vmctz.xlane vm2;
	_ =	sdelay $0x1  }
0x45d: {  	s18 =	sadd.s32 $0x80, s18;
	vm1 =	vlt.s32 v55, $0x10;
	v55 =	vadd.s32 s8, v55;
	s8 =	smov.u32 s14  }
0x45e: {  	_ =	sdelay $0x1  }
0x45f: {  	v56 =	vld [tilespmem:s6+$0x80];
	vm2 =	vgt.f32 v54, $1.500000060e-01  }
0x460: {  	v54 =	vmctz.xlane vm2  }
0x461: {  	v55 =	vnsel vm1, $0x400, v55  }
0x462: {  	vm1 =	vlt.s32 v5, v55;
	vm3 =	vlt.s32 v54, $0x10;
	v54 =	vadd.s32 s8, v54  }
0x463: {  	v5 =	vsel vm1, v5, v55;
	v54 =	vnsel vm3, $0x400, v54  }
0x464: {  	vm2 =	vgt.f32 v56, $1.500000060e-01;
	vm1 =	vlt.s32 v5, v54  }
0x465: {  	v63 =	vmctz.xlane vm2;
	v5 =	vsel vm1, v5, v54  }
0x466: {  	[tilespmem:$0x1FF30] =	vst v5;
	v5 =	vld [tilespmem:s7+$0x80]  }
0x467: {  	s6 =	simm.s32 $0x30;
	vm1 =	vlt.s32 v63, $0x10;
	v54 =	vadd.s32 s2, v63;
	s7 =	simm.s32 $0x180  }
.LBB2_47:
0x468: {  	s2 =	sand.u32 $0x400, s7  }
0x469: {  	p0 =	sne.s32 s6, $0xF0;
	v54 =	vnsel vm1, $0x400, v54;
	s8 =	smov.u32 s6;
	s6 =	sadd.s32 $0x10, s6  }
.Ltmp31:
0x46a: {  	s9 =	sand.u32 $0x70, s8;
	s2 =	sadd.s32 s2, s19;
	vm1 =	vlt.s32 v4, v54;
	(pc) =	sbr.rel @p0 .LBB2_47-.Ltmp31, $3  }
0x46b: {  	s2 =	sadd.s32 s9, s2;
	vm2 =	vgt.f32 v5, $1.500000060e-01;
	v4 =	vsel vm1, v4, v54  }
0x46c: {  	v5 =	vld [tilespmem:s2+$0x80];
	v54 =	vmctz.xlane vm2;
	_ =	sdelay $0x1  }
0x46d: {  	s7 =	sadd.s32 $0x80, s7;
	vm1 =	vlt.s32 v54, $0x10;
	v54 =	vadd.s32 s0, v54;
	s0 =	smov.u32 s8  }
0x46e: {  	s6 =	simm.s32 $0x80  }
0x46f: {  	s2 =	simm.s32 $0x10;
	s6 =	sand.u32 $0x400, s6  }
0x470: {  	s7 =	sand.u32 $0x70, s2;
	s6 =	sadd.s32 s6, s19  }
0x471: {  	s6 =	sadd.s32 s7, s6  }
0x472: {  	v55 =	vld [tilespmem:s6+$0x100]  }
0x473: {  	vm2 =	vgt.f32 v5, $1.500000060e-01  }
0x474: {  	v5 =	vmctz.xlane vm2  }
0x475: {  	v54 =	vnsel vm1, $0x400, v54;
	s31 =	simm.s32 $0x100  }
0x476: {  	vm1 =	vlt.s32 v4, v54;
	s7 =	sand.u32 $0x400, s31;
	vm2 =	vlt.s32 v5, $0x10;
	v5 =	vadd.s32 s0, v5;
	s0 =	simm.s32 $0x20  }
0x477: {  	v54 =	vsel vm1, v4, v54;
	s7 =	sadd.s32 s7, s19;
	v5 =	vnsel vm2, $0x400, v5;
	s8 =	sand.u32 $0x70, s0;
	vm1 =	vgt.f32 v55, $1.500000060e-01  }
0x478: {  	vm2 =	vlt.s32 v54, v5;
	s7 =	sadd.s32 s8, s7;
	v55 =	vmctz.xlane vm1  }
0x479: {  	v4 =	vimm.s32 $0x400;
	v5 =	vsel vm2, v54, v5;
	v54 =	vld [tilespmem:s7+$0x100]  }
0x47a: {  	s9 =	simm.s32 $0x30;
	s18 =	simm.s32 $0x180;
	s8 =	simm.s32 $0x20;
	[tilespmem:$0x1FF20] =	vst v5;
	v5 =	vimm.s32 $0x400;
	vm1 =	vlt.s32 v55, $0x10;
	v55 =	vadd.s32 s2, v55  }
.LBB2_49:
0x47b: {  	s13 =	sand.u32 $0x400, s18  }
0x47c: {  	p0 =	sne.s32 s9, $0xF0;
	v55 =	vnsel vm1, $0x400, v55;
	s14 =	smov.u32 s9;
	s9 =	sadd.s32 $0x10, s9  }
.Ltmp32:
0x47d: {  	s16 =	sand.u32 $0x70, s14;
	s13 =	sadd.s32 s13, s19;
	vm1 =	vlt.s32 v5, v55;
	(pc) =	sbr.rel @p0 .LBB2_49-.Ltmp32, $3  }
0x47e: {  	s13 =	sadd.s32 s16, s13;
	vm2 =	vgt.f32 v54, $1.500000060e-01;
	v5 =	vsel vm1, v5, v55  }
0x47f: {  	v54 =	vld [tilespmem:s13+$0x100];
	v55 =	vmctz.xlane vm2;
	_ =	sdelay $0x1  }
0x480: {  	s18 =	sadd.s32 $0x80, s18;
	vm1 =	vlt.s32 v55, $0x10;
	v55 =	vadd.s32 s8, v55;
	s8 =	smov.u32 s14  }
0x481: {  	_ =	sdelay $0x1  }
0x482: {  	v56 =	vld [tilespmem:s6+$0x180];
	vm2 =	vgt.f32 v54, $1.500000060e-01  }
0x483: {  	v54 =	vmctz.xlane vm2  }
0x484: {  	v55 =	vnsel vm1, $0x400, v55  }
0x485: {  	vm1 =	vlt.s32 v5, v55;
	vm3 =	vlt.s32 v54, $0x10;
	v54 =	vadd.s32 s8, v54  }
0x486: {  	v5 =	vsel vm1, v5, v55;
	v54 =	vnsel vm3, $0x400, v54  }
0x487: {  	vm2 =	vgt.f32 v56, $1.500000060e-01;
	vm1 =	vlt.s32 v5, v54  }
0x488: {  	v63 =	vmctz.xlane vm2;
	v5 =	vsel vm1, v5, v54  }
0x489: {  	[tilespmem:$0x1FF10] =	vst v5;
	v5 =	vld [tilespmem:s7+$0x180]  }
0x48a: {  	s6 =	simm.s32 $0x30;
	vm1 =	vlt.s32 v63, $0x10;
	v54 =	vadd.s32 s2, v63;
	s7 =	simm.s32 $0x180  }
.LBB2_51:
0x48b: {  	s2 =	sand.u32 $0x400, s7  }
0x48c: {  	p0 =	sne.s32 s6, $0xF0;
	v54 =	vnsel vm1, $0x400, v54;
	s8 =	smov.u32 s6;
	s6 =	sadd.s32 $0x10, s6  }
.Ltmp33:
0x48d: {  	s9 =	sand.u32 $0x70, s8;
	s2 =	sadd.s32 s2, s19;
	vm1 =	vlt.s32 v4, v54;
	(pc) =	sbr.rel @p0 .LBB2_51-.Ltmp33, $3  }
0x48e: {  	s2 =	sadd.s32 s9, s2;
	vm2 =	vgt.f32 v5, $1.500000060e-01;
	v4 =	vsel vm1, v4, v54  }
0x48f: {  	v5 =	vld [tilespmem:s2+$0x180];
	v54 =	vmctz.xlane vm2;
	_ =	sdelay $0x1  }
0x490: {  	s7 =	sadd.s32 $0x80, s7;
	vm1 =	vlt.s32 v54, $0x10;
	v54 =	vadd.s32 s0, v54;
	s0 =	smov.u32 s8  }
0x491: {  	s6 =	simm.s32 $0x80  }
0x492: {  	s2 =	simm.s32 $0x10;
	s6 =	sand.u32 $0x400, s6  }
0x493: {  	s7 =	sand.u32 $0x70, s2;
	s6 =	sadd.s32 s6, s19  }
0x494: {  	s6 =	sadd.s32 s7, s6  }
0x495: {  	v55 =	vld [tilespmem:s6+$0x200]  }
0x496: {  	vm2 =	vgt.f32 v5, $1.500000060e-01  }
0x497: {  	v5 =	vmctz.xlane vm2  }
0x498: {  	v54 =	vnsel vm1, $0x400, v54;
	s31 =	simm.s32 $0x100  }
0x499: {  	vm1 =	vlt.s32 v4, v54;
	s7 =	sand.u32 $0x400, s31;
	vm2 =	vlt.s32 v5, $0x10;
	v5 =	vadd.s32 s0, v5;
	s0 =	simm.s32 $0x20  }
0x49a: {  	v54 =	vsel vm1, v4, v54;
	s7 =	sadd.s32 s7, s19;
	v5 =	vnsel vm2, $0x400, v5;
	s8 =	sand.u32 $0x70, s0;
	vm1 =	vgt.f32 v55, $1.500000060e-01  }
0x49b: {  	vm2 =	vlt.s32 v54, v5;
	s7 =	sadd.s32 s8, s7;
	v55 =	vmctz.xlane vm1  }
0x49c: {  	v4 =	vimm.s32 $0x400;
	v5 =	vsel vm2, v54, v5;
	v54 =	vld [tilespmem:s7+$0x200]  }
0x49d: {  	s9 =	simm.s32 $0x30;
	s18 =	simm.s32 $0x180;
	s8 =	simm.s32 $0x20;
	[tilespmem:$0x1FF00] =	vst v5;
	v5 =	vimm.s32 $0x400;
	vm1 =	vlt.s32 v55, $0x10;
	v55 =	vadd.s32 s2, v55  }
.LBB2_53:
0x49e: {  	s13 =	sand.u32 $0x400, s18  }
0x49f: {  	p0 =	sne.s32 s9, $0xF0;
	v55 =	vnsel vm1, $0x400, v55;
	s14 =	smov.u32 s9;
	s9 =	sadd.s32 $0x10, s9  }
.Ltmp34:
0x4a0: {  	s16 =	sand.u32 $0x70, s14;
	s13 =	sadd.s32 s13, s19;
	vm1 =	vlt.s32 v5, v55;
	(pc) =	sbr.rel @p0 .LBB2_53-.Ltmp34, $3  }
0x4a1: {  	s13 =	sadd.s32 s16, s13;
	vm2 =	vgt.f32 v54, $1.500000060e-01;
	v5 =	vsel vm1, v5, v55  }
0x4a2: {  	v54 =	vld [tilespmem:s13+$0x200];
	v55 =	vmctz.xlane vm2;
	_ =	sdelay $0x1  }
0x4a3: {  	s18 =	sadd.s32 $0x80, s18;
	vm1 =	vlt.s32 v55, $0x10;
	v55 =	vadd.s32 s8, v55;
	s8 =	smov.u32 s14  }
0x4a4: {  	_ =	sdelay $0x1  }
0x4a5: {  	v56 =	vld [tilespmem:s6+$0x280];
	vm2 =	vgt.f32 v54, $1.500000060e-01  }
0x4a6: {  	v54 =	vmctz.xlane vm2  }
0x4a7: {  	v55 =	vnsel vm1, $0x400, v55  }
0x4a8: {  	vm1 =	vlt.s32 v5, v55;
	vm3 =	vlt.s32 v54, $0x10;
	v54 =	vadd.s32 s8, v54  }
0x4a9: {  	v5 =	vsel vm1, v5, v55;
	v54 =	vnsel vm3, $0x400, v54  }
0x4aa: {  	vm2 =	vgt.f32 v56, $1.500000060e-01;
	vm1 =	vlt.s32 v5, v54  }
0x4ab: {  	v63 =	vmctz.xlane vm2;
	v5 =	vsel vm1, v5, v54  }
0x4ac: {  	[tilespmem:$0x1FEF0] =	vst v5;
	v5 =	vld [tilespmem:s7+$0x280]  }
0x4ad: {  	s6 =	simm.s32 $0x30;
	vm1 =	vlt.s32 v63, $0x10;
	v54 =	vadd.s32 s2, v63;
	s7 =	simm.s32 $0x180  }
.LBB2_55:
0x4ae: {  	s2 =	sand.u32 $0x400, s7  }
0x4af: {  	p0 =	sne.s32 s6, $0xF0;
	v54 =	vnsel vm1, $0x400, v54;
	s8 =	smov.u32 s6;
	s6 =	sadd.s32 $0x10, s6  }
.Ltmp35:
0x4b0: {  	s9 =	sand.u32 $0x70, s8;
	s2 =	sadd.s32 s2, s19;
	vm1 =	vlt.s32 v4, v54;
	(pc) =	sbr.rel @p0 .LBB2_55-.Ltmp35, $3  }
0x4b1: {  	s2 =	sadd.s32 s9, s2;
	vm2 =	vgt.f32 v5, $1.500000060e-01;
	v4 =	vsel vm1, v4, v54  }
0x4b2: {  	v5 =	vld [tilespmem:s2+$0x280];
	v54 =	vmctz.xlane vm2;
	_ =	sdelay $0x1  }
0x4b3: {  	s7 =	sadd.s32 $0x80, s7;
	vm1 =	vlt.s32 v54, $0x10;
	v54 =	vadd.s32 s0, v54;
	s0 =	smov.u32 s8  }
0x4b4: {  	s6 =	simm.s32 $0x80  }
0x4b5: {  	s2 =	simm.s32 $0x10;
	s6 =	sand.u32 $0x400, s6  }
0x4b6: {  	s7 =	sand.u32 $0x70, s2;
	s6 =	sadd.s32 s6, s19  }
0x4b7: {  	s6 =	sadd.s32 s7, s6  }
0x4b8: {  	v55 =	vld [tilespmem:s6+$0x300]  }
0x4b9: {  	vm2 =	vgt.f32 v5, $1.500000060e-01  }
0x4ba: {  	v5 =	vmctz.xlane vm2  }
0x4bb: {  	v54 =	vnsel vm1, $0x400, v54;
	s31 =	simm.s32 $0x100  }
0x4bc: {  	vm1 =	vlt.s32 v4, v54;
	s7 =	sand.u32 $0x400, s31;
	vm2 =	vlt.s32 v5, $0x10;
	v5 =	vadd.s32 s0, v5;
	s0 =	simm.s32 $0x20  }
0x4bd: {  	v54 =	vsel vm1, v4, v54;
	s7 =	sadd.s32 s7, s19;
	v5 =	vnsel vm2, $0x400, v5;
	s8 =	sand.u32 $0x70, s0;
	vm1 =	vgt.f32 v55, $1.500000060e-01  }
0x4be: {  	vm2 =	vlt.s32 v54, v5;
	s7 =	sadd.s32 s8, s7;
	v55 =	vmctz.xlane vm1  }
0x4bf: {  	v4 =	vimm.s32 $0x400;
	v5 =	vsel vm2, v54, v5;
	v54 =	vld [tilespmem:s7+$0x300]  }
0x4c0: {  	s9 =	simm.s32 $0x30;
	s18 =	simm.s32 $0x180;
	s8 =	simm.s32 $0x20;
	[tilespmem:$0x1FEE0] =	vst v5;
	v5 =	vimm.s32 $0x400;
	vm1 =	vlt.s32 v55, $0x10;
	v55 =	vadd.s32 s2, v55  }
.LBB2_57:
0x4c1: {  	s13 =	sand.u32 $0x400, s18  }
0x4c2: {  	p0 =	sne.s32 s9, $0xF0;
	v55 =	vnsel vm1, $0x400, v55;
	s14 =	smov.u32 s9;
	s9 =	sadd.s32 $0x10, s9  }
.Ltmp36:
0x4c3: {  	s16 =	sand.u32 $0x70, s14;
	s13 =	sadd.s32 s13, s19;
	vm1 =	vlt.s32 v5, v55;
	(pc) =	sbr.rel @p0 .LBB2_57-.Ltmp36, $3  }
0x4c4: {  	s13 =	sadd.s32 s16, s13;
	vm2 =	vgt.f32 v54, $1.500000060e-01;
	v5 =	vsel vm1, v5, v55  }
0x4c5: {  	v54 =	vld [tilespmem:s13+$0x300];
	v55 =	vmctz.xlane vm2;
	_ =	sdelay $0x1  }
0x4c6: {  	s18 =	sadd.s32 $0x80, s18;
	vm1 =	vlt.s32 v55, $0x10;
	v55 =	vadd.s32 s8, v55;
	s8 =	smov.u32 s14  }
0x4c7: {  	_ = 	snop  }
0x4c8: {  	v56 =	vld [tilespmem:s6+$0x380]  }
0x4c9: {  	vm2 =	vgt.f32 v54, $1.500000060e-01  }
0x4ca: {  	v54 =	vmctz.xlane vm2  }
0x4cb: {  	v55 =	vnsel vm1, $0x400, v55  }
0x4cc: {  	vm1 =	vlt.s32 v5, v55;
	vm3 =	vlt.s32 v54, $0x10;
	v54 =	vadd.s32 s8, v54  }
0x4cd: {  	v5 =	vsel vm1, v5, v55;
	vm2 =	vgt.f32 v56, $1.500000060e-01;
	v54 =	vnsel vm3, $0x400, v54  }
0x4ce: {  	v59 =	vmctz.xlane vm2;
	vm1 =	vlt.s32 v5, v54  }
0x4cf: {  	v60 =	vsel vm1, v5, v54;
	v5 =	vld [tilespmem:s7+$0x380]  }
0x4d0: {  	s6 =	simm.s32 $0x30;
	s7 =	simm.s32 $0x180;
	vm1 =	vlt.s32 v59, $0x10;
	v54 =	vadd.s32 s2, v59  }
.LBB2_59:
0x4d1: {  	s2 =	sand.u32 $0x400, s7  }
0x4d2: {  	p0 =	sne.s32 s6, $0xF0;
	v54 =	vnsel vm1, $0x400, v54;
	s8 =	smov.u32 s6;
	s6 =	sadd.s32 $0x10, s6  }
.Ltmp37:
0x4d3: {  	s9 =	sand.u32 $0x70, s8;
	s2 =	sadd.s32 s2, s19;
	vm1 =	vlt.s32 v4, v54;
	(pc) =	sbr.rel @p0 .LBB2_59-.Ltmp37, $3  }
0x4d4: {  	s2 =	sadd.s32 s9, s2;
	vm2 =	vgt.f32 v5, $1.500000060e-01;
	v4 =	vsel vm1, v4, v54  }
0x4d5: {  	v5 =	vld [tilespmem:s2+$0x380];
	v54 =	vmctz.xlane vm2;
	_ =	sdelay $0x1  }
0x4d6: {  	s7 =	sadd.s32 $0x80, s7;
	vm1 =	vlt.s32 v54, $0x10;
	v54 =	vadd.s32 s0, v54;
	s0 =	smov.u32 s8  }
0x4d7: {  	s6 =	simm.s32 $0x80  }
0x4d8: {  	s2 =	simm.s32 $0x10;
	s6 =	sand.u32 $0x400, s6  }
0x4d9: {  	s7 =	sand.u32 $0x70, s2;
	s8 =	sadd.s32 s6, s30  }
0x4da: {  	s8 =	sadd.s32 s7, s8  }
0x4db: {  	v55 =	vld [tilespmem:s8+$0x0]  }
0x4dc: {  	vm2 =	vgt.f32 v5, $1.500000060e-01  }
0x4dd: {  	v5 =	vmctz.xlane vm2  }
0x4de: {  	v54 =	vnsel vm1, $0x400, v54;
	s31 =	simm.s32 $0x100  }
0x4df: {  	vm1 =	vlt.s32 v4, v54;
	s8 =	sand.u32 $0x400, s31;
	vm2 =	vlt.s32 v5, $0x10;
	v5 =	vadd.s32 s0, v5;
	s0 =	simm.s32 $0x20  }
0x4e0: {  	v54 =	vsel vm1, v4, v54;
	s13 =	sadd.s32 s8, s30;
	v5 =	vnsel vm2, $0x400, v5;
	s9 =	sand.u32 $0x70, s0;
	vm1 =	vgt.f32 v55, $1.500000060e-01  }
0x4e1: {  	vm2 =	vlt.s32 v54, v5;
	s13 =	sadd.s32 s9, s13;
	v55 =	vmctz.xlane vm1  }
0x4e2: {  	v4 =	vimm.s32 $0x400;
	v61 =	vsel vm2, v54, v5;
	v54 =	vld [tilespmem:s13+$0x0]  }
0x4e3: {  	s19 =	simm.s32 $0x30;
	s29 =	simm.s32 $0x180;
	s18 =	simm.s32 $0x20;
	v5 =	vimm.s32 $0x400;
	vm1 =	vlt.s32 v55, $0x10;
	v55 =	vadd.s32 s2, v55  }
.LBB2_61:
0x4e4: {  	s13 =	sand.u32 $0x400, s29  }
0x4e5: {  	p0 =	sne.s32 s19, $0xF0;
	v55 =	vnsel vm1, $0x400, v55;
	s14 =	smov.u32 s19;
	s19 =	sadd.s32 $0x10, s19  }
.Ltmp38:
0x4e6: {  	s16 =	sand.u32 $0x70, s14;
	s13 =	sadd.s32 s13, s30;
	vm1 =	vlt.s32 v5, v55;
	(pc) =	sbr.rel @p0 .LBB2_61-.Ltmp38, $3  }
0x4e7: {  	s13 =	sadd.s32 s16, s13;
	vm2 =	vgt.f32 v54, $1.500000060e-01;
	v5 =	vsel vm1, v5, v55  }
0x4e8: {  	v54 =	vld [tilespmem:s13+$0x0];
	v55 =	vmctz.xlane vm2;
	_ =	sdelay $0x1  }
0x4e9: {  	s29 =	sadd.s32 $0x80, s29;
	vm1 =	vlt.s32 v55, $0x10;
	v55 =	vadd.s32 s18, v55;
	s18 =	smov.u32 s14  }
0x4ea: {  	s6 =	sadd.s32 s6, s28  }
0x4eb: {  	s6 =	sadd.s32 s7, s6  }
0x4ec: {  	v56 =	vld [tilespmem:s6+$0x80]  }
0x4ed: {  	vm2 =	vgt.f32 v54, $1.500000060e-01  }
0x4ee: {  	v54 =	vmctz.xlane vm2  }
0x4ef: {  	v55 =	vnsel vm1, $0x400, v55  }
0x4f0: {  	vm1 =	vlt.s32 v5, v55;
	vm3 =	vlt.s32 v54, $0x10;
	v54 =	vadd.s32 s18, v54  }
0x4f1: {  	s30 =	sadd.s32 s8, s28;
	v5 =	vsel vm1, v5, v55;
	v54 =	vnsel vm3, $0x400, v54;
	vm2 =	vgt.f32 v56, $1.500000060e-01  }
0x4f2: {  	s31 =	sadd.s32 s9, s30;
	vm1 =	vlt.s32 v5, v54;
	v59 =	vmctz.xlane vm2  }
0x4f3: {  	v62 =	vsel vm1, v5, v54;
	v5 =	vld [tilespmem:s31+$0x80]  }
0x4f4: {  	[tilespmem:$0x1FED0] =	vst v19;
	s7 =	simm.s32 $0x180;
	s6 =	simm.s32 $0x30;
	vm1 =	vlt.s32 v59, $0x10;
	v54 =	vadd.s32 s2, v59  }
.LBB2_63:
0x4f5: {  	s2 =	sand.u32 $0x400, s7  }
0x4f6: {  	p0 =	sne.s32 s6, $0xF0;
	v54 =	vnsel vm1, $0x400, v54;
	s8 =	smov.u32 s6;
	s6 =	sadd.s32 $0x10, s6  }
.Ltmp39:
0x4f7: {  	s9 =	sand.u32 $0x70, s8;
	s2 =	sadd.s32 s2, s28;
	vm1 =	vlt.s32 v4, v54;
	(pc) =	sbr.rel @p0 .LBB2_63-.Ltmp39, $3  }
0x4f8: {  	s2 =	sadd.s32 s9, s2;
	vm2 =	vgt.f32 v5, $1.500000060e-01;
	v4 =	vsel vm1, v4, v54  }
0x4f9: {  	v5 =	vld [tilespmem:s2+$0x80];
	v54 =	vmctz.xlane vm2;
	_ =	sdelay $0x1  }
0x4fa: {  	s7 =	sadd.s32 $0x80, s7;
	vm1 =	vlt.s32 v54, $0x10;
	v54 =	vadd.s32 s0, v54;
	s0 =	smov.u32 s8  }
0x4fb: {  	s6 =	simm.s32 $0x80  }
0x4fc: {  	s2 =	simm.s32 $0x10;
	s6 =	sand.u32 $0x400, s6  }
0x4fd: {  	s7 =	sand.u32 $0x70, s2;
	s8 =	sadd.s32 s6, s26  }
0x4fe: {  	s8 =	sadd.s32 s7, s8  }
0x4ff: {  	v55 =	vld [tilespmem:s8+$0x100]  }
0x500: {  	vm2 =	vgt.f32 v5, $1.500000060e-01  }
0x501: {  	v5 =	vmctz.xlane vm2  }
0x502: {  	v54 =	vnsel vm1, $0x400, v54;
	s31 =	simm.s32 $0x100  }
0x503: {  	vm1 =	vlt.s32 v4, v54;
	s8 =	sand.u32 $0x400, s31;
	vm2 =	vlt.s32 v5, $0x10;
	v5 =	vadd.s32 s0, v5;
	s0 =	simm.s32 $0x20  }
0x504: {  	v4 =	vsel vm1, v4, v54;
	s13 =	sadd.s32 s8, s26;
	v5 =	vnsel vm2, $0x400, v5;
	s9 =	sand.u32 $0x70, s0;
	vm1 =	vgt.f32 v55, $1.500000060e-01  }
0x505: {  	vm2 =	vlt.s32 v4, v5;
	s13 =	sadd.s32 s9, s13;
	v55 =	vmctz.xlane vm1  }
0x506: {  	[tilespmem:$0x1FEB0] =	vst v23;
	v54 =	vimm.s32 $0x400;
	v63 =	vsel vm2, v4, v5;
	v5 =	vld [tilespmem:s13+$0x100]  }
0x507: {  	[tilespmem:$0x1FEC0] =	vst v22;
	v19 =	vmovc v14;
	s19 =	simm.s32 $0x30;
	s28 =	simm.s32 $0x180;
	s18 =	simm.s32 $0x20;
	v4 =	vimm.s32 $0x400;
	vm1 =	vlt.s32 v55, $0x10;
	v55 =	vadd.s32 s2, v55  }
.LBB2_65:
0x508: {  	s13 =	sand.u32 $0x400, s28  }
0x509: {  	p0 =	sne.s32 s19, $0xF0;
	v55 =	vnsel vm1, $0x400, v55;
	s14 =	smov.u32 s19;
	s19 =	sadd.s32 $0x10, s19  }
.Ltmp40:
0x50a: {  	s16 =	sand.u32 $0x70, s14;
	s13 =	sadd.s32 s13, s26;
	vm1 =	vlt.s32 v4, v55;
	(pc) =	sbr.rel @p0 .LBB2_65-.Ltmp40, $3  }
0x50b: {  	s13 =	sadd.s32 s16, s13;
	vm2 =	vgt.f32 v5, $1.500000060e-01;
	v4 =	vsel vm1, v4, v55  }
0x50c: {  	v5 =	vld [tilespmem:s13+$0x100];
	v55 =	vmctz.xlane vm2;
	_ =	sdelay $0x1  }
0x50d: {  	s28 =	sadd.s32 $0x80, s28;
	vm1 =	vlt.s32 v55, $0x10;
	v55 =	vadd.s32 s18, v55;
	s18 =	smov.u32 s14  }
0x50e: {  	s6 =	sadd.s32 s6, s25  }
0x50f: {  	s6 =	sadd.s32 s7, s6  }
0x510: {  	v56 =	vld [tilespmem:s6+$0x180]  }
0x511: {  	vm2 =	vgt.f32 v5, $1.500000060e-01  }
0x512: {  	v5 =	vmctz.xlane vm2  }
0x513: {  	v55 =	vnsel vm1, $0x400, v55  }
0x514: {  	vm1 =	vlt.s32 v4, v55;
	vm3 =	vlt.s32 v5, $0x10;
	v5 =	vadd.s32 s18, v5  }
0x515: {  	s30 =	sadd.s32 s8, s25;
	v4 =	vsel vm1, v4, v55;
	v5 =	vnsel vm3, $0x400, v5;
	vm2 =	vgt.f32 v56, $1.500000060e-01  }
0x516: {  	s31 =	sadd.s32 s9, s30;
	vm1 =	vlt.s32 v4, v5;
	v59 =	vmctz.xlane vm2  }
0x517: {  	v4 =	vsel vm1, v4, v5;
	v5 =	vld [tilespmem:s31+$0x180]  }
0x518: {  	v23 =	vmovc v20;
	v22 =	vmovc v17;
	v14 =	vmov v10;
	s7 =	simm.s32 $0x180;
	s6 =	simm.s32 $0x30;
	vm1 =	vlt.s32 v59, $0x10;
	v55 =	vadd.s32 s2, v59  }
.LBB2_67:
0x519: {  	s2 =	sand.u32 $0x400, s7  }
0x51a: {  	p0 =	sne.s32 s6, $0xF0;
	v55 =	vnsel vm1, $0x400, v55;
	s8 =	smov.u32 s6;
	s6 =	sadd.s32 $0x10, s6  }
.Ltmp41:
0x51b: {  	s9 =	sand.u32 $0x70, s8;
	s2 =	sadd.s32 s2, s25;
	vm1 =	vlt.s32 v54, v55;
	(pc) =	sbr.rel @p0 .LBB2_67-.Ltmp41, $3  }
0x51c: {  	s2 =	sadd.s32 s9, s2;
	vm2 =	vgt.f32 v5, $1.500000060e-01;
	v54 =	vsel vm1, v54, v55  }
0x51d: {  	v5 =	vld [tilespmem:s2+$0x180];
	v55 =	vmctz.xlane vm2;
	_ =	sdelay $0x1  }
0x51e: {  	s7 =	sadd.s32 $0x80, s7;
	vm1 =	vlt.s32 v55, $0x10;
	v55 =	vadd.s32 s0, v55;
	s0 =	smov.u32 s8  }
0x51f: {  	s6 =	simm.s32 $0x80  }
0x520: {  	s2 =	simm.s32 $0x10;
	s6 =	sand.u32 $0x400, s6  }
0x521: {  	s7 =	sand.u32 $0x70, s2;
	s8 =	sadd.s32 s6, s24  }
0x522: {  	s8 =	sadd.s32 s7, s8  }
0x523: {  	v56 =	vld [tilespmem:s8+$0x200]  }
0x524: {  	vm2 =	vgt.f32 v5, $1.500000060e-01  }
0x525: {  	v5 =	vmctz.xlane vm2  }
0x526: {  	v55 =	vnsel vm1, $0x400, v55;
	s31 =	simm.s32 $0x100  }
0x527: {  	vm1 =	vlt.s32 v54, v55;
	s8 =	sand.u32 $0x400, s31;
	vm2 =	vlt.s32 v5, $0x10;
	v5 =	vadd.s32 s0, v5;
	s0 =	simm.s32 $0x20  }
0x528: {  	v54 =	vsel vm1, v54, v55;
	s13 =	sadd.s32 s8, s24;
	v5 =	vnsel vm2, $0x400, v5;
	s9 =	sand.u32 $0x70, s0;
	vm1 =	vgt.f32 v56, $1.500000060e-01  }
0x529: {  	vm2 =	vlt.s32 v54, v5;
	s13 =	sadd.s32 s9, s13;
	v57 =	vmctz.xlane vm1  }
0x52a: {  	v20 =	vmov v16;
	v54 =	vsel vm2, v54, v5;
	v55 =	vld [tilespmem:s13+$0x200];
	v5 =	vimm.s32 $0x400  }
0x52b: {  	v17 =	vmovc v13;
	v10 =	vmovc v58;
	s19 =	simm.s32 $0x30;
	s25 =	simm.s32 $0x180;
	s18 =	simm.s32 $0x20;
	v56 =	vimm.s32 $0x400;
	vm1 =	vlt.s32 v57, $0x10;
	v57 =	vadd.s32 s2, v57  }
.LBB2_69:
0x52c: {  	s13 =	sand.u32 $0x400, s25  }
0x52d: {  	p0 =	sne.s32 s19, $0xF0;
	v57 =	vnsel vm1, $0x400, v57;
	s14 =	smov.u32 s19;
	s19 =	sadd.s32 $0x10, s19  }
.Ltmp42:
0x52e: {  	s16 =	sand.u32 $0x70, s14;
	s13 =	sadd.s32 s13, s24;
	vm1 =	vlt.s32 v5, v57;
	(pc) =	sbr.rel @p0 .LBB2_69-.Ltmp42, $3  }
0x52f: {  	s13 =	sadd.s32 s16, s13;
	vm2 =	vgt.f32 v55, $1.500000060e-01;
	v5 =	vsel vm1, v5, v57  }
0x530: {  	v55 =	vld [tilespmem:s13+$0x200];
	v57 =	vmctz.xlane vm2;
	_ =	sdelay $0x1  }
0x531: {  	s25 =	sadd.s32 $0x80, s25;
	vm1 =	vlt.s32 v57, $0x10;
	v57 =	vadd.s32 s18, v57;
	s18 =	smov.u32 s14  }
0x532: {  	s6 =	sadd.s32 s6, s5  }
0x533: {  	s6 =	sadd.s32 s7, s6  }
0x534: {  	v58 =	vld [tilespmem:s6+$0x280]  }
0x535: {  	vm2 =	vgt.f32 v55, $1.500000060e-01  }
0x536: {  	v55 =	vmctz.xlane vm2  }
0x537: {  	v57 =	vnsel vm1, $0x400, v57  }
0x538: {  	vm1 =	vlt.s32 v5, v57;
	vm3 =	vlt.s32 v55, $0x10;
	v55 =	vadd.s32 s18, v55  }
0x539: {  	s30 =	sadd.s32 s8, s5;
	v5 =	vsel vm1, v5, v57;
	v55 =	vnsel vm3, $0x400, v55;
	vm2 =	vgt.f32 v58, $1.500000060e-01  }
0x53a: {  	s31 =	sadd.s32 s9, s30;
	vm1 =	vlt.s32 v5, v55;
	v57 =	vmctz.xlane vm2  }
0x53b: {  	v55 =	vsel vm1, v5, v55;
	v5 =	vld [tilespmem:s31+$0x280]  }
0x53c: {  	v16 =	vmovc v11;
	v13 =	vmov v9;
	s7 =	simm.s32 $0x180;
	s6 =	simm.s32 $0x30;
	vm1 =	vlt.s32 v57, $0x10;
	v57 =	vadd.s32 s2, v57  }
.LBB2_71:
0x53d: {  	s2 =	sand.u32 $0x400, s7  }
0x53e: {  	p0 =	sne.s32 s6, $0xF0;
	v57 =	vnsel vm1, $0x400, v57;
	s8 =	smov.u32 s6;
	s6 =	sadd.s32 $0x10, s6  }
.Ltmp43:
0x53f: {  	s9 =	sand.u32 $0x70, s8;
	s2 =	sadd.s32 s2, s5;
	vm1 =	vlt.s32 v56, v57;
	(pc) =	sbr.rel @p0 .LBB2_71-.Ltmp43, $3  }
0x540: {  	s2 =	sadd.s32 s9, s2;
	vm2 =	vgt.f32 v5, $1.500000060e-01;
	v56 =	vsel vm1, v56, v57  }
0x541: {  	v5 =	vld [tilespmem:s2+$0x280];
	v57 =	vmctz.xlane vm2;
	_ =	sdelay $0x1  }
0x542: {  	s7 =	sadd.s32 $0x80, s7;
	vm1 =	vlt.s32 v57, $0x10;
	v57 =	vadd.s32 s0, v57;
	s0 =	smov.u32 s8  }
0x543: {  	s5 =	simm.s32 $0x80  }
0x544: {  	s2 =	simm.s32 $0x10;
	s5 =	sand.u32 $0x400, s5  }
0x545: {  	s6 =	sand.u32 $0x70, s2;
	s7 =	sadd.s32 s5, s3  }
0x546: {  	s7 =	sadd.s32 s6, s7  }
0x547: {  	v58 =	vld [tilespmem:s7+$0x300]  }
0x548: {  	vm2 =	vgt.f32 v5, $1.500000060e-01  }
0x549: {  	v5 =	vmctz.xlane vm2  }
0x54a: {  	v57 =	vnsel vm1, $0x400, v57;
	s31 =	simm.s32 $0x100  }
0x54b: {  	vm1 =	vlt.s32 v56, v57;
	s7 =	sand.u32 $0x400, s31;
	vm2 =	vlt.s32 v5, $0x10;
	v5 =	vadd.s32 s0, v5;
	s0 =	simm.s32 $0x20  }
0x54c: {  	v57 =	vsel vm1, v56, v57;
	s9 =	sadd.s32 s7, s3;
	v5 =	vnsel vm2, $0x400, v5;
	s8 =	sand.u32 $0x70, s0;
	vm1 =	vgt.f32 v58, $1.500000060e-01  }
0x54d: {  	vm2 =	vlt.s32 v57, v5;
	s9 =	sadd.s32 s8, s9;
	v59 =	vmctz.xlane vm1  }
0x54e: {  	v56 =	vimm.s32 $0x400;
	v57 =	vsel vm2, v57, v5;
	v58 =	vld [tilespmem:s9+$0x300]  }
0x54f: {  	v11 =	vmovc v8;
	v9 =	vmovc v6;
	s18 =	simm.s32 $0x30;
	s19 =	simm.s32 $0x180;
	v5 =	vimm.s32 $0x400;
	s9 =	simm.s32 $0x20;
	vm1 =	vlt.s32 v59, $0x10;
	v59 =	vadd.s32 s2, v59  }
.LBB2_73:
0x550: {  	s13 =	sand.u32 $0x400, s19  }
0x551: {  	p0 =	sne.s32 s18, $0xF0;
	v59 =	vnsel vm1, $0x400, v59;
	s14 =	smov.u32 s18;
	s18 =	sadd.s32 $0x10, s18  }
.Ltmp44:
0x552: {  	s16 =	sand.u32 $0x70, s14;
	s13 =	sadd.s32 s13, s3;
	vm1 =	vlt.s32 v5, v59;
	(pc) =	sbr.rel @p0 .LBB2_73-.Ltmp44, $3  }
0x553: {  	s13 =	sadd.s32 s16, s13;
	vm2 =	vgt.f32 v58, $1.500000060e-01;
	v5 =	vsel vm1, v5, v59  }
0x554: {  	v58 =	vld [tilespmem:s13+$0x300];
	v59 =	vmctz.xlane vm2;
	_ =	sdelay $0x1  }
0x555: {  	s19 =	sadd.s32 $0x80, s19;
	vm1 =	vlt.s32 v59, $0x10;
	v59 =	vadd.s32 s9, v59;
	s9 =	smov.u32 s14  }
0x556: {  	s3 =	sadd.s32 s5, s1  }
0x557: {  	s3 =	sadd.s32 s6, s3  }
0x558: {  	v6 =	vld [tilespmem:s3+$0x380];
	_ =	sdelay $0x2  }
0x559: {  	vm2 =	vgt.f32 v58, $1.500000060e-01  }
0x55a: {  	v58 =	vmctz.xlane vm2  }
0x55b: {  	vm2 =	vgt.f32 v6, $1.500000060e-01;
	v6 =	vnsel vm1, $0x400, v59  }
0x55c: {  	s30 =	sadd.s32 s7, s1;
	vm3 =	vlt.s32 v58, $0x10;
	v58 =	vadd.s32 s9, v58;
	vm1 =	vlt.s32 v5, v6  }
0x55d: {  	s31 =	sadd.s32 s8, s30;
	v8 =	vmctz.xlane vm2;
	v5 =	vsel vm1, v5, v6;
	v6 =	vnsel vm3, $0x400, v58  }
0x55e: {  	v59 =	vld [tilespmem:s31+$0x380];
	vm1 =	vlt.s32 v5, v6  }
0x55f: {  	s5 =	simm.s32 $0x180;
	s3 =	simm.s32 $0x30;
	v58 =	vsel vm1, v5, v6;
	vm1 =	vlt.s32 v8, $0x10;
	v5 =	vadd.s32 s2, v8  }
.LBB2_75:
0x560: {  	s2 =	sand.u32 $0x400, s5  }
0x561: {  	p0 =	sne.s32 s3, $0xF0;
	v5 =	vnsel vm1, $0x400, v5;
	s6 =	smov.u32 s3;
	s3 =	sadd.s32 $0x10, s3  }
.Ltmp45:
0x562: {  	s7 =	sand.u32 $0x70, s6;
	s2 =	sadd.s32 s2, s1;
	vm1 =	vlt.s32 v56, v5;
	(pc) =	sbr.rel @p0 .LBB2_75-.Ltmp45, $3  }
0x563: {  	vm2 =	vgt.f32 v59, $1.500000060e-01;
	s2 =	sadd.s32 s7, s2;
	v56 =	vsel vm1, v56, v5  }
0x564: {  	v5 =	vmctz.xlane vm2;
	v59 =	vld [tilespmem:s2+$0x380];
	_ =	sdelay $0x1  }
0x565: {  	s5 =	sadd.s32 $0x80, s5;
	vm1 =	vlt.s32 v5, $0x10;
	v5 =	vadd.s32 s0, v5;
	s0 =	smov.u32 s6  }
.Ltmp46:
0x566: {  	_ = 	snop;
	(pc) =	sbr.rel .LBB2_76-.Ltmp46, $1  }
0x567: {  	_ =	sdelay $0x3  }
.LBB2_80:
0x568: {  	_ =	sfence.sel $0x180000  }
0x569: {  	[bflag:$0x0] =	sbarrier.arrive $0xFFFF  }
0x56a: {  	_ =	strace $0x90000047  }
0x56b: {  	s0 =	stileid.u32;
	[bflag:$0x2] =	sbarrier.arrive $0xFFFF  }
0x56c: {  	p0 =	sne.s32 s0, $0x0;
	s0 =	rddreg [dreg:$0x2]  }
0x56d: {  	s0 =	sadd.s32 @!p0 $0x100000, s0  }
0x56e: {  	[sflag:s0] =	ssyncadd.tile.s32 @!p0 $0x1;
	_ =	shalt  }
.Lfunc_end2:
_tile_overlayer_lowered:
.L_overlay_start_2:
0x56f: {  	(tag) =	ssettag $0x2  }
0x570: {  	s0 =	rddreg [dreg:$0x0];
	s2 =	stileid.u32  }
0x571: {  	s1 =	rddreg [dreg:$0x1];
	p0 =	sne.s32 s2, $0x0  }
0x572: {  	s3 =	rddreg [dreg:$0x2];
	[bflag:$0x3] =	sbarrier.arrive $0xFFFF;
	s2 =	simm.s32 @!p0 $0x1C05  }
0x573: {  	[timem:s3], [sflag:s2] =	dma.local @!p0 [hbm:s0], s1  }
0x574: {  	s0 =	simm.s32 @!p0 $0x5  }
0x575: {  	_ =	swait.ge @!p0 [sflag:s0], s1  }
0x576: {  	s1 =	ssub.s32 @!p0 $0x0, s1;
	[sflag:s0] =	ssyncset.done @!p0 $0x0  }
0x577: {  	[sflag:s0] =	ssyncadd.s32 @!p0 s1  }
0x578: {  	[bflag:$0x3] =	sbarrier.arrive $0xFFFF  }
0x579: {  	_ =	shalt  }

</sc_bundles>
